<compile_context>
chip_gen: v7x
topology: tpu7x:2x2x1
jax: 0.10.2.dev20260603
libtpu: 0.0.44.dev20260713+nightly
codegen_flags: <defaults>
</compile_context>

<pallas_src>
import functools

import jax
import jax.numpy as jnp
from jax import lax
from jax.experimental import pallas as pl
from jax.experimental.pallas import tpu as pltpu
from jax.experimental.pallas import tpu_sc as plsc

E = 8
TOP = 2
C = 192
G = 4
B = 8
H = 16
W = 16
CCAP = 192
HW = H * W
BHW = B * HW
L = 16


def _logits_body(x_ref, gates_ref, lg_ref):
    xT = jnp.concatenate([x_ref[b] for b in range(B)], axis=1)
    pool = (jax.lax.broadcasted_iota(jnp.int32, (BHW, B), 0) // HW ==
            jax.lax.broadcasted_iota(jnp.int32, (BHW, B), 1))
    gap = jnp.dot(xT, pool.astype(jnp.float32),
                  precision=jax.lax.Precision.HIGHEST,
                  preferred_element_type=jnp.float32) * (1.0 / HW)
    gapT = jnp.transpose(gap)
    lg_ref[...] = jnp.zeros((G * B, L), jnp.float32)
    for g in range(G):
        lg = jnp.dot(gapT, gates_ref[g],
                     precision=jax.lax.Precision.HIGHEST,
                     preferred_element_type=jnp.float32)
        lg_ref[g * B:(g + 1) * B, 0:E] = lg


def _route_sc(lg_hbm, cw_hbm, loss_hbm, lg_v, cw_v, loss_v):
    cid = lax.axis_index("c")
    sid = lax.axis_index("s")
    is0 = jnp.logical_and(cid == 0, sid == 0)

    @pl.when(is0)
    def _run():
        pltpu.sync_copy(lg_hbm, lg_v)
        lane = lax.iota(jnp.int32, L)
        valid = lane < E
        loss_acc = jnp.zeros((L,), jnp.float32)
        for g in range(G):
            usage = jnp.zeros((L,), jnp.float32)
            for b in range(B):
                logits = lg_v[g * B + b, :]
                neg = jnp.float32(-3.0e38)
                lm = jnp.where(valid, logits, neg)
                msrt, _ = plsc.sort_key_val(lm, lane, descending=True)
                mvec = jnp.broadcast_to(msrt[0], (L,))
                ex = jnp.where(valid, jnp.exp(lm - mvec), 0.0)
                svec = jnp.broadcast_to(plsc.cumsum(ex)[L - 1], (L,))
                probs = ex / svec
                usage = usage + probs
                pm = jnp.where(valid, probs, -1.0)
                sk, sv = plsc.sort_key_val(pm, lane, descending=True)
                i1 = sv[0]
                i2 = sv[1]
                v1vec = jnp.broadcast_to(sk[0], (L,))
                tall = jnp.exp(sk - v1vec)
                tvec = jnp.broadcast_to(tall[1], (L,))
                w1v = 1.0 / (1.0 + tvec)
                w2v = tvec * w1v
                cw_v[g * B + b, :] = jnp.where(
                    lane == i1, w1v, jnp.where(lane == i2, w2v, 0.0))
            muv = jnp.broadcast_to(plsc.cumsum(usage)[L - 1],
                                   (L,)) * (1.0 / E)
            d = jnp.where(valid, usage - muv, 0.0)
            varv = jnp.broadcast_to(plsc.cumsum(d * d)[L - 1],
                                    (L,)) * (1.0 / E)
            loss_acc = loss_acc + varv / (muv * muv + 1e-10)
        loss_v[:] = loss_acc * (1.0 / G)
        pltpu.sync_copy(cw_v, cw_hbm)
        pltpu.sync_copy(loss_v, loss_hbm)


def _moe_body(cw_ref, gates_unused_ref, wc_ref, bc_ref, wp_ref, bp_ref,
              x_ref, y0_ref, y1_ref, y2_ref, y3_ref, xs_ref, wr_ref):
    e = pl.program_id(0)
    y_refs = [y0_ref, y1_ref, y2_ref, y3_ref]

    @pl.when(e == 0)
    def _prologue():
        for e_ in range(E):
            for g in range(G):
                wr_ref[e_, g:g + 1, :] = jnp.concatenate(
                    [jnp.broadcast_to(
                        cw_ref[g * B + b:g * B + b + 1, e_:e_ + 1], (1, HW))
                     for b in range(B)], axis=1)
        xT = jnp.concatenate([x_ref[b] for b in range(B)], axis=1)
        xb = xT.astype(jnp.bfloat16)
        rio = jax.lax.broadcasted_iota(jnp.int32, (1, BHW), 1)
        hpos = (rio // W) % H
        wpos = rio % W
        for dy in range(3):
            for dx in range(3):
                k = dy * 3 + dx
                sh, sw = dy - 1, dx - 1
                shift = sh * W + sw
                rolled = jnp.roll(xb, -shift, axis=1) if shift != 0 else xb
                mask = jnp.ones((1, BHW), jnp.bool_)
                if sh > 0:
                    mask = mask & (hpos < H - sh)
                elif sh < 0:
                    mask = mask & (hpos >= -sh)
                if sw > 0:
                    mask = mask & (wpos < W - sw)
                elif sw < 0:
                    mask = mask & (wpos >= -sw)
                xs_ref[k * C:(k + 1) * C, :] = rolled * mask.astype(jnp.bfloat16)

    ones_row = jnp.ones((1, CCAP), jnp.bfloat16)
    u = jnp.dot(wc_ref[0], xs_ref[...], preferred_element_type=jnp.float32)
    u = u + bc_ref[0]
    ub = u.astype(jnp.bfloat16)
    sn = jnp.dot(ones_row, ub * ub,
                 preferred_element_type=jnp.float32)
    scale = sn / ((1.0 + sn) * (jnp.sqrt(sn) + 1e-8))
    uq = (scale * u).astype(jnp.bfloat16)
    out = jnp.dot(wp_ref[0].astype(jnp.bfloat16), uq,
                  preferred_element_type=jnp.float32) + bp_ref[0]
    for g in range(G):
        contrib = wr_ref[e, g:g + 1, :] * out
        for b in range(B):
            blk = contrib[:, b * HW:(b + 1) * HW]

            @pl.when(e == 0)
            def _init(b=b, g=g, blk=blk):
                y_refs[g][b] = blk

            @pl.when(e > 0)
            def _acc(b=b, g=g, blk=blk):
                y_refs[g][b] = y_refs[g][b] + blk


@jax.jit
def _moe(x, Wc, bc, Wp, bp, gates):
    x_nat = x.reshape(B, C, HW)

    lg = pl.pallas_call(
        _logits_body,
        grid=(1,),
        in_specs=[
            pl.BlockSpec((B, C, HW), lambda i: (0, 0, 0)),
            pl.BlockSpec((G, C, E), lambda i: (0, 0, 0)),
        ],
        out_specs=pl.BlockSpec((G * B, L), lambda i: (0, 0)),
        out_shape=jax.ShapeDtypeStruct((G * B, L), jnp.float32),
    )(x_nat, gates)

    mesh = plsc.VectorSubcoreMesh(core_axis_name="c", subcore_axis_name="s")
    route = functools.partial(
        pl.kernel,
        mesh=mesh,
        out_type=[
            jax.ShapeDtypeStruct((G * B, L), jnp.float32),
            jax.ShapeDtypeStruct((L,), jnp.float32),
        ],
        scratch_types=[
            pltpu.VMEM((G * B, L), jnp.float32),
            pltpu.VMEM((G * B, L), jnp.float32),
            pltpu.VMEM((L,), jnp.float32),
        ],
        compiler_params=pltpu.CompilerParams(needs_layout_passes=False),
    )(_route_sc)
    cw, lossv = route(lg)

    Wc_r = jnp.transpose(Wc.astype(jnp.bfloat16),
                         (0, 1, 3, 4, 2)).reshape(E, CCAP, 9 * C)
    bc_r = bc.reshape(E, CCAP, 1)
    Wp_r = Wp[..., 0, 0]
    bp_r = bp.reshape(E, C, 1)

    y0, y1, y2, y3 = pl.pallas_call(
        _moe_body,
        grid=(E,),
        in_specs=[
            pl.BlockSpec((G * B, L), lambda e: (0, 0)),
            pl.BlockSpec((G, C, E), lambda e: (0, 0, 0)),
            pl.BlockSpec((1, CCAP, 9 * C), lambda e: (e, 0, 0)),
            pl.BlockSpec((1, CCAP, 1), lambda e: (e, 0, 0)),
            pl.BlockSpec((1, C, CCAP), lambda e: (e, 0, 0)),
            pl.BlockSpec((1, C, 1), lambda e: (e, 0, 0)),
            pl.BlockSpec((B, C, HW), lambda e: (0, 0, 0)),
        ],
        out_specs=[
            pl.BlockSpec((B, C, HW), lambda e: (0, 0, 0)),
            pl.BlockSpec((B, C, HW), lambda e: (0, 0, 0)),
            pl.BlockSpec((B, C, HW), lambda e: (0, 0, 0)),
            pl.BlockSpec((B, C, HW), lambda e: (0, 0, 0)),
        ],
        out_shape=[
            jax.ShapeDtypeStruct((B, C, HW), jnp.float32),
            jax.ShapeDtypeStruct((B, C, HW), jnp.float32),
            jax.ShapeDtypeStruct((B, C, HW), jnp.float32),
            jax.ShapeDtypeStruct((B, C, HW), jnp.float32),
        ],
        scratch_shapes=[
            pltpu.VMEM((9 * C, BHW), jnp.bfloat16),
            pltpu.VMEM((E, G, BHW), jnp.float32),
        ],
        compiler_params=pltpu.CompilerParams(
            dimension_semantics=("arbitrary",),
        ),
    )(cw, gates, Wc_r, bc_r, Wp_r, bp_r, x_nat)

    sh = (B, C, H, W)
    return (y0.reshape(sh), y1.reshape(sh), y2.reshape(sh), y3.reshape(sh),
            lossv[0])


def kernel(x, Wc, bc, Wp, bp, gates):
    return _moe(x, Wc, bc, Wp, bp, gates)

# --- scband reference (transcript-rebuilt; emitter-appended) ---
"""Pipeline reference for scband-mo-e-78726750536466 (READ-ONLY COPY).

The authoritative reference and input builder live on the scoring server;
editing this copy changes nothing except your own understanding.
"""

import jax, jax.numpy as jnp
import numpy as np

E = 8
TOP = 2
C = 192
G = 4
B = 8
H = 16
W = 16
NC = 16
CD = C // NC
CCAP = NC * CD


def setup_inputs(seed: int = 0) -> dict:
    key = jax.random.key(seed)
    ks = jax.random.split(key, 6)
    x = jax.random.normal(ks[0], (B, C, H, W), dtype=jnp.float32)
    Wc = jax.random.normal(ks[1], (E, CCAP, C, 3, 3), dtype=jnp.float32) * 0.02
    bc = jax.random.normal(ks[2], (E, CCAP), dtype=jnp.float32) * 0.02
    Wp = jax.random.normal(ks[3], (E, C, CCAP, 1, 1), dtype=jnp.float32) * 0.02
    bp = jax.random.normal(ks[4], (E, C), dtype=jnp.float32) * 0.02
    gates = jax.random.normal(ks[5], (G, C, E), dtype=jnp.float32) * np.sqrt(2.0 / (C + E))
    return {"x": x, "Wc": Wc, "bc": bc, "Wp": Wp, "bp": bp, "gates": gates}


def _conv(x, w, b, pad):
    y = jax.lax.conv_general_dilated(
        x, w, window_strides=(1, 1), padding=((pad, pad), (pad, pad)),
        dimension_numbers=("NCHW", "OIHW", "NCHW"))
    return y + b[None, :, None, None]


def _expert(x, Wc_e, bc_e, Wp_e, bp_e):
    # K parallel 3x3 capsule convs == single conv with concatenated output channels
    u = _conv(x, Wc_e, bc_e, 1)
    squared_norm = jnp.sum(u * u, axis=1, keepdims=True)
    scale = squared_norm / (1.0 + squared_norm)
    u = scale * u / (jnp.sqrt(squared_norm) + 1e-08)
    return _conv(u, Wp_e, bp_e, 0)


def _cv_squared(v):
    # torch var(unbiased=False) == jnp.var (ddof=0)
    return jnp.var(v) / (jnp.mean(v) ** 2 + 1e-10)


def _forward(x, Wc, bc, Wp, bp, gates):
    Bn = x.shape[0]
    # Compute every expert on the full batch once (math identical to the sparse
    # torch dispatch since outputs are combined with top-k gate weights).
    all_out = jax.vmap(lambda wc, bcc, wp, bpp: _expert(x, wc, bcc, wp, bpp))(Wc, bc, Wp, bp)  # [E,B,C,H,W]
    x_gap = jnp.mean(x, axis=(2, 3))  # AdaptiveAvgPool2d((1,1)) -> [B,C]
    ys = []
    losses = []
    for g in range(gates.shape[0]):
        gate_probs = jax.nn.softmax(x_gap @ gates[g], axis=1)  # [B,E]
        expert_usage = jnp.sum(gate_probs, axis=0)
        losses.append(_cv_squared(expert_usage))
        topk_vals, topk_idx = jax.lax.top_k(gate_probs, TOP)  # [B,TOP]
        topk_w = jax.nn.softmax(topk_vals, axis=1)
        sel = all_out[topk_idx, jnp.arange(Bn)[:, None]]  # [B,TOP,C,H,W]
        ys.append(jnp.sum(sel * topk_w[:, :, None, None, None], axis=1))
    total_loss = jnp.mean(jnp.stack(losses))
    return (*ys, total_loss)


def reference(x, Wc, bc, Wp, bp, gates):
    return _forward(x, Wc, bc, Wp, bp, gates)

if __name__ == "__main__":
    import jax
    _d = setup_inputs()
    print(jax.jit(kernel)(*tuple(_d.values())))

</pallas_src>

<mosaic_0001>
#map = affine_map<(d0, d1) -> (0, 0)>
#map1 = affine_map<(d0, d1) -> (0)>
module attributes {stable_mosaic.version = 14 : i64} {
  func.func @_route_sc(%arg0: i32, %arg1: i32, %arg2: memref<32x16xf32, #tpu.memory_space<hbm>>, %arg3: memref<32x16xf32, #tpu.memory_space<hbm>>, %arg4: memref<16xf32, #tpu.memory_space<hbm>>, %arg5: memref<32x16xf32, #tpu.memory_space<vmem>>, %arg6: memref<32x16xf32, #tpu.memory_space<vmem>>, %arg7: memref<16xf32, #tpu.memory_space<vmem>>) attributes {dimension_semantics = [#tpu.dimension_semantics<core_parallel>, #tpu.dimension_semantics<subcore_parallel>], iteration_bounds = array<i64: 2, 16>, scalar_prefetch = 0 : i64, scratch_operands = 3 : i64, tpu.core_type = #tpu.core_type<sc_vector_subcore>, window_params = [{transform_indices = #map}, {transform_indices = #map}, {transform_indices = #map1}]} {
    %eq3A = arith.constant 0 : i32
    %eq3A_0 = arith.cmpi eq, %arg0, %eq3A : i32
    %eq3A_1 = arith.constant 0 : i32
    %eq3A_2 = arith.cmpi eq, %arg1, %eq3A_1 : i32
    %and3A = arith.andi %eq3A_0, %eq3A_2 : i1
    %convert_element_type3A = arith.extui %and3A : i1 to i32
    %cond3A = arith.constant 0 : i32
    %cond3A_3 = arith.cmpi ne, %convert_element_type3A, %cond3A : i32
    scf.if %cond3A_3 {
      "tpu.region"() ({
        %run_scoped3A = tpu.sem_alloc : memref<!tpu.dma_semaphore, #tpu.memory_space<semaphore_mem>>
        tpu.enqueue_dma source(%arg2 : memref<32x16xf32, #tpu.memory_space<hbm>>) target(%arg5 : memref<32x16xf32, #tpu.memory_space<vmem>>) target_semaphore(%run_scoped3A : memref<!tpu.dma_semaphore, #tpu.memory_space<semaphore_mem>>)
        tpu.wait_dma2 semaphore(%run_scoped3A : memref<!tpu.dma_semaphore, #tpu.memory_space<semaphore_mem>>) src(%arg2 : memref<32x16xf32, #tpu.memory_space<hbm>>) dst(%arg5 : memref<32x16xf32, #tpu.memory_space<vmem>>)
        tpu.yield
      }) : () -> ()
      %iota3A = tpu.iota {dimensions = array<i32: 0>} : vector<16xi32>
      %lt3A = arith.constant 8 : i32
      %lt3A_4 = vector.broadcast %lt3A : i32 to vector<16xi32>
      %lt3A_5 = arith.cmpi slt, %iota3A, %lt3A_4 : vector<16xi32>
      %broadcast_in_dim3A = arith.constant 0.000000e+00 : f32
      %broadcast_in_dim3A_6 = vector.broadcast %broadcast_in_dim3A : f32 to vector<16xf32>
      %broadcast_in_dim3A_7 = arith.constant 0.000000e+00 : f32
      %broadcast_in_dim3A_8 = vector.broadcast %broadcast_in_dim3A_7 : f32 to vector<16xf32>
      %get3A = arith.constant 0 : i32
      %get3A_9 = arith.index_cast %get3A : i32 to index
      %get3A_10 = arith.constant 0 : index
      %get3A_11 = tpu.vector_load %arg5[%get3A_9, %get3A_10] {strides = array<i32>} : memref<32x16xf32, #tpu.memory_space<vmem>>, vector<16xf32>,
      %jit3A = arith.constant -3.000000e+38 : f32
      %broadcast_in_dim3A_12 = vector.broadcast %jit3A : f32 to vector<16xf32>
      %select_n3A = arith.select %lt3A_5, %get3A_11, %broadcast_in_dim3A_12 : vector<16xi1>, vector<16xf32>
      %masked_sort3A = arith.constant dense<true> : vector<16xi1>
      %masked_sort3A_13, %masked_sort3A_14, %masked_sort3A_15 = tpu.sort %select_n3A, %iota3A masked %masked_sort3A {descending = true} : (vector<16xf32>, vector<16xi32>, vector<16xi1>) -> (vector<16xi1>, vector<16xf32>, vector<16xi32>)
      %slice3A = vector.extract_strided_slice %masked_sort3A_14 {offsets = [0], sizes = [1], strides = [1]} : vector<16xf32> to vector<1xf32>
      %squeeze3A = vector.extract %slice3A[0] : f32 from vector<1xf32>
      %broadcast_in_dim3A_16 = vector.broadcast %squeeze3A : f32 to vector<16xf32>
      %sub3A = arith.subf %select_n3A, %broadcast_in_dim3A_16 : vector<16xf32>
      %exp3A = math.exp %sub3A : vector<16xf32>
      %jit3A_17 = arith.constant 0.000000e+00 : f32
      %broadcast_in_dim3A_18 = vector.broadcast %jit3A_17 : f32 to vector<16xf32>
      %select_n3A_19 = arith.select %lt3A_5, %exp3A, %broadcast_in_dim3A_18 : vector<16xi1>, vector<16xf32>
      %broadcast_in_dim3A_20 = arith.constant true
      %broadcast_in_dim3A_21 = vector.broadcast %broadcast_in_dim3A_20 : i1 to vector<16xi1>
      %masked_cumsum3A = tpu.scan <sum>, %select_n3A_19 masked %broadcast_in_dim3A_21 : vector<16xf32>, vector<16xi1> -> vector<16xf32>
      %slice3A_22 = vector.extract_strided_slice %masked_cumsum3A {offsets = [15], sizes = [1], strides = [1]} : vector<16xf32> to vector<1xf32>
      %squeeze3A_23 = vector.extract %slice3A_22[0] : f32 from vector<1xf32>
      %broadcast_in_dim3A_24 = vector.broadcast %squeeze3A_23 : f32 to vector<16xf32>
      %div3A = arith.divf %select_n3A_19, %broadcast_in_dim3A_24 : vector<16xf32>
      %add3A = arith.addf %broadcast_in_dim3A_8, %div3A : vector<16xf32>
      %jit3A_25 = arith.constant -1.000000e+00 : f32
      %broadcast_in_dim3A_26 = vector.broadcast %jit3A_25 : f32 to vector<16xf32>
      %select_n3A_27 = arith.select %lt3A_5, %div3A, %broadcast_in_dim3A_26 : vector<16xi1>, vector<16xf32>
      %masked_sort3A_28 = arith.constant dense<true> : vector<16xi1>
      %masked_sort3A_29, %masked_sort3A_30, %masked_sort3A_31 = tpu.sort %select_n3A_27, %iota3A masked %masked_sort3A_28 {descending = true} : (vector<16xf32>, vector<16xi32>, vector<16xi1>) -> (vector<16xi1>, vector<16xf32>, vector<16xi32>)
      %slice3A_32 = vector.extract_strided_slice %masked_sort3A_31 {offsets = [0], sizes = [1], strides = [1]} : vector<16xi32> to vector<1xi32>
      %squeeze3A_33 = vector.extract %slice3A_32[0] : i32 from vector<1xi32>
      %slice3A_34 = vector.extract_strided_slice %masked_sort3A_31 {offsets = [1], sizes = [1], strides = [1]} : vector<16xi32> to vector<1xi32>
      %squeeze3A_35 = vector.extract %slice3A_34[0] : i32 from vector<1xi32>
      %slice3A_36 = vector.extract_strided_slice %masked_sort3A_30 {offsets = [0], sizes = [1], strides = [1]} : vector<16xf32> to vector<1xf32>
      %squeeze3A_37 = vector.extract %slice3A_36[0] : f32 from vector<1xf32>
      %broadcast_in_dim3A_38 = vector.broadcast %squeeze3A_37 : f32 to vector<16xf32>
      %sub3A_39 = arith.subf %masked_sort3A_30, %broadcast_in_dim3A_38 : vector<16xf32>
      %exp3A_40 = math.exp %sub3A_39 : vector<16xf32>
      %slice3A_41 = vector.extract_strided_slice %exp3A_40 {offsets = [1], sizes = [1], strides = [1]} : vector<16xf32> to vector<1xf32>
      %squeeze3A_42 = vector.extract %slice3A_41[0] : f32 from vector<1xf32>
      %broadcast_in_dim3A_43 = vector.broadcast %squeeze3A_42 : f32 to vector<16xf32>
      %add3A_44 = arith.constant 1.000000e+00 : f32
      %add3A_45 = vector.broadcast %add3A_44 : f32 to vector<16xf32>
      %add3A_46 = arith.addf %add3A_45, %broadcast_in_dim3A_43 : vector<16xf32>
      %div3A_47 = arith.constant 1.000000e+00 : f32
      %div3A_48 = vector.broadcast %div3A_47 : f32 to vector<16xf32>
      %div3A_49 = arith.divf %div3A_48, %add3A_46 : vector<16xf32>
      %mul3A = arith.mulf %broadcast_in_dim3A_43, %div3A_49 : vector<16xf32>
      %eq3A_50 = vector.broadcast %squeeze3A_33 : i32 to vector<16xi32>
      %eq3A_51 = arith.cmpi eq, %iota3A, %eq3A_50 : vector<16xi32>
      %eq3A_52 = vector.broadcast %squeeze3A_35 : i32 to vector<16xi32>
      %eq3A_53 = arith.cmpi eq, %iota3A, %eq3A_52 : vector<16xi32>
      %jit3A_54 = arith.constant 0.000000e+00 : f32
      %broadcast_in_dim3A_55 = vector.broadcast %jit3A_54 : f32 to vector<16xf32>
      %select_n3A_56 = arith.select %eq3A_53, %mul3A, %broadcast_in_dim3A_55 : vector<16xi1>, vector<16xf32>
      %select_n3A_57 = arith.select %eq3A_51, %div3A_49, %select_n3A_56 : vector<16xi1>, vector<16xf32>
      %swap3A = arith.constant 0 : i32
      %swap3A_58 = arith.index_cast %swap3A : i32 to index
      %swap3A_59 = arith.constant 0 : index
      %swap3A_60 = tpu.vector_load %arg6[%swap3A_58, %swap3A_59] {strides = array<i32>} : memref<32x16xf32, #tpu.memory_space<vmem>>, vector<16xf32>,
      tpu.vector_store %arg6[%swap3A_58, %swap3A_59], %select_n3A_57 {strides = array<i32>} : memref<32x16xf32, #tpu.memory_space<vmem>>, vector<16xf32>,
      %get3A_61 = arith.constant 1 : i32
      %get3A_62 = arith.index_cast %get3A_61 : i32 to index
      %get3A_63 = arith.constant 0 : index
      %get3A_64 = tpu.vector_load %arg5[%get3A_62, %get3A_63] {strides = array<i32>} : memref<32x16xf32, #tpu.memory_space<vmem>>, vector<16xf32>,
      %jit3A_65 = arith.constant -3.000000e+38 : f32
      %broadcast_in_dim3A_66 = vector.broadcast %jit3A_65 : f32 to vector<16xf32>
      %select_n3A_67 = arith.select %lt3A_5, %get3A_64, %broadcast_in_dim3A_66 : vector<16xi1>, vector<16xf32>
      %masked_sort3A_68 = arith.constant dense<true> : vector<16xi1>
      %masked_sort3A_69, %masked_sort3A_70, %masked_sort3A_71 = tpu.sort %select_n3A_67, %iota3A masked %masked_sort3A_68 {descending = true} : (vector<16xf32>, vector<16xi32>, vector<16xi1>) -> (vector<16xi1>, vector<16xf32>, vector<16xi32>)
      %slice3A_72 = vector.extract_strided_slice %masked_sort3A_70 {offsets = [0], sizes = [1], strides = [1]} : vector<16xf32> to vector<1xf32>
      %squeeze3A_73 = vector.extract %slice3A_72[0] : f32 from vector<1xf32>
      %broadcast_in_dim3A_74 = vector.broadcast %squeeze3A_73 : f32 to vector<16xf32>
      %sub3A_75 = arith.subf %select_n3A_67, %broadcast_in_dim3A_74 : vector<16xf32>
      %exp3A_76 = math.exp %sub3A_75 : vector<16xf32>
      %jit3A_77 = arith.constant 0.000000e+00 : f32
      %broadcast_in_dim3A_78 = vector.broadcast %jit3A_77 : f32 to vector<16xf32>
      %select_n3A_79 = arith.select %lt3A_5, %exp3A_76, %broadcast_in_dim3A_78 : vector<16xi1>, vector<16xf32>
      %broadcast_in_dim3A_80 = arith.constant true
      %broadcast_in_dim3A_81 = vector.broadcast %broadcast_in_dim3A_80 : i1 to vector<16xi1>
      %masked_cumsum3A_82 = tpu.scan <sum>, %select_n3A_79 masked %broadcast_in_dim3A_81 : vector<16xf32>, vector<16xi1> -> vector<16xf32>
      %slice3A_83 = vector.extract_strided_slice %masked_cumsum3A_82 {offsets = [15], sizes = [1], strides = [1]} : vector<16xf32> to vector<1xf32>
      %squeeze3A_84 = vector.extract %slice3A_83[0] : f32 from vector<1xf32>
      %broadcast_in_dim3A_85 = vector.broadcast %squeeze3A_84 : f32 to vector<16xf32>
      %div3A_86 = arith.divf %select_n3A_79, %broadcast_in_dim3A_85 : vector<16xf32>
      %add3A_87 = arith.addf %add3A, %div3A_86 : vector<16xf32>
      %jit3A_88 = arith.constant -1.000000e+00 : f32
      %broadcast_in_dim3A_89 = vector.broadcast %jit3A_88 : f32 to vector<16xf32>
      %select_n3A_90 = arith.select %lt3A_5, %div3A_86, %broadcast_in_dim3A_89 : vector<16xi1>, vector<16xf32>
      %masked_sort3A_91 = arith.constant dense<true> : vector<16xi1>
      %masked_sort3A_92, %masked_sort3A_93, %masked_sort3A_94 = tpu.sort %select_n3A_90, %iota3A masked %masked_sort3A_91 {descending = true} : (vector<16xf32>, vector<16xi32>, vector<16xi1>) -> (vector<16xi1>, vector<16xf32>, vector<16xi32>)
      %slice3A_95 = vector.extract_strided_slice %masked_sort3A_94 {offsets = [0], sizes = [1], strides = [1]} : vector<16xi32> to vector<1xi32>
      %squeeze3A_96 = vector.extract %slice3A_95[0] : i32 from vector<1xi32>
      %slice3A_97 = vector.extract_strided_slice %masked_sort3A_94 {offsets = [1], sizes = [1], strides = [1]} : vector<16xi32> to vector<1xi32>
      %squeeze3A_98 = vector.extract %slice3A_97[0] : i32 from vector<1xi32>
      %slice3A_99 = vector.extract_strided_slice %masked_sort3A_93 {offsets = [0], sizes = [1], strides = [1]} : vector<16xf32> to vector<1xf32>
      %squeeze3A_100 = vector.extract %slice3A_99[0] : f32 from vector<1xf32>
      %broadcast_in_dim3A_101 = vector.broadcast %squeeze3A_100 : f32 to vector<16xf32>
      %sub3A_102 = arith.subf %masked_sort3A_93, %broadcast_in_dim3A_101 : vector<16xf32>
      %exp3A_103 = math.exp %sub3A_102 : vector<16xf32>
      %slice3A_104 = vector.extract_strided_slice %exp3A_103 {offsets = [1], sizes = [1], strides = [1]} : vector<16xf32> to vector<1xf32>
      %squeeze3A_105 = vector.extract %slice3A_104[0] : f32 from vector<1xf32>
      %broadcast_in_dim3A_106 = vector.broadcast %squeeze3A_105 : f32 to vector<16xf32>
      %add3A_107 = arith.constant 1.000000e+00 : f32
      %add3A_108 = vector.broadcast %add3A_107 : f32 to vector<16xf32>
      %add3A_109 = arith.addf %add3A_108, %broadcast_in_dim3A_106 : vector<16xf32>
      %div3A_110 = arith.constant 1.000000e+00 : f32
      %div3A_111 = vector.broadcast %div3A_110 : f32 to vector<16xf32>
      %div3A_112 = arith.divf %div3A_111, %add3A_109 : vector<16xf32>
      %mul3A_113 = arith.mulf %broadcast_in_dim3A_106, %div3A_112 : vector<16xf32>
      %eq3A_114 = vector.broadcast %squeeze3A_96 : i32 to vector<16xi32>
      %eq3A_115 = arith.cmpi eq, %iota3A, %eq3A_114 : vector<16xi32>
      %eq3A_116 = vector.broadcast %squeeze3A_98 : i32 to vector<16xi32>
      %eq3A_117 = arith.cmpi eq, %iota3A, %eq3A_116 : vector<16xi32>
      %jit3A_118 = arith.constant 0.000000e+00 : f32
      %broadcast_in_dim3A_119 = vector.broadcast %jit3A_118 : f32 to vector<16xf32>
      %select_n3A_120 = arith.select %eq3A_117, %mul3A_113, %broadcast_in_dim3A_119 : vector<16xi1>, vector<16xf32>
      %select_n3A_121 = arith.select %eq3A_115, %div3A_112, %select_n3A_120 : vector<16xi1>, vector<16xf32>
      %swap3A_122 = arith.constant 1 : i32
      %swap3A_123 = arith.index_cast %swap3A_122 : i32 to index
      %swap3A_124 = arith.constant 0 : index
      %swap3A_125 = tpu.vector_load %arg6[%swap3A_123, %swap3A_124] {strides = array<i32>} : memref<32x16xf32, #tpu.memory_space<vmem>>, vector<16xf32>,
      tpu.vector_store %arg6[%swap3A_123, %swap3A_124], %select_n3A_121 {strides = array<i32>} : memref<32x16xf32, #tpu.memory_space<vmem>>, vector<16xf32>,
      %get3A_126 = arith.constant 2 : i32
      %get3A_127 = arith.index_cast %get3A_126 : i32 to index
      %get3A_128 = arith.constant 0 : index
      %get3A_129 = tpu.vector_load %arg5[%get3A_127, %get3A_128] {strides = array<i32>} : memref<32x16xf32, #tpu.memory_space<vmem>>, vector<16xf32>,
      %jit3A_130 = arith.constant -3.000000e+38 : f32
      %broadcast_in_dim3A_131 = vector.broadcast %jit3A_130 : f32 to vector<16xf32>
      %select_n3A_132 = arith.select %lt3A_5, %get3A_129, %broadcast_in_dim3A_131 : vector<16xi1>, vector<16xf32>
      %masked_sort3A_133 = arith.constant dense<true> : vector<16xi1>
      %masked_sort3A_134, %masked_sort3A_135, %masked_sort3A_136 = tpu.sort %select_n3A_132, %iota3A masked %masked_sort3A_133 {descending = true} : (vector<16xf32>, vector<16xi32>, vector<16xi1>) -> (vector<16xi1>, vector<16xf32>, vector<16xi32>)
      %slice3A_137 = vector.extract_strided_slice %masked_sort3A_135 {offsets = [0], sizes = [1], strides = [1]} : vector<16xf32> to vector<1xf32>
      %squeeze3A_138 = vector.extract %slice3A_137[0] : f32 from vector<1xf32>
      %broadcast_in_dim3A_139 = vector.broadcast %squeeze3A_138 : f32 to vector<16xf32>
      %sub3A_140 = arith.subf %select_n3A_132, %broadcast_in_dim3A_139 : vector<16xf32>
      %exp3A_141 = math.exp %sub3A_140 : vector<16xf32>
      %jit3A_142 = arith.constant 0.000000e+00 : f32
      %broadcast_in_dim3A_143 = vector.broadcast %jit3A_142 : f32 to vector<16xf32>
      %select_n3A_144 = arith.select %lt3A_5, %exp3A_141, %broadcast_in_dim3A_143 : vector<16xi1>, vector<16xf32>
      %broadcast_in_dim3A_145 = arith.constant true
      %broadcast_in_dim3A_146 = vector.broadcast %broadcast_in_dim3A_145 : i1 to vector<16xi1>
      %masked_cumsum3A_147 = tpu.scan <sum>, %select_n3A_144 masked %broadcast_in_dim3A_146 : vector<16xf32>, vector<16xi1> -> vector<16xf32>
      %slice3A_148 = vector.extract_strided_slice %masked_cumsum3A_147 {offsets = [15], sizes = [1], strides = [1]} : vector<16xf32> to vector<1xf32>
      %squeeze3A_149 = vector.extract %slice3A_148[0] : f32 from vector<1xf32>
      %broadcast_in_dim3A_150 = vector.broadcast %squeeze3A_149 : f32 to vector<16xf32>
      %div3A_151 = arith.divf %select_n3A_144, %broadcast_in_dim3A_150 : vector<16xf32>
      %add3A_152 = arith.addf %add3A_87, %div3A_151 : vector<16xf32>
      %jit3A_153 = arith.constant -1.000000e+00 : f32
      %broadcast_in_dim3A_154 = vector.broadcast %jit3A_153 : f32 to vector<16xf32>
      %select_n3A_155 = arith.select %lt3A_5, %div3A_151, %broadcast_in_dim3A_154 : vector<16xi1>, vector<16xf32>
      %masked_sort3A_156 = arith.constant dense<true> : vector<16xi1>
      %masked_sort3A_157, %masked_sort3A_158, %masked_sort3A_159 = tpu.sort %select_n3A_155, %iota3A masked %masked_sort3A_156 {descending = true} : (vector<16xf32>, vector<16xi32>, vector<16xi1>) -> (vector<16xi1>, vector<16xf32>, vector<16xi32>)
      %slice3A_160 = vector.extract_strided_slice %masked_sort3A_159 {offsets = [0], sizes = [1], strides = [1]} : vector<16xi32> to vector<1xi32>
      %squeeze3A_161 = vector.extract %slice3A_160[0] : i32 from vector<1xi32>
      %slice3A_162 = vector.extract_strided_slice %masked_sort3A_159 {offsets = [1], sizes = [1], strides = [1]} : vector<16xi32> to vector<1xi32>
      %squeeze3A_163 = vector.extract %slice3A_162[0] : i32 from vector<1xi32>
      %slice3A_164 = vector.extract_strided_slice %masked_sort3A_158 {offsets = [0], sizes = [1], strides = [1]} : vector<16xf32> to vector<1xf32>
      %squeeze3A_165 = vector.extract %slice3A_164[0] : f32 from vector<1xf32>
      %broadcast_in_dim3A_166 = vector.broadcast %squeeze3A_165 : f32 to vector<16xf32>
      %sub3A_167 = arith.subf %masked_sort3A_158, %broadcast_in_dim3A_166 : vector<16xf32>
      %exp3A_168 = math.exp %sub3A_167 : vector<16xf32>
      %slice3A_169 = vector.extract_strided_slice %exp3A_168 {offsets = [1], sizes = [1], strides = [1]} : vector<16xf32> to vector<1xf32>
      %squeeze3A_170 = vector.extract %slice3A_169[0] : f32 from vector<1xf32>
      %broadcast_in_dim3A_171 = vector.broadcast %squeeze3A_170 : f32 to vector<16xf32>
      %add3A_172 = arith.constant 1.000000e+00 : f32
      %add3A_173 = vector.broadcast %add3A_172 : f32 to vector<16xf32>
      %add3A_174 = arith.addf %add3A_173, %broadcast_in_dim3A_171 : vector<16xf32>
      %div3A_175 = arith.constant 1.000000e+00 : f32
      %div3A_176 = vector.broadcast %div3A_175 : f32 to vector<16xf32>
      %div3A_177 = arith.divf %div3A_176, %add3A_174 : vector<16xf32>
      %mul3A_178 = arith.mulf %broadcast_in_dim3A_171, %div3A_177 : vector<16xf32>
      %eq3A_179 = vector.broadcast %squeeze3A_161 : i32 to vector<16xi32>
      %eq3A_180 = arith.cmpi eq, %iota3A, %eq3A_179 : vector<16xi32>
      %eq3A_181 = vector.broadcast %squeeze3A_163 : i32 to vector<16xi32>
      %eq3A_182 = arith.cmpi eq, %iota3A, %eq3A_181 : vector<16xi32>
      %jit3A_183 = arith.constant 0.000000e+00 : f32
      %broadcast_in_dim3A_184 = vector.broadcast %jit3A_183 : f32 to vector<16xf32>
      %select_n3A_185 = arith.select %eq3A_182, %mul3A_178, %broadcast_in_dim3A_184 : vector<16xi1>, vector<16xf32>
      %select_n3A_186 = arith.select %eq3A_180, %div3A_177, %select_n3A_185 : vector<16xi1>, vector<16xf32>
      %swap3A_187 = arith.constant 2 : i32
      %swap3A_188 = arith.index_cast %swap3A_187 : i32 to index
      %swap3A_189 = arith.constant 0 : index
      %swap3A_190 = tpu.vector_load %arg6[%swap3A_188, %swap3A_189] {strides = array<i32>} : memref<32x16xf32, #tpu.memory_space<vmem>>, vector<16xf32>,
      tpu.vector_store %arg6[%swap3A_188, %swap3A_189], %select_n3A_186 {strides = array<i32>} : memref<32x16xf32, #tpu.memory_space<vmem>>, vector<16xf32>,
      %get3A_191 = arith.constant 3 : i32
      %get3A_192 = arith.index_cast %get3A_191 : i32 to index
      %get3A_193 = arith.constant 0 : index
      %get3A_194 = tpu.vector_load %arg5[%get3A_192, %get3A_193] {strides = array<i32>} : memref<32x16xf32, #tpu.memory_space<vmem>>, vector<16xf32>,
      %jit3A_195 = arith.constant -3.000000e+38 : f32
      %broadcast_in_dim3A_196 = vector.broadcast %jit3A_195 : f32 to vector<16xf32>
      %select_n3A_197 = arith.select %lt3A_5, %get3A_194, %broadcast_in_dim3A_196 : vector<16xi1>, vector<16xf32>
      %masked_sort3A_198 = arith.constant dense<true> : vector<16xi1>
      %masked_sort3A_199, %masked_sort3A_200, %masked_sort3A_201 = tpu.sort %select_n3A_197, %iota3A masked %masked_sort3A_198 {descending = true} : (vector<16xf32>, vector<16xi32>, vector<16xi1>) -> (vector<16xi1>, vector<16xf32>, vector<16xi32>)
      %slice3A_202 = vector.extract_strided_slice %masked_sort3A_200 {offsets = [0], sizes = [1], strides = [1]} : vector<16xf32> to vector<1xf32>
      %squeeze3A_203 = vector.extract %slice3A_202[0] : f32 from vector<1xf32>
      %broadcast_in_dim3A_204 = vector.broadcast %squeeze3A_203 : f32 to vector<16xf32>
      %sub3A_205 = arith.subf %select_n3A_197, %broadcast_in_dim3A_204 : vector<16xf32>
      %exp3A_206 = math.exp %sub3A_205 : vector<16xf32>
      %jit3A_207 = arith.constant 0.000000e+00 : f32
      %broadcast_in_dim3A_208 = vector.broadcast %jit3A_207 : f32 to vector<16xf32>
      %select_n3A_209 = arith.select %lt3A_5, %exp3A_206, %broadcast_in_dim3A_208 : vector<16xi1>, vector<16xf32>
      %broadcast_in_dim3A_210 = arith.constant true
      %broadcast_in_dim3A_211 = vector.broadcast %broadcast_in_dim3A_210 : i1 to vector<16xi1>
      %masked_cumsum3A_212 = tpu.scan <sum>, %select_n3A_209 masked %broadcast_in_dim3A_211 : vector<16xf32>, vector<16xi1> -> vector<16xf32>
      %slice3A_213 = vector.extract_strided_slice %masked_cumsum3A_212 {offsets = [15], sizes = [1], strides = [1]} : vector<16xf32> to vector<1xf32>
      %squeeze3A_214 = vector.extract %slice3A_213[0] : f32 from vector<1xf32>
      %broadcast_in_dim3A_215 = vector.broadcast %squeeze3A_214 : f32 to vector<16xf32>
      %div3A_216 = arith.divf %select_n3A_209, %broadcast_in_dim3A_215 : vector<16xf32>
      %add3A_217 = arith.addf %add3A_152, %div3A_216 : vector<16xf32>
      %jit3A_218 = arith.constant -1.000000e+00 : f32
      %broadcast_in_dim3A_219 = vector.broadcast %jit3A_218 : f32 to vector<16xf32>
      %select_n3A_220 = arith.select %lt3A_5, %div3A_216, %broadcast_in_dim3A_219 : vector<16xi1>, vector<16xf32>
      %masked_sort3A_221 = arith.constant dense<true> : vector<16xi1>
      %masked_sort3A_222, %masked_sort3A_223, %masked_sort3A_224 = tpu.sort %select_n3A_220, %iota3A masked %masked_sort3A_221 {descending = true} : (vector<16xf32>, vector<16xi32>, vector<16xi1>) -> (vector<16xi1>, vector<16xf32>, vector<16xi32>)
      %slice3A_225 = vector.extract_strided_slice %masked_sort3A_224 {offsets = [0], sizes = [1], strides = [1]} : vector<16xi32> to vector<1xi32>
      %squeeze3A_226 = vector.extract %slice3A_225[0] : i32 from vector<1xi32>
      %slice3A_227 = vector.extract_strided_slice %masked_sort3A_224 {offsets = [1], sizes = [1], strides = [1]} : vector<16xi32> to vector<1xi32>
      %squeeze3A_228 = vector.extract %slice3A_227[0] : i32 from vector<1xi32>
      %slice3A_229 = vector.extract_strided_slice %masked_sort3A_223 {offsets = [0], sizes = [1], strides = [1]} : vector<16xf32> to vector<1xf32>
      %squeeze3A_230 = vector.extract %slice3A_229[0] : f32 from vector<1xf32>
      %broadcast_in_dim3A_231 = vector.broadcast %squeeze3A_230 : f32 to vector<16xf32>
      %sub3A_232 = arith.subf %masked_sort3A_223, %broadcast_in_dim3A_231 : vector<16xf32>
      %exp3A_233 = math.exp %sub3A_232 : vector<16xf32>
      %slice3A_234 = vector.extract_strided_slice %exp3A_233 {offsets = [1], sizes = [1], strides = [1]} : vector<16xf32> to vector<1xf32>
      %squeeze3A_235 = vector.extract %slice3A_234[0] : f32 from vector<1xf32>
      %broadcast_in_dim3A_236 = vector.broadcast %squeeze3A_235 : f32 to vector<16xf32>
      %add3A_237 = arith.constant 1.000000e+00 : f32
      %add3A_238 = vector.broadcast %add3A_237 : f32 to vector<16xf32>
      %add3A_239 = arith.addf %add3A_238, %broadcast_in_dim3A_236 : vector<16xf32>
      %div3A_240 = arith.constant 1.000000e+00 : f32
      %div3A_241 = vector.broadcast %div3A_240 : f32 to vector<16xf32>
      %div3A_242 = arith.divf %div3A_241, %add3A_239 : vector<16xf32>
      %mul3A_243 = arith.mulf %broadcast_in_dim3A_236, %div3A_242 : vector<16xf32>
      %eq3A_244 = vector.broadcast %squeeze3A_226 : i32 to vector<16xi32>
      %eq3A_245 = arith.cmpi eq, %iota3A, %eq3A_244 : vector<16xi32>
      %eq3A_246 = vector.broadcast %squeeze3A_228 : i32 to vector<16xi32>
      %eq3A_247 = arith.cmpi eq, %iota3A, %eq3A_246 : vector<16xi32>
      %jit3A_248 = arith.constant 0.000000e+00 : f32
      %broadcast_in_dim3A_249 = vector.broadcast %jit3A_248 : f32 to vector<16xf32>
      %select_n3A_250 = arith.select %eq3A_247, %mul3A_243, %broadcast_in_dim3A_249 : vector<16xi1>, vector<16xf32>
      %select_n3A_251 = arith.select %eq3A_245, %div3A_242, %select_n3A_250 : vector<16xi1>, vector<16xf32>
      %swap3A_252 = arith.constant 3 : i32
      %swap3A_253 = arith.index_cast %swap3A_252 : i32 to index
      %swap3A_254 = arith.constant 0 : index
      %swap3A_255 = tpu.vector_load %arg6[%swap3A_253, %swap3A_254] {strides = array<i32>} : memref<32x16xf32, #tpu.memory_space<vmem>>, vector<16xf32>,
      tpu.vector_store %arg6[%swap3A_253, %swap3A_254], %select_n3A_251 {strides = array<i32>} : memref<32x16xf32, #tpu.memory_space<vmem>>, vector<16xf32>,
      %get3A_256 = arith.constant 4 : i32
      %get3A_257 = arith.index_cast %get3A_256 : i32 to index
      %get3A_258 = arith.constant 0 : index
      %get3A_259 = tpu.vector_load %arg5[%get3A_257, %get3A_258] {strides = array<i32>} : memref<32x16xf32, #tpu.memory_space<vmem>>, vector<16xf32>,
      %jit3A_260 = arith.constant -3.000000e+38 : f32
      %broadcast_in_dim3A_261 = vector.broadcast %jit3A_260 : f32 to vector<16xf32>
      %select_n3A_262 = arith.select %lt3A_5, %get3A_259, %broadcast_in_dim3A_261 : vector<16xi1>, vector<16xf32>
      %masked_sort3A_263 = arith.constant dense<true> : vector<16xi1>
      %masked_sort3A_264, %masked_sort3A_265, %masked_sort3A_266 = tpu.sort %select_n3A_262, %iota3A masked %masked_sort3A_263 {descending = true} : (vector<16xf32>, vector<16xi32>, vector<16xi1>) -> (vector<16xi1>, vector<16xf32>, vector<16xi32>)
      %slice3A_267 = vector.extract_strided_slice %masked_sort3A_265 {offsets = [0], sizes = [1], strides = [1]} : vector<16xf32> to vector<1xf32>
      %squeeze3A_268 = vector.extract %slice3A_267[0] : f32 from vector<1xf32>
      %broadcast_in_dim3A_269 = vector.broadcast %squeeze3A_268 : f32 to vector<16xf32>
      %sub3A_270 = arith.subf %select_n3A_262, %broadcast_in_dim3A_269 : vector<16xf32>
      %exp3A_271 = math.exp %sub3A_270 : vector<16xf32>
      %jit3A_272 = arith.constant 0.000000e+00 : f32
      %broadcast_in_dim3A_273 = vector.broadcast %jit3A_272 : f32 to vector<16xf32>
      %select_n3A_274 = arith.select %lt3A_5, %exp3A_271, %broadcast_in_dim3A_273 : vector<16xi1>, vector<16xf32>
      %broadcast_in_dim3A_275 = arith.constant true
      %broadcast_in_dim3A_276 = vector.broadcast %broadcast_in_dim3A_275 : i1 to vector<16xi1>
      %masked_cumsum3A_277 = tpu.scan <sum>, %select_n3A_274 masked %broadcast_in_dim3A_276 : vector<16xf32>, vector<16xi1> -> vector<16xf32>
      %slice3A_278 = vector.extract_strided_slice %masked_cumsum3A_277 {offsets = [15], sizes = [1], strides = [1]} : vector<16xf32> to vector<1xf32>
      %squeeze3A_279 = vector.extract %slice3A_278[0] : f32 from vector<1xf32>
      %broadcast_in_dim3A_280 = vector.broadcast %squeeze3A_279 : f32 to vector<16xf32>
      %div3A_281 = arith.divf %select_n3A_274, %broadcast_in_dim3A_280 : vector<16xf32>
      %add3A_282 = arith.addf %add3A_217, %div3A_281 : vector<16xf32>
      %jit3A_283 = arith.constant -1.000000e+00 : f32
      %broadcast_in_dim3A_284 = vector.broadcast %jit3A_283 : f32 to vector<16xf32>
      %select_n3A_285 = arith.select %lt3A_5, %div3A_281, %broadcast_in_dim3A_284 : vector<16xi1>, vector<16xf32>
      %masked_sort3A_286 = arith.constant dense<true> : vector<16xi1>
      %masked_sort3A_287, %masked_sort3A_288, %masked_sort3A_289 = tpu.sort %select_n3A_285, %iota3A masked %masked_sort3A_286 {descending = true} : (vector<16xf32>, vector<16xi32>, vector<16xi1>) -> (vector<16xi1>, vector<16xf32>, vector<16xi32>)
      %slice3A_290 = vector.extract_strided_slice %masked_sort3A_289 {offsets = [0], sizes = [1], strides = [1]} : vector<16xi32> to vector<1xi32>
      %squeeze3A_291 = vector.extract %slice3A_290[0] : i32 from vector<1xi32>
      %slice3A_292 = vector.extract_strided_slice %masked_sort3A_289 {offsets = [1], sizes = [1], strides = [1]} : vector<16xi32> to vector<1xi32>
      %squeeze3A_293 = vector.extract %slice3A_292[0] : i32 from vector<1xi32>
      %slice3A_294 = vector.extract_strided_slice %masked_sort3A_288 {offsets = [0], sizes = [1], strides = [1]} : vector<16xf32> to vector<1xf32>
      %squeeze3A_295 = vector.extract %slice3A_294[0] : f32 from vector<1xf32>
      %broadcast_in_dim3A_296 = vector.broadcast %squeeze3A_295 : f32 to vector<16xf32>
      %sub3A_297 = arith.subf %masked_sort3A_288, %broadcast_in_dim3A_296 : vector<16xf32>
      %exp3A_298 = math.exp %sub3A_297 : vector<16xf32>
      %slice3A_299 = vector.extract_strided_slice %exp3A_298 {offsets = [1], sizes = [1], strides = [1]} : vector<16xf32> to vector<1xf32>
      %squeeze3A_300 = vector.extract %slice3A_299[0] : f32 from vector<1xf32>
      %broadcast_in_dim3A_301 = vector.broadcast %squeeze3A_300 : f32 to vector<16xf32>
      %add3A_302 = arith.constant 1.000000e+00 : f32
      %add3A_303 = vector.broadcast %add3A_302 : f32 to vector<16xf32>
      %add3A_304 = arith.addf %add3A_303, %broadcast_in_dim3A_301 : vector<16xf32>
      %div3A_305 = arith.constant 1.000000e+00 : f32
      %div3A_306 = vector.broadcast %div3A_305 : f32 to vector<16xf32>
      %div3A_307 = arith.divf %div3A_306, %add3A_304 : vector<16xf32>
      %mul3A_308 = arith.mulf %broadcast_in_dim3A_301, %div3A_307 : vector<16xf32>
      %eq3A_309 = vector.broadcast %squeeze3A_291 : i32 to vector<16xi32>
      %eq3A_310 = arith.cmpi eq, %iota3A, %eq3A_309 : vector<16xi32>
      %eq3A_311 = vector.broadcast %squeeze3A_293 : i32 to vector<16xi32>
      %eq3A_312 = arith.cmpi eq, %iota3A, %eq3A_311 : vector<16xi32>
      %jit3A_313 = arith.constant 0.000000e+00 : f32
      %broadcast_in_dim3A_314 = vector.broadcast %jit3A_313 : f32 to vector<16xf32>
      %select_n3A_315 = arith.select %eq3A_312, %mul3A_308, %broadcast_in_dim3A_314 : vector<16xi1>, vector<16xf32>
      %select_n3A_316 = arith.select %eq3A_310, %div3A_307, %select_n3A_315 : vector<16xi1>, vector<16xf32>
      %swap3A_317 = arith.constant 4 : i32
      %swap3A_318 = arith.index_cast %swap3A_317 : i32 to index
      %swap3A_319 = arith.constant 0 : index
      %swap3A_320 = tpu.vector_load %arg6[%swap3A_318, %swap3A_319] {strides = array<i32>} : memref<32x16xf32, #tpu.memory_space<vmem>>, vector<16xf32>,
      tpu.vector_store %arg6[%swap3A_318, %swap3A_319], %select_n3A_316 {strides = array<i32>} : memref<32x16xf32, #tpu.memory_space<vmem>>, vector<16xf32>,
      %get3A_321 = arith.constant 5 : i32
      %get3A_322 = arith.index_cast %get3A_321 : i32 to index
      %get3A_323 = arith.constant 0 : index
      %get3A_324 = tpu.vector_load %arg5[%get3A_322, %get3A_323] {strides = array<i32>} : memref<32x16xf32, #tpu.memory_space<vmem>>, vector<16xf32>,
      %jit3A_325 = arith.constant -3.000000e+38 : f32
      %broadcast_in_dim3A_326 = vector.broadcast %jit3A_325 : f32 to vector<16xf32>
      %select_n3A_327 = arith.select %lt3A_5, %get3A_324, %broadcast_in_dim3A_326 : vector<16xi1>, vector<16xf32>
      %masked_sort3A_328 = arith.constant dense<true> : vector<16xi1>
      %masked_sort3A_329, %masked_sort3A_330, %masked_sort3A_331 = tpu.sort %select_n3A_327, %iota3A masked %masked_sort3A_328 {descending = true} : (vector<16xf32>, vector<16xi32>, vector<16xi1>) -> (vector<16xi1>, vector<16xf32>, vector<16xi32>)
      %slice3A_332 = vector.extract_strided_slice %masked_sort3A_330 {offsets = [0], sizes = [1], strides = [1]} : vector<16xf32> to vector<1xf32>
      %squeeze3A_333 = vector.extract %slice3A_332[0] : f32 from vector<1xf32>
      %broadcast_in_dim3A_334 = vector.broadcast %squeeze3A_333 : f32 to vector<16xf32>
      %sub3A_335 = arith.subf %select_n3A_327, %broadcast_in_dim3A_334 : vector<16xf32>
      %exp3A_336 = math.exp %sub3A_335 : vector<16xf32>
      %jit3A_337 = arith.constant 0.000000e+00 : f32
      %broadcast_in_dim3A_338 = vector.broadcast %jit3A_337 : f32 to vector<16xf32>
      %select_n3A_339 = arith.select %lt3A_5, %exp3A_336, %broadcast_in_dim3A_338 : vector<16xi1>, vector<16xf32>
      %broadcast_in_dim3A_340 = arith.constant true
      %broadcast_in_dim3A_341 = vector.broadcast %broadcast_in_dim3A_340 : i1 to vector<16xi1>
      %masked_cumsum3A_342 = tpu.scan <sum>, %select_n3A_339 masked %broadcast_in_dim3A_341 : vector<16xf32>, vector<16xi1> -> vector<16xf32>
      %slice3A_343 = vector.extract_strided_slice %masked_cumsum3A_342 {offsets = [15], sizes = [1], strides = [1]} : vector<16xf32> to vector<1xf32>
      %squeeze3A_344 = vector.extract %slice3A_343[0] : f32 from vector<1xf32>
      %broadcast_in_dim3A_345 = vector.broadcast %squeeze3A_344 : f32 to vector<16xf32>
      %div3A_346 = arith.divf %select_n3A_339, %broadcast_in_dim3A_345 : vector<16xf32>
      %add3A_347 = arith.addf %add3A_282, %div3A_346 : vector<16xf32>
      %jit3A_348 = arith.constant -1.000000e+00 : f32
      %broadcast_in_dim3A_349 = vector.broadcast %jit3A_348 : f32 to vector<16xf32>
      %select_n3A_350 = arith.select %lt3A_5, %div3A_346, %broadcast_in_dim3A_349 : vector<16xi1>, vector<16xf32>
      %masked_sort3A_351 = arith.constant dense<true> : vector<16xi1>
      %masked_sort3A_352, %masked_sort3A_353, %masked_sort3A_354 = tpu.sort %select_n3A_350, %iota3A masked %masked_sort3A_351 {descending = true} : (vector<16xf32>, vector<16xi32>, vector<16xi1>) -> (vector<16xi1>, vector<16xf32>, vector<16xi32>)
      %slice3A_355 = vector.extract_strided_slice %masked_sort3A_354 {offsets = [0], sizes = [1], strides = [1]} : vector<16xi32> to vector<1xi32>
      %squeeze3A_356 = vector.extract %slice3A_355[0] : i32 from vector<1xi32>
      %slice3A_357 = vector.extract_strided_slice %masked_sort3A_354 {offsets = [1], sizes = [1], strides = [1]} : vector<16xi32> to vector<1xi32>
      %squeeze3A_358 = vector.extract %slice3A_357[0] : i32 from vector<1xi32>
      %slice3A_359 = vector.extract_strided_slice %masked_sort3A_353 {offsets = [0], sizes = [1], strides = [1]} : vector<16xf32> to vector<1xf32>
      %squeeze3A_360 = vector.extract %slice3A_359[0] : f32 from vector<1xf32>
      %broadcast_in_dim3A_361 = vector.broadcast %squeeze3A_360 : f32 to vector<16xf32>
      %sub3A_362 = arith.subf %masked_sort3A_353, %broadcast_in_dim3A_361 : vector<16xf32>
      %exp3A_363 = math.exp %sub3A_362 : vector<16xf32>
      %slice3A_364 = vector.extract_strided_slice %exp3A_363 {offsets = [1], sizes = [1], strides = [1]} : vector<16xf32> to vector<1xf32>
      %squeeze3A_365 = vector.extract %slice3A_364[0] : f32 from vector<1xf32>
      %broadcast_in_dim3A_366 = vector.broadcast %squeeze3A_365 : f32 to vector<16xf32>
      %add3A_367 = arith.constant 1.000000e+00 : f32
      %add3A_368 = vector.broadcast %add3A_367 : f32 to vector<16xf32>
      %add3A_369 = arith.addf %add3A_368, %broadcast_in_dim3A_366 : vector<16xf32>
      %div3A_370 = arith.constant 1.000000e+00 : f32
      %div3A_371 = vector.broadcast %div3A_370 : f32 to vector<16xf32>
      %div3A_372 = arith.divf %div3A_371, %add3A_369 : vector<16xf32>
      %mul3A_373 = arith.mulf %broadcast_in_dim3A_366, %div3A_372 : vector<16xf32>
      %eq3A_374 = vector.broadcast %squeeze3A_356 : i32 to vector<16xi32>
      %eq3A_375 = arith.cmpi eq, %iota3A, %eq3A_374 : vector<16xi32>
      %eq3A_376 = vector.broadcast %squeeze3A_358 : i32 to vector<16xi32>
      %eq3A_377 = arith.cmpi eq, %iota3A, %eq3A_376 : vector<16xi32>
      %jit3A_378 = arith.constant 0.000000e+00 : f32
      %broadcast_in_dim3A_379 = vector.broadcast %jit3A_378 : f32 to vector<16xf32>
      %select_n3A_380 = arith.select %eq3A_377, %mul3A_373, %broadcast_in_dim3A_379 : vector<16xi1>, vector<16xf32>
      %select_n3A_381 = arith.select %eq3A_375, %div3A_372, %select_n3A_380 : vector<16xi1>, vector<16xf32>
      %swap3A_382 = arith.constant 5 : i32
      %swap3A_383 = arith.index_cast %swap3A_382 : i32 to index
      %swap3A_384 = arith.constant 0 : index
      %swap3A_385 = tpu.vector_load %arg6[%swap3A_383, %swap3A_384] {strides = array<i32>} : memref<32x16xf32, #tpu.memory_space<vmem>>, vector<16xf32>,
      tpu.vector_store %arg6[%swap3A_383, %swap3A_384], %select_n3A_381 {strides = array<i32>} : memref<32x16xf32, #tpu.memory_space<vmem>>, vector<16xf32>,
      %get3A_386 = arith.constant 6 : i32
      %get3A_387 = arith.index_cast %get3A_386 : i32 to index
      %get3A_388 = arith.constant 0 : index
      %get3A_389 = tpu.vector_load %arg5[%get3A_387, %get3A_388] {strides = array<i32>} : memref<32x16xf32, #tpu.memory_space<vmem>>, vector<16xf32>,
      %jit3A_390 = arith.constant -3.000000e+38 : f32
      %broadcast_in_dim3A_391 = vector.broadcast %jit3A_390 : f32 to vector<16xf32>
      %select_n3A_392 = arith.select %lt3A_5, %get3A_389, %broadcast_in_dim3A_391 : vector<16xi1>, vector<16xf32>
      %masked_sort3A_393 = arith.constant dense<true> : vector<16xi1>
      %masked_sort3A_394, %masked_sort3A_395, %masked_sort3A_396 = tpu.sort %select_n3A_392, %iota3A masked %masked_sort3A_393 {descending = true} : (vector<16xf32>, vector<16xi32>, vector<16xi1>) -> (vector<16xi1>, vector<16xf32>, vector<16xi32>)
      %slice3A_397 = vector.extract_strided_slice %masked_sort3A_395 {offsets = [0], sizes = [1], strides = [1]} : vector<16xf32> to vector<1xf32>
      %squeeze3A_398 = vector.extract %slice3A_397[0] : f32 from vector<1xf32>
      %broadcast_in_dim3A_399 = vector.broadcast %squeeze3A_398 : f32 to vector<16xf32>
      %sub3A_400 = arith.subf %select_n3A_392, %broadcast_in_dim3A_399 : vector<16xf32>
      %exp3A_401 = math.exp %sub3A_400 : vector<16xf32>
      %jit3A_402 = arith.constant 0.000000e+00 : f32
      %broadcast_in_dim3A_403 = vector.broadcast %jit3A_402 : f32 to vector<16xf32>
      %select_n3A_404 = arith.select %lt3A_5, %exp3A_401, %broadcast_in_dim3A_403 : vector<16xi1>, vector<16xf32>
      %broadcast_in_dim3A_405 = arith.constant true
      %broadcast_in_dim3A_406 = vector.broadcast %broadcast_in_dim3A_405 : i1 to vector<16xi1>
      %masked_cumsum3A_407 = tpu.scan <sum>, %select_n3A_404 masked %broadcast_in_dim3A_406 : vector<16xf32>, vector<16xi1> -> vector<16xf32>
      %slice3A_408 = vector.extract_strided_slice %masked_cumsum3A_407 {offsets = [15], sizes = [1], strides = [1]} : vector<16xf32> to vector<1xf32>
      %squeeze3A_409 = vector.extract %slice3A_408[0] : f32 from vector<1xf32>
      %broadcast_in_dim3A_410 = vector.broadcast %squeeze3A_409 : f32 to vector<16xf32>
      %div3A_411 = arith.divf %select_n3A_404, %broadcast_in_dim3A_410 : vector<16xf32>
      %add3A_412 = arith.addf %add3A_347, %div3A_411 : vector<16xf32>
      %jit3A_413 = arith.constant -1.000000e+00 : f32
      %broadcast_in_dim3A_414 = vector.broadcast %jit3A_413 : f32 to vector<16xf32>
      %select_n3A_415 = arith.select %lt3A_5, %div3A_411, %broadcast_in_dim3A_414 : vector<16xi1>, vector<16xf32>
      %masked_sort3A_416 = arith.constant dense<true> : vector<16xi1>
      %masked_sort3A_417, %masked_sort3A_418, %masked_sort3A_419 = tpu.sort %select_n3A_415, %iota3A masked %masked_sort3A_416 {descending = true} : (vector<16xf32>, vector<16xi32>, vector<16xi1>) -> (vector<16xi1>, vector<16xf32>, vector<16xi32>)
      %slice3A_420 = vector.extract_strided_slice %masked_sort3A_419 {offsets = [0], sizes = [1], strides = [1]} : vector<16xi32> to vector<1xi32>
      %squeeze3A_421 = vector.extract %slice3A_420[0] : i32 from vector<1xi32>
      %slice3A_422 = vector.extract_strided_slice %masked_sort3A_419 {offsets = [1], sizes = [1], strides = [1]} : vector<16xi32> to vector<1xi32>
      %squeeze3A_423 = vector.extract %slice3A_422[0] : i32 from vector<1xi32>
      %slice3A_424 = vector.extract_strided_slice %masked_sort3A_418 {offsets = [0], sizes = [1], strides = [1]} : vector<16xf32> to vector<1xf32>
      %squeeze3A_425 = vector.extract %slice3A_424[0] : f32 from vector<1xf32>
      %broadcast_in_dim3A_426 = vector.broadcast %squeeze3A_425 : f32 to vector<16xf32>
      %sub3A_427 = arith.subf %masked_sort3A_418, %broadcast_in_dim3A_426 : vector<16xf32>
      %exp3A_428 = math.exp %sub3A_427 : vector<16xf32>
      %slice3A_429 = vector.extract_strided_slice %exp3A_428 {offsets = [1], sizes = [1], strides = [1]} : vector<16xf32> to vector<1xf32>
      %squeeze3A_430 = vector.extract %slice3A_429[0] : f32 from vector<1xf32>
      %broadcast_in_dim3A_431 = vector.broadcast %squeeze3A_430 : f32 to vector<16xf32>
      %add3A_432 = arith.constant 1.000000e+00 : f32
      %add3A_433 = vector.broadcast %add3A_432 : f32 to vector<16xf32>
      %add3A_434 = arith.addf %add3A_433, %broadcast_in_dim3A_431 : vector<16xf32>
      %div3A_435 = arith.constant 1.000000e+00 : f32
      %div3A_436 = vector.broadcast %div3A_435 : f32 to vector<16xf32>
      %div3A_437 = arith.divf %div3A_436, %add3A_434 : vector<16xf32>
      %mul3A_438 = arith.mulf %broadcast_in_dim3A_431, %div3A_437 : vector<16xf32>
      %eq3A_439 = vector.broadcast %squeeze3A_421 : i32 to vector<16xi32>
      %eq3A_440 = arith.cmpi eq, %iota3A, %eq3A_439 : vector<16xi32>
      %eq3A_441 = vector.broadcast %squeeze3A_423 : i32 to vector<16xi32>
      %eq3A_442 = arith.cmpi eq, %iota3A, %eq3A_441 : vector<16xi32>
      %jit3A_443 = arith.constant 0.000000e+00 : f32
      %broadcast_in_dim3A_444 = vector.broadcast %jit3A_443 : f32 to vector<16xf32>
      %select_n3A_445 = arith.select %eq3A_442, %mul3A_438, %broadcast_in_dim3A_444 : vector<16xi1>, vector<16xf32>
      %select_n3A_446 = arith.select %eq3A_440, %div3A_437, %select_n3A_445 : vector<16xi1>, vector<16xf32>
      %swap3A_447 = arith.constant 6 : i32
      %swap3A_448 = arith.index_cast %swap3A_447 : i32 to index
      %swap3A_449 = arith.constant 0 : index
      %swap3A_450 = tpu.vector_load %arg6[%swap3A_448, %swap3A_449] {strides = array<i32>} : memref<32x16xf32, #tpu.memory_space<vmem>>, vector<16xf32>,
      tpu.vector_store %arg6[%swap3A_448, %swap3A_449], %select_n3A_446 {strides = array<i32>} : memref<32x16xf32, #tpu.memory_space<vmem>>, vector<16xf32>,
      %get3A_451 = arith.constant 7 : i32
      %get3A_452 = arith.index_cast %get3A_451 : i32 to index
      %get3A_453 = arith.constant 0 : index
      %get3A_454 = tpu.vector_load %arg5[%get3A_452, %get3A_453] {strides = array<i32>} : memref<32x16xf32, #tpu.memory_space<vmem>>, vector<16xf32>,
      %jit3A_455 = arith.constant -3.000000e+38 : f32
      %broadcast_in_dim3A_456 = vector.broadcast %jit3A_455 : f32 to vector<16xf32>
      %select_n3A_457 = arith.select %lt3A_5, %get3A_454, %broadcast_in_dim3A_456 : vector<16xi1>, vector<16xf32>
      %masked_sort3A_458 = arith.constant dense<true> : vector<16xi1>
      %masked_sort3A_459, %masked_sort3A_460, %masked_sort3A_461 = tpu.sort %select_n3A_457, %iota3A masked %masked_sort3A_458 {descending = true} : (vector<16xf32>, vector<16xi32>, vector<16xi1>) -> (vector<16xi1>, vector<16xf32>, vector<16xi32>)
      %slice3A_462 = vector.extract_strided_slice %masked_sort3A_460 {offsets = [0], sizes = [1], strides = [1]} : vector<16xf32> to vector<1xf32>
      %squeeze3A_463 = vector.extract %slice3A_462[0] : f32 from vector<1xf32>
      %broadcast_in_dim3A_464 = vector.broadcast %squeeze3A_463 : f32 to vector<16xf32>
      %sub3A_465 = arith.subf %select_n3A_457, %broadcast_in_dim3A_464 : vector<16xf32>
      %exp3A_466 = math.exp %sub3A_465 : vector<16xf32>
      %jit3A_467 = arith.constant 0.000000e+00 : f32
      %broadcast_in_dim3A_468 = vector.broadcast %jit3A_467 : f32 to vector<16xf32>
      %select_n3A_469 = arith.select %lt3A_5, %exp3A_466, %broadcast_in_dim3A_468 : vector<16xi1>, vector<16xf32>
      %broadcast_in_dim3A_470 = arith.constant true
      %broadcast_in_dim3A_471 = vector.broadcast %broadcast_in_dim3A_470 : i1 to vector<16xi1>
      %masked_cumsum3A_472 = tpu.scan <sum>, %select_n3A_469 masked %broadcast_in_dim3A_471 : vector<16xf32>, vector<16xi1> -> vector<16xf32>
      %slice3A_473 = vector.extract_strided_slice %masked_cumsum3A_472 {offsets = [15], sizes = [1], strides = [1]} : vector<16xf32> to vector<1xf32>
      %squeeze3A_474 = vector.extract %slice3A_473[0] : f32 from vector<1xf32>
      %broadcast_in_dim3A_475 = vector.broadcast %squeeze3A_474 : f32 to vector<16xf32>
      %div3A_476 = arith.divf %select_n3A_469, %broadcast_in_dim3A_475 : vector<16xf32>
      %add3A_477 = arith.addf %add3A_412, %div3A_476 : vector<16xf32>
      %jit3A_478 = arith.constant -1.000000e+00 : f32
      %broadcast_in_dim3A_479 = vector.broadcast %jit3A_478 : f32 to vector<16xf32>
      %select_n3A_480 = arith.select %lt3A_5, %div3A_476, %broadcast_in_dim3A_479 : vector<16xi1>, vector<16xf32>
      %masked_sort3A_481 = arith.constant dense<true> : vector<16xi1>
      %masked_sort3A_482, %masked_sort3A_483, %masked_sort3A_484 = tpu.sort %select_n3A_480, %iota3A masked %masked_sort3A_481 {descending = true} : (vector<16xf32>, vector<16xi32>, vector<16xi1>) -> (vector<16xi1>, vector<16xf32>, vector<16xi32>)
      %slice3A_485 = vector.extract_strided_slice %masked_sort3A_484 {offsets = [0], sizes = [1], strides = [1]} : vector<16xi32> to vector<1xi32>
      %squeeze3A_486 = vector.extract %slice3A_485[0] : i32 from vector<1xi32>
      %slice3A_487 = vector.extract_strided_slice %masked_sort3A_484 {offsets = [1], sizes = [1], strides = [1]} : vector<16xi32> to vector<1xi32>
      %squeeze3A_488 = vector.extract %slice3A_487[0] : i32 from vector<1xi32>
      %slice3A_489 = vector.extract_strided_slice %masked_sort3A_483 {offsets = [0], sizes = [1], strides = [1]} : vector<16xf32> to vector<1xf32>
      %squeeze3A_490 = vector.extract %slice3A_489[0] : f32 from vector<1xf32>
      %broadcast_in_dim3A_491 = vector.broadcast %squeeze3A_490 : f32 to vector<16xf32>
      %sub3A_492 = arith.subf %masked_sort3A_483, %broadcast_in_dim3A_491 : vector<16xf32>
      %exp3A_493 = math.exp %sub3A_492 : vector<16xf32>
      %slice3A_494 = vector.extract_strided_slice %exp3A_493 {offsets = [1], sizes = [1], strides = [1]} : vector<16xf32> to vector<1xf32>
      %squeeze3A_495 = vector.extract %slice3A_494[0] : f32 from vector<1xf32>
      %broadcast_in_dim3A_496 = vector.broadcast %squeeze3A_495 : f32 to vector<16xf32>
      %add3A_497 = arith.constant 1.000000e+00 : f32
      %add3A_498 = vector.broadcast %add3A_497 : f32 to vector<16xf32>
      %add3A_499 = arith.addf %add3A_498, %broadcast_in_dim3A_496 : vector<16xf32>
      %div3A_500 = arith.constant 1.000000e+00 : f32
      %div3A_501 = vector.broadcast %div3A_500 : f32 to vector<16xf32>
      %div3A_502 = arith.divf %div3A_501, %add3A_499 : vector<16xf32>
      %mul3A_503 = arith.mulf %broadcast_in_dim3A_496, %div3A_502 : vector<16xf32>
      %eq3A_504 = vector.broadcast %squeeze3A_486 : i32 to vector<16xi32>
      %eq3A_505 = arith.cmpi eq, %iota3A, %eq3A_504 : vector<16xi32>
      %eq3A_506 = vector.broadcast %squeeze3A_488 : i32 to vector<16xi32>
      %eq3A_507 = arith.cmpi eq, %iota3A, %eq3A_506 : vector<16xi32>
      %jit3A_508 = arith.constant 0.000000e+00 : f32
      %broadcast_in_dim3A_509 = vector.broadcast %jit3A_508 : f32 to vector<16xf32>
      %select_n3A_510 = arith.select %eq3A_507, %mul3A_503, %broadcast_in_dim3A_509 : vector<16xi1>, vector<16xf32>
      %select_n3A_511 = arith.select %eq3A_505, %div3A_502, %select_n3A_510 : vector<16xi1>, vector<16xf32>
      %swap3A_512 = arith.constant 7 : i32
      %swap3A_513 = arith.index_cast %swap3A_512 : i32 to index
      %swap3A_514 = arith.constant 0 : index
      %swap3A_515 = tpu.vector_load %arg6[%swap3A_513, %swap3A_514] {strides = array<i32>} : memref<32x16xf32, #tpu.memory_space<vmem>>, vector<16xf32>,
      tpu.vector_store %arg6[%swap3A_513, %swap3A_514], %select_n3A_511 {strides = array<i32>} : memref<32x16xf32, #tpu.memory_space<vmem>>, vector<16xf32>,
      %broadcast_in_dim3A_516 = arith.constant true
      %broadcast_in_dim3A_517 = vector.broadcast %broadcast_in_dim3A_516 : i1 to vector<16xi1>
      %masked_cumsum3A_518 = tpu.scan <sum>, %add3A_477 masked %broadcast_in_dim3A_517 : vector<16xf32>, vector<16xi1> -> vector<16xf32>
      %slice3A_519 = vector.extract_strided_slice %masked_cumsum3A_518 {offsets = [15], sizes = [1], strides = [1]} : vector<16xf32> to vector<1xf32>
      %squeeze3A_520 = vector.extract %slice3A_519[0] : f32 from vector<1xf32>
      %broadcast_in_dim3A_521 = vector.broadcast %squeeze3A_520 : f32 to vector<16xf32>
      %mul3A_522 = arith.constant 1.250000e-01 : f32
      %mul3A_523 = vector.broadcast %mul3A_522 : f32 to vector<16xf32>
      %mul3A_524 = arith.mulf %broadcast_in_dim3A_521, %mul3A_523 : vector<16xf32>
      %sub3A_525 = arith.subf %add3A_477, %mul3A_524 : vector<16xf32>
      %jit3A_526 = arith.constant 0.000000e+00 : f32
      %broadcast_in_dim3A_527 = vector.broadcast %jit3A_526 : f32 to vector<16xf32>
      %select_n3A_528 = arith.select %lt3A_5, %sub3A_525, %broadcast_in_dim3A_527 : vector<16xi1>, vector<16xf32>
      %mul3A_529 = arith.mulf %select_n3A_528, %select_n3A_528 : vector<16xf32>
      %broadcast_in_dim3A_530 = arith.constant true
      %broadcast_in_dim3A_531 = vector.broadcast %broadcast_in_dim3A_530 : i1 to vector<16xi1>
      %masked_cumsum3A_532 = tpu.scan <sum>, %mul3A_529 masked %broadcast_in_dim3A_531 : vector<16xf32>, vector<16xi1> -> vector<16xf32>
      %slice3A_533 = vector.extract_strided_slice %masked_cumsum3A_532 {offsets = [15], sizes = [1], strides = [1]} : vector<16xf32> to vector<1xf32>
      %squeeze3A_534 = vector.extract %slice3A_533[0] : f32 from vector<1xf32>
      %broadcast_in_dim3A_535 = vector.broadcast %squeeze3A_534 : f32 to vector<16xf32>
      %mul3A_536 = arith.constant 1.250000e-01 : f32
      %mul3A_537 = vector.broadcast %mul3A_536 : f32 to vector<16xf32>
      %mul3A_538 = arith.mulf %broadcast_in_dim3A_535, %mul3A_537 : vector<16xf32>
      %mul3A_539 = arith.mulf %mul3A_524, %mul3A_524 : vector<16xf32>
      %add3A_540 = arith.constant 1.000000e-10 : f32
      %add3A_541 = vector.broadcast %add3A_540 : f32 to vector<16xf32>
      %add3A_542 = arith.addf %mul3A_539, %add3A_541 : vector<16xf32>
      %div3A_543 = arith.divf %mul3A_538, %add3A_542 : vector<16xf32>
      %add3A_544 = arith.addf %broadcast_in_dim3A_6, %div3A_543 : vector<16xf32>
      %broadcast_in_dim3A_545 = arith.constant 0.000000e+00 : f32
      %broadcast_in_dim3A_546 = vector.broadcast %broadcast_in_dim3A_545 : f32 to vector<16xf32>
      %get3A_547 = arith.constant 8 : i32
      %get3A_548 = arith.index_cast %get3A_547 : i32 to index
      %get3A_549 = arith.constant 0 : index
      %get3A_550 = tpu.vector_load %arg5[%get3A_548, %get3A_549] {strides = array<i32>} : memref<32x16xf32, #tpu.memory_space<vmem>>, vector<16xf32>,
      %jit3A_551 = arith.constant -3.000000e+38 : f32
      %broadcast_in_dim3A_552 = vector.broadcast %jit3A_551 : f32 to vector<16xf32>
      %select_n3A_553 = arith.select %lt3A_5, %get3A_550, %broadcast_in_dim3A_552 : vector<16xi1>, vector<16xf32>
      %masked_sort3A_554 = arith.constant dense<true> : vector<16xi1>
      %masked_sort3A_555, %masked_sort3A_556, %masked_sort3A_557 = tpu.sort %select_n3A_553, %iota3A masked %masked_sort3A_554 {descending = true} : (vector<16xf32>, vector<16xi32>, vector<16xi1>) -> (vector<16xi1>, vector<16xf32>, vector<16xi32>)
      %slice3A_558 = vector.extract_strided_slice %masked_sort3A_556 {offsets = [0], sizes = [1], strides = [1]} : vector<16xf32> to vector<1xf32>
      %squeeze3A_559 = vector.extract %slice3A_558[0] : f32 from vector<1xf32>
      %broadcast_in_dim3A_560 = vector.broadcast %squeeze3A_559 : f32 to vector<16xf32>
      %sub3A_561 = arith.subf %select_n3A_553, %broadcast_in_dim3A_560 : vector<16xf32>
      %exp3A_562 = math.exp %sub3A_561 : vector<16xf32>
      %jit3A_563 = arith.constant 0.000000e+00 : f32
      %broadcast_in_dim3A_564 = vector.broadcast %jit3A_563 : f32 to vector<16xf32>
      %select_n3A_565 = arith.select %lt3A_5, %exp3A_562, %broadcast_in_dim3A_564 : vector<16xi1>, vector<16xf32>
      %broadcast_in_dim3A_566 = arith.constant true
      %broadcast_in_dim3A_567 = vector.broadcast %broadcast_in_dim3A_566 : i1 to vector<16xi1>
      %masked_cumsum3A_568 = tpu.scan <sum>, %select_n3A_565 masked %broadcast_in_dim3A_567 : vector<16xf32>, vector<16xi1> -> vector<16xf32>
      %slice3A_569 = vector.extract_strided_slice %masked_cumsum3A_568 {offsets = [15], sizes = [1], strides = [1]} : vector<16xf32> to vector<1xf32>
      %squeeze3A_570 = vector.extract %slice3A_569[0] : f32 from vector<1xf32>
      %broadcast_in_dim3A_571 = vector.broadcast %squeeze3A_570 : f32 to vector<16xf32>
      %div3A_572 = arith.divf %select_n3A_565, %broadcast_in_dim3A_571 : vector<16xf32>
      %add3A_573 = arith.addf %broadcast_in_dim3A_546, %div3A_572 : vector<16xf32>
      %jit3A_574 = arith.constant -1.000000e+00 : f32
      %broadcast_in_dim3A_575 = vector.broadcast %jit3A_574 : f32 to vector<16xf32>
      %select_n3A_576 = arith.select %lt3A_5, %div3A_572, %broadcast_in_dim3A_575 : vector<16xi1>, vector<16xf32>
      %masked_sort3A_577 = arith.constant dense<true> : vector<16xi1>
      %masked_sort3A_578, %masked_sort3A_579, %masked_sort3A_580 = tpu.sort %select_n3A_576, %iota3A masked %masked_sort3A_577 {descending = true} : (vector<16xf32>, vector<16xi32>, vector<16xi1>) -> (vector<16xi1>, vector<16xf32>, vector<16xi32>)
      %slice3A_581 = vector.extract_strided_slice %masked_sort3A_580 {offsets = [0], sizes = [1], strides = [1]} : vector<16xi32> to vector<1xi32>
      %squeeze3A_582 = vector.extract %slice3A_581[0] : i32 from vector<1xi32>
      %slice3A_583 = vector.extract_strided_slice %masked_sort3A_580 {offsets = [1], sizes = [1], strides = [1]} : vector<16xi32> to vector<1xi32>
      %squeeze3A_584 = vector.extract %slice3A_583[0] : i32 from vector<1xi32>
      %slice3A_585 = vector.extract_strided_slice %masked_sort3A_579 {offsets = [0], sizes = [1], strides = [1]} : vector<16xf32> to vector<1xf32>
      %squeeze3A_586 = vector.extract %slice3A_585[0] : f32 from vector<1xf32>
      %broadcast_in_dim3A_587 = vector.broadcast %squeeze3A_586 : f32 to vector<16xf32>
      %sub3A_588 = arith.subf %masked_sort3A_579, %broadcast_in_dim3A_587 : vector<16xf32>
      %exp3A_589 = math.exp %sub3A_588 : vector<16xf32>
      %slice3A_590 = vector.extract_strided_slice %exp3A_589 {offsets = [1], sizes = [1], strides = [1]} : vector<16xf32> to vector<1xf32>
      %squeeze3A_591 = vector.extract %slice3A_590[0] : f32 from vector<1xf32>
      %broadcast_in_dim3A_592 = vector.broadcast %squeeze3A_591 : f32 to vector<16xf32>
      %add3A_593 = arith.constant 1.000000e+00 : f32
      %add3A_594 = vector.broadcast %add3A_593 : f32 to vector<16xf32>
      %add3A_595 = arith.addf %add3A_594, %broadcast_in_dim3A_592 : vector<16xf32>
      %div3A_596 = arith.constant 1.000000e+00 : f32
      %div3A_597 = vector.broadcast %div3A_596 : f32 to vector<16xf32>
      %div3A_598 = arith.divf %div3A_597, %add3A_595 : vector<16xf32>
      %mul3A_599 = arith.mulf %broadcast_in_dim3A_592, %div3A_598 : vector<16xf32>
      %eq3A_600 = vector.broadcast %squeeze3A_582 : i32 to vector<16xi32>
      %eq3A_601 = arith.cmpi eq, %iota3A, %eq3A_600 : vector<16xi32>
      %eq3A_602 = vector.broadcast %squeeze3A_584 : i32 to vector<16xi32>
      %eq3A_603 = arith.cmpi eq, %iota3A, %eq3A_602 : vector<16xi32>
      %jit3A_604 = arith.constant 0.000000e+00 : f32
      %broadcast_in_dim3A_605 = vector.broadcast %jit3A_604 : f32 to vector<16xf32>
      %select_n3A_606 = arith.select %eq3A_603, %mul3A_599, %broadcast_in_dim3A_605 : vector<16xi1>, vector<16xf32>
      %select_n3A_607 = arith.select %eq3A_601, %div3A_598, %select_n3A_606 : vector<16xi1>, vector<16xf32>
      %swap3A_608 = arith.constant 8 : i32
      %swap3A_609 = arith.index_cast %swap3A_608 : i32 to index
      %swap3A_610 = arith.constant 0 : index
      %swap3A_611 = tpu.vector_load %arg6[%swap3A_609, %swap3A_610] {strides = array<i32>} : memref<32x16xf32, #tpu.memory_space<vmem>>, vector<16xf32>,
      tpu.vector_store %arg6[%swap3A_609, %swap3A_610], %select_n3A_607 {strides = array<i32>} : memref<32x16xf32, #tpu.memory_space<vmem>>, vector<16xf32>,
      %get3A_612 = arith.constant 9 : i32
      %get3A_613 = arith.index_cast %get3A_612 : i32 to index
      %get3A_614 = arith.constant 0 : index
      %get3A_615 = tpu.vector_load %arg5[%get3A_613, %get3A_614] {strides = array<i32>} : memref<32x16xf32, #tpu.memory_space<vmem>>, vector<16xf32>,
      %jit3A_616 = arith.constant -3.000000e+38 : f32
      %broadcast_in_dim3A_617 = vector.broadcast %jit3A_616 : f32 to vector<16xf32>
      %select_n3A_618 = arith.select %lt3A_5, %get3A_615, %broadcast_in_dim3A_617 : vector<16xi1>, vector<16xf32>
      %masked_sort3A_619 = arith.constant dense<true> : vector<16xi1>
      %masked_sort3A_620, %masked_sort3A_621, %masked_sort3A_622 = tpu.sort %select_n3A_618, %iota3A masked %masked_sort3A_619 {descending = true} : (vector<16xf32>, vector<16xi32>, vector<16xi1>) -> (vector<16xi1>, vector<16xf32>, vector<16xi32>)
      %slice3A_623 = vector.extract_strided_slice %masked_sort3A_621 {offsets = [0], sizes = [1], strides = [1]} : vector<16xf32> to vector<1xf32>
      %squeeze3A_624 = vector.extract %slice3A_623[0] : f32 from vector<1xf32>
      %broadcast_in_dim3A_625 = vector.broadcast %squeeze3A_624 : f32 to vector<16xf32>
      %sub3A_626 = arith.subf %select_n3A_618, %broadcast_in_dim3A_625 : vector<16xf32>
      %exp3A_627 = math.exp %sub3A_626 : vector<16xf32>
      %jit3A_628 = arith.constant 0.000000e+00 : f32
      %broadcast_in_dim3A_629 = vector.broadcast %jit3A_628 : f32 to vector<16xf32>
      %select_n3A_630 = arith.select %lt3A_5, %exp3A_627, %broadcast_in_dim3A_629 : vector<16xi1>, vector<16xf32>
      %broadcast_in_dim3A_631 = arith.constant true
      %broadcast_in_dim3A_632 = vector.broadcast %broadcast_in_dim3A_631 : i1 to vector<16xi1>
      %masked_cumsum3A_633 = tpu.scan <sum>, %select_n3A_630 masked %broadcast_in_dim3A_632 : vector<16xf32>, vector<16xi1> -> vector<16xf32>
      %slice3A_634 = vector.extract_strided_slice %masked_cumsum3A_633 {offsets = [15], sizes = [1], strides = [1]} : vector<16xf32> to vector<1xf32>
      %squeeze3A_635 = vector.extract %slice3A_634[0] : f32 from vector<1xf32>
      %broadcast_in_dim3A_636 = vector.broadcast %squeeze3A_635 : f32 to vector<16xf32>
      %div3A_637 = arith.divf %select_n3A_630, %broadcast_in_dim3A_636 : vector<16xf32>
      %add3A_638 = arith.addf %add3A_573, %div3A_637 : vector<16xf32>
      %jit3A_639 = arith.constant -1.000000e+00 : f32
      %broadcast_in_dim3A_640 = vector.broadcast %jit3A_639 : f32 to vector<16xf32>
      %select_n3A_641 = arith.select %lt3A_5, %div3A_637, %broadcast_in_dim3A_640 : vector<16xi1>, vector<16xf32>
      %masked_sort3A_642 = arith.constant dense<true> : vector<16xi1>
      %masked_sort3A_643, %masked_sort3A_644, %masked_sort3A_645 = tpu.sort %select_n3A_641, %iota3A masked %masked_sort3A_642 {descending = true} : (vector<16xf32>, vector<16xi32>, vector<16xi1>) -> (vector<16xi1>, vector<16xf32>, vector<16xi32>)
      %slice3A_646 = vector.extract_strided_slice %masked_sort3A_645 {offsets = [0], sizes = [1], strides = [1]} : vector<16xi32> to vector<1xi32>
      %squeeze3A_647 = vector.extract %slice3A_646[0] : i32 from vector<1xi32>
      %slice3A_648 = vector.extract_strided_slice %masked_sort3A_645 {offsets = [1], sizes = [1], strides = [1]} : vector<16xi32> to vector<1xi32>
      %squeeze3A_649 = vector.extract %slice3A_648[0] : i32 from vector<1xi32>
      %slice3A_650 = vector.extract_strided_slice %masked_sort3A_644 {offsets = [0], sizes = [1], strides = [1]} : vector<16xf32> to vector<1xf32>
      %squeeze3A_651 = vector.extract %slice3A_650[0] : f32 from vector<1xf32>
      %broadcast_in_dim3A_652 = vector.broadcast %squeeze3A_651 : f32 to vector<16xf32>
      %sub3A_653 = arith.subf %masked_sort3A_644, %broadcast_in_dim3A_652 : vector<16xf32>
      %exp3A_654 = math.exp %sub3A_653 : vector<16xf32>
      %slice3A_655 = vector.extract_strided_slice %exp3A_654 {offsets = [1], sizes = [1], strides = [1]} : vector<16xf32> to vector<1xf32>
      %squeeze3A_656 = vector.extract %slice3A_655[0] : f32 from vector<1xf32>
      %broadcast_in_dim3A_657 = vector.broadcast %squeeze3A_656 : f32 to vector<16xf32>
      %add3A_658 = arith.constant 1.000000e+00 : f32
      %add3A_659 = vector.broadcast %add3A_658 : f32 to vector<16xf32>
      %add3A_660 = arith.addf %add3A_659, %broadcast_in_dim3A_657 : vector<16xf32>
      %div3A_661 = arith.constant 1.000000e+00 : f32
      %div3A_662 = vector.broadcast %div3A_661 : f32 to vector<16xf32>
      %div3A_663 = arith.divf %div3A_662, %add3A_660 : vector<16xf32>
      %mul3A_664 = arith.mulf %broadcast_in_dim3A_657, %div3A_663 : vector<16xf32>
      %eq3A_665 = vector.broadcast %squeeze3A_647 : i32 to vector<16xi32>
      %eq3A_666 = arith.cmpi eq, %iota3A, %eq3A_665 : vector<16xi32>
      %eq3A_667 = vector.broadcast %squeeze3A_649 : i32 to vector<16xi32>
      %eq3A_668 = arith.cmpi eq, %iota3A, %eq3A_667 : vector<16xi32>
      %jit3A_669 = arith.constant 0.000000e+00 : f32
      %broadcast_in_dim3A_670 = vector.broadcast %jit3A_669 : f32 to vector<16xf32>
      %select_n3A_671 = arith.select %eq3A_668, %mul3A_664, %broadcast_in_dim3A_670 : vector<16xi1>, vector<16xf32>
      %select_n3A_672 = arith.select %eq3A_666, %div3A_663, %select_n3A_671 : vector<16xi1>, vector<16xf32>
      %swap3A_673 = arith.constant 9 : i32
      %swap3A_674 = arith.index_cast %swap3A_673 : i32 to index
      %swap3A_675 = arith.constant 0 : index
      %swap3A_676 = tpu.vector_load %arg6[%swap3A_674, %swap3A_675] {strides = array<i32>} : memref<32x16xf32, #tpu.memory_space<vmem>>, vector<16xf32>,
      tpu.vector_store %arg6[%swap3A_674, %swap3A_675], %select_n3A_672 {strides = array<i32>} : memref<32x16xf32, #tpu.memory_space<vmem>>, vector<16xf32>,
      %get3A_677 = arith.constant 10 : i32
      %get3A_678 = arith.index_cast %get3A_677 : i32 to index
      %get3A_679 = arith.constant 0 : index
      %get3A_680 = tpu.vector_load %arg5[%get3A_678, %get3A_679] {strides = array<i32>} : memref<32x16xf32, #tpu.memory_space<vmem>>, vector<16xf32>,
      %jit3A_681 = arith.constant -3.000000e+38 : f32
      %broadcast_in_dim3A_682 = vector.broadcast %jit3A_681 : f32 to vector<16xf32>
      %select_n3A_683 = arith.select %lt3A_5, %get3A_680, %broadcast_in_dim3A_682 : vector<16xi1>, vector<16xf32>
      %masked_sort3A_684 = arith.constant dense<true> : vector<16xi1>
      %masked_sort3A_685, %masked_sort3A_686, %masked_sort3A_687 = tpu.sort %select_n3A_683, %iota3A masked %masked_sort3A_684 {descending = true} : (vector<16xf32>, vector<16xi32>, vector<16xi1>) -> (vector<16xi1>, vector<16xf32>, vector<16xi32>)
      %slice3A_688 = vector.extract_strided_slice %masked_sort3A_686 {offsets = [0], sizes = [1], strides = [1]} : vector<16xf32> to vector<1xf32>
      %squeeze3A_689 = vector.extract %slice3A_688[0] : f32 from vector<1xf32>
      %broadcast_in_dim3A_690 = vector.broadcast %squeeze3A_689 : f32 to vector<16xf32>
      %sub3A_691 = arith.subf %select_n3A_683, %broadcast_in_dim3A_690 : vector<16xf32>
      %exp3A_692 = math.exp %sub3A_691 : vector<16xf32>
      %jit3A_693 = arith.constant 0.000000e+00 : f32
      %broadcast_in_dim3A_694 = vector.broadcast %jit3A_693 : f32 to vector<16xf32>
      %select_n3A_695 = arith.select %lt3A_5, %exp3A_692, %broadcast_in_dim3A_694 : vector<16xi1>, vector<16xf32>
      %broadcast_in_dim3A_696 = arith.constant true
      %broadcast_in_dim3A_697 = vector.broadcast %broadcast_in_dim3A_696 : i1 to vector<16xi1>
      %masked_cumsum3A_698 = tpu.scan <sum>, %select_n3A_695 masked %broadcast_in_dim3A_697 : vector<16xf32>, vector<16xi1> -> vector<16xf32>
      %slice3A_699 = vector.extract_strided_slice %masked_cumsum3A_698 {offsets = [15], sizes = [1], strides = [1]} : vector<16xf32> to vector<1xf32>
      %squeeze3A_700 = vector.extract %slice3A_699[0] : f32 from vector<1xf32>
      %broadcast_in_dim3A_701 = vector.broadcast %squeeze3A_700 : f32 to vector<16xf32>
      %div3A_702 = arith.divf %select_n3A_695, %broadcast_in_dim3A_701 : vector<16xf32>
      %add3A_703 = arith.addf %add3A_638, %div3A_702 : vector<16xf32>
      %jit3A_704 = arith.constant -1.000000e+00 : f32
      %broadcast_in_dim3A_705 = vector.broadcast %jit3A_704 : f32 to vector<16xf32>
      %select_n3A_706 = arith.select %lt3A_5, %div3A_702, %broadcast_in_dim3A_705 : vector<16xi1>, vector<16xf32>
      %masked_sort3A_707 = arith.constant dense<true> : vector<16xi1>
      %masked_sort3A_708, %masked_sort3A_709, %masked_sort3A_710 = tpu.sort %select_n3A_706, %iota3A masked %masked_sort3A_707 {descending = true} : (vector<16xf32>, vector<16xi32>, vector<16xi1>) -> (vector<16xi1>, vector<16xf32>, vector<16xi32>)
      %slice3A_711 = vector.extract_strided_slice %masked_sort3A_710 {offsets = [0], sizes = [1], strides = [1]} : vector<16xi32> to vector<1xi32>
      %squeeze3A_712 = vector.extract %slice3A_711[0] : i32 from vector<1xi32>
      %slice3A_713 = vector.extract_strided_slice %masked_sort3A_710 {offsets = [1], sizes = [1], strides = [1]} : vector<16xi32> to vector<1xi32>
      %squeeze3A_714 = vector.extract %slice3A_713[0] : i32 from vector<1xi32>
      %slice3A_715 = vector.extract_strided_slice %masked_sort3A_709 {offsets = [0], sizes = [1], strides = [1]} : vector<16xf32> to vector<1xf32>
      %squeeze3A_716 = vector.extract %slice3A_715[0] : f32 from vector<1xf32>
      %broadcast_in_dim3A_717 = vector.broadcast %squeeze3A_716 : f32 to vector<16xf32>
      %sub3A_718 = arith.subf %masked_sort3A_709, %broadcast_in_dim3A_717 : vector<16xf32>
      %exp3A_719 = math.exp %sub3A_718 : vector<16xf32>
      %slice3A_720 = vector.extract_strided_slice %exp3A_719 {offsets = [1], sizes = [1], strides = [1]} : vector<16xf32> to vector<1xf32>
      %squeeze3A_721 = vector.extract %slice3A_720[0] : f32 from vector<1xf32>
      %broadcast_in_dim3A_722 = vector.broadcast %squeeze3A_721 : f32 to vector<16xf32>
      %add3A_723 = arith.constant 1.000000e+00 : f32
      %add3A_724 = vector.broadcast %add3A_723 : f32 to vector<16xf32>
      %add3A_725 = arith.addf %add3A_724, %broadcast_in_dim3A_722 : vector<16xf32>
      %div3A_726 = arith.constant 1.000000e+00 : f32
      %div3A_727 = vector.broadcast %div3A_726 : f32 to vector<16xf32>
      %div3A_728 = arith.divf %div3A_727, %add3A_725 : vector<16xf32>
      %mul3A_729 = arith.mulf %broadcast_in_dim3A_722, %div3A_728 : vector<16xf32>
      %eq3A_730 = vector.broadcast %squeeze3A_712 : i32 to vector<16xi32>
      %eq3A_731 = arith.cmpi eq, %iota3A, %eq3A_730 : vector<16xi32>
      %eq3A_732 = vector.broadcast %squeeze3A_714 : i32 to vector<16xi32>
      %eq3A_733 = arith.cmpi eq, %iota3A, %eq3A_732 : vector<16xi32>
      %jit3A_734 = arith.constant 0.000000e+00 : f32
      %broadcast_in_dim3A_735 = vector.broadcast %jit3A_734 : f32 to vector<16xf32>
      %select_n3A_736 = arith.select %eq3A_733, %mul3A_729, %broadcast_in_dim3A_735 : vector<16xi1>, vector<16xf32>
      %select_n3A_737 = arith.select %eq3A_731, %div3A_728, %select_n3A_736 : vector<16xi1>, vector<16xf32>
      %swap3A_738 = arith.constant 10 : i32
      %swap3A_739 = arith.index_cast %swap3A_738 : i32 to index
      %swap3A_740 = arith.constant 0 : index
      %swap3A_741 = tpu.vector_load %arg6[%swap3A_739, %swap3A_740] {strides = array<i32>} : memref<32x16xf32, #tpu.memory_space<vmem>>, vector<16xf32>,
      tpu.vector_store %arg6[%swap3A_739, %swap3A_740], %select_n3A_737 {strides = array<i32>} : memref<32x16xf32, #tpu.memory_space<vmem>>, vector<16xf32>,
      %get3A_742 = arith.constant 11 : i32
      %get3A_743 = arith.index_cast %get3A_742 : i32 to index
      %get3A_744 = arith.constant 0 : index
      %get3A_745 = tpu.vector_load %arg5[%get3A_743, %get3A_744] {strides = array<i32>} : memref<32x16xf32, #tpu.memory_space<vmem>>, vector<16xf32>,
      %jit3A_746 = arith.constant -3.000000e+38 : f32
      %broadcast_in_dim3A_747 = vector.broadcast %jit3A_746 : f32 to vector<16xf32>
      %select_n3A_748 = arith.select %lt3A_5, %get3A_745, %broadcast_in_dim3A_747 : vector<16xi1>, vector<16xf32>
      %masked_sort3A_749 = arith.constant dense<true> : vector<16xi1>
      %masked_sort3A_750, %masked_sort3A_751, %masked_sort3A_752 = tpu.sort %select_n3A_748, %iota3A masked %masked_sort3A_749 {descending = true} : (vector<16xf32>, vector<16xi32>, vector<16xi1>) -> (vector<16xi1>, vector<16xf32>, vector<16xi32>)
      %slice3A_753 = vector.extract_strided_slice %masked_sort3A_751 {offsets = [0], sizes = [1], strides = [1]} : vector<16xf32> to vector<1xf32>
      %squeeze3A_754 = vector.extract %slice3A_753[0] : f32 from vector<1xf32>
      %broadcast_in_dim3A_755 = vector.broadcast %squeeze3A_754 : f32 to vector<16xf32>
      %sub3A_756 = arith.subf %select_n3A_748, %broadcast_in_dim3A_755 : vector<16xf32>
      %exp3A_757 = math.exp %sub3A_756 : vector<16xf32>
      %jit3A_758 = arith.constant 0.000000e+00 : f32
      %broadcast_in_dim3A_759 = vector.broadcast %jit3A_758 : f32 to vector<16xf32>
      %select_n3A_760 = arith.select %lt3A_5, %exp3A_757, %broadcast_in_dim3A_759 : vector<16xi1>, vector<16xf32>
      %broadcast_in_dim3A_761 = arith.constant true
      %broadcast_in_dim3A_762 = vector.broadcast %broadcast_in_dim3A_761 : i1 to vector<16xi1>
      %masked_cumsum3A_763 = tpu.scan <sum>, %select_n3A_760 masked %broadcast_in_dim3A_762 : vector<16xf32>, vector<16xi1> -> vector<16xf32>
      %slice3A_764 = vector.extract_strided_slice %masked_cumsum3A_763 {offsets = [15], sizes = [1], strides = [1]} : vector<16xf32> to vector<1xf32>
      %squeeze3A_765 = vector.extract %slice3A_764[0] : f32 from vector<1xf32>
      %broadcast_in_dim3A_766 = vector.broadcast %squeeze3A_765 : f32 to vector<16xf32>
      %div3A_767 = arith.divf %select_n3A_760, %broadcast_in_dim3A_766 : vector<16xf32>
      %add3A_768 = arith.addf %add3A_703, %div3A_767 : vector<16xf32>
      %jit3A_769 = arith.constant -1.000000e+00 : f32
      %broadcast_in_dim3A_770 = vector.broadcast %jit3A_769 : f32 to vector<16xf32>
      %select_n3A_771 = arith.select %lt3A_5, %div3A_767, %broadcast_in_dim3A_770 : vector<16xi1>, vector<16xf32>
      %masked_sort3A_772 = arith.constant dense<true> : vector<16xi1>
      %masked_sort3A_773, %masked_sort3A_774, %masked_sort3A_775 = tpu.sort %select_n3A_771, %iota3A masked %masked_sort3A_772 {descending = true} : (vector<16xf32>, vector<16xi32>, vector<16xi1>) -> (vector<16xi1>, vector<16xf32>, vector<16xi32>)
      %slice3A_776 = vector.extract_strided_slice %masked_sort3A_775 {offsets = [0], sizes = [1], strides = [1]} : vector<16xi32> to vector<1xi32>
      %squeeze3A_777 = vector.extract %slice3A_776[0] : i32 from vector<1xi32>
      %slice3A_778 = vector.extract_strided_slice %masked_sort3A_775 {offsets = [1], sizes = [1], strides = [1]} : vector<16xi32> to vector<1xi32>
      %squeeze3A_779 = vector.extract %slice3A_778[0] : i32 from vector<1xi32>
      %slice3A_780 = vector.extract_strided_slice %masked_sort3A_774 {offsets = [0], sizes = [1], strides = [1]} : vector<16xf32> to vector<1xf32>
      %squeeze3A_781 = vector.extract %slice3A_780[0] : f32 from vector<1xf32>
      %broadcast_in_dim3A_782 = vector.broadcast %squeeze3A_781 : f32 to vector<16xf32>
      %sub3A_783 = arith.subf %masked_sort3A_774, %broadcast_in_dim3A_782 : vector<16xf32>
      %exp3A_784 = math.exp %sub3A_783 : vector<16xf32>
      %slice3A_785 = vector.extract_strided_slice %exp3A_784 {offsets = [1], sizes = [1], strides = [1]} : vector<16xf32> to vector<1xf32>
      %squeeze3A_786 = vector.extract %slice3A_785[0] : f32 from vector<1xf32>
      %broadcast_in_dim3A_787 = vector.broadcast %squeeze3A_786 : f32 to vector<16xf32>
      %add3A_788 = arith.constant 1.000000e+00 : f32
      %add3A_789 = vector.broadcast %add3A_788 : f32 to vector<16xf32>
      %add3A_790 = arith.addf %add3A_789, %broadcast_in_dim3A_787 : vector<16xf32>
      %div3A_791 = arith.constant 1.000000e+00 : f32
      %div3A_792 = vector.broadcast %div3A_791 : f32 to vector<16xf32>
      %div3A_793 = arith.divf %div3A_792, %add3A_790 : vector<16xf32>
      %mul3A_794 = arith.mulf %broadcast_in_dim3A_787, %div3A_793 : vector<16xf32>
      %eq3A_795 = vector.broadcast %squeeze3A_777 : i32 to vector<16xi32>
      %eq3A_796 = arith.cmpi eq, %iota3A, %eq3A_795 : vector<16xi32>
      %eq3A_797 = vector.broadcast %squeeze3A_779 : i32 to vector<16xi32>
      %eq3A_798 = arith.cmpi eq, %iota3A, %eq3A_797 : vector<16xi32>
      %jit3A_799 = arith.constant 0.000000e+00 : f32
      %broadcast_in_dim3A_800 = vector.broadcast %jit3A_799 : f32 to vector<16xf32>
      %select_n3A_801 = arith.select %eq3A_798, %mul3A_794, %broadcast_in_dim3A_800 : vector<16xi1>, vector<16xf32>
      %select_n3A_802 = arith.select %eq3A_796, %div3A_793, %select_n3A_801 : vector<16xi1>, vector<16xf32>
      %swap3A_803 = arith.constant 11 : i32
      %swap3A_804 = arith.index_cast %swap3A_803 : i32 to index
      %swap3A_805 = arith.constant 0 : index
      %swap3A_806 = tpu.vector_load %arg6[%swap3A_804, %swap3A_805] {strides = array<i32>} : memref<32x16xf32, #tpu.memory_space<vmem>>, vector<16xf32>,
      tpu.vector_store %arg6[%swap3A_804, %swap3A_805], %select_n3A_802 {strides = array<i32>} : memref<32x16xf32, #tpu.memory_space<vmem>>, vector<16xf32>,
      %get3A_807 = arith.constant 12 : i32
      %get3A_808 = arith.index_cast %get3A_807 : i32 to index
      %get3A_809 = arith.constant 0 : index
      %get3A_810 = tpu.vector_load %arg5[%get3A_808, %get3A_809] {strides = array<i32>} : memref<32x16xf32, #tpu.memory_space<vmem>>, vector<16xf32>,
      %jit3A_811 = arith.constant -3.000000e+38 : f32
      %broadcast_in_dim3A_812 = vector.broadcast %jit3A_811 : f32 to vector<16xf32>
      %select_n3A_813 = arith.select %lt3A_5, %get3A_810, %broadcast_in_dim3A_812 : vector<16xi1>, vector<16xf32>
      %masked_sort3A_814 = arith.constant dense<true> : vector<16xi1>
      %masked_sort3A_815, %masked_sort3A_816, %masked_sort3A_817 = tpu.sort %select_n3A_813, %iota3A masked %masked_sort3A_814 {descending = true} : (vector<16xf32>, vector<16xi32>, vector<16xi1>) -> (vector<16xi1>, vector<16xf32>, vector<16xi32>)
      %slice3A_818 = vector.extract_strided_slice %masked_sort3A_816 {offsets = [0], sizes = [1], strides = [1]} : vector<16xf32> to vector<1xf32>
      %squeeze3A_819 = vector.extract %slice3A_818[0] : f32 from vector<1xf32>
      %broadcast_in_dim3A_820 = vector.broadcast %squeeze3A_819 : f32 to vector<16xf32>
      %sub3A_821 = arith.subf %select_n3A_813, %broadcast_in_dim3A_820 : vector<16xf32>
      %exp3A_822 = math.exp %sub3A_821 : vector<16xf32>
      %jit3A_823 = arith.constant 0.000000e+00 : f32
      %broadcast_in_dim3A_824 = vector.broadcast %jit3A_823 : f32 to vector<16xf32>
      %select_n3A_825 = arith.select %lt3A_5, %exp3A_822, %broadcast_in_dim3A_824 : vector<16xi1>, vector<16xf32>
      %broadcast_in_dim3A_826 = arith.constant true
      %broadcast_in_dim3A_827 = vector.broadcast %broadcast_in_dim3A_826 : i1 to vector<16xi1>
      %masked_cumsum3A_828 = tpu.scan <sum>, %select_n3A_825 masked %broadcast_in_dim3A_827 : vector<16xf32>, vector<16xi1> -> vector<16xf32>
      %slice3A_829 = vector.extract_strided_slice %masked_cumsum3A_828 {offsets = [15], sizes = [1], strides = [1]} : vector<16xf32> to vector<1xf32>
      %squeeze3A_830 = vector.extract %slice3A_829[0] : f32 from vector<1xf32>
      %broadcast_in_dim3A_831 = vector.broadcast %squeeze3A_830 : f32 to vector<16xf32>
      %div3A_832 = arith.divf %select_n3A_825, %broadcast_in_dim3A_831 : vector<16xf32>
      %add3A_833 = arith.addf %add3A_768, %div3A_832 : vector<16xf32>
      %jit3A_834 = arith.constant -1.000000e+00 : f32
      %broadcast_in_dim3A_835 = vector.broadcast %jit3A_834 : f32 to vector<16xf32>
      %select_n3A_836 = arith.select %lt3A_5, %div3A_832, %broadcast_in_dim3A_835 : vector<16xi1>, vector<16xf32>
      %masked_sort3A_837 = arith.constant dense<true> : vector<16xi1>
      %masked_sort3A_838, %masked_sort3A_839, %masked_sort3A_840 = tpu.sort %select_n3A_836, %iota3A masked %masked_sort3A_837 {descending = true} : (vector<16xf32>, vector<16xi32>, vector<16xi1>) -> (vector<16xi1>, vector<16xf32>, vector<16xi32>)
      %slice3A_841 = vector.extract_strided_slice %masked_sort3A_840 {offsets = [0], sizes = [1], strides = [1]} : vector<16xi32> to vector<1xi32>
      %squeeze3A_842 = vector.extract %slice3A_841[0] : i32 from vector<1xi32>
      %slice3A_843 = vector.extract_strided_slice %masked_sort3A_840 {offsets = [1], sizes = [1], strides = [1]} : vector<16xi32> to vector<1xi32>
      %squeeze3A_844 = vector.extract %slice3A_843[0] : i32 from vector<1xi32>
      %slice3A_845 = vector.extract_strided_slice %masked_sort3A_839 {offsets = [0], sizes = [1], strides = [1]} : vector<16xf32> to vector<1xf32>
      %squeeze3A_846 = vector.extract %slice3A_845[0] : f32 from vector<1xf32>
      %broadcast_in_dim3A_847 = vector.broadcast %squeeze3A_846 : f32 to vector<16xf32>
      %sub3A_848 = arith.subf %masked_sort3A_839, %broadcast_in_dim3A_847 : vector<16xf32>
      %exp3A_849 = math.exp %sub3A_848 : vector<16xf32>
      %slice3A_850 = vector.extract_strided_slice %exp3A_849 {offsets = [1], sizes = [1], strides = [1]} : vector<16xf32> to vector<1xf32>
      %squeeze3A_851 = vector.extract %slice3A_850[0] : f32 from vector<1xf32>
      %broadcast_in_dim3A_852 = vector.broadcast %squeeze3A_851 : f32 to vector<16xf32>
      %add3A_853 = arith.constant 1.000000e+00 : f32
      %add3A_854 = vector.broadcast %add3A_853 : f32 to vector<16xf32>
      %add3A_855 = arith.addf %add3A_854, %broadcast_in_dim3A_852 : vector<16xf32>
      %div3A_856 = arith.constant 1.000000e+00 : f32
      %div3A_857 = vector.broadcast %div3A_856 : f32 to vector<16xf32>
      %div3A_858 = arith.divf %div3A_857, %add3A_855 : vector<16xf32>
      %mul3A_859 = arith.mulf %broadcast_in_dim3A_852, %div3A_858 : vector<16xf32>
      %eq3A_860 = vector.broadcast %squeeze3A_842 : i32 to vector<16xi32>
      %eq3A_861 = arith.cmpi eq, %iota3A, %eq3A_860 : vector<16xi32>
      %eq3A_862 = vector.broadcast %squeeze3A_844 : i32 to vector<16xi32>
      %eq3A_863 = arith.cmpi eq, %iota3A, %eq3A_862 : vector<16xi32>
      %jit3A_864 = arith.constant 0.000000e+00 : f32
      %broadcast_in_dim3A_865 = vector.broadcast %jit3A_864 : f32 to vector<16xf32>
      %select_n3A_866 = arith.select %eq3A_863, %mul3A_859, %broadcast_in_dim3A_865 : vector<16xi1>, vector<16xf32>
      %select_n3A_867 = arith.select %eq3A_861, %div3A_858, %select_n3A_866 : vector<16xi1>, vector<16xf32>
      %swap3A_868 = arith.constant 12 : i32
      %swap3A_869 = arith.index_cast %swap3A_868 : i32 to index
      %swap3A_870 = arith.constant 0 : index
      %swap3A_871 = tpu.vector_load %arg6[%swap3A_869, %swap3A_870] {strides = array<i32>} : memref<32x16xf32, #tpu.memory_space<vmem>>, vector<16xf32>,
      tpu.vector_store %arg6[%swap3A_869, %swap3A_870], %select_n3A_867 {strides = array<i32>} : memref<32x16xf32, #tpu.memory_space<vmem>>, vector<16xf32>,
      %get3A_872 = arith.constant 13 : i32
      %get3A_873 = arith.index_cast %get3A_872 : i32 to index
      %get3A_874 = arith.constant 0 : index
      %get3A_875 = tpu.vector_load %arg5[%get3A_873, %get3A_874] {strides = array<i32>} : memref<32x16xf32, #tpu.memory_space<vmem>>, vector<16xf32>,
      %jit3A_876 = arith.constant -3.000000e+38 : f32
      %broadcast_in_dim3A_877 = vector.broadcast %jit3A_876 : f32 to vector<16xf32>
      %select_n3A_878 = arith.select %lt3A_5, %get3A_875, %broadcast_in_dim3A_877 : vector<16xi1>, vector<16xf32>
      %masked_sort3A_879 = arith.constant dense<true> : vector<16xi1>
      %masked_sort3A_880, %masked_sort3A_881, %masked_sort3A_882 = tpu.sort %select_n3A_878, %iota3A masked %masked_sort3A_879 {descending = true} : (vector<16xf32>, vector<16xi32>, vector<16xi1>) -> (vector<16xi1>, vector<16xf32>, vector<16xi32>)
      %slice3A_883 = vector.extract_strided_slice %masked_sort3A_881 {offsets = [0], sizes = [1], strides = [1]} : vector<16xf32> to vector<1xf32>
      %squeeze3A_884 = vector.extract %slice3A_883[0] : f32 from vector<1xf32>
      %broadcast_in_dim3A_885 = vector.broadcast %squeeze3A_884 : f32 to vector<16xf32>
      %sub3A_886 = arith.subf %select_n3A_878, %broadcast_in_dim3A_885 : vector<16xf32>
      %exp3A_887 = math.exp %sub3A_886 : vector<16xf32>
      %jit3A_888 = arith.constant 0.000000e+00 : f32
      %broadcast_in_dim3A_889 = vector.broadcast %jit3A_888 : f32 to vector<16xf32>
      %select_n3A_890 = arith.select %lt3A_5, %exp3A_887, %broadcast_in_dim3A_889 : vector<16xi1>, vector<16xf32>
      %broadcast_in_dim3A_891 = arith.constant true
      %broadcast_in_dim3A_892 = vector.broadcast %broadcast_in_dim3A_891 : i1 to vector<16xi1>
      %masked_cumsum3A_893 = tpu.scan <sum>, %select_n3A_890 masked %broadcast_in_dim3A_892 : vector<16xf32>, vector<16xi1> -> vector<16xf32>
      %slice3A_894 = vector.extract_strided_slice %masked_cumsum3A_893 {offsets = [15], sizes = [1], strides = [1]} : vector<16xf32> to vector<1xf32>
      %squeeze3A_895 = vector.extract %slice3A_894[0] : f32 from vector<1xf32>
      %broadcast_in_dim3A_896 = vector.broadcast %squeeze3A_895 : f32 to vector<16xf32>
      %div3A_897 = arith.divf %select_n3A_890, %broadcast_in_dim3A_896 : vector<16xf32>
      %add3A_898 = arith.addf %add3A_833, %div3A_897 : vector<16xf32>
      %jit3A_899 = arith.constant -1.000000e+00 : f32
      %broadcast_in_dim3A_900 = vector.broadcast %jit3A_899 : f32 to vector<16xf32>
      %select_n3A_901 = arith.select %lt3A_5, %div3A_897, %broadcast_in_dim3A_900 : vector<16xi1>, vector<16xf32>
      %masked_sort3A_902 = arith.constant dense<true> : vector<16xi1>
      %masked_sort3A_903, %masked_sort3A_904, %masked_sort3A_905 = tpu.sort %select_n3A_901, %iota3A masked %masked_sort3A_902 {descending = true} : (vector<16xf32>, vector<16xi32>, vector<16xi1>) -> (vector<16xi1>, vector<16xf32>, vector<16xi32>)
      %slice3A_906 = vector.extract_strided_slice %masked_sort3A_905 {offsets = [0], sizes = [1], strides = [1]} : vector<16xi32> to vector<1xi32>
      %squeeze3A_907 = vector.extract %slice3A_906[0] : i32 from vector<1xi32>
      %slice3A_908 = vector.extract_strided_slice %masked_sort3A_905 {offsets = [1], sizes = [1], strides = [1]} : vector<16xi32> to vector<1xi32>
      %squeeze3A_909 = vector.extract %slice3A_908[0] : i32 from vector<1xi32>
      %slice3A_910 = vector.extract_strided_slice %masked_sort3A_904 {offsets = [0], sizes = [1], strides = [1]} : vector<16xf32> to vector<1xf32>
      %squeeze3A_911 = vector.extract %slice3A_910[0] : f32 from vector<1xf32>
      %broadcast_in_dim3A_912 = vector.broadcast %squeeze3A_911 : f32 to vector<16xf32>
      %sub3A_913 = arith.subf %masked_sort3A_904, %broadcast_in_dim3A_912 : vector<16xf32>
      %exp3A_914 = math.exp %sub3A_913 : vector<16xf32>
      %slice3A_915 = vector.extract_strided_slice %exp3A_914 {offsets = [1], sizes = [1], strides = [1]} : vector<16xf32> to vector<1xf32>
      %squeeze3A_916 = vector.extract %slice3A_915[0] : f32 from vector<1xf32>
      %broadcast_in_dim3A_917 = vector.broadcast %squeeze3A_916 : f32 to vector<16xf32>
      %add3A_918 = arith.constant 1.000000e+00 : f32
      %add3A_919 = vector.broadcast %add3A_918 : f32 to vector<16xf32>
      %add3A_920 = arith.addf %add3A_919, %broadcast_in_dim3A_917 : vector<16xf32>
      %div3A_921 = arith.constant 1.000000e+00 : f32
      %div3A_922 = vector.broadcast %div3A_921 : f32 to vector<16xf32>
      %div3A_923 = arith.divf %div3A_922, %add3A_920 : vector<16xf32>
      %mul3A_924 = arith.mulf %broadcast_in_dim3A_917, %div3A_923 : vector<16xf32>
      %eq3A_925 = vector.broadcast %squeeze3A_907 : i32 to vector<16xi32>
      %eq3A_926 = arith.cmpi eq, %iota3A, %eq3A_925 : vector<16xi32>
      %eq3A_927 = vector.broadcast %squeeze3A_909 : i32 to vector<16xi32>
      %eq3A_928 = arith.cmpi eq, %iota3A, %eq3A_927 : vector<16xi32>
      %jit3A_929 = arith.constant 0.000000e+00 : f32
      %broadcast_in_dim3A_930 = vector.broadcast %jit3A_929 : f32 to vector<16xf32>
      %select_n3A_931 = arith.select %eq3A_928, %mul3A_924, %broadcast_in_dim3A_930 : vector<16xi1>, vector<16xf32>
      %select_n3A_932 = arith.select %eq3A_926, %div3A_923, %select_n3A_931 : vector<16xi1>, vector<16xf32>
      %swap3A_933 = arith.constant 13 : i32
      %swap3A_934 = arith.index_cast %swap3A_933 : i32 to index
      %swap3A_935 = arith.constant 0 : index
      %swap3A_936 = tpu.vector_load %arg6[%swap3A_934, %swap3A_935] {strides = array<i32>} : memref<32x16xf32, #tpu.memory_space<vmem>>, vector<16xf32>,
      tpu.vector_store %arg6[%swap3A_934, %swap3A_935], %select_n3A_932 {strides = array<i32>} : memref<32x16xf32, #tpu.memory_space<vmem>>, vector<16xf32>,
      %get3A_937 = arith.constant 14 : i32
      %get3A_938 = arith.index_cast %get3A_937 : i32 to index
      %get3A_939 = arith.constant 0 : index
      %get3A_940 = tpu.vector_load %arg5[%get3A_938, %get3A_939] {strides = array<i32>} : memref<32x16xf32, #tpu.memory_space<vmem>>, vector<16xf32>,
      %jit3A_941 = arith.constant -3.000000e+38 : f32
      %broadcast_in_dim3A_942 = vector.broadcast %jit3A_941 : f32 to vector<16xf32>
      %select_n3A_943 = arith.select %lt3A_5, %get3A_940, %broadcast_in_dim3A_942 : vector<16xi1>, vector<16xf32>
      %masked_sort3A_944 = arith.constant dense<true> : vector<16xi1>
      %masked_sort3A_945, %masked_sort3A_946, %masked_sort3A_947 = tpu.sort %select_n3A_943, %iota3A masked %masked_sort3A_944 {descending = true} : (vector<16xf32>, vector<16xi32>, vector<16xi1>) -> (vector<16xi1>, vector<16xf32>, vector<16xi32>)
      %slice3A_948 = vector.extract_strided_slice %masked_sort3A_946 {offsets = [0], sizes = [1], strides = [1]} : vector<16xf32> to vector<1xf32>
      %squeeze3A_949 = vector.extract %slice3A_948[0] : f32 from vector<1xf32>
      %broadcast_in_dim3A_950 = vector.broadcast %squeeze3A_949 : f32 to vector<16xf32>
      %sub3A_951 = arith.subf %select_n3A_943, %broadcast_in_dim3A_950 : vector<16xf32>
      %exp3A_952 = math.exp %sub3A_951 : vector<16xf32>
      %jit3A_953 = arith.constant 0.000000e+00 : f32
      %broadcast_in_dim3A_954 = vector.broadcast %jit3A_953 : f32 to vector<16xf32>
      %select_n3A_955 = arith.select %lt3A_5, %exp3A_952, %broadcast_in_dim3A_954 : vector<16xi1>, vector<16xf32>
      %broadcast_in_dim3A_956 = arith.constant true
      %broadcast_in_dim3A_957 = vector.broadcast %broadcast_in_dim3A_956 : i1 to vector<16xi1>
      %masked_cumsum3A_958 = tpu.scan <sum>, %select_n3A_955 masked %broadcast_in_dim3A_957 : vector<16xf32>, vector<16xi1> -> vector<16xf32>
      %slice3A_959 = vector.extract_strided_slice %masked_cumsum3A_958 {offsets = [15], sizes = [1], strides = [1]} : vector<16xf32> to vector<1xf32>
      %squeeze3A_960 = vector.extract %slice3A_959[0] : f32 from vector<1xf32>
      %broadcast_in_dim3A_961 = vector.broadcast %squeeze3A_960 : f32 to vector<16xf32>
      %div3A_962 = arith.divf %select_n3A_955, %broadcast_in_dim3A_961 : vector<16xf32>
      %add3A_963 = arith.addf %add3A_898, %div3A_962 : vector<16xf32>
      %jit3A_964 = arith.constant -1.000000e+00 : f32
      %broadcast_in_dim3A_965 = vector.broadcast %jit3A_964 : f32 to vector<16xf32>
      %select_n3A_966 = arith.select %lt3A_5, %div3A_962, %broadcast_in_dim3A_965 : vector<16xi1>, vector<16xf32>
      %masked_sort3A_967 = arith.constant dense<true> : vector<16xi1>
      %masked_sort3A_968, %masked_sort3A_969, %masked_sort3A_970 = tpu.sort %select_n3A_966, %iota3A masked %masked_sort3A_967 {descending = true} : (vector<16xf32>, vector<16xi32>, vector<16xi1>) -> (vector<16xi1>, vector<16xf32>, vector<16xi32>)
      %slice3A_971 = vector.extract_strided_slice %masked_sort3A_970 {offsets = [0], sizes = [1], strides = [1]} : vector<16xi32> to vector<1xi32>
      %squeeze3A_972 = vector.extract %slice3A_971[0] : i32 from vector<1xi32>
      %slice3A_973 = vector.extract_strided_slice %masked_sort3A_970 {offsets = [1], sizes = [1], strides = [1]} : vector<16xi32> to vector<1xi32>
      %squeeze3A_974 = vector.extract %slice3A_973[0] : i32 from vector<1xi32>
      %slice3A_975 = vector.extract_strided_slice %masked_sort3A_969 {offsets = [0], sizes = [1], strides = [1]} : vector<16xf32> to vector<1xf32>
      %squeeze3A_976 = vector.extract %slice3A_975[0] : f32 from vector<1xf32>
      %broadcast_in_dim3A_977 = vector.broadcast %squeeze3A_976 : f32 to vector<16xf32>
      %sub3A_978 = arith.subf %masked_sort3A_969, %broadcast_in_dim3A_977 : vector<16xf32>
      %exp3A_979 = math.exp %sub3A_978 : vector<16xf32>
      %slice3A_980 = vector.extract_strided_slice %exp3A_979 {offsets = [1], sizes = [1], strides = [1]} : vector<16xf32> to vector<1xf32>
      %squeeze3A_981 = vector.extract %slice3A_980[0] : f32 from vector<1xf32>
      %broadcast_in_dim3A_982 = vector.broadcast %squeeze3A_981 : f32 to vector<16xf32>
      %add3A_983 = arith.constant 1.000000e+00 : f32
      %add3A_984 = vector.broadcast %add3A_983 : f32 to vector<16xf32>
      %add3A_985 = arith.addf %add3A_984, %broadcast_in_dim3A_982 : vector<16xf32>
      %div3A_986 = arith.constant 1.000000e+00 : f32
      %div3A_987 = vector.broadcast %div3A_986 : f32 to vector<16xf32>
      %div3A_988 = arith.divf %div3A_987, %add3A_985 : vector<16xf32>
      %mul3A_989 = arith.mulf %broadcast_in_dim3A_982, %div3A_988 : vector<16xf32>
      %eq3A_990 = vector.broadcast %squeeze3A_972 : i32 to vector<16xi32>
      %eq3A_991 = arith.cmpi eq, %iota3A, %eq3A_990 : vector<16xi32>
      %eq3A_992 = vector.broadcast %squeeze3A_974 : i32 to vector<16xi32>
      %eq3A_993 = arith.cmpi eq, %iota3A, %eq3A_992 : vector<16xi32>
      %jit3A_994 = arith.constant 0.000000e+00 : f32
      %broadcast_in_dim3A_995 = vector.broadcast %jit3A_994 : f32 to vector<16xf32>
      %select_n3A_996 = arith.select %eq3A_993, %mul3A_989, %broadcast_in_dim3A_995 : vector<16xi1>, vector<16xf32>
      %select_n3A_997 = arith.select %eq3A_991, %div3A_988, %select_n3A_996 : vector<16xi1>, vector<16xf32>
      %swap3A_998 = arith.constant 14 : i32
      %swap3A_999 = arith.index_cast %swap3A_998 : i32 to index
      %swap3A_1000 = arith.constant 0 : index
      %swap3A_1001 = tpu.vector_load %arg6[%swap3A_999, %swap3A_1000] {strides = array<i32>} : memref<32x16xf32, #tpu.memory_space<vmem>>, vector<16xf32>,
      tpu.vector_store %arg6[%swap3A_999, %swap3A_1000], %select_n3A_997 {strides = array<i32>} : memref<32x16xf32, #tpu.memory_space<vmem>>, vector<16xf32>,
      %get3A_1002 = arith.constant 15 : i32
      %get3A_1003 = arith.index_cast %get3A_1002 : i32 to index
      %get3A_1004 = arith.constant 0 : index
      %get3A_1005 = tpu.vector_load %arg5[%get3A_1003, %get3A_1004] {strides = array<i32>} : memref<32x16xf32, #tpu.memory_space<vmem>>, vector<16xf32>,
      %jit3A_1006 = arith.constant -3.000000e+38 : f32
      %broadcast_in_dim3A_1007 = vector.broadcast %jit3A_1006 : f32 to vector<16xf32>
      %select_n3A_1008 = arith.select %lt3A_5, %get3A_1005, %broadcast_in_dim3A_1007 : vector<16xi1>, vector<16xf32>
      %masked_sort3A_1009 = arith.constant dense<true> : vector<16xi1>
      %masked_sort3A_1010, %masked_sort3A_1011, %masked_sort3A_1012 = tpu.sort %select_n3A_1008, %iota3A masked %masked_sort3A_1009 {descending = true} : (vector<16xf32>, vector<16xi32>, vector<16xi1>) -> (vector<16xi1>, vector<16xf32>, vector<16xi32>)
      %slice3A_1013 = vector.extract_strided_slice %masked_sort3A_1011 {offsets = [0], sizes = [1], strides = [1]} : vector<16xf32> to vector<1xf32>
      %squeeze3A_1014 = vector.extract %slice3A_1013[0] : f32 from vector<1xf32>
      %broadcast_in_dim3A_1015 = vector.broadcast %squeeze3A_1014 : f32 to vector<16xf32>
      %sub3A_1016 = arith.subf %select_n3A_1008, %broadcast_in_dim3A_1015 : vector<16xf32>
      %exp3A_1017 = math.exp %sub3A_1016 : vector<16xf32>
      %jit3A_1018 = arith.constant 0.000000e+00 : f32
      %broadcast_in_dim3A_1019 = vector.broadcast %jit3A_1018 : f32 to vector<16xf32>
      %select_n3A_1020 = arith.select %lt3A_5, %exp3A_1017, %broadcast_in_dim3A_1019 : vector<16xi1>, vector<16xf32>
      %broadcast_in_dim3A_1021 = arith.constant true
      %broadcast_in_dim3A_1022 = vector.broadcast %broadcast_in_dim3A_1021 : i1 to vector<16xi1>
      %masked_cumsum3A_1023 = tpu.scan <sum>, %select_n3A_1020 masked %broadcast_in_dim3A_1022 : vector<16xf32>, vector<16xi1> -> vector<16xf32>
      %slice3A_1024 = vector.extract_strided_slice %masked_cumsum3A_1023 {offsets = [15], sizes = [1], strides = [1]} : vector<16xf32> to vector<1xf32>
      %squeeze3A_1025 = vector.extract %slice3A_1024[0] : f32 from vector<1xf32>
      %broadcast_in_dim3A_1026 = vector.broadcast %squeeze3A_1025 : f32 to vector<16xf32>
      %div3A_1027 = arith.divf %select_n3A_1020, %broadcast_in_dim3A_1026 : vector<16xf32>
      %add3A_1028 = arith.addf %add3A_963, %div3A_1027 : vector<16xf32>
      %jit3A_1029 = arith.constant -1.000000e+00 : f32
      %broadcast_in_dim3A_1030 = vector.broadcast %jit3A_1029 : f32 to vector<16xf32>
      %select_n3A_1031 = arith.select %lt3A_5, %div3A_1027, %broadcast_in_dim3A_1030 : vector<16xi1>, vector<16xf32>
      %masked_sort3A_1032 = arith.constant dense<true> : vector<16xi1>
      %masked_sort3A_1033, %masked_sort3A_1034, %masked_sort3A_1035 = tpu.sort %select_n3A_1031, %iota3A masked %masked_sort3A_1032 {descending = true} : (vector<16xf32>, vector<16xi32>, vector<16xi1>) -> (vector<16xi1>, vector<16xf32>, vector<16xi32>)
      %slice3A_1036 = vector.extract_strided_slice %masked_sort3A_1035 {offsets = [0], sizes = [1], strides = [1]} : vector<16xi32> to vector<1xi32>
      %squeeze3A_1037 = vector.extract %slice3A_1036[0] : i32 from vector<1xi32>
      %slice3A_1038 = vector.extract_strided_slice %masked_sort3A_1035 {offsets = [1], sizes = [1], strides = [1]} : vector<16xi32> to vector<1xi32>
      %squeeze3A_1039 = vector.extract %slice3A_1038[0] : i32 from vector<1xi32>
      %slice3A_1040 = vector.extract_strided_slice %masked_sort3A_1034 {offsets = [0], sizes = [1], strides = [1]} : vector<16xf32> to vector<1xf32>
      %squeeze3A_1041 = vector.extract %slice3A_1040[0] : f32 from vector<1xf32>
      %broadcast_in_dim3A_1042 = vector.broadcast %squeeze3A_1041 : f32 to vector<16xf32>
      %sub3A_1043 = arith.subf %masked_sort3A_1034, %broadcast_in_dim3A_1042 : vector<16xf32>
      %exp3A_1044 = math.exp %sub3A_1043 : vector<16xf32>
      %slice3A_1045 = vector.extract_strided_slice %exp3A_1044 {offsets = [1], sizes = [1], strides = [1]} : vector<16xf32> to vector<1xf32>
      %squeeze3A_1046 = vector.extract %slice3A_1045[0] : f32 from vector<1xf32>
      %broadcast_in_dim3A_1047 = vector.broadcast %squeeze3A_1046 : f32 to vector<16xf32>
      %add3A_1048 = arith.constant 1.000000e+00 : f32
      %add3A_1049 = vector.broadcast %add3A_1048 : f32 to vector<16xf32>
      %add3A_1050 = arith.addf %add3A_1049, %broadcast_in_dim3A_1047 : vector<16xf32>
      %div3A_1051 = arith.constant 1.000000e+00 : f32
      %div3A_1052 = vector.broadcast %div3A_1051 : f32 to vector<16xf32>
      %div3A_1053 = arith.divf %div3A_1052, %add3A_1050 : vector<16xf32>
      %mul3A_1054 = arith.mulf %broadcast_in_dim3A_1047, %div3A_1053 : vector<16xf32>
      %eq3A_1055 = vector.broadcast %squeeze3A_1037 : i32 to vector<16xi32>
      %eq3A_1056 = arith.cmpi eq, %iota3A, %eq3A_1055 : vector<16xi32>
      %eq3A_1057 = vector.broadcast %squeeze3A_1039 : i32 to vector<16xi32>
      %eq3A_1058 = arith.cmpi eq, %iota3A, %eq3A_1057 : vector<16xi32>
      %jit3A_1059 = arith.constant 0.000000e+00 : f32
      %broadcast_in_dim3A_1060 = vector.broadcast %jit3A_1059 : f32 to vector<16xf32>
      %select_n3A_1061 = arith.select %eq3A_1058, %mul3A_1054, %broadcast_in_dim3A_1060 : vector<16xi1>, vector<16xf32>
      %select_n3A_1062 = arith.select %eq3A_1056, %div3A_1053, %select_n3A_1061 : vector<16xi1>, vector<16xf32>
      %swap3A_1063 = arith.constant 15 : i32
      %swap3A_1064 = arith.index_cast %swap3A_1063 : i32 to index
      %swap3A_1065 = arith.constant 0 : index
      %swap3A_1066 = tpu.vector_load %arg6[%swap3A_1064, %swap3A_1065] {strides = array<i32>} : memref<32x16xf32, #tpu.memory_space<vmem>>, vector<16xf32>,
      tpu.vector_store %arg6[%swap3A_1064, %swap3A_1065], %select_n3A_1062 {strides = array<i32>} : memref<32x16xf32, #tpu.memory_space<vmem>>, vector<16xf32>,
      %broadcast_in_dim3A_1067 = arith.constant true
      %broadcast_in_dim3A_1068 = vector.broadcast %broadcast_in_dim3A_1067 : i1 to vector<16xi1>
      %masked_cumsum3A_1069 = tpu.scan <sum>, %add3A_1028 masked %broadcast_in_dim3A_1068 : vector<16xf32>, vector<16xi1> -> vector<16xf32>
      %slice3A_1070 = vector.extract_strided_slice %masked_cumsum3A_1069 {offsets = [15], sizes = [1], strides = [1]} : vector<16xf32> to vector<1xf32>
      %squeeze3A_1071 = vector.extract %slice3A_1070[0] : f32 from vector<1xf32>
      %broadcast_in_dim3A_1072 = vector.broadcast %squeeze3A_1071 : f32 to vector<16xf32>
      %mul3A_1073 = arith.constant 1.250000e-01 : f32
      %mul3A_1074 = vector.broadcast %mul3A_1073 : f32 to vector<16xf32>
      %mul3A_1075 = arith.mulf %broadcast_in_dim3A_1072, %mul3A_1074 : vector<16xf32>
      %sub3A_1076 = arith.subf %add3A_1028, %mul3A_1075 : vector<16xf32>
      %jit3A_1077 = arith.constant 0.000000e+00 : f32
      %broadcast_in_dim3A_1078 = vector.broadcast %jit3A_1077 : f32 to vector<16xf32>
      %select_n3A_1079 = arith.select %lt3A_5, %sub3A_1076, %broadcast_in_dim3A_1078 : vector<16xi1>, vector<16xf32>
      %mul3A_1080 = arith.mulf %select_n3A_1079, %select_n3A_1079 : vector<16xf32>
      %broadcast_in_dim3A_1081 = arith.constant true
      %broadcast_in_dim3A_1082 = vector.broadcast %broadcast_in_dim3A_1081 : i1 to vector<16xi1>
      %masked_cumsum3A_1083 = tpu.scan <sum>, %mul3A_1080 masked %broadcast_in_dim3A_1082 : vector<16xf32>, vector<16xi1> -> vector<16xf32>
      %slice3A_1084 = vector.extract_strided_slice %masked_cumsum3A_1083 {offsets = [15], sizes = [1], strides = [1]} : vector<16xf32> to vector<1xf32>
      %squeeze3A_1085 = vector.extract %slice3A_1084[0] : f32 from vector<1xf32>
      %broadcast_in_dim3A_1086 = vector.broadcast %squeeze3A_1085 : f32 to vector<16xf32>
      %mul3A_1087 = arith.constant 1.250000e-01 : f32
      %mul3A_1088 = vector.broadcast %mul3A_1087 : f32 to vector<16xf32>
      %mul3A_1089 = arith.mulf %broadcast_in_dim3A_1086, %mul3A_1088 : vector<16xf32>
      %mul3A_1090 = arith.mulf %mul3A_1075, %mul3A_1075 : vector<16xf32>
      %add3A_1091 = arith.constant 1.000000e-10 : f32
      %add3A_1092 = vector.broadcast %add3A_1091 : f32 to vector<16xf32>
      %add3A_1093 = arith.addf %mul3A_1090, %add3A_1092 : vector<16xf32>
      %div3A_1094 = arith.divf %mul3A_1089, %add3A_1093 : vector<16xf32>
      %add3A_1095 = arith.addf %add3A_544, %div3A_1094 : vector<16xf32>
      %broadcast_in_dim3A_1096 = arith.constant 0.000000e+00 : f32
      %broadcast_in_dim3A_1097 = vector.broadcast %broadcast_in_dim3A_1096 : f32 to vector<16xf32>
      %get3A_1098 = arith.constant 16 : i32
      %get3A_1099 = arith.index_cast %get3A_1098 : i32 to index
      %get3A_1100 = arith.constant 0 : index
      %get3A_1101 = tpu.vector_load %arg5[%get3A_1099, %get3A_1100] {strides = array<i32>} : memref<32x16xf32, #tpu.memory_space<vmem>>, vector<16xf32>,
      %jit3A_1102 = arith.constant -3.000000e+38 : f32
      %broadcast_in_dim3A_1103 = vector.broadcast %jit3A_1102 : f32 to vector<16xf32>
      %select_n3A_1104 = arith.select %lt3A_5, %get3A_1101, %broadcast_in_dim3A_1103 : vector<16xi1>, vector<16xf32>
      %masked_sort3A_1105 = arith.constant dense<true> : vector<16xi1>
      %masked_sort3A_1106, %masked_sort3A_1107, %masked_sort3A_1108 = tpu.sort %select_n3A_1104, %iota3A masked %masked_sort3A_1105 {descending = true} : (vector<16xf32>, vector<16xi32>, vector<16xi1>) -> (vector<16xi1>, vector<16xf32>, vector<16xi32>)
      %slice3A_1109 = vector.extract_strided_slice %masked_sort3A_1107 {offsets = [0], sizes = [1], strides = [1]} : vector<16xf32> to vector<1xf32>
      %squeeze3A_1110 = vector.extract %slice3A_1109[0] : f32 from vector<1xf32>
      %broadcast_in_dim3A_1111 = vector.broadcast %squeeze3A_1110 : f32 to vector<16xf32>
      %sub3A_1112 = arith.subf %select_n3A_1104, %broadcast_in_dim3A_1111 : vector<16xf32>
      %exp3A_1113 = math.exp %sub3A_1112 : vector<16xf32>
      %jit3A_1114 = arith.constant 0.000000e+00 : f32
      %broadcast_in_dim3A_1115 = vector.broadcast %jit3A_1114 : f32 to vector<16xf32>
      %select_n3A_1116 = arith.select %lt3A_5, %exp3A_1113, %broadcast_in_dim3A_1115 : vector<16xi1>, vector<16xf32>
      %broadcast_in_dim3A_1117 = arith.constant true
      %broadcast_in_dim3A_1118 = vector.broadcast %broadcast_in_dim3A_1117 : i1 to vector<16xi1>
      %masked_cumsum3A_1119 = tpu.scan <sum>, %select_n3A_1116 masked %broadcast_in_dim3A_1118 : vector<16xf32>, vector<16xi1> -> vector<16xf32>
      %slice3A_1120 = vector.extract_strided_slice %masked_cumsum3A_1119 {offsets = [15], sizes = [1], strides = [1]} : vector<16xf32> to vector<1xf32>
      %squeeze3A_1121 = vector.extract %slice3A_1120[0] : f32 from vector<1xf32>
      %broadcast_in_dim3A_1122 = vector.broadcast %squeeze3A_1121 : f32 to vector<16xf32>
      %div3A_1123 = arith.divf %select_n3A_1116, %broadcast_in_dim3A_1122 : vector<16xf32>
      %add3A_1124 = arith.addf %broadcast_in_dim3A_1097, %div3A_1123 : vector<16xf32>
      %jit3A_1125 = arith.constant -1.000000e+00 : f32
      %broadcast_in_dim3A_1126 = vector.broadcast %jit3A_1125 : f32 to vector<16xf32>
      %select_n3A_1127 = arith.select %lt3A_5, %div3A_1123, %broadcast_in_dim3A_1126 : vector<16xi1>, vector<16xf32>
      %masked_sort3A_1128 = arith.constant dense<true> : vector<16xi1>
      %masked_sort3A_1129, %masked_sort3A_1130, %masked_sort3A_1131 = tpu.sort %select_n3A_1127, %iota3A masked %masked_sort3A_1128 {descending = true} : (vector<16xf32>, vector<16xi32>, vector<16xi1>) -> (vector<16xi1>, vector<16xf32>, vector<16xi32>)
      %slice3A_1132 = vector.extract_strided_slice %masked_sort3A_1131 {offsets = [0], sizes = [1], strides = [1]} : vector<16xi32> to vector<1xi32>
      %squeeze3A_1133 = vector.extract %slice3A_1132[0] : i32 from vector<1xi32>
      %slice3A_1134 = vector.extract_strided_slice %masked_sort3A_1131 {offsets = [1], sizes = [1], strides = [1]} : vector<16xi32> to vector<1xi32>
      %squeeze3A_1135 = vector.extract %slice3A_1134[0] : i32 from vector<1xi32>
      %slice3A_1136 = vector.extract_strided_slice %masked_sort3A_1130 {offsets = [0], sizes = [1], strides = [1]} : vector<16xf32> to vector<1xf32>
      %squeeze3A_1137 = vector.extract %slice3A_1136[0] : f32 from vector<1xf32>
      %broadcast_in_dim3A_1138 = vector.broadcast %squeeze3A_1137 : f32 to vector<16xf32>
      %sub3A_1139 = arith.subf %masked_sort3A_1130, %broadcast_in_dim3A_1138 : vector<16xf32>
      %exp3A_1140 = math.exp %sub3A_1139 : vector<16xf32>
      %slice3A_1141 = vector.extract_strided_slice %exp3A_1140 {offsets = [1], sizes = [1], strides = [1]} : vector<16xf32> to vector<1xf32>
      %squeeze3A_1142 = vector.extract %slice3A_1141[0] : f32 from vector<1xf32>
      %broadcast_in_dim3A_1143 = vector.broadcast %squeeze3A_1142 : f32 to vector<16xf32>
      %add3A_1144 = arith.constant 1.000000e+00 : f32
      %add3A_1145 = vector.broadcast %add3A_1144 : f32 to vector<16xf32>
      %add3A_1146 = arith.addf %add3A_1145, %broadcast_in_dim3A_1143 : vector<16xf32>
      %div3A_1147 = arith.constant 1.000000e+00 : f32
      %div3A_1148 = vector.broadcast %div3A_1147 : f32 to vector<16xf32>
      %div3A_1149 = arith.divf %div3A_1148, %add3A_1146 : vector<16xf32>
      %mul3A_1150 = arith.mulf %broadcast_in_dim3A_1143, %div3A_1149 : vector<16xf32>
      %eq3A_1151 = vector.broadcast %squeeze3A_1133 : i32 to vector<16xi32>
      %eq3A_1152 = arith.cmpi eq, %iota3A, %eq3A_1151 : vector<16xi32>
      %eq3A_1153 = vector.broadcast %squeeze3A_1135 : i32 to vector<16xi32>
      %eq3A_1154 = arith.cmpi eq, %iota3A, %eq3A_1153 : vector<16xi32>
      %jit3A_1155 = arith.constant 0.000000e+00 : f32
      %broadcast_in_dim3A_1156 = vector.broadcast %jit3A_1155 : f32 to vector<16xf32>
      %select_n3A_1157 = arith.select %eq3A_1154, %mul3A_1150, %broadcast_in_dim3A_1156 : vector<16xi1>, vector<16xf32>
      %select_n3A_1158 = arith.select %eq3A_1152, %div3A_1149, %select_n3A_1157 : vector<16xi1>, vector<16xf32>
      %swap3A_1159 = arith.constant 16 : i32
      %swap3A_1160 = arith.index_cast %swap3A_1159 : i32 to index
      %swap3A_1161 = arith.constant 0 : index
      %swap3A_1162 = tpu.vector_load %arg6[%swap3A_1160, %swap3A_1161] {strides = array<i32>} : memref<32x16xf32, #tpu.memory_space<vmem>>, vector<16xf32>,
      tpu.vector_store %arg6[%swap3A_1160, %swap3A_1161], %select_n3A_1158 {strides = array<i32>} : memref<32x16xf32, #tpu.memory_space<vmem>>, vector<16xf32>,
      %get3A_1163 = arith.constant 17 : i32
      %get3A_1164 = arith.index_cast %get3A_1163 : i32 to index
      %get3A_1165 = arith.constant 0 : index
      %get3A_1166 = tpu.vector_load %arg5[%get3A_1164, %get3A_1165] {strides = array<i32>} : memref<32x16xf32, #tpu.memory_space<vmem>>, vector<16xf32>,
      %jit3A_1167 = arith.constant -3.000000e+38 : f32
      %broadcast_in_dim3A_1168 = vector.broadcast %jit3A_1167 : f32 to vector<16xf32>
      %select_n3A_1169 = arith.select %lt3A_5, %get3A_1166, %broadcast_in_dim3A_1168 : vector<16xi1>, vector<16xf32>
      %masked_sort3A_1170 = arith.constant dense<true> : vector<16xi1>
      %masked_sort3A_1171, %masked_sort3A_1172, %masked_sort3A_1173 = tpu.sort %select_n3A_1169, %iota3A masked %masked_sort3A_1170 {descending = true} : (vector<16xf32>, vector<16xi32>, vector<16xi1>) -> (vector<16xi1>, vector<16xf32>, vector<16xi32>)
      %slice3A_1174 = vector.extract_strided_slice %masked_sort3A_1172 {offsets = [0], sizes = [1], strides = [1]} : vector<16xf32> to vector<1xf32>
      %squeeze3A_1175 = vector.extract %slice3A_1174[0] : f32 from vector<1xf32>
      %broadcast_in_dim3A_1176 = vector.broadcast %squeeze3A_1175 : f32 to vector<16xf32>
      %sub3A_1177 = arith.subf %select_n3A_1169, %broadcast_in_dim3A_1176 : vector<16xf32>
      %exp3A_1178 = math.exp %sub3A_1177 : vector<16xf32>
      %jit3A_1179 = arith.constant 0.000000e+00 : f32
      %broadcast_in_dim3A_1180 = vector.broadcast %jit3A_1179 : f32 to vector<16xf32>
      %select_n3A_1181 = arith.select %lt3A_5, %exp3A_1178, %broadcast_in_dim3A_1180 : vector<16xi1>, vector<16xf32>
      %broadcast_in_dim3A_1182 = arith.constant true
      %broadcast_in_dim3A_1183 = vector.broadcast %broadcast_in_dim3A_1182 : i1 to vector<16xi1>
      %masked_cumsum3A_1184 = tpu.scan <sum>, %select_n3A_1181 masked %broadcast_in_dim3A_1183 : vector<16xf32>, vector<16xi1> -> vector<16xf32>
      %slice3A_1185 = vector.extract_strided_slice %masked_cumsum3A_1184 {offsets = [15], sizes = [1], strides = [1]} : vector<16xf32> to vector<1xf32>
      %squeeze3A_1186 = vector.extract %slice3A_1185[0] : f32 from vector<1xf32>
      %broadcast_in_dim3A_1187 = vector.broadcast %squeeze3A_1186 : f32 to vector<16xf32>
      %div3A_1188 = arith.divf %select_n3A_1181, %broadcast_in_dim3A_1187 : vector<16xf32>
      %add3A_1189 = arith.addf %add3A_1124, %div3A_1188 : vector<16xf32>
      %jit3A_1190 = arith.constant -1.000000e+00 : f32
      %broadcast_in_dim3A_1191 = vector.broadcast %jit3A_1190 : f32 to vector<16xf32>
      %select_n3A_1192 = arith.select %lt3A_5, %div3A_1188, %broadcast_in_dim3A_1191 : vector<16xi1>, vector<16xf32>
      %masked_sort3A_1193 = arith.constant dense<true> : vector<16xi1>
      %masked_sort3A_1194, %masked_sort3A_1195, %masked_sort3A_1196 = tpu.sort %select_n3A_1192, %iota3A masked %masked_sort3A_1193 {descending = true} : (vector<16xf32>, vector<16xi32>, vector<16xi1>) -> (vector<16xi1>, vector<16xf32>, vector<16xi32>)
      %slice3A_1197 = vector.extract_strided_slice %masked_sort3A_1196 {offsets = [0], sizes = [1], strides = [1]} : vector<16xi32> to vector<1xi32>
      %squeeze3A_1198 = vector.extract %slice3A_1197[0] : i32 from vector<1xi32>
      %slice3A_1199 = vector.extract_strided_slice %masked_sort3A_1196 {offsets = [1], sizes = [1], strides = [1]} : vector<16xi32> to vector<1xi32>
      %squeeze3A_1200 = vector.extract %slice3A_1199[0] : i32 from vector<1xi32>
      %slice3A_1201 = vector.extract_strided_slice %masked_sort3A_1195 {offsets = [0], sizes = [1], strides = [1]} : vector<16xf32> to vector<1xf32>
      %squeeze3A_1202 = vector.extract %slice3A_1201[0] : f32 from vector<1xf32>
      %broadcast_in_dim3A_1203 = vector.broadcast %squeeze3A_1202 : f32 to vector<16xf32>
      %sub3A_1204 = arith.subf %masked_sort3A_1195, %broadcast_in_dim3A_1203 : vector<16xf32>
      %exp3A_1205 = math.exp %sub3A_1204 : vector<16xf32>
      %slice3A_1206 = vector.extract_strided_slice %exp3A_1205 {offsets = [1], sizes = [1], strides = [1]} : vector<16xf32> to vector<1xf32>
      %squeeze3A_1207 = vector.extract %slice3A_1206[0] : f32 from vector<1xf32>
      %broadcast_in_dim3A_1208 = vector.broadcast %squeeze3A_1207 : f32 to vector<16xf32>
      %add3A_1209 = arith.constant 1.000000e+00 : f32
      %add3A_1210 = vector.broadcast %add3A_1209 : f32 to vector<16xf32>
      %add3A_1211 = arith.addf %add3A_1210, %broadcast_in_dim3A_1208 : vector<16xf32>
      %div3A_1212 = arith.constant 1.000000e+00 : f32
      %div3A_1213 = vector.broadcast %div3A_1212 : f32 to vector<16xf32>
      %div3A_1214 = arith.divf %div3A_1213, %add3A_1211 : vector<16xf32>
      %mul3A_1215 = arith.mulf %broadcast_in_dim3A_1208, %div3A_1214 : vector<16xf32>
      %eq3A_1216 = vector.broadcast %squeeze3A_1198 : i32 to vector<16xi32>
      %eq3A_1217 = arith.cmpi eq, %iota3A, %eq3A_1216 : vector<16xi32>
      %eq3A_1218 = vector.broadcast %squeeze3A_1200 : i32 to vector<16xi32>
      %eq3A_1219 = arith.cmpi eq, %iota3A, %eq3A_1218 : vector<16xi32>
      %jit3A_1220 = arith.constant 0.000000e+00 : f32
      %broadcast_in_dim3A_1221 = vector.broadcast %jit3A_1220 : f32 to vector<16xf32>
      %select_n3A_1222 = arith.select %eq3A_1219, %mul3A_1215, %broadcast_in_dim3A_1221 : vector<16xi1>, vector<16xf32>
      %select_n3A_1223 = arith.select %eq3A_1217, %div3A_1214, %select_n3A_1222 : vector<16xi1>, vector<16xf32>
      %swap3A_1224 = arith.constant 17 : i32
      %swap3A_1225 = arith.index_cast %swap3A_1224 : i32 to index
      %swap3A_1226 = arith.constant 0 : index
      %swap3A_1227 = tpu.vector_load %arg6[%swap3A_1225, %swap3A_1226] {strides = array<i32>} : memref<32x16xf32, #tpu.memory_space<vmem>>, vector<16xf32>,
      tpu.vector_store %arg6[%swap3A_1225, %swap3A_1226], %select_n3A_1223 {strides = array<i32>} : memref<32x16xf32, #tpu.memory_space<vmem>>, vector<16xf32>,
      %get3A_1228 = arith.constant 18 : i32
      %get3A_1229 = arith.index_cast %get3A_1228 : i32 to index
      %get3A_1230 = arith.constant 0 : index
      %get3A_1231 = tpu.vector_load %arg5[%get3A_1229, %get3A_1230] {strides = array<i32>} : memref<32x16xf32, #tpu.memory_space<vmem>>, vector<16xf32>,
      %jit3A_1232 = arith.constant -3.000000e+38 : f32
      %broadcast_in_dim3A_1233 = vector.broadcast %jit3A_1232 : f32 to vector<16xf32>
      %select_n3A_1234 = arith.select %lt3A_5, %get3A_1231, %broadcast_in_dim3A_1233 : vector<16xi1>, vector<16xf32>
      %masked_sort3A_1235 = arith.constant dense<true> : vector<16xi1>
      %masked_sort3A_1236, %masked_sort3A_1237, %masked_sort3A_1238 = tpu.sort %select_n3A_1234, %iota3A masked %masked_sort3A_1235 {descending = true} : (vector<16xf32>, vector<16xi32>, vector<16xi1>) -> (vector<16xi1>, vector<16xf32>, vector<16xi32>)
      %slice3A_1239 = vector.extract_strided_slice %masked_sort3A_1237 {offsets = [0], sizes = [1], strides = [1]} : vector<16xf32> to vector<1xf32>
      %squeeze3A_1240 = vector.extract %slice3A_1239[0] : f32 from vector<1xf32>
      %broadcast_in_dim3A_1241 = vector.broadcast %squeeze3A_1240 : f32 to vector<16xf32>
      %sub3A_1242 = arith.subf %select_n3A_1234, %broadcast_in_dim3A_1241 : vector<16xf32>
      %exp3A_1243 = math.exp %sub3A_1242 : vector<16xf32>
      %jit3A_1244 = arith.constant 0.000000e+00 : f32
      %broadcast_in_dim3A_1245 = vector.broadcast %jit3A_1244 : f32 to vector<16xf32>
      %select_n3A_1246 = arith.select %lt3A_5, %exp3A_1243, %broadcast_in_dim3A_1245 : vector<16xi1>, vector<16xf32>
      %broadcast_in_dim3A_1247 = arith.constant true
      %broadcast_in_dim3A_1248 = vector.broadcast %broadcast_in_dim3A_1247 : i1 to vector<16xi1>
      %masked_cumsum3A_1249 = tpu.scan <sum>, %select_n3A_1246 masked %broadcast_in_dim3A_1248 : vector<16xf32>, vector<16xi1> -> vector<16xf32>
      %slice3A_1250 = vector.extract_strided_slice %masked_cumsum3A_1249 {offsets = [15], sizes = [1], strides = [1]} : vector<16xf32> to vector<1xf32>
      %squeeze3A_1251 = vector.extract %slice3A_1250[0] : f32 from vector<1xf32>
      %broadcast_in_dim3A_1252 = vector.broadcast %squeeze3A_1251 : f32 to vector<16xf32>
      %div3A_1253 = arith.divf %select_n3A_1246, %broadcast_in_dim3A_1252 : vector<16xf32>
      %add3A_1254 = arith.addf %add3A_1189, %div3A_1253 : vector<16xf32>
      %jit3A_1255 = arith.constant -1.000000e+00 : f32
      %broadcast_in_dim3A_1256 = vector.broadcast %jit3A_1255 : f32 to vector<16xf32>
      %select_n3A_1257 = arith.select %lt3A_5, %div3A_1253, %broadcast_in_dim3A_1256 : vector<16xi1>, vector<16xf32>
      %masked_sort3A_1258 = arith.constant dense<true> : vector<16xi1>
      %masked_sort3A_1259, %masked_sort3A_1260, %masked_sort3A_1261 = tpu.sort %select_n3A_1257, %iota3A masked %masked_sort3A_1258 {descending = true} : (vector<16xf32>, vector<16xi32>, vector<16xi1>) -> (vector<16xi1>, vector<16xf32>, vector<16xi32>)
      %slice3A_1262 = vector.extract_strided_slice %masked_sort3A_1261 {offsets = [0], sizes = [1], strides = [1]} : vector<16xi32> to vector<1xi32>
      %squeeze3A_1263 = vector.extract %slice3A_1262[0] : i32 from vector<1xi32>
      %slice3A_1264 = vector.extract_strided_slice %masked_sort3A_1261 {offsets = [1], sizes = [1], strides = [1]} : vector<16xi32> to vector<1xi32>
      %squeeze3A_1265 = vector.extract %slice3A_1264[0] : i32 from vector<1xi32>
      %slice3A_1266 = vector.extract_strided_slice %masked_sort3A_1260 {offsets = [0], sizes = [1], strides = [1]} : vector<16xf32> to vector<1xf32>
      %squeeze3A_1267 = vector.extract %slice3A_1266[0] : f32 from vector<1xf32>
      %broadcast_in_dim3A_1268 = vector.broadcast %squeeze3A_1267 : f32 to vector<16xf32>
      %sub3A_1269 = arith.subf %masked_sort3A_1260, %broadcast_in_dim3A_1268 : vector<16xf32>
      %exp3A_1270 = math.exp %sub3A_1269 : vector<16xf32>
      %slice3A_1271 = vector.extract_strided_slice %exp3A_1270 {offsets = [1], sizes = [1], strides = [1]} : vector<16xf32> to vector<1xf32>
      %squeeze3A_1272 = vector.extract %slice3A_1271[0] : f32 from vector<1xf32>
      %broadcast_in_dim3A_1273 = vector.broadcast %squeeze3A_1272 : f32 to vector<16xf32>
      %add3A_1274 = arith.constant 1.000000e+00 : f32
      %add3A_1275 = vector.broadcast %add3A_1274 : f32 to vector<16xf32>
      %add3A_1276 = arith.addf %add3A_1275, %broadcast_in_dim3A_1273 : vector<16xf32>
      %div3A_1277 = arith.constant 1.000000e+00 : f32
      %div3A_1278 = vector.broadcast %div3A_1277 : f32 to vector<16xf32>
      %div3A_1279 = arith.divf %div3A_1278, %add3A_1276 : vector<16xf32>
      %mul3A_1280 = arith.mulf %broadcast_in_dim3A_1273, %div3A_1279 : vector<16xf32>
      %eq3A_1281 = vector.broadcast %squeeze3A_1263 : i32 to vector<16xi32>
      %eq3A_1282 = arith.cmpi eq, %iota3A, %eq3A_1281 : vector<16xi32>
      %eq3A_1283 = vector.broadcast %squeeze3A_1265 : i32 to vector<16xi32>
      %eq3A_1284 = arith.cmpi eq, %iota3A, %eq3A_1283 : vector<16xi32>
      %jit3A_1285 = arith.constant 0.000000e+00 : f32
      %broadcast_in_dim3A_1286 = vector.broadcast %jit3A_1285 : f32 to vector<16xf32>
      %select_n3A_1287 = arith.select %eq3A_1284, %mul3A_1280, %broadcast_in_dim3A_1286 : vector<16xi1>, vector<16xf32>
      %select_n3A_1288 = arith.select %eq3A_1282, %div3A_1279, %select_n3A_1287 : vector<16xi1>, vector<16xf32>
      %swap3A_1289 = arith.constant 18 : i32
      %swap3A_1290 = arith.index_cast %swap3A_1289 : i32 to index
      %swap3A_1291 = arith.constant 0 : index
      %swap3A_1292 = tpu.vector_load %arg6[%swap3A_1290, %swap3A_1291] {strides = array<i32>} : memref<32x16xf32, #tpu.memory_space<vmem>>, vector<16xf32>,
      tpu.vector_store %arg6[%swap3A_1290, %swap3A_1291], %select_n3A_1288 {strides = array<i32>} : memref<32x16xf32, #tpu.memory_space<vmem>>, vector<16xf32>,
      %get3A_1293 = arith.constant 19 : i32
      %get3A_1294 = arith.index_cast %get3A_1293 : i32 to index
      %get3A_1295 = arith.constant 0 : index
      %get3A_1296 = tpu.vector_load %arg5[%get3A_1294, %get3A_1295] {strides = array<i32>} : memref<32x16xf32, #tpu.memory_space<vmem>>, vector<16xf32>,
      %jit3A_1297 = arith.constant -3.000000e+38 : f32
      %broadcast_in_dim3A_1298 = vector.broadcast %jit3A_1297 : f32 to vector<16xf32>
      %select_n3A_1299 = arith.select %lt3A_5, %get3A_1296, %broadcast_in_dim3A_1298 : vector<16xi1>, vector<16xf32>
      %masked_sort3A_1300 = arith.constant dense<true> : vector<16xi1>
      %masked_sort3A_1301, %masked_sort3A_1302, %masked_sort3A_1303 = tpu.sort %select_n3A_1299, %iota3A masked %masked_sort3A_1300 {descending = true} : (vector<16xf32>, vector<16xi32>, vector<16xi1>) -> (vector<16xi1>, vector<16xf32>, vector<16xi32>)
      %slice3A_1304 = vector.extract_strided_slice %masked_sort3A_1302 {offsets = [0], sizes = [1], strides = [1]} : vector<16xf32> to vector<1xf32>
      %squeeze3A_1305 = vector.extract %slice3A_1304[0] : f32 from vector<1xf32>
      %broadcast_in_dim3A_1306 = vector.broadcast %squeeze3A_1305 : f32 to vector<16xf32>
      %sub3A_1307 = arith.subf %select_n3A_1299, %broadcast_in_dim3A_1306 : vector<16xf32>
      %exp3A_1308 = math.exp %sub3A_1307 : vector<16xf32>
      %jit3A_1309 = arith.constant 0.000000e+00 : f32
      %broadcast_in_dim3A_1310 = vector.broadcast %jit3A_1309 : f32 to vector<16xf32>
      %select_n3A_1311 = arith.select %lt3A_5, %exp3A_1308, %broadcast_in_dim3A_1310 : vector<16xi1>, vector<16xf32>
      %broadcast_in_dim3A_1312 = arith.constant true
      %broadcast_in_dim3A_1313 = vector.broadcast %broadcast_in_dim3A_1312 : i1 to vector<16xi1>
      %masked_cumsum3A_1314 = tpu.scan <sum>, %select_n3A_1311 masked %broadcast_in_dim3A_1313 : vector<16xf32>, vector<16xi1> -> vector<16xf32>
      %slice3A_1315 = vector.extract_strided_slice %masked_cumsum3A_1314 {offsets = [15], sizes = [1], strides = [1]} : vector<16xf32> to vector<1xf32>
      %squeeze3A_1316 = vector.extract %slice3A_1315[0] : f32 from vector<1xf32>
      %broadcast_in_dim3A_1317 = vector.broadcast %squeeze3A_1316 : f32 to vector<16xf32>
      %div3A_1318 = arith.divf %select_n3A_1311, %broadcast_in_dim3A_1317 : vector<16xf32>
      %add3A_1319 = arith.addf %add3A_1254, %div3A_1318 : vector<16xf32>
      %jit3A_1320 = arith.constant -1.000000e+00 : f32
      %broadcast_in_dim3A_1321 = vector.broadcast %jit3A_1320 : f32 to vector<16xf32>
      %select_n3A_1322 = arith.select %lt3A_5, %div3A_1318, %broadcast_in_dim3A_1321 : vector<16xi1>, vector<16xf32>
      %masked_sort3A_1323 = arith.constant dense<true> : vector<16xi1>
      %masked_sort3A_1324, %masked_sort3A_1325, %masked_sort3A_1326 = tpu.sort %select_n3A_1322, %iota3A masked %masked_sort3A_1323 {descending = true} : (vector<16xf32>, vector<16xi32>, vector<16xi1>) -> (vector<16xi1>, vector<16xf32>, vector<16xi32>)
      %slice3A_1327 = vector.extract_strided_slice %masked_sort3A_1326 {offsets = [0], sizes = [1], strides = [1]} : vector<16xi32> to vector<1xi32>
      %squeeze3A_1328 = vector.extract %slice3A_1327[0] : i32 from vector<1xi32>
      %slice3A_1329 = vector.extract_strided_slice %masked_sort3A_1326 {offsets = [1], sizes = [1], strides = [1]} : vector<16xi32> to vector<1xi32>
      %squeeze3A_1330 = vector.extract %slice3A_1329[0] : i32 from vector<1xi32>
      %slice3A_1331 = vector.extract_strided_slice %masked_sort3A_1325 {offsets = [0], sizes = [1], strides = [1]} : vector<16xf32> to vector<1xf32>
      %squeeze3A_1332 = vector.extract %slice3A_1331[0] : f32 from vector<1xf32>
      %broadcast_in_dim3A_1333 = vector.broadcast %squeeze3A_1332 : f32 to vector<16xf32>
      %sub3A_1334 = arith.subf %masked_sort3A_1325, %broadcast_in_dim3A_1333 : vector<16xf32>
      %exp3A_1335 = math.exp %sub3A_1334 : vector<16xf32>
      %slice3A_1336 = vector.extract_strided_slice %exp3A_1335 {offsets = [1], sizes = [1], strides = [1]} : vector<16xf32> to vector<1xf32>
      %squeeze3A_1337 = vector.extract %slice3A_1336[0] : f32 from vector<1xf32>
      %broadcast_in_dim3A_1338 = vector.broadcast %squeeze3A_1337 : f32 to vector<16xf32>
      %add3A_1339 = arith.constant 1.000000e+00 : f32
      %add3A_1340 = vector.broadcast %add3A_1339 : f32 to vector<16xf32>
      %add3A_1341 = arith.addf %add3A_1340, %broadcast_in_dim3A_1338 : vector<16xf32>
      %div3A_1342 = arith.constant 1.000000e+00 : f32
      %div3A_1343 = vector.broadcast %div3A_1342 : f32 to vector<16xf32>
      %div3A_1344 = arith.divf %div3A_1343, %add3A_1341 : vector<16xf32>
      %mul3A_1345 = arith.mulf %broadcast_in_dim3A_1338, %div3A_1344 : vector<16xf32>
      %eq3A_1346 = vector.broadcast %squeeze3A_1328 : i32 to vector<16xi32>
      %eq3A_1347 = arith.cmpi eq, %iota3A, %eq3A_1346 : vector<16xi32>
      %eq3A_1348 = vector.broadcast %squeeze3A_1330 : i32 to vector<16xi32>
      %eq3A_1349 = arith.cmpi eq, %iota3A, %eq3A_1348 : vector<16xi32>
      %jit3A_1350 = arith.constant 0.000000e+00 : f32
      %broadcast_in_dim3A_1351 = vector.broadcast %jit3A_1350 : f32 to vector<16xf32>
      %select_n3A_1352 = arith.select %eq3A_1349, %mul3A_1345, %broadcast_in_dim3A_1351 : vector<16xi1>, vector<16xf32>
      %select_n3A_1353 = arith.select %eq3A_1347, %div3A_1344, %select_n3A_1352 : vector<16xi1>, vector<16xf32>
      %swap3A_1354 = arith.constant 19 : i32
      %swap3A_1355 = arith.index_cast %swap3A_1354 : i32 to index
      %swap3A_1356 = arith.constant 0 : index
      %swap3A_1357 = tpu.vector_load %arg6[%swap3A_1355, %swap3A_1356] {strides = array<i32>} : memref<32x16xf32, #tpu.memory_space<vmem>>, vector<16xf32>,
      tpu.vector_store %arg6[%swap3A_1355, %swap3A_1356], %select_n3A_1353 {strides = array<i32>} : memref<32x16xf32, #tpu.memory_space<vmem>>, vector<16xf32>,
      %get3A_1358 = arith.constant 20 : i32
      %get3A_1359 = arith.index_cast %get3A_1358 : i32 to index
      %get3A_1360 = arith.constant 0 : index
      %get3A_1361 = tpu.vector_load %arg5[%get3A_1359, %get3A_1360] {strides = array<i32>} : memref<32x16xf32, #tpu.memory_space<vmem>>, vector<16xf32>,
      %jit3A_1362 = arith.constant -3.000000e+38 : f32
      %broadcast_in_dim3A_1363 = vector.broadcast %jit3A_1362 : f32 to vector<16xf32>
      %select_n3A_1364 = arith.select %lt3A_5, %get3A_1361, %broadcast_in_dim3A_1363 : vector<16xi1>, vector<16xf32>
      %masked_sort3A_1365 = arith.constant dense<true> : vector<16xi1>
      %masked_sort3A_1366, %masked_sort3A_1367, %masked_sort3A_1368 = tpu.sort %select_n3A_1364, %iota3A masked %masked_sort3A_1365 {descending = true} : (vector<16xf32>, vector<16xi32>, vector<16xi1>) -> (vector<16xi1>, vector<16xf32>, vector<16xi32>)
      %slice3A_1369 = vector.extract_strided_slice %masked_sort3A_1367 {offsets = [0], sizes = [1], strides = [1]} : vector<16xf32> to vector<1xf32>
      %squeeze3A_1370 = vector.extract %slice3A_1369[0] : f32 from vector<1xf32>
      %broadcast_in_dim3A_1371 = vector.broadcast %squeeze3A_1370 : f32 to vector<16xf32>
      %sub3A_1372 = arith.subf %select_n3A_1364, %broadcast_in_dim3A_1371 : vector<16xf32>
      %exp3A_1373 = math.exp %sub3A_1372 : vector<16xf32>
      %jit3A_1374 = arith.constant 0.000000e+00 : f32
      %broadcast_in_dim3A_1375 = vector.broadcast %jit3A_1374 : f32 to vector<16xf32>
      %select_n3A_1376 = arith.select %lt3A_5, %exp3A_1373, %broadcast_in_dim3A_1375 : vector<16xi1>, vector<16xf32>
      %broadcast_in_dim3A_1377 = arith.constant true
      %broadcast_in_dim3A_1378 = vector.broadcast %broadcast_in_dim3A_1377 : i1 to vector<16xi1>
      %masked_cumsum3A_1379 = tpu.scan <sum>, %select_n3A_1376 masked %broadcast_in_dim3A_1378 : vector<16xf32>, vector<16xi1> -> vector<16xf32>
      %slice3A_1380 = vector.extract_strided_slice %masked_cumsum3A_1379 {offsets = [15], sizes = [1], strides = [1]} : vector<16xf32> to vector<1xf32>
      %squeeze3A_1381 = vector.extract %slice3A_1380[0] : f32 from vector<1xf32>
      %broadcast_in_dim3A_1382 = vector.broadcast %squeeze3A_1381 : f32 to vector<16xf32>
      %div3A_1383 = arith.divf %select_n3A_1376, %broadcast_in_dim3A_1382 : vector<16xf32>
      %add3A_1384 = arith.addf %add3A_1319, %div3A_1383 : vector<16xf32>
      %jit3A_1385 = arith.constant -1.000000e+00 : f32
      %broadcast_in_dim3A_1386 = vector.broadcast %jit3A_1385 : f32 to vector<16xf32>
      %select_n3A_1387 = arith.select %lt3A_5, %div3A_1383, %broadcast_in_dim3A_1386 : vector<16xi1>, vector<16xf32>
      %masked_sort3A_1388 = arith.constant dense<true> : vector<16xi1>
      %masked_sort3A_1389, %masked_sort3A_1390, %masked_sort3A_1391 = tpu.sort %select_n3A_1387, %iota3A masked %masked_sort3A_1388 {descending = true} : (vector<16xf32>, vector<16xi32>, vector<16xi1>) -> (vector<16xi1>, vector<16xf32>, vector<16xi32>)
      %slice3A_1392 = vector.extract_strided_slice %masked_sort3A_1391 {offsets = [0], sizes = [1], strides = [1]} : vector<16xi32> to vector<1xi32>
      %squeeze3A_1393 = vector.extract %slice3A_1392[0] : i32 from vector<1xi32>
      %slice3A_1394 = vector.extract_strided_slice %masked_sort3A_1391 {offsets = [1], sizes = [1], strides = [1]} : vector<16xi32> to vector<1xi32>
      %squeeze3A_1395 = vector.extract %slice3A_1394[0] : i32 from vector<1xi32>
      %slice3A_1396 = vector.extract_strided_slice %masked_sort3A_1390 {offsets = [0], sizes = [1], strides = [1]} : vector<16xf32> to vector<1xf32>
      %squeeze3A_1397 = vector.extract %slice3A_1396[0] : f32 from vector<1xf32>
      %broadcast_in_dim3A_1398 = vector.broadcast %squeeze3A_1397 : f32 to vector<16xf32>
      %sub3A_1399 = arith.subf %masked_sort3A_1390, %broadcast_in_dim3A_1398 : vector<16xf32>
      %exp3A_1400 = math.exp %sub3A_1399 : vector<16xf32>
      %slice3A_1401 = vector.extract_strided_slice %exp3A_1400 {offsets = [1], sizes = [1], strides = [1]} : vector<16xf32> to vector<1xf32>
      %squeeze3A_1402 = vector.extract %slice3A_1401[0] : f32 from vector<1xf32>
      %broadcast_in_dim3A_1403 = vector.broadcast %squeeze3A_1402 : f32 to vector<16xf32>
      %add3A_1404 = arith.constant 1.000000e+00 : f32
      %add3A_1405 = vector.broadcast %add3A_1404 : f32 to vector<16xf32>
      %add3A_1406 = arith.addf %add3A_1405, %broadcast_in_dim3A_1403 : vector<16xf32>
      %div3A_1407 = arith.constant 1.000000e+00 : f32
      %div3A_1408 = vector.broadcast %div3A_1407 : f32 to vector<16xf32>
      %div3A_1409 = arith.divf %div3A_1408, %add3A_1406 : vector<16xf32>
      %mul3A_1410 = arith.mulf %broadcast_in_dim3A_1403, %div3A_1409 : vector<16xf32>
      %eq3A_1411 = vector.broadcast %squeeze3A_1393 : i32 to vector<16xi32>
      %eq3A_1412 = arith.cmpi eq, %iota3A, %eq3A_1411 : vector<16xi32>
      %eq3A_1413 = vector.broadcast %squeeze3A_1395 : i32 to vector<16xi32>
      %eq3A_1414 = arith.cmpi eq, %iota3A, %eq3A_1413 : vector<16xi32>
      %jit3A_1415 = arith.constant 0.000000e+00 : f32
      %broadcast_in_dim3A_1416 = vector.broadcast %jit3A_1415 : f32 to vector<16xf32>
      %select_n3A_1417 = arith.select %eq3A_1414, %mul3A_1410, %broadcast_in_dim3A_1416 : vector<16xi1>, vector<16xf32>
      %select_n3A_1418 = arith.select %eq3A_1412, %div3A_1409, %select_n3A_1417 : vector<16xi1>, vector<16xf32>
      %swap3A_1419 = arith.constant 20 : i32
      %swap3A_1420 = arith.index_cast %swap3A_1419 : i32 to index
      %swap3A_1421 = arith.constant 0 : index
      %swap3A_1422 = tpu.vector_load %arg6[%swap3A_1420, %swap3A_1421] {strides = array<i32>} : memref<32x16xf32, #tpu.memory_space<vmem>>, vector<16xf32>,
      tpu.vector_store %arg6[%swap3A_1420, %swap3A_1421], %select_n3A_1418 {strides = array<i32>} : memref<32x16xf32, #tpu.memory_space<vmem>>, vector<16xf32>,
      %get3A_1423 = arith.constant 21 : i32
      %get3A_1424 = arith.index_cast %get3A_1423 : i32 to index
      %get3A_1425 = arith.constant 0 : index
      %get3A_1426 = tpu.vector_load %arg5[%get3A_1424, %get3A_1425] {strides = array<i32>} : memref<32x16xf32, #tpu.memory_space<vmem>>, vector<16xf32>,
      %jit3A_1427 = arith.constant -3.000000e+38 : f32
      %broadcast_in_dim3A_1428 = vector.broadcast %jit3A_1427 : f32 to vector<16xf32>
      %select_n3A_1429 = arith.select %lt3A_5, %get3A_1426, %broadcast_in_dim3A_1428 : vector<16xi1>, vector<16xf32>
      %masked_sort3A_1430 = arith.constant dense<true> : vector<16xi1>
      %masked_sort3A_1431, %masked_sort3A_1432, %masked_sort3A_1433 = tpu.sort %select_n3A_1429, %iota3A masked %masked_sort3A_1430 {descending = true} : (vector<16xf32>, vector<16xi32>, vector<16xi1>) -> (vector<16xi1>, vector<16xf32>, vector<16xi32>)
      %slice3A_1434 = vector.extract_strided_slice %masked_sort3A_1432 {offsets = [0], sizes = [1], strides = [1]} : vector<16xf32> to vector<1xf32>
      %squeeze3A_1435 = vector.extract %slice3A_1434[0] : f32 from vector<1xf32>
      %broadcast_in_dim3A_1436 = vector.broadcast %squeeze3A_1435 : f32 to vector<16xf32>
      %sub3A_1437 = arith.subf %select_n3A_1429, %broadcast_in_dim3A_1436 : vector<16xf32>
      %exp3A_1438 = math.exp %sub3A_1437 : vector<16xf32>
      %jit3A_1439 = arith.constant 0.000000e+00 : f32
      %broadcast_in_dim3A_1440 = vector.broadcast %jit3A_1439 : f32 to vector<16xf32>
      %select_n3A_1441 = arith.select %lt3A_5, %exp3A_1438, %broadcast_in_dim3A_1440 : vector<16xi1>, vector<16xf32>
      %broadcast_in_dim3A_1442 = arith.constant true
      %broadcast_in_dim3A_1443 = vector.broadcast %broadcast_in_dim3A_1442 : i1 to vector<16xi1>
      %masked_cumsum3A_1444 = tpu.scan <sum>, %select_n3A_1441 masked %broadcast_in_dim3A_1443 : vector<16xf32>, vector<16xi1> -> vector<16xf32>
      %slice3A_1445 = vector.extract_strided_slice %masked_cumsum3A_1444 {offsets = [15], sizes = [1], strides = [1]} : vector<16xf32> to vector<1xf32>
      %squeeze3A_1446 = vector.extract %slice3A_1445[0] : f32 from vector<1xf32>
      %broadcast_in_dim3A_1447 = vector.broadcast %squeeze3A_1446 : f32 to vector<16xf32>
      %div3A_1448 = arith.divf %select_n3A_1441, %broadcast_in_dim3A_1447 : vector<16xf32>
      %add3A_1449 = arith.addf %add3A_1384, %div3A_1448 : vector<16xf32>
      %jit3A_1450 = arith.constant -1.000000e+00 : f32
      %broadcast_in_dim3A_1451 = vector.broadcast %jit3A_1450 : f32 to vector<16xf32>
      %select_n3A_1452 = arith.select %lt3A_5, %div3A_1448, %broadcast_in_dim3A_1451 : vector<16xi1>, vector<16xf32>
      %masked_sort3A_1453 = arith.constant dense<true> : vector<16xi1>
      %masked_sort3A_1454, %masked_sort3A_1455, %masked_sort3A_1456 = tpu.sort %select_n3A_1452, %iota3A masked %masked_sort3A_1453 {descending = true} : (vector<16xf32>, vector<16xi32>, vector<16xi1>) -> (vector<16xi1>, vector<16xf32>, vector<16xi32>)
      %slice3A_1457 = vector.extract_strided_slice %masked_sort3A_1456 {offsets = [0], sizes = [1], strides = [1]} : vector<16xi32> to vector<1xi32>
      %squeeze3A_1458 = vector.extract %slice3A_1457[0] : i32 from vector<1xi32>
      %slice3A_1459 = vector.extract_strided_slice %masked_sort3A_1456 {offsets = [1], sizes = [1], strides = [1]} : vector<16xi32> to vector<1xi32>
      %squeeze3A_1460 = vector.extract %slice3A_1459[0] : i32 from vector<1xi32>
      %slice3A_1461 = vector.extract_strided_slice %masked_sort3A_1455 {offsets = [0], sizes = [1], strides = [1]} : vector<16xf32> to vector<1xf32>
      %squeeze3A_1462 = vector.extract %slice3A_1461[0] : f32 from vector<1xf32>
      %broadcast_in_dim3A_1463 = vector.broadcast %squeeze3A_1462 : f32 to vector<16xf32>
      %sub3A_1464 = arith.subf %masked_sort3A_1455, %broadcast_in_dim3A_1463 : vector<16xf32>
      %exp3A_1465 = math.exp %sub3A_1464 : vector<16xf32>
      %slice3A_1466 = vector.extract_strided_slice %exp3A_1465 {offsets = [1], sizes = [1], strides = [1]} : vector<16xf32> to vector<1xf32>
      %squeeze3A_1467 = vector.extract %slice3A_1466[0] : f32 from vector<1xf32>
      %broadcast_in_dim3A_1468 = vector.broadcast %squeeze3A_1467 : f32 to vector<16xf32>
      %add3A_1469 = arith.constant 1.000000e+00 : f32
      %add3A_1470 = vector.broadcast %add3A_1469 : f32 to vector<16xf32>
      %add3A_1471 = arith.addf %add3A_1470, %broadcast_in_dim3A_1468 : vector<16xf32>
      %div3A_1472 = arith.constant 1.000000e+00 : f32
      %div3A_1473 = vector.broadcast %div3A_1472 : f32 to vector<16xf32>
      %div3A_1474 = arith.divf %div3A_1473, %add3A_1471 : vector<16xf32>
      %mul3A_1475 = arith.mulf %broadcast_in_dim3A_1468, %div3A_1474 : vector<16xf32>
      %eq3A_1476 = vector.broadcast %squeeze3A_1458 : i32 to vector<16xi32>
      %eq3A_1477 = arith.cmpi eq, %iota3A, %eq3A_1476 : vector<16xi32>
      %eq3A_1478 = vector.broadcast %squeeze3A_1460 : i32 to vector<16xi32>
      %eq3A_1479 = arith.cmpi eq, %iota3A, %eq3A_1478 : vector<16xi32>
      %jit3A_1480 = arith.constant 0.000000e+00 : f32
      %broadcast_in_dim3A_1481 = vector.broadcast %jit3A_1480 : f32 to vector<16xf32>
      %select_n3A_1482 = arith.select %eq3A_1479, %mul3A_1475, %broadcast_in_dim3A_1481 : vector<16xi1>, vector<16xf32>
      %select_n3A_1483 = arith.select %eq3A_1477, %div3A_1474, %select_n3A_1482 : vector<16xi1>, vector<16xf32>
      %swap3A_1484 = arith.constant 21 : i32
      %swap3A_1485 = arith.index_cast %swap3A_1484 : i32 to index
      %swap3A_1486 = arith.constant 0 : index
      %swap3A_1487 = tpu.vector_load %arg6[%swap3A_1485, %swap3A_1486] {strides = array<i32>} : memref<32x16xf32, #tpu.memory_space<vmem>>, vector<16xf32>,
      tpu.vector_store %arg6[%swap3A_1485, %swap3A_1486], %select_n3A_1483 {strides = array<i32>} : memref<32x16xf32, #tpu.memory_space<vmem>>, vector<16xf32>,
      %get3A_1488 = arith.constant 22 : i32
      %get3A_1489 = arith.index_cast %get3A_1488 : i32 to index
      %get3A_1490 = arith.constant 0 : index
      %get3A_1491 = tpu.vector_load %arg5[%get3A_1489, %get3A_1490] {strides = array<i32>} : memref<32x16xf32, #tpu.memory_space<vmem>>, vector<16xf32>,
      %jit3A_1492 = arith.constant -3.000000e+38 : f32
      %broadcast_in_dim3A_1493 = vector.broadcast %jit3A_1492 : f32 to vector<16xf32>
      %select_n3A_1494 = arith.select %lt3A_5, %get3A_1491, %broadcast_in_dim3A_1493 : vector<16xi1>, vector<16xf32>
      %masked_sort3A_1495 = arith.constant dense<true> : vector<16xi1>
      %masked_sort3A_1496, %masked_sort3A_1497, %masked_sort3A_1498 = tpu.sort %select_n3A_1494, %iota3A masked %masked_sort3A_1495 {descending = true} : (vector<16xf32>, vector<16xi32>, vector<16xi1>) -> (vector<16xi1>, vector<16xf32>, vector<16xi32>)
      %slice3A_1499 = vector.extract_strided_slice %masked_sort3A_1497 {offsets = [0], sizes = [1], strides = [1]} : vector<16xf32> to vector<1xf32>
      %squeeze3A_1500 = vector.extract %slice3A_1499[0] : f32 from vector<1xf32>
      %broadcast_in_dim3A_1501 = vector.broadcast %squeeze3A_1500 : f32 to vector<16xf32>
      %sub3A_1502 = arith.subf %select_n3A_1494, %broadcast_in_dim3A_1501 : vector<16xf32>
      %exp3A_1503 = math.exp %sub3A_1502 : vector<16xf32>
      %jit3A_1504 = arith.constant 0.000000e+00 : f32
      %broadcast_in_dim3A_1505 = vector.broadcast %jit3A_1504 : f32 to vector<16xf32>
      %select_n3A_1506 = arith.select %lt3A_5, %exp3A_1503, %broadcast_in_dim3A_1505 : vector<16xi1>, vector<16xf32>
      %broadcast_in_dim3A_1507 = arith.constant true
      %broadcast_in_dim3A_1508 = vector.broadcast %broadcast_in_dim3A_1507 : i1 to vector<16xi1>
      %masked_cumsum3A_1509 = tpu.scan <sum>, %select_n3A_1506 masked %broadcast_in_dim3A_1508 : vector<16xf32>, vector<16xi1> -> vector<16xf32>
      %slice3A_1510 = vector.extract_strided_slice %masked_cumsum3A_1509 {offsets = [15], sizes = [1], strides = [1]} : vector<16xf32> to vector<1xf32>
      %squeeze3A_1511 = vector.extract %slice3A_1510[0] : f32 from vector<1xf32>
      %broadcast_in_dim3A_1512 = vector.broadcast %squeeze3A_1511 : f32 to vector<16xf32>
      %div3A_1513 = arith.divf %select_n3A_1506, %broadcast_in_dim3A_1512 : vector<16xf32>
      %add3A_1514 = arith.addf %add3A_1449, %div3A_1513 : vector<16xf32>
      %jit3A_1515 = arith.constant -1.000000e+00 : f32
      %broadcast_in_dim3A_1516 = vector.broadcast %jit3A_1515 : f32 to vector<16xf32>
      %select_n3A_1517 = arith.select %lt3A_5, %div3A_1513, %broadcast_in_dim3A_1516 : vector<16xi1>, vector<16xf32>
      %masked_sort3A_1518 = arith.constant dense<true> : vector<16xi1>
      %masked_sort3A_1519, %masked_sort3A_1520, %masked_sort3A_1521 = tpu.sort %select_n3A_1517, %iota3A masked %masked_sort3A_1518 {descending = true} : (vector<16xf32>, vector<16xi32>, vector<16xi1>) -> (vector<16xi1>, vector<16xf32>, vector<16xi32>)
      %slice3A_1522 = vector.extract_strided_slice %masked_sort3A_1521 {offsets = [0], sizes = [1], strides = [1]} : vector<16xi32> to vector<1xi32>
      %squeeze3A_1523 = vector.extract %slice3A_1522[0] : i32 from vector<1xi32>
      %slice3A_1524 = vector.extract_strided_slice %masked_sort3A_1521 {offsets = [1], sizes = [1], strides = [1]} : vector<16xi32> to vector<1xi32>
      %squeeze3A_1525 = vector.extract %slice3A_1524[0] : i32 from vector<1xi32>
      %slice3A_1526 = vector.extract_strided_slice %masked_sort3A_1520 {offsets = [0], sizes = [1], strides = [1]} : vector<16xf32> to vector<1xf32>
      %squeeze3A_1527 = vector.extract %slice3A_1526[0] : f32 from vector<1xf32>
      %broadcast_in_dim3A_1528 = vector.broadcast %squeeze3A_1527 : f32 to vector<16xf32>
      %sub3A_1529 = arith.subf %masked_sort3A_1520, %broadcast_in_dim3A_1528 : vector<16xf32>
      %exp3A_1530 = math.exp %sub3A_1529 : vector<16xf32>
      %slice3A_1531 = vector.extract_strided_slice %exp3A_1530 {offsets = [1], sizes = [1], strides = [1]} : vector<16xf32> to vector<1xf32>
      %squeeze3A_1532 = vector.extract %slice3A_1531[0] : f32 from vector<1xf32>
      %broadcast_in_dim3A_1533 = vector.broadcast %squeeze3A_1532 : f32 to vector<16xf32>
      %add3A_1534 = arith.constant 1.000000e+00 : f32
      %add3A_1535 = vector.broadcast %add3A_1534 : f32 to vector<16xf32>
      %add3A_1536 = arith.addf %add3A_1535, %broadcast_in_dim3A_1533 : vector<16xf32>
      %div3A_1537 = arith.constant 1.000000e+00 : f32
      %div3A_1538 = vector.broadcast %div3A_1537 : f32 to vector<16xf32>
      %div3A_1539 = arith.divf %div3A_1538, %add3A_1536 : vector<16xf32>
      %mul3A_1540 = arith.mulf %broadcast_in_dim3A_1533, %div3A_1539 : vector<16xf32>
      %eq3A_1541 = vector.broadcast %squeeze3A_1523 : i32 to vector<16xi32>
      %eq3A_1542 = arith.cmpi eq, %iota3A, %eq3A_1541 : vector<16xi32>
      %eq3A_1543 = vector.broadcast %squeeze3A_1525 : i32 to vector<16xi32>
      %eq3A_1544 = arith.cmpi eq, %iota3A, %eq3A_1543 : vector<16xi32>
      %jit3A_1545 = arith.constant 0.000000e+00 : f32
      %broadcast_in_dim3A_1546 = vector.broadcast %jit3A_1545 : f32 to vector<16xf32>
      %select_n3A_1547 = arith.select %eq3A_1544, %mul3A_1540, %broadcast_in_dim3A_1546 : vector<16xi1>, vector<16xf32>
      %select_n3A_1548 = arith.select %eq3A_1542, %div3A_1539, %select_n3A_1547 : vector<16xi1>, vector<16xf32>
      %swap3A_1549 = arith.constant 22 : i32
      %swap3A_1550 = arith.index_cast %swap3A_1549 : i32 to index
      %swap3A_1551 = arith.constant 0 : index
      %swap3A_1552 = tpu.vector_load %arg6[%swap3A_1550, %swap3A_1551] {strides = array<i32>} : memref<32x16xf32, #tpu.memory_space<vmem>>, vector<16xf32>,
      tpu.vector_store %arg6[%swap3A_1550, %swap3A_1551], %select_n3A_1548 {strides = array<i32>} : memref<32x16xf32, #tpu.memory_space<vmem>>, vector<16xf32>,
      %get3A_1553 = arith.constant 23 : i32
      %get3A_1554 = arith.index_cast %get3A_1553 : i32 to index
      %get3A_1555 = arith.constant 0 : index
      %get3A_1556 = tpu.vector_load %arg5[%get3A_1554, %get3A_1555] {strides = array<i32>} : memref<32x16xf32, #tpu.memory_space<vmem>>, vector<16xf32>,
      %jit3A_1557 = arith.constant -3.000000e+38 : f32
      %broadcast_in_dim3A_1558 = vector.broadcast %jit3A_1557 : f32 to vector<16xf32>
      %select_n3A_1559 = arith.select %lt3A_5, %get3A_1556, %broadcast_in_dim3A_1558 : vector<16xi1>, vector<16xf32>
      %masked_sort3A_1560 = arith.constant dense<true> : vector<16xi1>
      %masked_sort3A_1561, %masked_sort3A_1562, %masked_sort3A_1563 = tpu.sort %select_n3A_1559, %iota3A masked %masked_sort3A_1560 {descending = true} : (vector<16xf32>, vector<16xi32>, vector<16xi1>) -> (vector<16xi1>, vector<16xf32>, vector<16xi32>)
      %slice3A_1564 = vector.extract_strided_slice %masked_sort3A_1562 {offsets = [0], sizes = [1], strides = [1]} : vector<16xf32> to vector<1xf32>
      %squeeze3A_1565 = vector.extract %slice3A_1564[0] : f32 from vector<1xf32>
      %broadcast_in_dim3A_1566 = vector.broadcast %squeeze3A_1565 : f32 to vector<16xf32>
      %sub3A_1567 = arith.subf %select_n3A_1559, %broadcast_in_dim3A_1566 : vector<16xf32>
      %exp3A_1568 = math.exp %sub3A_1567 : vector<16xf32>
      %jit3A_1569 = arith.constant 0.000000e+00 : f32
      %broadcast_in_dim3A_1570 = vector.broadcast %jit3A_1569 : f32 to vector<16xf32>
      %select_n3A_1571 = arith.select %lt3A_5, %exp3A_1568, %broadcast_in_dim3A_1570 : vector<16xi1>, vector<16xf32>
      %broadcast_in_dim3A_1572 = arith.constant true
      %broadcast_in_dim3A_1573 = vector.broadcast %broadcast_in_dim3A_1572 : i1 to vector<16xi1>
      %masked_cumsum3A_1574 = tpu.scan <sum>, %select_n3A_1571 masked %broadcast_in_dim3A_1573 : vector<16xf32>, vector<16xi1> -> vector<16xf32>
      %slice3A_1575 = vector.extract_strided_slice %masked_cumsum3A_1574 {offsets = [15], sizes = [1], strides = [1]} : vector<16xf32> to vector<1xf32>
      %squeeze3A_1576 = vector.extract %slice3A_1575[0] : f32 from vector<1xf32>
      %broadcast_in_dim3A_1577 = vector.broadcast %squeeze3A_1576 : f32 to vector<16xf32>
      %div3A_1578 = arith.divf %select_n3A_1571, %broadcast_in_dim3A_1577 : vector<16xf32>
      %add3A_1579 = arith.addf %add3A_1514, %div3A_1578 : vector<16xf32>
      %jit3A_1580 = arith.constant -1.000000e+00 : f32
      %broadcast_in_dim3A_1581 = vector.broadcast %jit3A_1580 : f32 to vector<16xf32>
      %select_n3A_1582 = arith.select %lt3A_5, %div3A_1578, %broadcast_in_dim3A_1581 : vector<16xi1>, vector<16xf32>
      %masked_sort3A_1583 = arith.constant dense<true> : vector<16xi1>
      %masked_sort3A_1584, %masked_sort3A_1585, %masked_sort3A_1586 = tpu.sort %select_n3A_1582, %iota3A masked %masked_sort3A_1583 {descending = true} : (vector<16xf32>, vector<16xi32>, vector<16xi1>) -> (vector<16xi1>, vector<16xf32>, vector<16xi32>)
      %slice3A_1587 = vector.extract_strided_slice %masked_sort3A_1586 {offsets = [0], sizes = [1], strides = [1]} : vector<16xi32> to vector<1xi32>
      %squeeze3A_1588 = vector.extract %slice3A_1587[0] : i32 from vector<1xi32>
      %slice3A_1589 = vector.extract_strided_slice %masked_sort3A_1586 {offsets = [1], sizes = [1], strides = [1]} : vector<16xi32> to vector<1xi32>
      %squeeze3A_1590 = vector.extract %slice3A_1589[0] : i32 from vector<1xi32>
      %slice3A_1591 = vector.extract_strided_slice %masked_sort3A_1585 {offsets = [0], sizes = [1], strides = [1]} : vector<16xf32> to vector<1xf32>
      %squeeze3A_1592 = vector.extract %slice3A_1591[0] : f32 from vector<1xf32>
      %broadcast_in_dim3A_1593 = vector.broadcast %squeeze3A_1592 : f32 to vector<16xf32>
      %sub3A_1594 = arith.subf %masked_sort3A_1585, %broadcast_in_dim3A_1593 : vector<16xf32>
      %exp3A_1595 = math.exp %sub3A_1594 : vector<16xf32>
      %slice3A_1596 = vector.extract_strided_slice %exp3A_1595 {offsets = [1], sizes = [1], strides = [1]} : vector<16xf32> to vector<1xf32>
      %squeeze3A_1597 = vector.extract %slice3A_1596[0] : f32 from vector<1xf32>
      %broadcast_in_dim3A_1598 = vector.broadcast %squeeze3A_1597 : f32 to vector<16xf32>
      %add3A_1599 = arith.constant 1.000000e+00 : f32
      %add3A_1600 = vector.broadcast %add3A_1599 : f32 to vector<16xf32>
      %add3A_1601 = arith.addf %add3A_1600, %broadcast_in_dim3A_1598 : vector<16xf32>
      %div3A_1602 = arith.constant 1.000000e+00 : f32
      %div3A_1603 = vector.broadcast %div3A_1602 : f32 to vector<16xf32>
      %div3A_1604 = arith.divf %div3A_1603, %add3A_1601 : vector<16xf32>
      %mul3A_1605 = arith.mulf %broadcast_in_dim3A_1598, %div3A_1604 : vector<16xf32>
      %eq3A_1606 = vector.broadcast %squeeze3A_1588 : i32 to vector<16xi32>
      %eq3A_1607 = arith.cmpi eq, %iota3A, %eq3A_1606 : vector<16xi32>
      %eq3A_1608 = vector.broadcast %squeeze3A_1590 : i32 to vector<16xi32>
      %eq3A_1609 = arith.cmpi eq, %iota3A, %eq3A_1608 : vector<16xi32>
      %jit3A_1610 = arith.constant 0.000000e+00 : f32
      %broadcast_in_dim3A_1611 = vector.broadcast %jit3A_1610 : f32 to vector<16xf32>
      %select_n3A_1612 = arith.select %eq3A_1609, %mul3A_1605, %broadcast_in_dim3A_1611 : vector<16xi1>, vector<16xf32>
      %select_n3A_1613 = arith.select %eq3A_1607, %div3A_1604, %select_n3A_1612 : vector<16xi1>, vector<16xf32>
      %swap3A_1614 = arith.constant 23 : i32
      %swap3A_1615 = arith.index_cast %swap3A_1614 : i32 to index
      %swap3A_1616 = arith.constant 0 : index
      %swap3A_1617 = tpu.vector_load %arg6[%swap3A_1615, %swap3A_1616] {strides = array<i32>} : memref<32x16xf32, #tpu.memory_space<vmem>>, vector<16xf32>,
      tpu.vector_store %arg6[%swap3A_1615, %swap3A_1616], %select_n3A_1613 {strides = array<i32>} : memref<32x16xf32, #tpu.memory_space<vmem>>, vector<16xf32>,
      %broadcast_in_dim3A_1618 = arith.constant true
      %broadcast_in_dim3A_1619 = vector.broadcast %broadcast_in_dim3A_1618 : i1 to vector<16xi1>
      %masked_cumsum3A_1620 = tpu.scan <sum>, %add3A_1579 masked %broadcast_in_dim3A_1619 : vector<16xf32>, vector<16xi1> -> vector<16xf32>
      %slice3A_1621 = vector.extract_strided_slice %masked_cumsum3A_1620 {offsets = [15], sizes = [1], strides = [1]} : vector<16xf32> to vector<1xf32>
      %squeeze3A_1622 = vector.extract %slice3A_1621[0] : f32 from vector<1xf32>
      %broadcast_in_dim3A_1623 = vector.broadcast %squeeze3A_1622 : f32 to vector<16xf32>
      %mul3A_1624 = arith.constant 1.250000e-01 : f32
      %mul3A_1625 = vector.broadcast %mul3A_1624 : f32 to vector<16xf32>
      %mul3A_1626 = arith.mulf %broadcast_in_dim3A_1623, %mul3A_1625 : vector<16xf32>
      %sub3A_1627 = arith.subf %add3A_1579, %mul3A_1626 : vector<16xf32>
      %jit3A_1628 = arith.constant 0.000000e+00 : f32
      %broadcast_in_dim3A_1629 = vector.broadcast %jit3A_1628 : f32 to vector<16xf32>
      %select_n3A_1630 = arith.select %lt3A_5, %sub3A_1627, %broadcast_in_dim3A_1629 : vector<16xi1>, vector<16xf32>
      %mul3A_1631 = arith.mulf %select_n3A_1630, %select_n3A_1630 : vector<16xf32>
      %broadcast_in_dim3A_1632 = arith.constant true
      %broadcast_in_dim3A_1633 = vector.broadcast %broadcast_in_dim3A_1632 : i1 to vector<16xi1>
      %masked_cumsum3A_1634 = tpu.scan <sum>, %mul3A_1631 masked %broadcast_in_dim3A_1633 : vector<16xf32>, vector<16xi1> -> vector<16xf32>
      %slice3A_1635 = vector.extract_strided_slice %masked_cumsum3A_1634 {offsets = [15], sizes = [1], strides = [1]} : vector<16xf32> to vector<1xf32>
      %squeeze3A_1636 = vector.extract %slice3A_1635[0] : f32 from vector<1xf32>
      %broadcast_in_dim3A_1637 = vector.broadcast %squeeze3A_1636 : f32 to vector<16xf32>
      %mul3A_1638 = arith.constant 1.250000e-01 : f32
      %mul3A_1639 = vector.broadcast %mul3A_1638 : f32 to vector<16xf32>
      %mul3A_1640 = arith.mulf %broadcast_in_dim3A_1637, %mul3A_1639 : vector<16xf32>
      %mul3A_1641 = arith.mulf %mul3A_1626, %mul3A_1626 : vector<16xf32>
      %add3A_1642 = arith.constant 1.000000e-10 : f32
      %add3A_1643 = vector.broadcast %add3A_1642 : f32 to vector<16xf32>
      %add3A_1644 = arith.addf %mul3A_1641, %add3A_1643 : vector<16xf32>
      %div3A_1645 = arith.divf %mul3A_1640, %add3A_1644 : vector<16xf32>
      %add3A_1646 = arith.addf %add3A_1095, %div3A_1645 : vector<16xf32>
      %broadcast_in_dim3A_1647 = arith.constant 0.000000e+00 : f32
      %broadcast_in_dim3A_1648 = vector.broadcast %broadcast_in_dim3A_1647 : f32 to vector<16xf32>
      %get3A_1649 = arith.constant 24 : i32
      %get3A_1650 = arith.index_cast %get3A_1649 : i32 to index
      %get3A_1651 = arith.constant 0 : index
      %get3A_1652 = tpu.vector_load %arg5[%get3A_1650, %get3A_1651] {strides = array<i32>} : memref<32x16xf32, #tpu.memory_space<vmem>>, vector<16xf32>,
      %jit3A_1653 = arith.constant -3.000000e+38 : f32
      %broadcast_in_dim3A_1654 = vector.broadcast %jit3A_1653 : f32 to vector<16xf32>
      %select_n3A_1655 = arith.select %lt3A_5, %get3A_1652, %broadcast_in_dim3A_1654 : vector<16xi1>, vector<16xf32>
      %masked_sort3A_1656 = arith.constant dense<true> : vector<16xi1>
      %masked_sort3A_1657, %masked_sort3A_1658, %masked_sort3A_1659 = tpu.sort %select_n3A_1655, %iota3A masked %masked_sort3A_1656 {descending = true} : (vector<16xf32>, vector<16xi32>, vector<16xi1>) -> (vector<16xi1>, vector<16xf32>, vector<16xi32>)
      %slice3A_1660 = vector.extract_strided_slice %masked_sort3A_1658 {offsets = [0], sizes = [1], strides = [1]} : vector<16xf32> to vector<1xf32>
      %squeeze3A_1661 = vector.extract %slice3A_1660[0] : f32 from vector<1xf32>
      %broadcast_in_dim3A_1662 = vector.broadcast %squeeze3A_1661 : f32 to vector<16xf32>
      %sub3A_1663 = arith.subf %select_n3A_1655, %broadcast_in_dim3A_1662 : vector<16xf32>
      %exp3A_1664 = math.exp %sub3A_1663 : vector<16xf32>
      %jit3A_1665 = arith.constant 0.000000e+00 : f32
      %broadcast_in_dim3A_1666 = vector.broadcast %jit3A_1665 : f32 to vector<16xf32>
      %select_n3A_1667 = arith.select %lt3A_5, %exp3A_1664, %broadcast_in_dim3A_1666 : vector<16xi1>, vector<16xf32>
      %broadcast_in_dim3A_1668 = arith.constant true
      %broadcast_in_dim3A_1669 = vector.broadcast %broadcast_in_dim3A_1668 : i1 to vector<16xi1>
      %masked_cumsum3A_1670 = tpu.scan <sum>, %select_n3A_1667 masked %broadcast_in_dim3A_1669 : vector<16xf32>, vector<16xi1> -> vector<16xf32>
      %slice3A_1671 = vector.extract_strided_slice %masked_cumsum3A_1670 {offsets = [15], sizes = [1], strides = [1]} : vector<16xf32> to vector<1xf32>
      %squeeze3A_1672 = vector.extract %slice3A_1671[0] : f32 from vector<1xf32>
      %broadcast_in_dim3A_1673 = vector.broadcast %squeeze3A_1672 : f32 to vector<16xf32>
      %div3A_1674 = arith.divf %select_n3A_1667, %broadcast_in_dim3A_1673 : vector<16xf32>
      %add3A_1675 = arith.addf %broadcast_in_dim3A_1648, %div3A_1674 : vector<16xf32>
      %jit3A_1676 = arith.constant -1.000000e+00 : f32
      %broadcast_in_dim3A_1677 = vector.broadcast %jit3A_1676 : f32 to vector<16xf32>
      %select_n3A_1678 = arith.select %lt3A_5, %div3A_1674, %broadcast_in_dim3A_1677 : vector<16xi1>, vector<16xf32>
      %masked_sort3A_1679 = arith.constant dense<true> : vector<16xi1>
      %masked_sort3A_1680, %masked_sort3A_1681, %masked_sort3A_1682 = tpu.sort %select_n3A_1678, %iota3A masked %masked_sort3A_1679 {descending = true} : (vector<16xf32>, vector<16xi32>, vector<16xi1>) -> (vector<16xi1>, vector<16xf32>, vector<16xi32>)
      %slice3A_1683 = vector.extract_strided_slice %masked_sort3A_1682 {offsets = [0], sizes = [1], strides = [1]} : vector<16xi32> to vector<1xi32>
      %squeeze3A_1684 = vector.extract %slice3A_1683[0] : i32 from vector<1xi32>
      %slice3A_1685 = vector.extract_strided_slice %masked_sort3A_1682 {offsets = [1], sizes = [1], strides = [1]} : vector<16xi32> to vector<1xi32>
      %squeeze3A_1686 = vector.extract %slice3A_1685[0] : i32 from vector<1xi32>
      %slice3A_1687 = vector.extract_strided_slice %masked_sort3A_1681 {offsets = [0], sizes = [1], strides = [1]} : vector<16xf32> to vector<1xf32>
      %squeeze3A_1688 = vector.extract %slice3A_1687[0] : f32 from vector<1xf32>
      %broadcast_in_dim3A_1689 = vector.broadcast %squeeze3A_1688 : f32 to vector<16xf32>
      %sub3A_1690 = arith.subf %masked_sort3A_1681, %broadcast_in_dim3A_1689 : vector<16xf32>
      %exp3A_1691 = math.exp %sub3A_1690 : vector<16xf32>
      %slice3A_1692 = vector.extract_strided_slice %exp3A_1691 {offsets = [1], sizes = [1], strides = [1]} : vector<16xf32> to vector<1xf32>
      %squeeze3A_1693 = vector.extract %slice3A_1692[0] : f32 from vector<1xf32>
      %broadcast_in_dim3A_1694 = vector.broadcast %squeeze3A_1693 : f32 to vector<16xf32>
      %add3A_1695 = arith.constant 1.000000e+00 : f32
      %add3A_1696 = vector.broadcast %add3A_1695 : f32 to vector<16xf32>
      %add3A_1697 = arith.addf %add3A_1696, %broadcast_in_dim3A_1694 : vector<16xf32>
      %div3A_1698 = arith.constant 1.000000e+00 : f32
      %div3A_1699 = vector.broadcast %div3A_1698 : f32 to vector<16xf32>
      %div3A_1700 = arith.divf %div3A_1699, %add3A_1697 : vector<16xf32>
      %mul3A_1701 = arith.mulf %broadcast_in_dim3A_1694, %div3A_1700 : vector<16xf32>
      %eq3A_1702 = vector.broadcast %squeeze3A_1684 : i32 to vector<16xi32>
      %eq3A_1703 = arith.cmpi eq, %iota3A, %eq3A_1702 : vector<16xi32>
      %eq3A_1704 = vector.broadcast %squeeze3A_1686 : i32 to vector<16xi32>
      %eq3A_1705 = arith.cmpi eq, %iota3A, %eq3A_1704 : vector<16xi32>
      %jit3A_1706 = arith.constant 0.000000e+00 : f32
      %broadcast_in_dim3A_1707 = vector.broadcast %jit3A_1706 : f32 to vector<16xf32>
      %select_n3A_1708 = arith.select %eq3A_1705, %mul3A_1701, %broadcast_in_dim3A_1707 : vector<16xi1>, vector<16xf32>
      %select_n3A_1709 = arith.select %eq3A_1703, %div3A_1700, %select_n3A_1708 : vector<16xi1>, vector<16xf32>
      %swap3A_1710 = arith.constant 24 : i32
      %swap3A_1711 = arith.index_cast %swap3A_1710 : i32 to index
      %swap3A_1712 = arith.constant 0 : index
      %swap3A_1713 = tpu.vector_load %arg6[%swap3A_1711, %swap3A_1712] {strides = array<i32>} : memref<32x16xf32, #tpu.memory_space<vmem>>, vector<16xf32>,
      tpu.vector_store %arg6[%swap3A_1711, %swap3A_1712], %select_n3A_1709 {strides = array<i32>} : memref<32x16xf32, #tpu.memory_space<vmem>>, vector<16xf32>,
      %get3A_1714 = arith.constant 25 : i32
      %get3A_1715 = arith.index_cast %get3A_1714 : i32 to index
      %get3A_1716 = arith.constant 0 : index
      %get3A_1717 = tpu.vector_load %arg5[%get3A_1715, %get3A_1716] {strides = array<i32>} : memref<32x16xf32, #tpu.memory_space<vmem>>, vector<16xf32>,
      %jit3A_1718 = arith.constant -3.000000e+38 : f32
      %broadcast_in_dim3A_1719 = vector.broadcast %jit3A_1718 : f32 to vector<16xf32>
      %select_n3A_1720 = arith.select %lt3A_5, %get3A_1717, %broadcast_in_dim3A_1719 : vector<16xi1>, vector<16xf32>
      %masked_sort3A_1721 = arith.constant dense<true> : vector<16xi1>
      %masked_sort3A_1722, %masked_sort3A_1723, %masked_sort3A_1724 = tpu.sort %select_n3A_1720, %iota3A masked %masked_sort3A_1721 {descending = true} : (vector<16xf32>, vector<16xi32>, vector<16xi1>) -> (vector<16xi1>, vector<16xf32>, vector<16xi32>)
      %slice3A_1725 = vector.extract_strided_slice %masked_sort3A_1723 {offsets = [0], sizes = [1], strides = [1]} : vector<16xf32> to vector<1xf32>
      %squeeze3A_1726 = vector.extract %slice3A_1725[0] : f32 from vector<1xf32>
      %broadcast_in_dim3A_1727 = vector.broadcast %squeeze3A_1726 : f32 to vector<16xf32>
      %sub3A_1728 = arith.subf %select_n3A_1720, %broadcast_in_dim3A_1727 : vector<16xf32>
      %exp3A_1729 = math.exp %sub3A_1728 : vector<16xf32>
      %jit3A_1730 = arith.constant 0.000000e+00 : f32
      %broadcast_in_dim3A_1731 = vector.broadcast %jit3A_1730 : f32 to vector<16xf32>
      %select_n3A_1732 = arith.select %lt3A_5, %exp3A_1729, %broadcast_in_dim3A_1731 : vector<16xi1>, vector<16xf32>
      %broadcast_in_dim3A_1733 = arith.constant true
      %broadcast_in_dim3A_1734 = vector.broadcast %broadcast_in_dim3A_1733 : i1 to vector<16xi1>
      %masked_cumsum3A_1735 = tpu.scan <sum>, %select_n3A_1732 masked %broadcast_in_dim3A_1734 : vector<16xf32>, vector<16xi1> -> vector<16xf32>
      %slice3A_1736 = vector.extract_strided_slice %masked_cumsum3A_1735 {offsets = [15], sizes = [1], strides = [1]} : vector<16xf32> to vector<1xf32>
      %squeeze3A_1737 = vector.extract %slice3A_1736[0] : f32 from vector<1xf32>
      %broadcast_in_dim3A_1738 = vector.broadcast %squeeze3A_1737 : f32 to vector<16xf32>
      %div3A_1739 = arith.divf %select_n3A_1732, %broadcast_in_dim3A_1738 : vector<16xf32>
      %add3A_1740 = arith.addf %add3A_1675, %div3A_1739 : vector<16xf32>
      %jit3A_1741 = arith.constant -1.000000e+00 : f32
      %broadcast_in_dim3A_1742 = vector.broadcast %jit3A_1741 : f32 to vector<16xf32>
      %select_n3A_1743 = arith.select %lt3A_5, %div3A_1739, %broadcast_in_dim3A_1742 : vector<16xi1>, vector<16xf32>
      %masked_sort3A_1744 = arith.constant dense<true> : vector<16xi1>
      %masked_sort3A_1745, %masked_sort3A_1746, %masked_sort3A_1747 = tpu.sort %select_n3A_1743, %iota3A masked %masked_sort3A_1744 {descending = true} : (vector<16xf32>, vector<16xi32>, vector<16xi1>) -> (vector<16xi1>, vector<16xf32>, vector<16xi32>)
      %slice3A_1748 = vector.extract_strided_slice %masked_sort3A_1747 {offsets = [0], sizes = [1], strides = [1]} : vector<16xi32> to vector<1xi32>
      %squeeze3A_1749 = vector.extract %slice3A_1748[0] : i32 from vector<1xi32>
      %slice3A_1750 = vector.extract_strided_slice %masked_sort3A_1747 {offsets = [1], sizes = [1], strides = [1]} : vector<16xi32> to vector<1xi32>
      %squeeze3A_1751 = vector.extract %slice3A_1750[0] : i32 from vector<1xi32>
      %slice3A_1752 = vector.extract_strided_slice %masked_sort3A_1746 {offsets = [0], sizes = [1], strides = [1]} : vector<16xf32> to vector<1xf32>
      %squeeze3A_1753 = vector.extract %slice3A_1752[0] : f32 from vector<1xf32>
      %broadcast_in_dim3A_1754 = vector.broadcast %squeeze3A_1753 : f32 to vector<16xf32>
      %sub3A_1755 = arith.subf %masked_sort3A_1746, %broadcast_in_dim3A_1754 : vector<16xf32>
      %exp3A_1756 = math.exp %sub3A_1755 : vector<16xf32>
      %slice3A_1757 = vector.extract_strided_slice %exp3A_1756 {offsets = [1], sizes = [1], strides = [1]} : vector<16xf32> to vector<1xf32>
      %squeeze3A_1758 = vector.extract %slice3A_1757[0] : f32 from vector<1xf32>
      %broadcast_in_dim3A_1759 = vector.broadcast %squeeze3A_1758 : f32 to vector<16xf32>
      %add3A_1760 = arith.constant 1.000000e+00 : f32
      %add3A_1761 = vector.broadcast %add3A_1760 : f32 to vector<16xf32>
      %add3A_1762 = arith.addf %add3A_1761, %broadcast_in_dim3A_1759 : vector<16xf32>
      %div3A_1763 = arith.constant 1.000000e+00 : f32
      %div3A_1764 = vector.broadcast %div3A_1763 : f32 to vector<16xf32>
      %div3A_1765 = arith.divf %div3A_1764, %add3A_1762 : vector<16xf32>
      %mul3A_1766 = arith.mulf %broadcast_in_dim3A_1759, %div3A_1765 : vector<16xf32>
      %eq3A_1767 = vector.broadcast %squeeze3A_1749 : i32 to vector<16xi32>
      %eq3A_1768 = arith.cmpi eq, %iota3A, %eq3A_1767 : vector<16xi32>
      %eq3A_1769 = vector.broadcast %squeeze3A_1751 : i32 to vector<16xi32>
      %eq3A_1770 = arith.cmpi eq, %iota3A, %eq3A_1769 : vector<16xi32>
      %jit3A_1771 = arith.constant 0.000000e+00 : f32
      %broadcast_in_dim3A_1772 = vector.broadcast %jit3A_1771 : f32 to vector<16xf32>
      %select_n3A_1773 = arith.select %eq3A_1770, %mul3A_1766, %broadcast_in_dim3A_1772 : vector<16xi1>, vector<16xf32>
      %select_n3A_1774 = arith.select %eq3A_1768, %div3A_1765, %select_n3A_1773 : vector<16xi1>, vector<16xf32>
      %swap3A_1775 = arith.constant 25 : i32
      %swap3A_1776 = arith.index_cast %swap3A_1775 : i32 to index
      %swap3A_1777 = arith.constant 0 : index
      %swap3A_1778 = tpu.vector_load %arg6[%swap3A_1776, %swap3A_1777] {strides = array<i32>} : memref<32x16xf32, #tpu.memory_space<vmem>>, vector<16xf32>,
      tpu.vector_store %arg6[%swap3A_1776, %swap3A_1777], %select_n3A_1774 {strides = array<i32>} : memref<32x16xf32, #tpu.memory_space<vmem>>, vector<16xf32>,
      %get3A_1779 = arith.constant 26 : i32
      %get3A_1780 = arith.index_cast %get3A_1779 : i32 to index
      %get3A_1781 = arith.constant 0 : index
      %get3A_1782 = tpu.vector_load %arg5[%get3A_1780, %get3A_1781] {strides = array<i32>} : memref<32x16xf32, #tpu.memory_space<vmem>>, vector<16xf32>,
      %jit3A_1783 = arith.constant -3.000000e+38 : f32
      %broadcast_in_dim3A_1784 = vector.broadcast %jit3A_1783 : f32 to vector<16xf32>
      %select_n3A_1785 = arith.select %lt3A_5, %get3A_1782, %broadcast_in_dim3A_1784 : vector<16xi1>, vector<16xf32>
      %masked_sort3A_1786 = arith.constant dense<true> : vector<16xi1>
      %masked_sort3A_1787, %masked_sort3A_1788, %masked_sort3A_1789 = tpu.sort %select_n3A_1785, %iota3A masked %masked_sort3A_1786 {descending = true} : (vector<16xf32>, vector<16xi32>, vector<16xi1>) -> (vector<16xi1>, vector<16xf32>, vector<16xi32>)
      %slice3A_1790 = vector.extract_strided_slice %masked_sort3A_1788 {offsets = [0], sizes = [1], strides = [1]} : vector<16xf32> to vector<1xf32>
      %squeeze3A_1791 = vector.extract %slice3A_1790[0] : f32 from vector<1xf32>
      %broadcast_in_dim3A_1792 = vector.broadcast %squeeze3A_1791 : f32 to vector<16xf32>
      %sub3A_1793 = arith.subf %select_n3A_1785, %broadcast_in_dim3A_1792 : vector<16xf32>
      %exp3A_1794 = math.exp %sub3A_1793 : vector<16xf32>
      %jit3A_1795 = arith.constant 0.000000e+00 : f32
      %broadcast_in_dim3A_1796 = vector.broadcast %jit3A_1795 : f32 to vector<16xf32>
      %select_n3A_1797 = arith.select %lt3A_5, %exp3A_1794, %broadcast_in_dim3A_1796 : vector<16xi1>, vector<16xf32>
      %broadcast_in_dim3A_1798 = arith.constant true
      %broadcast_in_dim3A_1799 = vector.broadcast %broadcast_in_dim3A_1798 : i1 to vector<16xi1>
      %masked_cumsum3A_1800 = tpu.scan <sum>, %select_n3A_1797 masked %broadcast_in_dim3A_1799 : vector<16xf32>, vector<16xi1> -> vector<16xf32>
      %slice3A_1801 = vector.extract_strided_slice %masked_cumsum3A_1800 {offsets = [15], sizes = [1], strides = [1]} : vector<16xf32> to vector<1xf32>
      %squeeze3A_1802 = vector.extract %slice3A_1801[0] : f32 from vector<1xf32>
      %broadcast_in_dim3A_1803 = vector.broadcast %squeeze3A_1802 : f32 to vector<16xf32>
      %div3A_1804 = arith.divf %select_n3A_1797, %broadcast_in_dim3A_1803 : vector<16xf32>
      %add3A_1805 = arith.addf %add3A_1740, %div3A_1804 : vector<16xf32>
      %jit3A_1806 = arith.constant -1.000000e+00 : f32
      %broadcast_in_dim3A_1807 = vector.broadcast %jit3A_1806 : f32 to vector<16xf32>
      %select_n3A_1808 = arith.select %lt3A_5, %div3A_1804, %broadcast_in_dim3A_1807 : vector<16xi1>, vector<16xf32>
      %masked_sort3A_1809 = arith.constant dense<true> : vector<16xi1>
      %masked_sort3A_1810, %masked_sort3A_1811, %masked_sort3A_1812 = tpu.sort %select_n3A_1808, %iota3A masked %masked_sort3A_1809 {descending = true} : (vector<16xf32>, vector<16xi32>, vector<16xi1>) -> (vector<16xi1>, vector<16xf32>, vector<16xi32>)
      %slice3A_1813 = vector.extract_strided_slice %masked_sort3A_1812 {offsets = [0], sizes = [1], strides = [1]} : vector<16xi32> to vector<1xi32>
      %squeeze3A_1814 = vector.extract %slice3A_1813[0] : i32 from vector<1xi32>
      %slice3A_1815 = vector.extract_strided_slice %masked_sort3A_1812 {offsets = [1], sizes = [1], strides = [1]} : vector<16xi32> to vector<1xi32>
      %squeeze3A_1816 = vector.extract %slice3A_1815[0] : i32 from vector<1xi32>
      %slice3A_1817 = vector.extract_strided_slice %masked_sort3A_1811 {offsets = [0], sizes = [1], strides = [1]} : vector<16xf32> to vector<1xf32>
      %squeeze3A_1818 = vector.extract %slice3A_1817[0] : f32 from vector<1xf32>
      %broadcast_in_dim3A_1819 = vector.broadcast %squeeze3A_1818 : f32 to vector<16xf32>
      %sub3A_1820 = arith.subf %masked_sort3A_1811, %broadcast_in_dim3A_1819 : vector<16xf32>
      %exp3A_1821 = math.exp %sub3A_1820 : vector<16xf32>
      %slice3A_1822 = vector.extract_strided_slice %exp3A_1821 {offsets = [1], sizes = [1], strides = [1]} : vector<16xf32> to vector<1xf32>
      %squeeze3A_1823 = vector.extract %slice3A_1822[0] : f32 from vector<1xf32>
      %broadcast_in_dim3A_1824 = vector.broadcast %squeeze3A_1823 : f32 to vector<16xf32>
      %add3A_1825 = arith.constant 1.000000e+00 : f32
      %add3A_1826 = vector.broadcast %add3A_1825 : f32 to vector<16xf32>
      %add3A_1827 = arith.addf %add3A_1826, %broadcast_in_dim3A_1824 : vector<16xf32>
      %div3A_1828 = arith.constant 1.000000e+00 : f32
      %div3A_1829 = vector.broadcast %div3A_1828 : f32 to vector<16xf32>
      %div3A_1830 = arith.divf %div3A_1829, %add3A_1827 : vector<16xf32>
      %mul3A_1831 = arith.mulf %broadcast_in_dim3A_1824, %div3A_1830 : vector<16xf32>
      %eq3A_1832 = vector.broadcast %squeeze3A_1814 : i32 to vector<16xi32>
      %eq3A_1833 = arith.cmpi eq, %iota3A, %eq3A_1832 : vector<16xi32>
      %eq3A_1834 = vector.broadcast %squeeze3A_1816 : i32 to vector<16xi32>
      %eq3A_1835 = arith.cmpi eq, %iota3A, %eq3A_1834 : vector<16xi32>
      %jit3A_1836 = arith.constant 0.000000e+00 : f32
      %broadcast_in_dim3A_1837 = vector.broadcast %jit3A_1836 : f32 to vector<16xf32>
      %select_n3A_1838 = arith.select %eq3A_1835, %mul3A_1831, %broadcast_in_dim3A_1837 : vector<16xi1>, vector<16xf32>
      %select_n3A_1839 = arith.select %eq3A_1833, %div3A_1830, %select_n3A_1838 : vector<16xi1>, vector<16xf32>
      %swap3A_1840 = arith.constant 26 : i32
      %swap3A_1841 = arith.index_cast %swap3A_1840 : i32 to index
      %swap3A_1842 = arith.constant 0 : index
      %swap3A_1843 = tpu.vector_load %arg6[%swap3A_1841, %swap3A_1842] {strides = array<i32>} : memref<32x16xf32, #tpu.memory_space<vmem>>, vector<16xf32>,
      tpu.vector_store %arg6[%swap3A_1841, %swap3A_1842], %select_n3A_1839 {strides = array<i32>} : memref<32x16xf32, #tpu.memory_space<vmem>>, vector<16xf32>,
      %get3A_1844 = arith.constant 27 : i32
      %get3A_1845 = arith.index_cast %get3A_1844 : i32 to index
      %get3A_1846 = arith.constant 0 : index
      %get3A_1847 = tpu.vector_load %arg5[%get3A_1845, %get3A_1846] {strides = array<i32>} : memref<32x16xf32, #tpu.memory_space<vmem>>, vector<16xf32>,
      %jit3A_1848 = arith.constant -3.000000e+38 : f32
      %broadcast_in_dim3A_1849 = vector.broadcast %jit3A_1848 : f32 to vector<16xf32>
      %select_n3A_1850 = arith.select %lt3A_5, %get3A_1847, %broadcast_in_dim3A_1849 : vector<16xi1>, vector<16xf32>
      %masked_sort3A_1851 = arith.constant dense<true> : vector<16xi1>
      %masked_sort3A_1852, %masked_sort3A_1853, %masked_sort3A_1854 = tpu.sort %select_n3A_1850, %iota3A masked %masked_sort3A_1851 {descending = true} : (vector<16xf32>, vector<16xi32>, vector<16xi1>) -> (vector<16xi1>, vector<16xf32>, vector<16xi32>)
      %slice3A_1855 = vector.extract_strided_slice %masked_sort3A_1853 {offsets = [0], sizes = [1], strides = [1]} : vector<16xf32> to vector<1xf32>
      %squeeze3A_1856 = vector.extract %slice3A_1855[0] : f32 from vector<1xf32>
      %broadcast_in_dim3A_1857 = vector.broadcast %squeeze3A_1856 : f32 to vector<16xf32>
      %sub3A_1858 = arith.subf %select_n3A_1850, %broadcast_in_dim3A_1857 : vector<16xf32>
      %exp3A_1859 = math.exp %sub3A_1858 : vector<16xf32>
      %jit3A_1860 = arith.constant 0.000000e+00 : f32
      %broadcast_in_dim3A_1861 = vector.broadcast %jit3A_1860 : f32 to vector<16xf32>
      %select_n3A_1862 = arith.select %lt3A_5, %exp3A_1859, %broadcast_in_dim3A_1861 : vector<16xi1>, vector<16xf32>
      %broadcast_in_dim3A_1863 = arith.constant true
      %broadcast_in_dim3A_1864 = vector.broadcast %broadcast_in_dim3A_1863 : i1 to vector<16xi1>
      %masked_cumsum3A_1865 = tpu.scan <sum>, %select_n3A_1862 masked %broadcast_in_dim3A_1864 : vector<16xf32>, vector<16xi1> -> vector<16xf32>
      %slice3A_1866 = vector.extract_strided_slice %masked_cumsum3A_1865 {offsets = [15], sizes = [1], strides = [1]} : vector<16xf32> to vector<1xf32>
      %squeeze3A_1867 = vector.extract %slice3A_1866[0] : f32 from vector<1xf32>
      %broadcast_in_dim3A_1868 = vector.broadcast %squeeze3A_1867 : f32 to vector<16xf32>
      %div3A_1869 = arith.divf %select_n3A_1862, %broadcast_in_dim3A_1868 : vector<16xf32>
      %add3A_1870 = arith.addf %add3A_1805, %div3A_1869 : vector<16xf32>
      %jit3A_1871 = arith.constant -1.000000e+00 : f32
      %broadcast_in_dim3A_1872 = vector.broadcast %jit3A_1871 : f32 to vector<16xf32>
      %select_n3A_1873 = arith.select %lt3A_5, %div3A_1869, %broadcast_in_dim3A_1872 : vector<16xi1>, vector<16xf32>
      %masked_sort3A_1874 = arith.constant dense<true> : vector<16xi1>
      %masked_sort3A_1875, %masked_sort3A_1876, %masked_sort3A_1877 = tpu.sort %select_n3A_1873, %iota3A masked %masked_sort3A_1874 {descending = true} : (vector<16xf32>, vector<16xi32>, vector<16xi1>) -> (vector<16xi1>, vector<16xf32>, vector<16xi32>)
      %slice3A_1878 = vector.extract_strided_slice %masked_sort3A_1877 {offsets = [0], sizes = [1], strides = [1]} : vector<16xi32> to vector<1xi32>
      %squeeze3A_1879 = vector.extract %slice3A_1878[0] : i32 from vector<1xi32>
      %slice3A_1880 = vector.extract_strided_slice %masked_sort3A_1877 {offsets = [1], sizes = [1], strides = [1]} : vector<16xi32> to vector<1xi32>
      %squeeze3A_1881 = vector.extract %slice3A_1880[0] : i32 from vector<1xi32>
      %slice3A_1882 = vector.extract_strided_slice %masked_sort3A_1876 {offsets = [0], sizes = [1], strides = [1]} : vector<16xf32> to vector<1xf32>
      %squeeze3A_1883 = vector.extract %slice3A_1882[0] : f32 from vector<1xf32>
      %broadcast_in_dim3A_1884 = vector.broadcast %squeeze3A_1883 : f32 to vector<16xf32>
      %sub3A_1885 = arith.subf %masked_sort3A_1876, %broadcast_in_dim3A_1884 : vector<16xf32>
      %exp3A_1886 = math.exp %sub3A_1885 : vector<16xf32>
      %slice3A_1887 = vector.extract_strided_slice %exp3A_1886 {offsets = [1], sizes = [1], strides = [1]} : vector<16xf32> to vector<1xf32>
      %squeeze3A_1888 = vector.extract %slice3A_1887[0] : f32 from vector<1xf32>
      %broadcast_in_dim3A_1889 = vector.broadcast %squeeze3A_1888 : f32 to vector<16xf32>
      %add3A_1890 = arith.constant 1.000000e+00 : f32
      %add3A_1891 = vector.broadcast %add3A_1890 : f32 to vector<16xf32>
      %add3A_1892 = arith.addf %add3A_1891, %broadcast_in_dim3A_1889 : vector<16xf32>
      %div3A_1893 = arith.constant 1.000000e+00 : f32
      %div3A_1894 = vector.broadcast %div3A_1893 : f32 to vector<16xf32>
      %div3A_1895 = arith.divf %div3A_1894, %add3A_1892 : vector<16xf32>
      %mul3A_1896 = arith.mulf %broadcast_in_dim3A_1889, %div3A_1895 : vector<16xf32>
      %eq3A_1897 = vector.broadcast %squeeze3A_1879 : i32 to vector<16xi32>
      %eq3A_1898 = arith.cmpi eq, %iota3A, %eq3A_1897 : vector<16xi32>
      %eq3A_1899 = vector.broadcast %squeeze3A_1881 : i32 to vector<16xi32>
      %eq3A_1900 = arith.cmpi eq, %iota3A, %eq3A_1899 : vector<16xi32>
      %jit3A_1901 = arith.constant 0.000000e+00 : f32
      %broadcast_in_dim3A_1902 = vector.broadcast %jit3A_1901 : f32 to vector<16xf32>
      %select_n3A_1903 = arith.select %eq3A_1900, %mul3A_1896, %broadcast_in_dim3A_1902 : vector<16xi1>, vector<16xf32>
      %select_n3A_1904 = arith.select %eq3A_1898, %div3A_1895, %select_n3A_1903 : vector<16xi1>, vector<16xf32>
      %swap3A_1905 = arith.constant 27 : i32
      %swap3A_1906 = arith.index_cast %swap3A_1905 : i32 to index
      %swap3A_1907 = arith.constant 0 : index
      %swap3A_1908 = tpu.vector_load %arg6[%swap3A_1906, %swap3A_1907] {strides = array<i32>} : memref<32x16xf32, #tpu.memory_space<vmem>>, vector<16xf32>,
      tpu.vector_store %arg6[%swap3A_1906, %swap3A_1907], %select_n3A_1904 {strides = array<i32>} : memref<32x16xf32, #tpu.memory_space<vmem>>, vector<16xf32>,
      %get3A_1909 = arith.constant 28 : i32
      %get3A_1910 = arith.index_cast %get3A_1909 : i32 to index
      %get3A_1911 = arith.constant 0 : index
      %get3A_1912 = tpu.vector_load %arg5[%get3A_1910, %get3A_1911] {strides = array<i32>} : memref<32x16xf32, #tpu.memory_space<vmem>>, vector<16xf32>,
      %jit3A_1913 = arith.constant -3.000000e+38 : f32
      %broadcast_in_dim3A_1914 = vector.broadcast %jit3A_1913 : f32 to vector<16xf32>
      %select_n3A_1915 = arith.select %lt3A_5, %get3A_1912, %broadcast_in_dim3A_1914 : vector<16xi1>, vector<16xf32>
      %masked_sort3A_1916 = arith.constant dense<true> : vector<16xi1>
      %masked_sort3A_1917, %masked_sort3A_1918, %masked_sort3A_1919 = tpu.sort %select_n3A_1915, %iota3A masked %masked_sort3A_1916 {descending = true} : (vector<16xf32>, vector<16xi32>, vector<16xi1>) -> (vector<16xi1>, vector<16xf32>, vector<16xi32>)
      %slice3A_1920 = vector.extract_strided_slice %masked_sort3A_1918 {offsets = [0], sizes = [1], strides = [1]} : vector<16xf32> to vector<1xf32>
      %squeeze3A_1921 = vector.extract %slice3A_1920[0] : f32 from vector<1xf32>
      %broadcast_in_dim3A_1922 = vector.broadcast %squeeze3A_1921 : f32 to vector<16xf32>
      %sub3A_1923 = arith.subf %select_n3A_1915, %broadcast_in_dim3A_1922 : vector<16xf32>
      %exp3A_1924 = math.exp %sub3A_1923 : vector<16xf32>
      %jit3A_1925 = arith.constant 0.000000e+00 : f32
      %broadcast_in_dim3A_1926 = vector.broadcast %jit3A_1925 : f32 to vector<16xf32>
      %select_n3A_1927 = arith.select %lt3A_5, %exp3A_1924, %broadcast_in_dim3A_1926 : vector<16xi1>, vector<16xf32>
      %broadcast_in_dim3A_1928 = arith.constant true
      %broadcast_in_dim3A_1929 = vector.broadcast %broadcast_in_dim3A_1928 : i1 to vector<16xi1>
      %masked_cumsum3A_1930 = tpu.scan <sum>, %select_n3A_1927 masked %broadcast_in_dim3A_1929 : vector<16xf32>, vector<16xi1> -> vector<16xf32>
      %slice3A_1931 = vector.extract_strided_slice %masked_cumsum3A_1930 {offsets = [15], sizes = [1], strides = [1]} : vector<16xf32> to vector<1xf32>
      %squeeze3A_1932 = vector.extract %slice3A_1931[0] : f32 from vector<1xf32>
      %broadcast_in_dim3A_1933 = vector.broadcast %squeeze3A_1932 : f32 to vector<16xf32>
      %div3A_1934 = arith.divf %select_n3A_1927, %broadcast_in_dim3A_1933 : vector<16xf32>
      %add3A_1935 = arith.addf %add3A_1870, %div3A_1934 : vector<16xf32>
      %jit3A_1936 = arith.constant -1.000000e+00 : f32
      %broadcast_in_dim3A_1937 = vector.broadcast %jit3A_1936 : f32 to vector<16xf32>
      %select_n3A_1938 = arith.select %lt3A_5, %div3A_1934, %broadcast_in_dim3A_1937 : vector<16xi1>, vector<16xf32>
      %masked_sort3A_1939 = arith.constant dense<true> : vector<16xi1>
      %masked_sort3A_1940, %masked_sort3A_1941, %masked_sort3A_1942 = tpu.sort %select_n3A_1938, %iota3A masked %masked_sort3A_1939 {descending = true} : (vector<16xf32>, vector<16xi32>, vector<16xi1>) -> (vector<16xi1>, vector<16xf32>, vector<16xi32>)
      %slice3A_1943 = vector.extract_strided_slice %masked_sort3A_1942 {offsets = [0], sizes = [1], strides = [1]} : vector<16xi32> to vector<1xi32>
      %squeeze3A_1944 = vector.extract %slice3A_1943[0] : i32 from vector<1xi32>
      %slice3A_1945 = vector.extract_strided_slice %masked_sort3A_1942 {offsets = [1], sizes = [1], strides = [1]} : vector<16xi32> to vector<1xi32>
      %squeeze3A_1946 = vector.extract %slice3A_1945[0] : i32 from vector<1xi32>
      %slice3A_1947 = vector.extract_strided_slice %masked_sort3A_1941 {offsets = [0], sizes = [1], strides = [1]} : vector<16xf32> to vector<1xf32>
      %squeeze3A_1948 = vector.extract %slice3A_1947[0] : f32 from vector<1xf32>
      %broadcast_in_dim3A_1949 = vector.broadcast %squeeze3A_1948 : f32 to vector<16xf32>
      %sub3A_1950 = arith.subf %masked_sort3A_1941, %broadcast_in_dim3A_1949 : vector<16xf32>
      %exp3A_1951 = math.exp %sub3A_1950 : vector<16xf32>
      %slice3A_1952 = vector.extract_strided_slice %exp3A_1951 {offsets = [1], sizes = [1], strides = [1]} : vector<16xf32> to vector<1xf32>
      %squeeze3A_1953 = vector.extract %slice3A_1952[0] : f32 from vector<1xf32>
      %broadcast_in_dim3A_1954 = vector.broadcast %squeeze3A_1953 : f32 to vector<16xf32>
      %add3A_1955 = arith.constant 1.000000e+00 : f32
      %add3A_1956 = vector.broadcast %add3A_1955 : f32 to vector<16xf32>
      %add3A_1957 = arith.addf %add3A_1956, %broadcast_in_dim3A_1954 : vector<16xf32>
      %div3A_1958 = arith.constant 1.000000e+00 : f32
      %div3A_1959 = vector.broadcast %div3A_1958 : f32 to vector<16xf32>
      %div3A_1960 = arith.divf %div3A_1959, %add3A_1957 : vector<16xf32>
      %mul3A_1961 = arith.mulf %broadcast_in_dim3A_1954, %div3A_1960 : vector<16xf32>
      %eq3A_1962 = vector.broadcast %squeeze3A_1944 : i32 to vector<16xi32>
      %eq3A_1963 = arith.cmpi eq, %iota3A, %eq3A_1962 : vector<16xi32>
      %eq3A_1964 = vector.broadcast %squeeze3A_1946 : i32 to vector<16xi32>
      %eq3A_1965 = arith.cmpi eq, %iota3A, %eq3A_1964 : vector<16xi32>
      %jit3A_1966 = arith.constant 0.000000e+00 : f32
      %broadcast_in_dim3A_1967 = vector.broadcast %jit3A_1966 : f32 to vector<16xf32>
      %select_n3A_1968 = arith.select %eq3A_1965, %mul3A_1961, %broadcast_in_dim3A_1967 : vector<16xi1>, vector<16xf32>
      %select_n3A_1969 = arith.select %eq3A_1963, %div3A_1960, %select_n3A_1968 : vector<16xi1>, vector<16xf32>
      %swap3A_1970 = arith.constant 28 : i32
      %swap3A_1971 = arith.index_cast %swap3A_1970 : i32 to index
      %swap3A_1972 = arith.constant 0 : index
      %swap3A_1973 = tpu.vector_load %arg6[%swap3A_1971, %swap3A_1972] {strides = array<i32>} : memref<32x16xf32, #tpu.memory_space<vmem>>, vector<16xf32>,
      tpu.vector_store %arg6[%swap3A_1971, %swap3A_1972], %select_n3A_1969 {strides = array<i32>} : memref<32x16xf32, #tpu.memory_space<vmem>>, vector<16xf32>,
      %get3A_1974 = arith.constant 29 : i32
      %get3A_1975 = arith.index_cast %get3A_1974 : i32 to index
      %get3A_1976 = arith.constant 0 : index
      %get3A_1977 = tpu.vector_load %arg5[%get3A_1975, %get3A_1976] {strides = array<i32>} : memref<32x16xf32, #tpu.memory_space<vmem>>, vector<16xf32>,
      %jit3A_1978 = arith.constant -3.000000e+38 : f32
      %broadcast_in_dim3A_1979 = vector.broadcast %jit3A_1978 : f32 to vector<16xf32>
      %select_n3A_1980 = arith.select %lt3A_5, %get3A_1977, %broadcast_in_dim3A_1979 : vector<16xi1>, vector<16xf32>
      %masked_sort3A_1981 = arith.constant dense<true> : vector<16xi1>
      %masked_sort3A_1982, %masked_sort3A_1983, %masked_sort3A_1984 = tpu.sort %select_n3A_1980, %iota3A masked %masked_sort3A_1981 {descending = true} : (vector<16xf32>, vector<16xi32>, vector<16xi1>) -> (vector<16xi1>, vector<16xf32>, vector<16xi32>)
      %slice3A_1985 = vector.extract_strided_slice %masked_sort3A_1983 {offsets = [0], sizes = [1], strides = [1]} : vector<16xf32> to vector<1xf32>
      %squeeze3A_1986 = vector.extract %slice3A_1985[0] : f32 from vector<1xf32>
      %broadcast_in_dim3A_1987 = vector.broadcast %squeeze3A_1986 : f32 to vector<16xf32>
      %sub3A_1988 = arith.subf %select_n3A_1980, %broadcast_in_dim3A_1987 : vector<16xf32>
      %exp3A_1989 = math.exp %sub3A_1988 : vector<16xf32>
      %jit3A_1990 = arith.constant 0.000000e+00 : f32
      %broadcast_in_dim3A_1991 = vector.broadcast %jit3A_1990 : f32 to vector<16xf32>
      %select_n3A_1992 = arith.select %lt3A_5, %exp3A_1989, %broadcast_in_dim3A_1991 : vector<16xi1>, vector<16xf32>
      %broadcast_in_dim3A_1993 = arith.constant true
      %broadcast_in_dim3A_1994 = vector.broadcast %broadcast_in_dim3A_1993 : i1 to vector<16xi1>
      %masked_cumsum3A_1995 = tpu.scan <sum>, %select_n3A_1992 masked %broadcast_in_dim3A_1994 : vector<16xf32>, vector<16xi1> -> vector<16xf32>
      %slice3A_1996 = vector.extract_strided_slice %masked_cumsum3A_1995 {offsets = [15], sizes = [1], strides = [1]} : vector<16xf32> to vector<1xf32>
      %squeeze3A_1997 = vector.extract %slice3A_1996[0] : f32 from vector<1xf32>
      %broadcast_in_dim3A_1998 = vector.broadcast %squeeze3A_1997 : f32 to vector<16xf32>
      %div3A_1999 = arith.divf %select_n3A_1992, %broadcast_in_dim3A_1998 : vector<16xf32>
      %add3A_2000 = arith.addf %add3A_1935, %div3A_1999 : vector<16xf32>
      %jit3A_2001 = arith.constant -1.000000e+00 : f32
      %broadcast_in_dim3A_2002 = vector.broadcast %jit3A_2001 : f32 to vector<16xf32>
      %select_n3A_2003 = arith.select %lt3A_5, %div3A_1999, %broadcast_in_dim3A_2002 : vector<16xi1>, vector<16xf32>
      %masked_sort3A_2004 = arith.constant dense<true> : vector<16xi1>
      %masked_sort3A_2005, %masked_sort3A_2006, %masked_sort3A_2007 = tpu.sort %select_n3A_2003, %iota3A masked %masked_sort3A_2004 {descending = true} : (vector<16xf32>, vector<16xi32>, vector<16xi1>) -> (vector<16xi1>, vector<16xf32>, vector<16xi32>)
      %slice3A_2008 = vector.extract_strided_slice %masked_sort3A_2007 {offsets = [0], sizes = [1], strides = [1]} : vector<16xi32> to vector<1xi32>
      %squeeze3A_2009 = vector.extract %slice3A_2008[0] : i32 from vector<1xi32>
      %slice3A_2010 = vector.extract_strided_slice %masked_sort3A_2007 {offsets = [1], sizes = [1], strides = [1]} : vector<16xi32> to vector<1xi32>
      %squeeze3A_2011 = vector.extract %slice3A_2010[0] : i32 from vector<1xi32>
      %slice3A_2012 = vector.extract_strided_slice %masked_sort3A_2006 {offsets = [0], sizes = [1], strides = [1]} : vector<16xf32> to vector<1xf32>
      %squeeze3A_2013 = vector.extract %slice3A_2012[0] : f32 from vector<1xf32>
      %broadcast_in_dim3A_2014 = vector.broadcast %squeeze3A_2013 : f32 to vector<16xf32>
      %sub3A_2015 = arith.subf %masked_sort3A_2006, %broadcast_in_dim3A_2014 : vector<16xf32>
      %exp3A_2016 = math.exp %sub3A_2015 : vector<16xf32>
      %slice3A_2017 = vector.extract_strided_slice %exp3A_2016 {offsets = [1], sizes = [1], strides = [1]} : vector<16xf32> to vector<1xf32>
      %squeeze3A_2018 = vector.extract %slice3A_2017[0] : f32 from vector<1xf32>
      %broadcast_in_dim3A_2019 = vector.broadcast %squeeze3A_2018 : f32 to vector<16xf32>
      %add3A_2020 = arith.constant 1.000000e+00 : f32
      %add3A_2021 = vector.broadcast %add3A_2020 : f32 to vector<16xf32>
      %add3A_2022 = arith.addf %add3A_2021, %broadcast_in_dim3A_2019 : vector<16xf32>
      %div3A_2023 = arith.constant 1.000000e+00 : f32
      %div3A_2024 = vector.broadcast %div3A_2023 : f32 to vector<16xf32>
      %div3A_2025 = arith.divf %div3A_2024, %add3A_2022 : vector<16xf32>
      %mul3A_2026 = arith.mulf %broadcast_in_dim3A_2019, %div3A_2025 : vector<16xf32>
      %eq3A_2027 = vector.broadcast %squeeze3A_2009 : i32 to vector<16xi32>
      %eq3A_2028 = arith.cmpi eq, %iota3A, %eq3A_2027 : vector<16xi32>
      %eq3A_2029 = vector.broadcast %squeeze3A_2011 : i32 to vector<16xi32>
      %eq3A_2030 = arith.cmpi eq, %iota3A, %eq3A_2029 : vector<16xi32>
      %jit3A_2031 = arith.constant 0.000000e+00 : f32
      %broadcast_in_dim3A_2032 = vector.broadcast %jit3A_2031 : f32 to vector<16xf32>
      %select_n3A_2033 = arith.select %eq3A_2030, %mul3A_2026, %broadcast_in_dim3A_2032 : vector<16xi1>, vector<16xf32>
      %select_n3A_2034 = arith.select %eq3A_2028, %div3A_2025, %select_n3A_2033 : vector<16xi1>, vector<16xf32>
      %swap3A_2035 = arith.constant 29 : i32
      %swap3A_2036 = arith.index_cast %swap3A_2035 : i32 to index
      %swap3A_2037 = arith.constant 0 : index
      %swap3A_2038 = tpu.vector_load %arg6[%swap3A_2036, %swap3A_2037] {strides = array<i32>} : memref<32x16xf32, #tpu.memory_space<vmem>>, vector<16xf32>,
      tpu.vector_store %arg6[%swap3A_2036, %swap3A_2037], %select_n3A_2034 {strides = array<i32>} : memref<32x16xf32, #tpu.memory_space<vmem>>, vector<16xf32>,
      %get3A_2039 = arith.constant 30 : i32
      %get3A_2040 = arith.index_cast %get3A_2039 : i32 to index
      %get3A_2041 = arith.constant 0 : index
      %get3A_2042 = tpu.vector_load %arg5[%get3A_2040, %get3A_2041] {strides = array<i32>} : memref<32x16xf32, #tpu.memory_space<vmem>>, vector<16xf32>,
      %jit3A_2043 = arith.constant -3.000000e+38 : f32
      %broadcast_in_dim3A_2044 = vector.broadcast %jit3A_2043 : f32 to vector<16xf32>
      %select_n3A_2045 = arith.select %lt3A_5, %get3A_2042, %broadcast_in_dim3A_2044 : vector<16xi1>, vector<16xf32>
      %masked_sort3A_2046 = arith.constant dense<true> : vector<16xi1>
      %masked_sort3A_2047, %masked_sort3A_2048, %masked_sort3A_2049 = tpu.sort %select_n3A_2045, %iota3A masked %masked_sort3A_2046 {descending = true} : (vector<16xf32>, vector<16xi32>, vector<16xi1>) -> (vector<16xi1>, vector<16xf32>, vector<16xi32>)
      %slice3A_2050 = vector.extract_strided_slice %masked_sort3A_2048 {offsets = [0], sizes = [1], strides = [1]} : vector<16xf32> to vector<1xf32>
      %squeeze3A_2051 = vector.extract %slice3A_2050[0] : f32 from vector<1xf32>
      %broadcast_in_dim3A_2052 = vector.broadcast %squeeze3A_2051 : f32 to vector<16xf32>
      %sub3A_2053 = arith.subf %select_n3A_2045, %broadcast_in_dim3A_2052 : vector<16xf32>
      %exp3A_2054 = math.exp %sub3A_2053 : vector<16xf32>
      %jit3A_2055 = arith.constant 0.000000e+00 : f32
      %broadcast_in_dim3A_2056 = vector.broadcast %jit3A_2055 : f32 to vector<16xf32>
      %select_n3A_2057 = arith.select %lt3A_5, %exp3A_2054, %broadcast_in_dim3A_2056 : vector<16xi1>, vector<16xf32>
      %broadcast_in_dim3A_2058 = arith.constant true
      %broadcast_in_dim3A_2059 = vector.broadcast %broadcast_in_dim3A_2058 : i1 to vector<16xi1>
      %masked_cumsum3A_2060 = tpu.scan <sum>, %select_n3A_2057 masked %broadcast_in_dim3A_2059 : vector<16xf32>, vector<16xi1> -> vector<16xf32>
      %slice3A_2061 = vector.extract_strided_slice %masked_cumsum3A_2060 {offsets = [15], sizes = [1], strides = [1]} : vector<16xf32> to vector<1xf32>
      %squeeze3A_2062 = vector.extract %slice3A_2061[0] : f32 from vector<1xf32>
      %broadcast_in_dim3A_2063 = vector.broadcast %squeeze3A_2062 : f32 to vector<16xf32>
      %div3A_2064 = arith.divf %select_n3A_2057, %broadcast_in_dim3A_2063 : vector<16xf32>
      %add3A_2065 = arith.addf %add3A_2000, %div3A_2064 : vector<16xf32>
      %jit3A_2066 = arith.constant -1.000000e+00 : f32
      %broadcast_in_dim3A_2067 = vector.broadcast %jit3A_2066 : f32 to vector<16xf32>
      %select_n3A_2068 = arith.select %lt3A_5, %div3A_2064, %broadcast_in_dim3A_2067 : vector<16xi1>, vector<16xf32>
      %masked_sort3A_2069 = arith.constant dense<true> : vector<16xi1>
      %masked_sort3A_2070, %masked_sort3A_2071, %masked_sort3A_2072 = tpu.sort %select_n3A_2068, %iota3A masked %masked_sort3A_2069 {descending = true} : (vector<16xf32>, vector<16xi32>, vector<16xi1>) -> (vector<16xi1>, vector<16xf32>, vector<16xi32>)
      %slice3A_2073 = vector.extract_strided_slice %masked_sort3A_2072 {offsets = [0], sizes = [1], strides = [1]} : vector<16xi32> to vector<1xi32>
      %squeeze3A_2074 = vector.extract %slice3A_2073[0] : i32 from vector<1xi32>
      %slice3A_2075 = vector.extract_strided_slice %masked_sort3A_2072 {offsets = [1], sizes = [1], strides = [1]} : vector<16xi32> to vector<1xi32>
      %squeeze3A_2076 = vector.extract %slice3A_2075[0] : i32 from vector<1xi32>
      %slice3A_2077 = vector.extract_strided_slice %masked_sort3A_2071 {offsets = [0], sizes = [1], strides = [1]} : vector<16xf32> to vector<1xf32>
      %squeeze3A_2078 = vector.extract %slice3A_2077[0] : f32 from vector<1xf32>
      %broadcast_in_dim3A_2079 = vector.broadcast %squeeze3A_2078 : f32 to vector<16xf32>
      %sub3A_2080 = arith.subf %masked_sort3A_2071, %broadcast_in_dim3A_2079 : vector<16xf32>
      %exp3A_2081 = math.exp %sub3A_2080 : vector<16xf32>
      %slice3A_2082 = vector.extract_strided_slice %exp3A_2081 {offsets = [1], sizes = [1], strides = [1]} : vector<16xf32> to vector<1xf32>
      %squeeze3A_2083 = vector.extract %slice3A_2082[0] : f32 from vector<1xf32>
      %broadcast_in_dim3A_2084 = vector.broadcast %squeeze3A_2083 : f32 to vector<16xf32>
      %add3A_2085 = arith.constant 1.000000e+00 : f32
      %add3A_2086 = vector.broadcast %add3A_2085 : f32 to vector<16xf32>
      %add3A_2087 = arith.addf %add3A_2086, %broadcast_in_dim3A_2084 : vector<16xf32>
      %div3A_2088 = arith.constant 1.000000e+00 : f32
      %div3A_2089 = vector.broadcast %div3A_2088 : f32 to vector<16xf32>
      %div3A_2090 = arith.divf %div3A_2089, %add3A_2087 : vector<16xf32>
      %mul3A_2091 = arith.mulf %broadcast_in_dim3A_2084, %div3A_2090 : vector<16xf32>
      %eq3A_2092 = vector.broadcast %squeeze3A_2074 : i32 to vector<16xi32>
      %eq3A_2093 = arith.cmpi eq, %iota3A, %eq3A_2092 : vector<16xi32>
      %eq3A_2094 = vector.broadcast %squeeze3A_2076 : i32 to vector<16xi32>
      %eq3A_2095 = arith.cmpi eq, %iota3A, %eq3A_2094 : vector<16xi32>
      %jit3A_2096 = arith.constant 0.000000e+00 : f32
      %broadcast_in_dim3A_2097 = vector.broadcast %jit3A_2096 : f32 to vector<16xf32>
      %select_n3A_2098 = arith.select %eq3A_2095, %mul3A_2091, %broadcast_in_dim3A_2097 : vector<16xi1>, vector<16xf32>
      %select_n3A_2099 = arith.select %eq3A_2093, %div3A_2090, %select_n3A_2098 : vector<16xi1>, vector<16xf32>
      %swap3A_2100 = arith.constant 30 : i32
      %swap3A_2101 = arith.index_cast %swap3A_2100 : i32 to index
      %swap3A_2102 = arith.constant 0 : index
      %swap3A_2103 = tpu.vector_load %arg6[%swap3A_2101, %swap3A_2102] {strides = array<i32>} : memref<32x16xf32, #tpu.memory_space<vmem>>, vector<16xf32>,
      tpu.vector_store %arg6[%swap3A_2101, %swap3A_2102], %select_n3A_2099 {strides = array<i32>} : memref<32x16xf32, #tpu.memory_space<vmem>>, vector<16xf32>,
      %get3A_2104 = arith.constant 31 : i32
      %get3A_2105 = arith.index_cast %get3A_2104 : i32 to index
      %get3A_2106 = arith.constant 0 : index
      %get3A_2107 = tpu.vector_load %arg5[%get3A_2105, %get3A_2106] {strides = array<i32>} : memref<32x16xf32, #tpu.memory_space<vmem>>, vector<16xf32>,
      %jit3A_2108 = arith.constant -3.000000e+38 : f32
      %broadcast_in_dim3A_2109 = vector.broadcast %jit3A_2108 : f32 to vector<16xf32>
      %select_n3A_2110 = arith.select %lt3A_5, %get3A_2107, %broadcast_in_dim3A_2109 : vector<16xi1>, vector<16xf32>
      %masked_sort3A_2111 = arith.constant dense<true> : vector<16xi1>
      %masked_sort3A_2112, %masked_sort3A_2113, %masked_sort3A_2114 = tpu.sort %select_n3A_2110, %iota3A masked %masked_sort3A_2111 {descending = true} : (vector<16xf32>, vector<16xi32>, vector<16xi1>) -> (vector<16xi1>, vector<16xf32>, vector<16xi32>)
      %slice3A_2115 = vector.extract_strided_slice %masked_sort3A_2113 {offsets = [0], sizes = [1], strides = [1]} : vector<16xf32> to vector<1xf32>
      %squeeze3A_2116 = vector.extract %slice3A_2115[0] : f32 from vector<1xf32>
      %broadcast_in_dim3A_2117 = vector.broadcast %squeeze3A_2116 : f32 to vector<16xf32>
      %sub3A_2118 = arith.subf %select_n3A_2110, %broadcast_in_dim3A_2117 : vector<16xf32>
      %exp3A_2119 = math.exp %sub3A_2118 : vector<16xf32>
      %jit3A_2120 = arith.constant 0.000000e+00 : f32
      %broadcast_in_dim3A_2121 = vector.broadcast %jit3A_2120 : f32 to vector<16xf32>
      %select_n3A_2122 = arith.select %lt3A_5, %exp3A_2119, %broadcast_in_dim3A_2121 : vector<16xi1>, vector<16xf32>
      %broadcast_in_dim3A_2123 = arith.constant true
      %broadcast_in_dim3A_2124 = vector.broadcast %broadcast_in_dim3A_2123 : i1 to vector<16xi1>
      %masked_cumsum3A_2125 = tpu.scan <sum>, %select_n3A_2122 masked %broadcast_in_dim3A_2124 : vector<16xf32>, vector<16xi1> -> vector<16xf32>
      %slice3A_2126 = vector.extract_strided_slice %masked_cumsum3A_2125 {offsets = [15], sizes = [1], strides = [1]} : vector<16xf32> to vector<1xf32>
      %squeeze3A_2127 = vector.extract %slice3A_2126[0] : f32 from vector<1xf32>
      %broadcast_in_dim3A_2128 = vector.broadcast %squeeze3A_2127 : f32 to vector<16xf32>
      %div3A_2129 = arith.divf %select_n3A_2122, %broadcast_in_dim3A_2128 : vector<16xf32>
      %add3A_2130 = arith.addf %add3A_2065, %div3A_2129 : vector<16xf32>
      %jit3A_2131 = arith.constant -1.000000e+00 : f32
      %broadcast_in_dim3A_2132 = vector.broadcast %jit3A_2131 : f32 to vector<16xf32>
      %select_n3A_2133 = arith.select %lt3A_5, %div3A_2129, %broadcast_in_dim3A_2132 : vector<16xi1>, vector<16xf32>
      %masked_sort3A_2134 = arith.constant dense<true> : vector<16xi1>
      %masked_sort3A_2135, %masked_sort3A_2136, %masked_sort3A_2137 = tpu.sort %select_n3A_2133, %iota3A masked %masked_sort3A_2134 {descending = true} : (vector<16xf32>, vector<16xi32>, vector<16xi1>) -> (vector<16xi1>, vector<16xf32>, vector<16xi32>)
      %slice3A_2138 = vector.extract_strided_slice %masked_sort3A_2137 {offsets = [0], sizes = [1], strides = [1]} : vector<16xi32> to vector<1xi32>
      %squeeze3A_2139 = vector.extract %slice3A_2138[0] : i32 from vector<1xi32>
      %slice3A_2140 = vector.extract_strided_slice %masked_sort3A_2137 {offsets = [1], sizes = [1], strides = [1]} : vector<16xi32> to vector<1xi32>
      %squeeze3A_2141 = vector.extract %slice3A_2140[0] : i32 from vector<1xi32>
      %slice3A_2142 = vector.extract_strided_slice %masked_sort3A_2136 {offsets = [0], sizes = [1], strides = [1]} : vector<16xf32> to vector<1xf32>
      %squeeze3A_2143 = vector.extract %slice3A_2142[0] : f32 from vector<1xf32>
      %broadcast_in_dim3A_2144 = vector.broadcast %squeeze3A_2143 : f32 to vector<16xf32>
      %sub3A_2145 = arith.subf %masked_sort3A_2136, %broadcast_in_dim3A_2144 : vector<16xf32>
      %exp3A_2146 = math.exp %sub3A_2145 : vector<16xf32>
      %slice3A_2147 = vector.extract_strided_slice %exp3A_2146 {offsets = [1], sizes = [1], strides = [1]} : vector<16xf32> to vector<1xf32>
      %squeeze3A_2148 = vector.extract %slice3A_2147[0] : f32 from vector<1xf32>
      %broadcast_in_dim3A_2149 = vector.broadcast %squeeze3A_2148 : f32 to vector<16xf32>
      %add3A_2150 = arith.constant 1.000000e+00 : f32
      %add3A_2151 = vector.broadcast %add3A_2150 : f32 to vector<16xf32>
      %add3A_2152 = arith.addf %add3A_2151, %broadcast_in_dim3A_2149 : vector<16xf32>
      %div3A_2153 = arith.constant 1.000000e+00 : f32
      %div3A_2154 = vector.broadcast %div3A_2153 : f32 to vector<16xf32>
      %div3A_2155 = arith.divf %div3A_2154, %add3A_2152 : vector<16xf32>
      %mul3A_2156 = arith.mulf %broadcast_in_dim3A_2149, %div3A_2155 : vector<16xf32>
      %eq3A_2157 = vector.broadcast %squeeze3A_2139 : i32 to vector<16xi32>
      %eq3A_2158 = arith.cmpi eq, %iota3A, %eq3A_2157 : vector<16xi32>
      %eq3A_2159 = vector.broadcast %squeeze3A_2141 : i32 to vector<16xi32>
      %eq3A_2160 = arith.cmpi eq, %iota3A, %eq3A_2159 : vector<16xi32>
      %jit3A_2161 = arith.constant 0.000000e+00 : f32
      %broadcast_in_dim3A_2162 = vector.broadcast %jit3A_2161 : f32 to vector<16xf32>
      %select_n3A_2163 = arith.select %eq3A_2160, %mul3A_2156, %broadcast_in_dim3A_2162 : vector<16xi1>, vector<16xf32>
      %select_n3A_2164 = arith.select %eq3A_2158, %div3A_2155, %select_n3A_2163 : vector<16xi1>, vector<16xf32>
      %swap3A_2165 = arith.constant 31 : i32
      %swap3A_2166 = arith.index_cast %swap3A_2165 : i32 to index
      %swap3A_2167 = arith.constant 0 : index
      %swap3A_2168 = tpu.vector_load %arg6[%swap3A_2166, %swap3A_2167] {strides = array<i32>} : memref<32x16xf32, #tpu.memory_space<vmem>>, vector<16xf32>,
      tpu.vector_store %arg6[%swap3A_2166, %swap3A_2167], %select_n3A_2164 {strides = array<i32>} : memref<32x16xf32, #tpu.memory_space<vmem>>, vector<16xf32>,
      %broadcast_in_dim3A_2169 = arith.constant true
      %broadcast_in_dim3A_2170 = vector.broadcast %broadcast_in_dim3A_2169 : i1 to vector<16xi1>
      %masked_cumsum3A_2171 = tpu.scan <sum>, %add3A_2130 masked %broadcast_in_dim3A_2170 : vector<16xf32>, vector<16xi1> -> vector<16xf32>
      %slice3A_2172 = vector.extract_strided_slice %masked_cumsum3A_2171 {offsets = [15], sizes = [1], strides = [1]} : vector<16xf32> to vector<1xf32>
      %squeeze3A_2173 = vector.extract %slice3A_2172[0] : f32 from vector<1xf32>
      %broadcast_in_dim3A_2174 = vector.broadcast %squeeze3A_2173 : f32 to vector<16xf32>
      %mul3A_2175 = arith.constant 1.250000e-01 : f32
      %mul3A_2176 = vector.broadcast %mul3A_2175 : f32 to vector<16xf32>
      %mul3A_2177 = arith.mulf %broadcast_in_dim3A_2174, %mul3A_2176 : vector<16xf32>
      %sub3A_2178 = arith.subf %add3A_2130, %mul3A_2177 : vector<16xf32>
      %jit3A_2179 = arith.constant 0.000000e+00 : f32
      %broadcast_in_dim3A_2180 = vector.broadcast %jit3A_2179 : f32 to vector<16xf32>
      %select_n3A_2181 = arith.select %lt3A_5, %sub3A_2178, %broadcast_in_dim3A_2180 : vector<16xi1>, vector<16xf32>
      %mul3A_2182 = arith.mulf %select_n3A_2181, %select_n3A_2181 : vector<16xf32>
      %broadcast_in_dim3A_2183 = arith.constant true
      %broadcast_in_dim3A_2184 = vector.broadcast %broadcast_in_dim3A_2183 : i1 to vector<16xi1>
      %masked_cumsum3A_2185 = tpu.scan <sum>, %mul3A_2182 masked %broadcast_in_dim3A_2184 : vector<16xf32>, vector<16xi1> -> vector<16xf32>
      %slice3A_2186 = vector.extract_strided_slice %masked_cumsum3A_2185 {offsets = [15], sizes = [1], strides = [1]} : vector<16xf32> to vector<1xf32>
      %squeeze3A_2187 = vector.extract %slice3A_2186[0] : f32 from vector<1xf32>
      %broadcast_in_dim3A_2188 = vector.broadcast %squeeze3A_2187 : f32 to vector<16xf32>
      %mul3A_2189 = arith.constant 1.250000e-01 : f32
      %mul3A_2190 = vector.broadcast %mul3A_2189 : f32 to vector<16xf32>
      %mul3A_2191 = arith.mulf %broadcast_in_dim3A_2188, %mul3A_2190 : vector<16xf32>
      %mul3A_2192 = arith.mulf %mul3A_2177, %mul3A_2177 : vector<16xf32>
      %add3A_2193 = arith.constant 1.000000e-10 : f32
      %add3A_2194 = vector.broadcast %add3A_2193 : f32 to vector<16xf32>
      %add3A_2195 = arith.addf %mul3A_2192, %add3A_2194 : vector<16xf32>
      %div3A_2196 = arith.divf %mul3A_2191, %add3A_2195 : vector<16xf32>
      %add3A_2197 = arith.addf %add3A_1646, %div3A_2196 : vector<16xf32>
      %mul3A_2198 = arith.constant 2.500000e-01 : f32
      %mul3A_2199 = vector.broadcast %mul3A_2198 : f32 to vector<16xf32>
      %mul3A_2200 = arith.mulf %add3A_2197, %mul3A_2199 : vector<16xf32>
      %swap3A_2201 = arith.constant 0 : index
      %swap3A_2202 = tpu.vector_load %arg7[%swap3A_2201] {strides = array<i32>} : memref<16xf32, #tpu.memory_space<vmem>>, vector<16xf32>,
      tpu.vector_store %arg7[%swap3A_2201], %mul3A_2200 {strides = array<i32>} : memref<16xf32, #tpu.memory_space<vmem>>, vector<16xf32>,
      "tpu.region"() ({
        %run_scoped3A = tpu.sem_alloc : memref<!tpu.dma_semaphore, #tpu.memory_space<semaphore_mem>>
        tpu.enqueue_dma source(%arg6 : memref<32x16xf32, #tpu.memory_space<vmem>>) target(%arg3 : memref<32x16xf32, #tpu.memory_space<hbm>>) target_semaphore(%run_scoped3A : memref<!tpu.dma_semaphore, #tpu.memory_space<semaphore_mem>>)
        tpu.wait_dma2 semaphore(%run_scoped3A : memref<!tpu.dma_semaphore, #tpu.memory_space<semaphore_mem>>) src(%arg6 : memref<32x16xf32, #tpu.memory_space<vmem>>) dst(%arg3 : memref<32x16xf32, #tpu.memory_space<hbm>>)
        tpu.yield
      }) : () -> ()
      "tpu.region"() ({
        %run_scoped3A = tpu.sem_alloc : memref<!tpu.dma_semaphore, #tpu.memory_space<semaphore_mem>>
        tpu.enqueue_dma source(%arg7 : memref<16xf32, #tpu.memory_space<vmem>>) target(%arg4 : memref<16xf32, #tpu.memory_space<hbm>>) target_semaphore(%run_scoped3A : memref<!tpu.dma_semaphore, #tpu.memory_space<semaphore_mem>>)
        tpu.wait_dma2 semaphore(%run_scoped3A : memref<!tpu.dma_semaphore, #tpu.memory_space<semaphore_mem>>) src(%arg7 : memref<16xf32, #tpu.memory_space<vmem>>) dst(%arg4 : memref<16xf32, #tpu.memory_space<hbm>>)
        tpu.yield
      }) : () -> ()
    } else {
    }
    return
  }
}

module attributes {stable_mosaic.version = 14 : i64} {
  func.func @_logits_body(%arg0: i32, %arg1: memref<8x192x256xf32, #tpu.memory_space<vmem>>, %arg2: memref<4x192x8xf32, #tpu.memory_space<vmem>>, %arg3: memref<32x16xf32, #tpu.memory_space<vmem>>) attributes {dimension_semantics = [#tpu.dimension_semantics<arbitrary>], iteration_bounds = array<i64: 1>, scalar_prefetch = 0 : i64, scratch_operands = 0 : i64, tpu.core_type = #tpu.core_type<tc>, window_params = [{pipeline_mode = #tpu.pipeline_mode<synchronous>, transform_indices = @transform_0, window_bounds = array<i64: 8, 192, 256>}, {pipeline_mode = #tpu.pipeline_mode<synchronous>, transform_indices = @transform_1, window_bounds = array<i64: 4, 192, 8>}, {pipeline_mode = #tpu.pipeline_mode<synchronous>, transform_indices = @transform_2, window_bounds = array<i64: 32, 16>}]} {
    %get3A = arith.constant 0 : index
    %get3A_0 = arith.constant 0 : index
    %get3A_1 = arith.constant 0 : index
    %get3A_2 = vector.load %arg1[%get3A, %get3A_0, %get3A_1] : memref<8x192x256xf32, #tpu.memory_space<vmem>>, vector<1x192x256xf32>
    %get3A_3 = vector.shape_cast %get3A_2 : vector<1x192x256xf32> to vector<192x256xf32>
    %get3A_4 = arith.constant 1 : index
    %get3A_5 = arith.constant 0 : index
    %get3A_6 = arith.constant 0 : index
    %get3A_7 = vector.load %arg1[%get3A_4, %get3A_5, %get3A_6] : memref<8x192x256xf32, #tpu.memory_space<vmem>>, vector<1x192x256xf32>
    %get3A_8 = vector.shape_cast %get3A_7 : vector<1x192x256xf32> to vector<192x256xf32>
    %get3A_9 = arith.constant 2 : index
    %get3A_10 = arith.constant 0 : index
    %get3A_11 = arith.constant 0 : index
    %get3A_12 = vector.load %arg1[%get3A_9, %get3A_10, %get3A_11] : memref<8x192x256xf32, #tpu.memory_space<vmem>>, vector<1x192x256xf32>
    %get3A_13 = vector.shape_cast %get3A_12 : vector<1x192x256xf32> to vector<192x256xf32>
    %get3A_14 = arith.constant 3 : index
    %get3A_15 = arith.constant 0 : index
    %get3A_16 = arith.constant 0 : index
    %get3A_17 = vector.load %arg1[%get3A_14, %get3A_15, %get3A_16] : memref<8x192x256xf32, #tpu.memory_space<vmem>>, vector<1x192x256xf32>
    %get3A_18 = vector.shape_cast %get3A_17 : vector<1x192x256xf32> to vector<192x256xf32>
    %get3A_19 = arith.constant 4 : index
    %get3A_20 = arith.constant 0 : index
    %get3A_21 = arith.constant 0 : index
    %get3A_22 = vector.load %arg1[%get3A_19, %get3A_20, %get3A_21] : memref<8x192x256xf32, #tpu.memory_space<vmem>>, vector<1x192x256xf32>
    %get3A_23 = vector.shape_cast %get3A_22 : vector<1x192x256xf32> to vector<192x256xf32>
    %get3A_24 = arith.constant 5 : index
    %get3A_25 = arith.constant 0 : index
    %get3A_26 = arith.constant 0 : index
    %get3A_27 = vector.load %arg1[%get3A_24, %get3A_25, %get3A_26] : memref<8x192x256xf32, #tpu.memory_space<vmem>>, vector<1x192x256xf32>
    %get3A_28 = vector.shape_cast %get3A_27 : vector<1x192x256xf32> to vector<192x256xf32>
    %get3A_29 = arith.constant 6 : index
    %get3A_30 = arith.constant 0 : index
    %get3A_31 = arith.constant 0 : index
    %get3A_32 = vector.load %arg1[%get3A_29, %get3A_30, %get3A_31] : memref<8x192x256xf32, #tpu.memory_space<vmem>>, vector<1x192x256xf32>
    %get3A_33 = vector.shape_cast %get3A_32 : vector<1x192x256xf32> to vector<192x256xf32>
    %get3A_34 = arith.constant 7 : index
    %get3A_35 = arith.constant 0 : index
    %get3A_36 = arith.constant 0 : index
    %get3A_37 = vector.load %arg1[%get3A_34, %get3A_35, %get3A_36] : memref<8x192x256xf32, #tpu.memory_space<vmem>>, vector<1x192x256xf32>
    %get3A_38 = vector.shape_cast %get3A_37 : vector<1x192x256xf32> to vector<192x256xf32>
    %concatenate3A = tpu.concatenate %get3A_3, %get3A_8, %get3A_13, %get3A_18, %get3A_23, %get3A_28, %get3A_33, %get3A_38 in 1 : vector<192x256xf32>, vector<192x256xf32>, vector<192x256xf32>, vector<192x256xf32>, vector<192x256xf32>, vector<192x256xf32>, vector<192x256xf32>, vector<192x256xf32> -> vector<192x2048xf32>
    %iota3A = tpu.iota {dimensions = array<i32: 0>} : vector<2048x8xi32>
    %jit3A = arith.constant 256 : i32
    %div3A = vector.broadcast %jit3A : i32 to vector<2048x8xi32>
    %div3A_39 = arith.divsi %iota3A, %div3A : vector<2048x8xi32>
    %sign3A = arith.constant 0 : i32
    %sign3A_40 = vector.broadcast %sign3A : i32 to vector<2048x8xi32>
    %sign3A_41 = arith.cmpi sgt, %iota3A, %sign3A_40 : vector<2048x8xi32>
    %sign3A_42 = arith.extui %sign3A_41 : vector<2048x8xi1> to vector<2048x8xi32>
    %sign3A_43 = arith.constant 0 : i32
    %sign3A_44 = vector.broadcast %sign3A_43 : i32 to vector<2048x8xi32>
    %sign3A_45 = arith.cmpi slt, %iota3A, %sign3A_44 : vector<2048x8xi32>
    %sign3A_46 = arith.extui %sign3A_45 : vector<2048x8xi1> to vector<2048x8xi32>
    %sign3A_47 = arith.subi %sign3A_42, %sign3A_46 : vector<2048x8xi32>
    %sign3A_48 = arith.constant 0 : i32
    %sign3A_49 = arith.cmpi sgt, %jit3A, %sign3A_48 : i32
    %sign3A_50 = arith.extui %sign3A_49 : i1 to i32
    %sign3A_51 = arith.constant 0 : i32
    %sign3A_52 = arith.cmpi slt, %jit3A, %sign3A_51 : i32
    %sign3A_53 = arith.extui %sign3A_52 : i1 to i32
    %sign3A_54 = arith.subi %sign3A_50, %sign3A_53 : i32
    %ne3A = vector.broadcast %sign3A_54 : i32 to vector<2048x8xi32>
    %ne3A_55 = arith.cmpi ne, %sign3A_47, %ne3A : vector<2048x8xi32>
    %rem3A = vector.broadcast %jit3A : i32 to vector<2048x8xi32>
    %rem3A_56 = arith.remsi %iota3A, %rem3A : vector<2048x8xi32>
    %ne3A_57 = arith.constant 0 : i32
    %ne3A_58 = vector.broadcast %ne3A_57 : i32 to vector<2048x8xi32>
    %ne3A_59 = arith.cmpi ne, %rem3A_56, %ne3A_58 : vector<2048x8xi32>
    %and3A = arith.andi %ne3A_55, %ne3A_59 : vector<2048x8xi1>
    %sub3A = arith.constant 1 : i32
    %sub3A_60 = vector.broadcast %sub3A : i32 to vector<2048x8xi32>
    %sub3A_61 = arith.subi %div3A_39, %sub3A_60 : vector<2048x8xi32>
    %select_n3A = arith.select %and3A, %sub3A_61, %div3A_39 : vector<2048x8xi1>, vector<2048x8xi32>
    %iota3A_62 = tpu.iota {dimensions = array<i32: 1>} : vector<2048x8xi32>
    %eq3A = arith.cmpi eq, %select_n3A, %iota3A_62 : vector<2048x8xi32>
    %convert_element_type3A = arith.extui %eq3A : vector<2048x8xi1> to vector<2048x8xi32>
    %convert_element_type3A_63 = arith.sitofp %convert_element_type3A : vector<2048x8xi32> to vector<2048x8xf32>
    %dot_general3A = arith.constant dense<0.000000e+00> : vector<192x8xf32>
    %dot_general3A_64 = tpu.matmul %concatenate3A, %convert_element_type3A_63, %dot_general3A {dimension_numbers = #tpu.dot_dimension_numbers<[1], [0], [0], [1], [0, 0, 1, 1], [], []>, precision = #tpu.contract_precision<fp32>, transpose_lhs_hint = false} : vector<192x2048xf32>, vector<2048x8xf32>, vector<192x8xf32> -> vector<192x8xf32>
    %mul3A = arith.constant 3.906250e-03 : f32
    %mul3A_65 = vector.broadcast %mul3A : f32 to vector<192x8xf32>
    %mul3A_66 = arith.mulf %dot_general3A_64, %mul3A_65 : vector<192x8xf32>
    %transpose3A = tpu.transpose %mul3A_66, [1, 0] : vector<192x8xf32> -> vector<8x192xf32>
    %broadcast_in_dim3A = arith.constant 0.000000e+00 : f32
    %broadcast_in_dim3A_67 = vector.broadcast %broadcast_in_dim3A : f32 to vector<32x16xf32>
    %swap3A = arith.constant 0 : index
    %swap3A_68 = arith.constant 0 : index
    %swap3A_69 = vector.load %arg3[%swap3A, %swap3A_68] : memref<32x16xf32, #tpu.memory_space<vmem>>, vector<32x16xf32>
    tpu.vector_store %arg3[%swap3A, %swap3A_68], %broadcast_in_dim3A_67 {strides = array<i32>} : memref<32x16xf32, #tpu.memory_space<vmem>>, vector<32x16xf32>,
    %get3A_70 = arith.constant 0 : index
    %get3A_71 = arith.constant 0 : index
    %get3A_72 = arith.constant 0 : index
    %get3A_73 = vector.load %arg2[%get3A_70, %get3A_71, %get3A_72] : memref<4x192x8xf32, #tpu.memory_space<vmem>>, vector<1x192x8xf32>
    %get3A_74 = vector.shape_cast %get3A_73 : vector<1x192x8xf32> to vector<192x8xf32>
    %dot_general3A_75 = arith.constant dense<0.000000e+00> : vector<8x8xf32>
    %dot_general3A_76 = tpu.matmul %transpose3A, %get3A_74, %dot_general3A_75 {dimension_numbers = #tpu.dot_dimension_numbers<[1], [0], [0], [1], [0, 0, 1, 1], [], []>, precision = #tpu.contract_precision<fp32>, transpose_lhs_hint = false} : vector<8x192xf32>, vector<192x8xf32>, vector<8x8xf32> -> vector<8x8xf32>
    %swap3A_77 = arith.constant 0 : index
    %swap3A_78 = arith.constant 0 : index
    %swap3A_79 = vector.load %arg3[%swap3A_77, %swap3A_78] : memref<32x16xf32, #tpu.memory_space<vmem>>, vector<8x8xf32>
    tpu.vector_store %arg3[%swap3A_77, %swap3A_78], %dot_general3A_76 {strides = array<i32>} : memref<32x16xf32, #tpu.memory_space<vmem>>, vector<8x8xf32>,
    %get3A_80 = arith.constant 1 : index
    %get3A_81 = arith.constant 0 : index
    %get3A_82 = arith.constant 0 : index
    %get3A_83 = vector.load %arg2[%get3A_80, %get3A_81, %get3A_82] : memref<4x192x8xf32, #tpu.memory_space<vmem>>, vector<1x192x8xf32>
    %get3A_84 = vector.shape_cast %get3A_83 : vector<1x192x8xf32> to vector<192x8xf32>
    %dot_general3A_85 = arith.constant dense<0.000000e+00> : vector<8x8xf32>
    %dot_general3A_86 = tpu.matmul %transpose3A, %get3A_84, %dot_general3A_85 {dimension_numbers = #tpu.dot_dimension_numbers<[1], [0], [0], [1], [0, 0, 1, 1], [], []>, precision = #tpu.contract_precision<fp32>, transpose_lhs_hint = false} : vector<8x192xf32>, vector<192x8xf32>, vector<8x8xf32> -> vector<8x8xf32>
    %swap3A_87 = arith.constant 8 : index
    %swap3A_88 = arith.constant 0 : index
    %swap3A_89 = vector.load %arg3[%swap3A_87, %swap3A_88] : memref<32x16xf32, #tpu.memory_space<vmem>>, vector<8x8xf32>
    tpu.vector_store %arg3[%swap3A_87, %swap3A_88], %dot_general3A_86 {strides = array<i32>} : memref<32x16xf32, #tpu.memory_space<vmem>>, vector<8x8xf32>,
    %get3A_90 = arith.constant 2 : index
    %get3A_91 = arith.constant 0 : index
    %get3A_92 = arith.constant 0 : index
    %get3A_93 = vector.load %arg2[%get3A_90, %get3A_91, %get3A_92] : memref<4x192x8xf32, #tpu.memory_space<vmem>>, vector<1x192x8xf32>
    %get3A_94 = vector.shape_cast %get3A_93 : vector<1x192x8xf32> to vector<192x8xf32>
    %dot_general3A_95 = arith.constant dense<0.000000e+00> : vector<8x8xf32>
    %dot_general3A_96 = tpu.matmul %transpose3A, %get3A_94, %dot_general3A_95 {dimension_numbers = #tpu.dot_dimension_numbers<[1], [0], [0], [1], [0, 0, 1, 1], [], []>, precision = #tpu.contract_precision<fp32>, transpose_lhs_hint = false} : vector<8x192xf32>, vector<192x8xf32>, vector<8x8xf32> -> vector<8x8xf32>
    %swap3A_97 = arith.constant 16 : index
    %swap3A_98 = arith.constant 0 : index
    %swap3A_99 = vector.load %arg3[%swap3A_97, %swap3A_98] : memref<32x16xf32, #tpu.memory_space<vmem>>, vector<8x8xf32>
    tpu.vector_store %arg3[%swap3A_97, %swap3A_98], %dot_general3A_96 {strides = array<i32>} : memref<32x16xf32, #tpu.memory_space<vmem>>, vector<8x8xf32>,
    %get3A_100 = arith.constant 3 : index
    %get3A_101 = arith.constant 0 : index
    %get3A_102 = arith.constant 0 : index
    %get3A_103 = vector.load %arg2[%get3A_100, %get3A_101, %get3A_102] : memref<4x192x8xf32, #tpu.memory_space<vmem>>, vector<1x192x8xf32>
    %get3A_104 = vector.shape_cast %get3A_103 : vector<1x192x8xf32> to vector<192x8xf32>
    %dot_general3A_105 = arith.constant dense<0.000000e+00> : vector<8x8xf32>
    %dot_general3A_106 = tpu.matmul %transpose3A, %get3A_104, %dot_general3A_105 {dimension_numbers = #tpu.dot_dimension_numbers<[1], [0], [0], [1], [0, 0, 1, 1], [], []>, precision = #tpu.contract_precision<fp32>, transpose_lhs_hint = false} : vector<8x192xf32>, vector<192x8xf32>, vector<8x8xf32> -> vector<8x8xf32>
    %swap3A_107 = arith.constant 24 : index
    %swap3A_108 = arith.constant 0 : index
    %swap3A_109 = vector.load %arg3[%swap3A_107, %swap3A_108] : memref<32x16xf32, #tpu.memory_space<vmem>>, vector<8x8xf32>
    tpu.vector_store %arg3[%swap3A_107, %swap3A_108], %dot_general3A_106 {strides = array<i32>} : memref<32x16xf32, #tpu.memory_space<vmem>>, vector<8x8xf32>,
    return
  }
  func.func @transform_0(%arg0: i32) -> (i32, i32, i32) {
    %c0_i32 = arith.constant 0 : i32
    %c0_i32_0 = arith.constant 0 : i32
    %c0_i32_1 = arith.constant 0 : i32
    %c0_i32_2 = arith.constant 0 : i32
    return %c0_i32, %c0_i32_0, %c0_i32_1 : i32, i32, i32
  }
  func.func @transform_1(%arg0: i32) -> (i32, i32, i32) {
    %c0_i32 = arith.constant 0 : i32
    %c0_i32_0 = arith.constant 0 : i32
    %c0_i32_1 = arith.constant 0 : i32
    %c0_i32_2 = arith.constant 0 : i32
    return %c0_i32, %c0_i32_0, %c0_i32_1 : i32, i32, i32
  }
  func.func @transform_2(%arg0: i32) -> (i32, i32) {
    %c0_i32 = arith.constant 0 : i32
    %c0_i32_0 = arith.constant 0 : i32
    %c0_i32_1 = arith.constant 0 : i32
    return %c0_i32, %c0_i32_0 : i32, i32
  }
}

module attributes {stable_mosaic.version = 14 : i64} {
  func.func @_moe_body(%arg0: i32, %arg1: memref<32x16xf32, #tpu.memory_space<vmem>>, %arg2: memref<4x192x8xf32, #tpu.memory_space<vmem>>, %arg3: memref<1x192x1728xbf16, #tpu.memory_space<vmem>>, %arg4: memref<1x192x1xf32, #tpu.memory_space<vmem>>, %arg5: memref<1x192x192xf32, #tpu.memory_space<vmem>>, %arg6: memref<1x192x1xf32, #tpu.memory_space<vmem>>, %arg7: memref<8x192x256xf32, #tpu.memory_space<vmem>>, %arg8: memref<8x192x256xf32, #tpu.memory_space<vmem>>, %arg9: memref<8x192x256xf32, #tpu.memory_space<vmem>>, %arg10: memref<8x192x256xf32, #tpu.memory_space<vmem>>, %arg11: memref<8x192x256xf32, #tpu.memory_space<vmem>>, %arg12: memref<1728x2048xbf16, #tpu.memory_space<vmem>>, %arg13: memref<8x4x2048xf32, #tpu.memory_space<vmem>>) attributes {dimension_semantics = [#tpu.dimension_semantics<arbitrary>], iteration_bounds = array<i64: 8>, scalar_prefetch = 0 : i64, scratch_operands = 2 : i64, tpu.core_type = #tpu.core_type<tc>, window_params = [{pipeline_mode = #tpu.pipeline_mode<synchronous>, transform_indices = @transform_0, window_bounds = array<i64: 32, 16>}, {pipeline_mode = #tpu.pipeline_mode<synchronous>, transform_indices = @transform_1, window_bounds = array<i64: 4, 192, 8>}, {transform_indices = @transform_2, window_bounds = array<i64: 1, 192, 1728>}, {transform_indices = @transform_3, window_bounds = array<i64: 1, 192, 1>}, {transform_indices = @transform_4, window_bounds = array<i64: 1, 192, 192>}, {transform_indices = @transform_5, window_bounds = array<i64: 1, 192, 1>}, {pipeline_mode = #tpu.pipeline_mode<synchronous>, transform_indices = @transform_6, window_bounds = array<i64: 8, 192, 256>}, {pipeline_mode = #tpu.pipeline_mode<synchronous>, transform_indices = @transform_7, window_bounds = array<i64: 8, 192, 256>}, {pipeline_mode = #tpu.pipeline_mode<synchronous>, transform_indices = @transform_8, window_bounds = array<i64: 8, 192, 256>}, {pipeline_mode = #tpu.pipeline_mode<synchronous>, transform_indices = @transform_9, window_bounds = array<i64: 8, 192, 256>}, {pipeline_mode = #tpu.pipeline_mode<synchronous>, transform_indices = @transform_10, window_bounds = array<i64: 8, 192, 256>}]} {
    %eq3A = arith.constant 0 : i32
    %eq3A_0 = arith.cmpi eq, %arg0, %eq3A : i32
    %convert_element_type3A = arith.extui %eq3A_0 : i1 to i32
    %cond3A = arith.constant 0 : i32
    %cond3A_1 = arith.cmpi ne, %convert_element_type3A, %cond3A : i32
    scf.if %cond3A_1 {
      %get3A_423 = arith.constant 0 : index
      %get3A_424 = arith.constant 0 : index
      %get3A_425 = vector.load %arg1[%get3A_423, %get3A_424] : memref<32x16xf32, #tpu.memory_space<vmem>>, vector<1x1xf32>
      %broadcast_in_dim3A_426 = vector.shape_cast %get3A_425 : vector<1x1xf32> to vector<1x1xf32>
      %broadcast_in_dim3A_427 = vector.broadcast %broadcast_in_dim3A_426 : vector<1x1xf32> to vector<1x256xf32>
      %get3A_428 = arith.constant 1 : index
      %get3A_429 = arith.constant 0 : index
      %get3A_430 = vector.load %arg1[%get3A_428, %get3A_429] : memref<32x16xf32, #tpu.memory_space<vmem>>, vector<1x1xf32>
      %broadcast_in_dim3A_431 = vector.shape_cast %get3A_430 : vector<1x1xf32> to vector<1x1xf32>
      %broadcast_in_dim3A_432 = vector.broadcast %broadcast_in_dim3A_431 : vector<1x1xf32> to vector<1x256xf32>
      %get3A_433 = arith.constant 2 : index
      %get3A_434 = arith.constant 0 : index
      %get3A_435 = vector.load %arg1[%get3A_433, %get3A_434] : memref<32x16xf32, #tpu.memory_space<vmem>>, vector<1x1xf32>
      %broadcast_in_dim3A_436 = vector.shape_cast %get3A_435 : vector<1x1xf32> to vector<1x1xf32>
      %broadcast_in_dim3A_437 = vector.broadcast %broadcast_in_dim3A_436 : vector<1x1xf32> to vector<1x256xf32>
      %get3A_438 = arith.constant 3 : index
      %get3A_439 = arith.constant 0 : index
      %get3A_440 = vector.load %arg1[%get3A_438, %get3A_439] : memref<32x16xf32, #tpu.memory_space<vmem>>, vector<1x1xf32>
      %broadcast_in_dim3A_441 = vector.shape_cast %get3A_440 : vector<1x1xf32> to vector<1x1xf32>
      %broadcast_in_dim3A_442 = vector.broadcast %broadcast_in_dim3A_441 : vector<1x1xf32> to vector<1x256xf32>
      %get3A_443 = arith.constant 4 : index
      %get3A_444 = arith.constant 0 : index
      %get3A_445 = vector.load %arg1[%get3A_443, %get3A_444] : memref<32x16xf32, #tpu.memory_space<vmem>>, vector<1x1xf32>
      %broadcast_in_dim3A_446 = vector.shape_cast %get3A_445 : vector<1x1xf32> to vector<1x1xf32>
      %broadcast_in_dim3A_447 = vector.broadcast %broadcast_in_dim3A_446 : vector<1x1xf32> to vector<1x256xf32>
      %get3A_448 = arith.constant 5 : index
      %get3A_449 = arith.constant 0 : index
      %get3A_450 = vector.load %arg1[%get3A_448, %get3A_449] : memref<32x16xf32, #tpu.memory_space<vmem>>, vector<1x1xf32>
      %broadcast_in_dim3A_451 = vector.shape_cast %get3A_450 : vector<1x1xf32> to vector<1x1xf32>
      %broadcast_in_dim3A_452 = vector.broadcast %broadcast_in_dim3A_451 : vector<1x1xf32> to vector<1x256xf32>
      %get3A_453 = arith.constant 6 : index
      %get3A_454 = arith.constant 0 : index
      %get3A_455 = vector.load %arg1[%get3A_453, %get3A_454] : memref<32x16xf32, #tpu.memory_space<vmem>>, vector<1x1xf32>
      %broadcast_in_dim3A_456 = vector.shape_cast %get3A_455 : vector<1x1xf32> to vector<1x1xf32>
      %broadcast_in_dim3A_457 = vector.broadcast %broadcast_in_dim3A_456 : vector<1x1xf32> to vector<1x256xf32>
      %get3A_458 = arith.constant 7 : index
      %get3A_459 = arith.constant 0 : index
      %get3A_460 = vector.load %arg1[%get3A_458, %get3A_459] : memref<32x16xf32, #tpu.memory_space<vmem>>, vector<1x1xf32>
      %broadcast_in_dim3A_461 = vector.shape_cast %get3A_460 : vector<1x1xf32> to vector<1x1xf32>
      %broadcast_in_dim3A_462 = vector.broadcast %broadcast_in_dim3A_461 : vector<1x1xf32> to vector<1x256xf32>
      %concatenate3A = tpu.concatenate %broadcast_in_dim3A_427, %broadcast_in_dim3A_432, %broadcast_in_dim3A_437, %broadcast_in_dim3A_442, %broadcast_in_dim3A_447, %broadcast_in_dim3A_452, %broadcast_in_dim3A_457, %broadcast_in_dim3A_462 in 1 : vector<1x256xf32>, vector<1x256xf32>, vector<1x256xf32>, vector<1x256xf32>, vector<1x256xf32>, vector<1x256xf32>, vector<1x256xf32>, vector<1x256xf32> -> vector<1x2048xf32>
      %swap3A = arith.constant 0 : index
      %swap3A_463 = arith.constant 0 : index
      %swap3A_464 = arith.constant 0 : index
      %swap3A_465 = vector.load %arg13[%swap3A, %swap3A_463, %swap3A_464] : memref<8x4x2048xf32, #tpu.memory_space<vmem>>, vector<1x1x2048xf32>
      %swap3A_466 = vector.shape_cast %swap3A_465 : vector<1x1x2048xf32> to vector<1x2048xf32>
      %swap3A_467 = vector.shape_cast %concatenate3A : vector<1x2048xf32> to vector<1x1x2048xf32>
      tpu.vector_store %arg13[%swap3A, %swap3A_463, %swap3A_464], %swap3A_467 {strides = array<i32>} : memref<8x4x2048xf32, #tpu.memory_space<vmem>>, vector<1x1x2048xf32>,
      %get3A_468 = arith.constant 8 : index
      %get3A_469 = arith.constant 0 : index
      %get3A_470 = vector.load %arg1[%get3A_468, %get3A_469] : memref<32x16xf32, #tpu.memory_space<vmem>>, vector<1x1xf32>
      %broadcast_in_dim3A_471 = vector.shape_cast %get3A_470 : vector<1x1xf32> to vector<1x1xf32>
      %broadcast_in_dim3A_472 = vector.broadcast %broadcast_in_dim3A_471 : vector<1x1xf32> to vector<1x256xf32>
      %get3A_473 = arith.constant 9 : index
      %get3A_474 = arith.constant 0 : index
      %get3A_475 = vector.load %arg1[%get3A_473, %get3A_474] : memref<32x16xf32, #tpu.memory_space<vmem>>, vector<1x1xf32>
      %broadcast_in_dim3A_476 = vector.shape_cast %get3A_475 : vector<1x1xf32> to vector<1x1xf32>
      %broadcast_in_dim3A_477 = vector.broadcast %broadcast_in_dim3A_476 : vector<1x1xf32> to vector<1x256xf32>
      %get3A_478 = arith.constant 10 : index
      %get3A_479 = arith.constant 0 : index
      %get3A_480 = vector.load %arg1[%get3A_478, %get3A_479] : memref<32x16xf32, #tpu.memory_space<vmem>>, vector<1x1xf32>
      %broadcast_in_dim3A_481 = vector.shape_cast %get3A_480 : vector<1x1xf32> to vector<1x1xf32>
      %broadcast_in_dim3A_482 = vector.broadcast %broadcast_in_dim3A_481 : vector<1x1xf32> to vector<1x256xf32>
      %get3A_483 = arith.constant 11 : index
      %get3A_484 = arith.constant 0 : index
      %get3A_485 = vector.load %arg1[%get3A_483, %get3A_484] : memref<32x16xf32, #tpu.memory_space<vmem>>, vector<1x1xf32>
      %broadcast_in_dim3A_486 = vector.shape_cast %get3A_485 : vector<1x1xf32> to vector<1x1xf32>
      %broadcast_in_dim3A_487 = vector.broadcast %broadcast_in_dim3A_486 : vector<1x1xf32> to vector<1x256xf32>
      %get3A_488 = arith.constant 12 : index
      %get3A_489 = arith.constant 0 : index
      %get3A_490 = vector.load %arg1[%get3A_488, %get3A_489] : memref<32x16xf32, #tpu.memory_space<vmem>>, vector<1x1xf32>
      %broadcast_in_dim3A_491 = vector.shape_cast %get3A_490 : vector<1x1xf32> to vector<1x1xf32>
      %broadcast_in_dim3A_492 = vector.broadcast %broadcast_in_dim3A_491 : vector<1x1xf32> to vector<1x256xf32>
      %get3A_493 = arith.constant 13 : index
      %get3A_494 = arith.constant 0 : index
      %get3A_495 = vector.load %arg1[%get3A_493, %get3A_494] : memref<32x16xf32, #tpu.memory_space<vmem>>, vector<1x1xf32>
      %broadcast_in_dim3A_496 = vector.shape_cast %get3A_495 : vector<1x1xf32> to vector<1x1xf32>
      %broadcast_in_dim3A_497 = vector.broadcast %broadcast_in_dim3A_496 : vector<1x1xf32> to vector<1x256xf32>
      %get3A_498 = arith.constant 14 : index
      %get3A_499 = arith.constant 0 : index
      %get3A_500 = vector.load %arg1[%get3A_498, %get3A_499] : memref<32x16xf32, #tpu.memory_space<vmem>>, vector<1x1xf32>
      %broadcast_in_dim3A_501 = vector.shape_cast %get3A_500 : vector<1x1xf32> to vector<1x1xf32>
      %broadcast_in_dim3A_502 = vector.broadcast %broadcast_in_dim3A_501 : vector<1x1xf32> to vector<1x256xf32>
      %get3A_503 = arith.constant 15 : index
      %get3A_504 = arith.constant 0 : index
      %get3A_505 = vector.load %arg1[%get3A_503, %get3A_504] : memref<32x16xf32, #tpu.memory_space<vmem>>, vector<1x1xf32>
      %broadcast_in_dim3A_506 = vector.shape_cast %get3A_505 : vector<1x1xf32> to vector<1x1xf32>
      %broadcast_in_dim3A_507 = vector.broadcast %broadcast_in_dim3A_506 : vector<1x1xf32> to vector<1x256xf32>
      %concatenate3A_508 = tpu.concatenate %broadcast_in_dim3A_472, %broadcast_in_dim3A_477, %broadcast_in_dim3A_482, %broadcast_in_dim3A_487, %broadcast_in_dim3A_492, %broadcast_in_dim3A_497, %broadcast_in_dim3A_502, %broadcast_in_dim3A_507 in 1 : vector<1x256xf32>, vector<1x256xf32>, vector<1x256xf32>, vector<1x256xf32>, vector<1x256xf32>, vector<1x256xf32>, vector<1x256xf32>, vector<1x256xf32> -> vector<1x2048xf32>
      %swap3A_509 = arith.constant 0 : index
      %swap3A_510 = arith.constant 1 : index
      %swap3A_511 = arith.constant 0 : index
      %swap3A_512 = vector.load %arg13[%swap3A_509, %swap3A_510, %swap3A_511] : memref<8x4x2048xf32, #tpu.memory_space<vmem>>, vector<1x1x2048xf32>
      %swap3A_513 = vector.shape_cast %swap3A_512 : vector<1x1x2048xf32> to vector<1x2048xf32>
      %swap3A_514 = vector.shape_cast %concatenate3A_508 : vector<1x2048xf32> to vector<1x1x2048xf32>
      tpu.vector_store %arg13[%swap3A_509, %swap3A_510, %swap3A_511], %swap3A_514 {strides = array<i32>} : memref<8x4x2048xf32, #tpu.memory_space<vmem>>, vector<1x1x2048xf32>,
      %get3A_515 = arith.constant 16 : index
      %get3A_516 = arith.constant 0 : index
      %get3A_517 = vector.load %arg1[%get3A_515, %get3A_516] : memref<32x16xf32, #tpu.memory_space<vmem>>, vector<1x1xf32>
      %broadcast_in_dim3A_518 = vector.shape_cast %get3A_517 : vector<1x1xf32> to vector<1x1xf32>
      %broadcast_in_dim3A_519 = vector.broadcast %broadcast_in_dim3A_518 : vector<1x1xf32> to vector<1x256xf32>
      %get3A_520 = arith.constant 17 : index
      %get3A_521 = arith.constant 0 : index
      %get3A_522 = vector.load %arg1[%get3A_520, %get3A_521] : memref<32x16xf32, #tpu.memory_space<vmem>>, vector<1x1xf32>
      %broadcast_in_dim3A_523 = vector.shape_cast %get3A_522 : vector<1x1xf32> to vector<1x1xf32>
      %broadcast_in_dim3A_524 = vector.broadcast %broadcast_in_dim3A_523 : vector<1x1xf32> to vector<1x256xf32>
      %get3A_525 = arith.constant 18 : index
      %get3A_526 = arith.constant 0 : index
      %get3A_527 = vector.load %arg1[%get3A_525, %get3A_526] : memref<32x16xf32, #tpu.memory_space<vmem>>, vector<1x1xf32>
      %broadcast_in_dim3A_528 = vector.shape_cast %get3A_527 : vector<1x1xf32> to vector<1x1xf32>
      %broadcast_in_dim3A_529 = vector.broadcast %broadcast_in_dim3A_528 : vector<1x1xf32> to vector<1x256xf32>
      %get3A_530 = arith.constant 19 : index
      %get3A_531 = arith.constant 0 : index
      %get3A_532 = vector.load %arg1[%get3A_530, %get3A_531] : memref<32x16xf32, #tpu.memory_space<vmem>>, vector<1x1xf32>
      %broadcast_in_dim3A_533 = vector.shape_cast %get3A_532 : vector<1x1xf32> to vector<1x1xf32>
      %broadcast_in_dim3A_534 = vector.broadcast %broadcast_in_dim3A_533 : vector<1x1xf32> to vector<1x256xf32>
      %get3A_535 = arith.constant 20 : index
      %get3A_536 = arith.constant 0 : index
      %get3A_537 = vector.load %arg1[%get3A_535, %get3A_536] : memref<32x16xf32, #tpu.memory_space<vmem>>, vector<1x1xf32>
      %broadcast_in_dim3A_538 = vector.shape_cast %get3A_537 : vector<1x1xf32> to vector<1x1xf32>
      %broadcast_in_dim3A_539 = vector.broadcast %broadcast_in_dim3A_538 : vector<1x1xf32> to vector<1x256xf32>
      %get3A_540 = arith.constant 21 : index
      %get3A_541 = arith.constant 0 : index
      %get3A_542 = vector.load %arg1[%get3A_540, %get3A_541] : memref<32x16xf32, #tpu.memory_space<vmem>>, vector<1x1xf32>
      %broadcast_in_dim3A_543 = vector.shape_cast %get3A_542 : vector<1x1xf32> to vector<1x1xf32>
      %broadcast_in_dim3A_544 = vector.broadcast %broadcast_in_dim3A_543 : vector<1x1xf32> to vector<1x256xf32>
      %get3A_545 = arith.constant 22 : index
      %get3A_546 = arith.constant 0 : index
      %get3A_547 = vector.load %arg1[%get3A_545, %get3A_546] : memref<32x16xf32, #tpu.memory_space<vmem>>, vector<1x1xf32>
      %broadcast_in_dim3A_548 = vector.shape_cast %get3A_547 : vector<1x1xf32> to vector<1x1xf32>
      %broadcast_in_dim3A_549 = vector.broadcast %broadcast_in_dim3A_548 : vector<1x1xf32> to vector<1x256xf32>
      %get3A_550 = arith.constant 23 : index
      %get3A_551 = arith.constant 0 : index
      %get3A_552 = vector.load %arg1[%get3A_550, %get3A_551] : memref<32x16xf32, #tpu.memory_space<vmem>>, vector<1x1xf32>
      %broadcast_in_dim3A_553 = vector.shape_cast %get3A_552 : vector<1x1xf32> to vector<1x1xf32>
      %broadcast_in_dim3A_554 = vector.broadcast %broadcast_in_dim3A_553 : vector<1x1xf32> to vector<1x256xf32>
      %concatenate3A_555 = tpu.concatenate %broadcast_in_dim3A_519, %broadcast_in_dim3A_524, %broadcast_in_dim3A_529, %broadcast_in_dim3A_534, %broadcast_in_dim3A_539, %broadcast_in_dim3A_544, %broadcast_in_dim3A_549, %broadcast_in_dim3A_554 in 1 : vector<1x256xf32>, vector<1x256xf32>, vector<1x256xf32>, vector<1x256xf32>, vector<1x256xf32>, vector<1x256xf32>, vector<1x256xf32>, vector<1x256xf32> -> vector<1x2048xf32>
      %swap3A_556 = arith.constant 0 : index
      %swap3A_557 = arith.constant 2 : index
      %swap3A_558 = arith.constant 0 : index
      %swap3A_559 = vector.load %arg13[%swap3A_556, %swap3A_557, %swap3A_558] : memref<8x4x2048xf32, #tpu.memory_space<vmem>>, vector<1x1x2048xf32>
      %swap3A_560 = vector.shape_cast %swap3A_559 : vector<1x1x2048xf32> to vector<1x2048xf32>
      %swap3A_561 = vector.shape_cast %concatenate3A_555 : vector<1x2048xf32> to vector<1x1x2048xf32>
      tpu.vector_store %arg13[%swap3A_556, %swap3A_557, %swap3A_558], %swap3A_561 {strides = array<i32>} : memref<8x4x2048xf32, #tpu.memory_space<vmem>>, vector<1x1x2048xf32>,
      %get3A_562 = arith.constant 24 : index
      %get3A_563 = arith.constant 0 : index
      %get3A_564 = vector.load %arg1[%get3A_562, %get3A_563] : memref<32x16xf32, #tpu.memory_space<vmem>>, vector<1x1xf32>
      %broadcast_in_dim3A_565 = vector.shape_cast %get3A_564 : vector<1x1xf32> to vector<1x1xf32>
      %broadcast_in_dim3A_566 = vector.broadcast %broadcast_in_dim3A_565 : vector<1x1xf32> to vector<1x256xf32>
      %get3A_567 = arith.constant 25 : index
      %get3A_568 = arith.constant 0 : index
      %get3A_569 = vector.load %arg1[%get3A_567, %get3A_568] : memref<32x16xf32, #tpu.memory_space<vmem>>, vector<1x1xf32>
      %broadcast_in_dim3A_570 = vector.shape_cast %get3A_569 : vector<1x1xf32> to vector<1x1xf32>
      %broadcast_in_dim3A_571 = vector.broadcast %broadcast_in_dim3A_570 : vector<1x1xf32> to vector<1x256xf32>
      %get3A_572 = arith.constant 26 : index
      %get3A_573 = arith.constant 0 : index
      %get3A_574 = vector.load %arg1[%get3A_572, %get3A_573] : memref<32x16xf32, #tpu.memory_space<vmem>>, vector<1x1xf32>
      %broadcast_in_dim3A_575 = vector.shape_cast %get3A_574 : vector<1x1xf32> to vector<1x1xf32>
      %broadcast_in_dim3A_576 = vector.broadcast %broadcast_in_dim3A_575 : vector<1x1xf32> to vector<1x256xf32>
      %get3A_577 = arith.constant 27 : index
      %get3A_578 = arith.constant 0 : index
      %get3A_579 = vector.load %arg1[%get3A_577, %get3A_578] : memref<32x16xf32, #tpu.memory_space<vmem>>, vector<1x1xf32>
      %broadcast_in_dim3A_580 = vector.shape_cast %get3A_579 : vector<1x1xf32> to vector<1x1xf32>
      %broadcast_in_dim3A_581 = vector.broadcast %broadcast_in_dim3A_580 : vector<1x1xf32> to vector<1x256xf32>
      %get3A_582 = arith.constant 28 : index
      %get3A_583 = arith.constant 0 : index
      %get3A_584 = vector.load %arg1[%get3A_582, %get3A_583] : memref<32x16xf32, #tpu.memory_space<vmem>>, vector<1x1xf32>
      %broadcast_in_dim3A_585 = vector.shape_cast %get3A_584 : vector<1x1xf32> to vector<1x1xf32>
      %broadcast_in_dim3A_586 = vector.broadcast %broadcast_in_dim3A_585 : vector<1x1xf32> to vector<1x256xf32>
      %get3A_587 = arith.constant 29 : index
      %get3A_588 = arith.constant 0 : index
      %get3A_589 = vector.load %arg1[%get3A_587, %get3A_588] : memref<32x16xf32, #tpu.memory_space<vmem>>, vector<1x1xf32>
      %broadcast_in_dim3A_590 = vector.shape_cast %get3A_589 : vector<1x1xf32> to vector<1x1xf32>
      %broadcast_in_dim3A_591 = vector.broadcast %broadcast_in_dim3A_590 : vector<1x1xf32> to vector<1x256xf32>
      %get3A_592 = arith.constant 30 : index
      %get3A_593 = arith.constant 0 : index
      %get3A_594 = vector.load %arg1[%get3A_592, %get3A_593] : memref<32x16xf32, #tpu.memory_space<vmem>>, vector<1x1xf32>
      %broadcast_in_dim3A_595 = vector.shape_cast %get3A_594 : vector<1x1xf32> to vector<1x1xf32>
      %broadcast_in_dim3A_596 = vector.broadcast %broadcast_in_dim3A_595 : vector<1x1xf32> to vector<1x256xf32>
      %get3A_597 = arith.constant 31 : index
      %get3A_598 = arith.constant 0 : index
      %get3A_599 = vector.load %arg1[%get3A_597, %get3A_598] : memref<32x16xf32, #tpu.memory_space<vmem>>, vector<1x1xf32>
      %broadcast_in_dim3A_600 = vector.shape_cast %get3A_599 : vector<1x1xf32> to vector<1x1xf32>
      %broadcast_in_dim3A_601 = vector.broadcast %broadcast_in_dim3A_600 : vector<1x1xf32> to vector<1x256xf32>
      %concatenate3A_602 = tpu.concatenate %broadcast_in_dim3A_566, %broadcast_in_dim3A_571, %broadcast_in_dim3A_576, %broadcast_in_dim3A_581, %broadcast_in_dim3A_586, %broadcast_in_dim3A_591, %broadcast_in_dim3A_596, %broadcast_in_dim3A_601 in 1 : vector<1x256xf32>, vector<1x256xf32>, vector<1x256xf32>, vector<1x256xf32>, vector<1x256xf32>, vector<1x256xf32>, vector<1x256xf32>, vector<1x256xf32> -> vector<1x2048xf32>
      %swap3A_603 = arith.constant 0 : index
      %swap3A_604 = arith.constant 3 : index
      %swap3A_605 = arith.constant 0 : index
      %swap3A_606 = vector.load %arg13[%swap3A_603, %swap3A_604, %swap3A_605] : memref<8x4x2048xf32, #tpu.memory_space<vmem>>, vector<1x1x2048xf32>
      %swap3A_607 = vector.shape_cast %swap3A_606 : vector<1x1x2048xf32> to vector<1x2048xf32>
      %swap3A_608 = vector.shape_cast %concatenate3A_602 : vector<1x2048xf32> to vector<1x1x2048xf32>
      tpu.vector_store %arg13[%swap3A_603, %swap3A_604, %swap3A_605], %swap3A_608 {strides = array<i32>} : memref<8x4x2048xf32, #tpu.memory_space<vmem>>, vector<1x1x2048xf32>,
      %get3A_609 = arith.constant 0 : index
      %get3A_610 = arith.constant 1 : index
      %get3A_611 = vector.load %arg1[%get3A_609, %get3A_610] : memref<32x16xf32, #tpu.memory_space<vmem>>, vector<1x1xf32>
      %broadcast_in_dim3A_612 = vector.shape_cast %get3A_611 : vector<1x1xf32> to vector<1x1xf32>
      %broadcast_in_dim3A_613 = vector.broadcast %broadcast_in_dim3A_612 : vector<1x1xf32> to vector<1x256xf32>
      %get3A_614 = arith.constant 1 : index
      %get3A_615 = arith.constant 1 : index
      %get3A_616 = vector.load %arg1[%get3A_614, %get3A_615] : memref<32x16xf32, #tpu.memory_space<vmem>>, vector<1x1xf32>
      %broadcast_in_dim3A_617 = vector.shape_cast %get3A_616 : vector<1x1xf32> to vector<1x1xf32>
      %broadcast_in_dim3A_618 = vector.broadcast %broadcast_in_dim3A_617 : vector<1x1xf32> to vector<1x256xf32>
      %get3A_619 = arith.constant 2 : index
      %get3A_620 = arith.constant 1 : index
      %get3A_621 = vector.load %arg1[%get3A_619, %get3A_620] : memref<32x16xf32, #tpu.memory_space<vmem>>, vector<1x1xf32>
      %broadcast_in_dim3A_622 = vector.shape_cast %get3A_621 : vector<1x1xf32> to vector<1x1xf32>
      %broadcast_in_dim3A_623 = vector.broadcast %broadcast_in_dim3A_622 : vector<1x1xf32> to vector<1x256xf32>
      %get3A_624 = arith.constant 3 : index
      %get3A_625 = arith.constant 1 : index
      %get3A_626 = vector.load %arg1[%get3A_624, %get3A_625] : memref<32x16xf32, #tpu.memory_space<vmem>>, vector<1x1xf32>
      %broadcast_in_dim3A_627 = vector.shape_cast %get3A_626 : vector<1x1xf32> to vector<1x1xf32>
      %broadcast_in_dim3A_628 = vector.broadcast %broadcast_in_dim3A_627 : vector<1x1xf32> to vector<1x256xf32>
      %get3A_629 = arith.constant 4 : index
      %get3A_630 = arith.constant 1 : index
      %get3A_631 = vector.load %arg1[%get3A_629, %get3A_630] : memref<32x16xf32, #tpu.memory_space<vmem>>, vector<1x1xf32>
      %broadcast_in_dim3A_632 = vector.shape_cast %get3A_631 : vector<1x1xf32> to vector<1x1xf32>
      %broadcast_in_dim3A_633 = vector.broadcast %broadcast_in_dim3A_632 : vector<1x1xf32> to vector<1x256xf32>
      %get3A_634 = arith.constant 5 : index
      %get3A_635 = arith.constant 1 : index
      %get3A_636 = vector.load %arg1[%get3A_634, %get3A_635] : memref<32x16xf32, #tpu.memory_space<vmem>>, vector<1x1xf32>
      %broadcast_in_dim3A_637 = vector.shape_cast %get3A_636 : vector<1x1xf32> to vector<1x1xf32>
      %broadcast_in_dim3A_638 = vector.broadcast %broadcast_in_dim3A_637 : vector<1x1xf32> to vector<1x256xf32>
      %get3A_639 = arith.constant 6 : index
      %get3A_640 = arith.constant 1 : index
      %get3A_641 = vector.load %arg1[%get3A_639, %get3A_640] : memref<32x16xf32, #tpu.memory_space<vmem>>, vector<1x1xf32>
      %broadcast_in_dim3A_642 = vector.shape_cast %get3A_641 : vector<1x1xf32> to vector<1x1xf32>
      %broadcast_in_dim3A_643 = vector.broadcast %broadcast_in_dim3A_642 : vector<1x1xf32> to vector<1x256xf32>
      %get3A_644 = arith.constant 7 : index
      %get3A_645 = arith.constant 1 : index
      %get3A_646 = vector.load %arg1[%get3A_644, %get3A_645] : memref<32x16xf32, #tpu.memory_space<vmem>>, vector<1x1xf32>
      %broadcast_in_dim3A_647 = vector.shape_cast %get3A_646 : vector<1x1xf32> to vector<1x1xf32>
      %broadcast_in_dim3A_648 = vector.broadcast %broadcast_in_dim3A_647 : vector<1x1xf32> to vector<1x256xf32>
      %concatenate3A_649 = tpu.concatenate %broadcast_in_dim3A_613, %broadcast_in_dim3A_618, %broadcast_in_dim3A_623, %broadcast_in_dim3A_628, %broadcast_in_dim3A_633, %broadcast_in_dim3A_638, %broadcast_in_dim3A_643, %broadcast_in_dim3A_648 in 1 : vector<1x256xf32>, vector<1x256xf32>, vector<1x256xf32>, vector<1x256xf32>, vector<1x256xf32>, vector<1x256xf32>, vector<1x256xf32>, vector<1x256xf32> -> vector<1x2048xf32>
      %swap3A_650 = arith.constant 1 : index
      %swap3A_651 = arith.constant 0 : index
      %swap3A_652 = arith.constant 0 : index
      %swap3A_653 = vector.load %arg13[%swap3A_650, %swap3A_651, %swap3A_652] : memref<8x4x2048xf32, #tpu.memory_space<vmem>>, vector<1x1x2048xf32>
      %swap3A_654 = vector.shape_cast %swap3A_653 : vector<1x1x2048xf32> to vector<1x2048xf32>
      %swap3A_655 = vector.shape_cast %concatenate3A_649 : vector<1x2048xf32> to vector<1x1x2048xf32>
      tpu.vector_store %arg13[%swap3A_650, %swap3A_651, %swap3A_652], %swap3A_655 {strides = array<i32>} : memref<8x4x2048xf32, #tpu.memory_space<vmem>>, vector<1x1x2048xf32>,
      %get3A_656 = arith.constant 8 : index
      %get3A_657 = arith.constant 1 : index
      %get3A_658 = vector.load %arg1[%get3A_656, %get3A_657] : memref<32x16xf32, #tpu.memory_space<vmem>>, vector<1x1xf32>
      %broadcast_in_dim3A_659 = vector.shape_cast %get3A_658 : vector<1x1xf32> to vector<1x1xf32>
      %broadcast_in_dim3A_660 = vector.broadcast %broadcast_in_dim3A_659 : vector<1x1xf32> to vector<1x256xf32>
      %get3A_661 = arith.constant 9 : index
      %get3A_662 = arith.constant 1 : index
      %get3A_663 = vector.load %arg1[%get3A_661, %get3A_662] : memref<32x16xf32, #tpu.memory_space<vmem>>, vector<1x1xf32>
      %broadcast_in_dim3A_664 = vector.shape_cast %get3A_663 : vector<1x1xf32> to vector<1x1xf32>
      %broadcast_in_dim3A_665 = vector.broadcast %broadcast_in_dim3A_664 : vector<1x1xf32> to vector<1x256xf32>
      %get3A_666 = arith.constant 10 : index
      %get3A_667 = arith.constant 1 : index
      %get3A_668 = vector.load %arg1[%get3A_666, %get3A_667] : memref<32x16xf32, #tpu.memory_space<vmem>>, vector<1x1xf32>
      %broadcast_in_dim3A_669 = vector.shape_cast %get3A_668 : vector<1x1xf32> to vector<1x1xf32>
      %broadcast_in_dim3A_670 = vector.broadcast %broadcast_in_dim3A_669 : vector<1x1xf32> to vector<1x256xf32>
      %get3A_671 = arith.constant 11 : index
      %get3A_672 = arith.constant 1 : index
      %get3A_673 = vector.load %arg1[%get3A_671, %get3A_672] : memref<32x16xf32, #tpu.memory_space<vmem>>, vector<1x1xf32>
      %broadcast_in_dim3A_674 = vector.shape_cast %get3A_673 : vector<1x1xf32> to vector<1x1xf32>
      %broadcast_in_dim3A_675 = vector.broadcast %broadcast_in_dim3A_674 : vector<1x1xf32> to vector<1x256xf32>
      %get3A_676 = arith.constant 12 : index
      %get3A_677 = arith.constant 1 : index
      %get3A_678 = vector.load %arg1[%get3A_676, %get3A_677] : memref<32x16xf32, #tpu.memory_space<vmem>>, vector<1x1xf32>
      %broadcast_in_dim3A_679 = vector.shape_cast %get3A_678 : vector<1x1xf32> to vector<1x1xf32>
      %broadcast_in_dim3A_680 = vector.broadcast %broadcast_in_dim3A_679 : vector<1x1xf32> to vector<1x256xf32>
      %get3A_681 = arith.constant 13 : index
      %get3A_682 = arith.constant 1 : index
      %get3A_683 = vector.load %arg1[%get3A_681, %get3A_682] : memref<32x16xf32, #tpu.memory_space<vmem>>, vector<1x1xf32>
      %broadcast_in_dim3A_684 = vector.shape_cast %get3A_683 : vector<1x1xf32> to vector<1x1xf32>
      %broadcast_in_dim3A_685 = vector.broadcast %broadcast_in_dim3A_684 : vector<1x1xf32> to vector<1x256xf32>
      %get3A_686 = arith.constant 14 : index
      %get3A_687 = arith.constant 1 : index
      %get3A_688 = vector.load %arg1[%get3A_686, %get3A_687] : memref<32x16xf32, #tpu.memory_space<vmem>>, vector<1x1xf32>
      %broadcast_in_dim3A_689 = vector.shape_cast %get3A_688 : vector<1x1xf32> to vector<1x1xf32>
      %broadcast_in_dim3A_690 = vector.broadcast %broadcast_in_dim3A_689 : vector<1x1xf32> to vector<1x256xf32>
      %get3A_691 = arith.constant 15 : index
      %get3A_692 = arith.constant 1 : index
      %get3A_693 = vector.load %arg1[%get3A_691, %get3A_692] : memref<32x16xf32, #tpu.memory_space<vmem>>, vector<1x1xf32>
      %broadcast_in_dim3A_694 = vector.shape_cast %get3A_693 : vector<1x1xf32> to vector<1x1xf32>
      %broadcast_in_dim3A_695 = vector.broadcast %broadcast_in_dim3A_694 : vector<1x1xf32> to vector<1x256xf32>
      %concatenate3A_696 = tpu.concatenate %broadcast_in_dim3A_660, %broadcast_in_dim3A_665, %broadcast_in_dim3A_670, %broadcast_in_dim3A_675, %broadcast_in_dim3A_680, %broadcast_in_dim3A_685, %broadcast_in_dim3A_690, %broadcast_in_dim3A_695 in 1 : vector<1x256xf32>, vector<1x256xf32>, vector<1x256xf32>, vector<1x256xf32>, vector<1x256xf32>, vector<1x256xf32>, vector<1x256xf32>, vector<1x256xf32> -> vector<1x2048xf32>
      %swap3A_697 = arith.constant 1 : index
      %swap3A_698 = arith.constant 1 : index
      %swap3A_699 = arith.constant 0 : index
      %swap3A_700 = vector.load %arg13[%swap3A_697, %swap3A_698, %swap3A_699] : memref<8x4x2048xf32, #tpu.memory_space<vmem>>, vector<1x1x2048xf32>
      %swap3A_701 = vector.shape_cast %swap3A_700 : vector<1x1x2048xf32> to vector<1x2048xf32>
      %swap3A_702 = vector.shape_cast %concatenate3A_696 : vector<1x2048xf32> to vector<1x1x2048xf32>
      tpu.vector_store %arg13[%swap3A_697, %swap3A_698, %swap3A_699], %swap3A_702 {strides = array<i32>} : memref<8x4x2048xf32, #tpu.memory_space<vmem>>, vector<1x1x2048xf32>,
      %get3A_703 = arith.constant 16 : index
      %get3A_704 = arith.constant 1 : index
      %get3A_705 = vector.load %arg1[%get3A_703, %get3A_704] : memref<32x16xf32, #tpu.memory_space<vmem>>, vector<1x1xf32>
      %broadcast_in_dim3A_706 = vector.shape_cast %get3A_705 : vector<1x1xf32> to vector<1x1xf32>
      %broadcast_in_dim3A_707 = vector.broadcast %broadcast_in_dim3A_706 : vector<1x1xf32> to vector<1x256xf32>
      %get3A_708 = arith.constant 17 : index
      %get3A_709 = arith.constant 1 : index
      %get3A_710 = vector.load %arg1[%get3A_708, %get3A_709] : memref<32x16xf32, #tpu.memory_space<vmem>>, vector<1x1xf32>
      %broadcast_in_dim3A_711 = vector.shape_cast %get3A_710 : vector<1x1xf32> to vector<1x1xf32>
      %broadcast_in_dim3A_712 = vector.broadcast %broadcast_in_dim3A_711 : vector<1x1xf32> to vector<1x256xf32>
      %get3A_713 = arith.constant 18 : index
      %get3A_714 = arith.constant 1 : index
      %get3A_715 = vector.load %arg1[%get3A_713, %get3A_714] : memref<32x16xf32, #tpu.memory_space<vmem>>, vector<1x1xf32>
      %broadcast_in_dim3A_716 = vector.shape_cast %get3A_715 : vector<1x1xf32> to vector<1x1xf32>
      %broadcast_in_dim3A_717 = vector.broadcast %broadcast_in_dim3A_716 : vector<1x1xf32> to vector<1x256xf32>
      %get3A_718 = arith.constant 19 : index
      %get3A_719 = arith.constant 1 : index
      %get3A_720 = vector.load %arg1[%get3A_718, %get3A_719] : memref<32x16xf32, #tpu.memory_space<vmem>>, vector<1x1xf32>
      %broadcast_in_dim3A_721 = vector.shape_cast %get3A_720 : vector<1x1xf32> to vector<1x1xf32>
      %broadcast_in_dim3A_722 = vector.broadcast %broadcast_in_dim3A_721 : vector<1x1xf32> to vector<1x256xf32>
      %get3A_723 = arith.constant 20 : index
      %get3A_724 = arith.constant 1 : index
      %get3A_725 = vector.load %arg1[%get3A_723, %get3A_724] : memref<32x16xf32, #tpu.memory_space<vmem>>, vector<1x1xf32>
      %broadcast_in_dim3A_726 = vector.shape_cast %get3A_725 : vector<1x1xf32> to vector<1x1xf32>
      %broadcast_in_dim3A_727 = vector.broadcast %broadcast_in_dim3A_726 : vector<1x1xf32> to vector<1x256xf32>
      %get3A_728 = arith.constant 21 : index
      %get3A_729 = arith.constant 1 : index
      %get3A_730 = vector.load %arg1[%get3A_728, %get3A_729] : memref<32x16xf32, #tpu.memory_space<vmem>>, vector<1x1xf32>
      %broadcast_in_dim3A_731 = vector.shape_cast %get3A_730 : vector<1x1xf32> to vector<1x1xf32>
      %broadcast_in_dim3A_732 = vector.broadcast %broadcast_in_dim3A_731 : vector<1x1xf32> to vector<1x256xf32>
      %get3A_733 = arith.constant 22 : index
      %get3A_734 = arith.constant 1 : index
      %get3A_735 = vector.load %arg1[%get3A_733, %get3A_734] : memref<32x16xf32, #tpu.memory_space<vmem>>, vector<1x1xf32>
      %broadcast_in_dim3A_736 = vector.shape_cast %get3A_735 : vector<1x1xf32> to vector<1x1xf32>
      %broadcast_in_dim3A_737 = vector.broadcast %broadcast_in_dim3A_736 : vector<1x1xf32> to vector<1x256xf32>
      %get3A_738 = arith.constant 23 : index
      %get3A_739 = arith.constant 1 : index
      %get3A_740 = vector.load %arg1[%get3A_738, %get3A_739] : memref<32x16xf32, #tpu.memory_space<vmem>>, vector<1x1xf32>
      %broadcast_in_dim3A_741 = vector.shape_cast %get3A_740 : vector<1x1xf32> to vector<1x1xf32>
      %broadcast_in_dim3A_742 = vector.broadcast %broadcast_in_dim3A_741 : vector<1x1xf32> to vector<1x256xf32>
      %concatenate3A_743 = tpu.concatenate %broadcast_in_dim3A_707, %broadcast_in_dim3A_712, %broadcast_in_dim3A_717, %broadcast_in_dim3A_722, %broadcast_in_dim3A_727, %broadcast_in_dim3A_732, %broadcast_in_dim3A_737, %broadcast_in_dim3A_742 in 1 : vector<1x256xf32>, vector<1x256xf32>, vector<1x256xf32>, vector<1x256xf32>, vector<1x256xf32>, vector<1x256xf32>, vector<1x256xf32>, vector<1x256xf32> -> vector<1x2048xf32>
      %swap3A_744 = arith.constant 1 : index
      %swap3A_745 = arith.constant 2 : index
      %swap3A_746 = arith.constant 0 : index
      %swap3A_747 = vector.load %arg13[%swap3A_744, %swap3A_745, %swap3A_746] : memref<8x4x2048xf32, #tpu.memory_space<vmem>>, vector<1x1x2048xf32>
      %swap3A_748 = vector.shape_cast %swap3A_747 : vector<1x1x2048xf32> to vector<1x2048xf32>
      %swap3A_749 = vector.shape_cast %concatenate3A_743 : vector<1x2048xf32> to vector<1x1x2048xf32>
      tpu.vector_store %arg13[%swap3A_744, %swap3A_745, %swap3A_746], %swap3A_749 {strides = array<i32>} : memref<8x4x2048xf32, #tpu.memory_space<vmem>>, vector<1x1x2048xf32>,
      %get3A_750 = arith.constant 24 : index
      %get3A_751 = arith.constant 1 : index
      %get3A_752 = vector.load %arg1[%get3A_750, %get3A_751] : memref<32x16xf32, #tpu.memory_space<vmem>>, vector<1x1xf32>
      %broadcast_in_dim3A_753 = vector.shape_cast %get3A_752 : vector<1x1xf32> to vector<1x1xf32>
      %broadcast_in_dim3A_754 = vector.broadcast %broadcast_in_dim3A_753 : vector<1x1xf32> to vector<1x256xf32>
      %get3A_755 = arith.constant 25 : index
      %get3A_756 = arith.constant 1 : index
      %get3A_757 = vector.load %arg1[%get3A_755, %get3A_756] : memref<32x16xf32, #tpu.memory_space<vmem>>, vector<1x1xf32>
      %broadcast_in_dim3A_758 = vector.shape_cast %get3A_757 : vector<1x1xf32> to vector<1x1xf32>
      %broadcast_in_dim3A_759 = vector.broadcast %broadcast_in_dim3A_758 : vector<1x1xf32> to vector<1x256xf32>
      %get3A_760 = arith.constant 26 : index
      %get3A_761 = arith.constant 1 : index
      %get3A_762 = vector.load %arg1[%get3A_760, %get3A_761] : memref<32x16xf32, #tpu.memory_space<vmem>>, vector<1x1xf32>
      %broadcast_in_dim3A_763 = vector.shape_cast %get3A_762 : vector<1x1xf32> to vector<1x1xf32>
      %broadcast_in_dim3A_764 = vector.broadcast %broadcast_in_dim3A_763 : vector<1x1xf32> to vector<1x256xf32>
      %get3A_765 = arith.constant 27 : index
      %get3A_766 = arith.constant 1 : index
      %get3A_767 = vector.load %arg1[%get3A_765, %get3A_766] : memref<32x16xf32, #tpu.memory_space<vmem>>, vector<1x1xf32>
      %broadcast_in_dim3A_768 = vector.shape_cast %get3A_767 : vector<1x1xf32> to vector<1x1xf32>
      %broadcast_in_dim3A_769 = vector.broadcast %broadcast_in_dim3A_768 : vector<1x1xf32> to vector<1x256xf32>
      %get3A_770 = arith.constant 28 : index
      %get3A_771 = arith.constant 1 : index
      %get3A_772 = vector.load %arg1[%get3A_770, %get3A_771] : memref<32x16xf32, #tpu.memory_space<vmem>>, vector<1x1xf32>
      %broadcast_in_dim3A_773 = vector.shape_cast %get3A_772 : vector<1x1xf32> to vector<1x1xf32>
      %broadcast_in_dim3A_774 = vector.broadcast %broadcast_in_dim3A_773 : vector<1x1xf32> to vector<1x256xf32>
      %get3A_775 = arith.constant 29 : index
      %get3A_776 = arith.constant 1 : index
      %get3A_777 = vector.load %arg1[%get3A_775, %get3A_776] : memref<32x16xf32, #tpu.memory_space<vmem>>, vector<1x1xf32>
      %broadcast_in_dim3A_778 = vector.shape_cast %get3A_777 : vector<1x1xf32> to vector<1x1xf32>
      %broadcast_in_dim3A_779 = vector.broadcast %broadcast_in_dim3A_778 : vector<1x1xf32> to vector<1x256xf32>
      %get3A_780 = arith.constant 30 : index
      %get3A_781 = arith.constant 1 : index
      %get3A_782 = vector.load %arg1[%get3A_780, %get3A_781] : memref<32x16xf32, #tpu.memory_space<vmem>>, vector<1x1xf32>
      %broadcast_in_dim3A_783 = vector.shape_cast %get3A_782 : vector<1x1xf32> to vector<1x1xf32>
      %broadcast_in_dim3A_784 = vector.broadcast %broadcast_in_dim3A_783 : vector<1x1xf32> to vector<1x256xf32>
      %get3A_785 = arith.constant 31 : index
      %get3A_786 = arith.constant 1 : index
      %get3A_787 = vector.load %arg1[%get3A_785, %get3A_786] : memref<32x16xf32, #tpu.memory_space<vmem>>, vector<1x1xf32>
      %broadcast_in_dim3A_788 = vector.shape_cast %get3A_787 : vector<1x1xf32> to vector<1x1xf32>
      %broadcast_in_dim3A_789 = vector.broadcast %broadcast_in_dim3A_788 : vector<1x1xf32> to vector<1x256xf32>
      %concatenate3A_790 = tpu.concatenate %broadcast_in_dim3A_754, %broadcast_in_dim3A_759, %broadcast_in_dim3A_764, %broadcast_in_dim3A_769, %broadcast_in_dim3A_774, %broadcast_in_dim3A_779, %broadcast_in_dim3A_784, %broadcast_in_dim3A_789 in 1 : vector<1x256xf32>, vector<1x256xf32>, vector<1x256xf32>, vector<1x256xf32>, vector<1x256xf32>, vector<1x256xf32>, vector<1x256xf32>, vector<1x256xf32> -> vector<1x2048xf32>
      %swap3A_791 = arith.constant 1 : index
      %swap3A_792 = arith.constant 3 : index
      %swap3A_793 = arith.constant 0 : index
      %swap3A_794 = vector.load %arg13[%swap3A_791, %swap3A_792, %swap3A_793] : memref<8x4x2048xf32, #tpu.memory_space<vmem>>, vector<1x1x2048xf32>
      %swap3A_795 = vector.shape_cast %swap3A_794 : vector<1x1x2048xf32> to vector<1x2048xf32>
      %swap3A_796 = vector.shape_cast %concatenate3A_790 : vector<1x2048xf32> to vector<1x1x2048xf32>
      tpu.vector_store %arg13[%swap3A_791, %swap3A_792, %swap3A_793], %swap3A_796 {strides = array<i32>} : memref<8x4x2048xf32, #tpu.memory_space<vmem>>, vector<1x1x2048xf32>,
      %get3A_797 = arith.constant 0 : index
      %get3A_798 = arith.constant 2 : index
      %get3A_799 = vector.load %arg1[%get3A_797, %get3A_798] : memref<32x16xf32, #tpu.memory_space<vmem>>, vector<1x1xf32>
      %broadcast_in_dim3A_800 = vector.shape_cast %get3A_799 : vector<1x1xf32> to vector<1x1xf32>
      %broadcast_in_dim3A_801 = vector.broadcast %broadcast_in_dim3A_800 : vector<1x1xf32> to vector<1x256xf32>
      %get3A_802 = arith.constant 1 : index
      %get3A_803 = arith.constant 2 : index
      %get3A_804 = vector.load %arg1[%get3A_802, %get3A_803] : memref<32x16xf32, #tpu.memory_space<vmem>>, vector<1x1xf32>
      %broadcast_in_dim3A_805 = vector.shape_cast %get3A_804 : vector<1x1xf32> to vector<1x1xf32>
      %broadcast_in_dim3A_806 = vector.broadcast %broadcast_in_dim3A_805 : vector<1x1xf32> to vector<1x256xf32>
      %get3A_807 = arith.constant 2 : index
      %get3A_808 = arith.constant 2 : index
      %get3A_809 = vector.load %arg1[%get3A_807, %get3A_808] : memref<32x16xf32, #tpu.memory_space<vmem>>, vector<1x1xf32>
      %broadcast_in_dim3A_810 = vector.shape_cast %get3A_809 : vector<1x1xf32> to vector<1x1xf32>
      %broadcast_in_dim3A_811 = vector.broadcast %broadcast_in_dim3A_810 : vector<1x1xf32> to vector<1x256xf32>
      %get3A_812 = arith.constant 3 : index
      %get3A_813 = arith.constant 2 : index
      %get3A_814 = vector.load %arg1[%get3A_812, %get3A_813] : memref<32x16xf32, #tpu.memory_space<vmem>>, vector<1x1xf32>
      %broadcast_in_dim3A_815 = vector.shape_cast %get3A_814 : vector<1x1xf32> to vector<1x1xf32>
      %broadcast_in_dim3A_816 = vector.broadcast %broadcast_in_dim3A_815 : vector<1x1xf32> to vector<1x256xf32>
      %get3A_817 = arith.constant 4 : index
      %get3A_818 = arith.constant 2 : index
      %get3A_819 = vector.load %arg1[%get3A_817, %get3A_818] : memref<32x16xf32, #tpu.memory_space<vmem>>, vector<1x1xf32>
      %broadcast_in_dim3A_820 = vector.shape_cast %get3A_819 : vector<1x1xf32> to vector<1x1xf32>
      %broadcast_in_dim3A_821 = vector.broadcast %broadcast_in_dim3A_820 : vector<1x1xf32> to vector<1x256xf32>
      %get3A_822 = arith.constant 5 : index
      %get3A_823 = arith.constant 2 : index
      %get3A_824 = vector.load %arg1[%get3A_822, %get3A_823] : memref<32x16xf32, #tpu.memory_space<vmem>>, vector<1x1xf32>
      %broadcast_in_dim3A_825 = vector.shape_cast %get3A_824 : vector<1x1xf32> to vector<1x1xf32>
      %broadcast_in_dim3A_826 = vector.broadcast %broadcast_in_dim3A_825 : vector<1x1xf32> to vector<1x256xf32>
      %get3A_827 = arith.constant 6 : index
      %get3A_828 = arith.constant 2 : index
      %get3A_829 = vector.load %arg1[%get3A_827, %get3A_828] : memref<32x16xf32, #tpu.memory_space<vmem>>, vector<1x1xf32>
      %broadcast_in_dim3A_830 = vector.shape_cast %get3A_829 : vector<1x1xf32> to vector<1x1xf32>
      %broadcast_in_dim3A_831 = vector.broadcast %broadcast_in_dim3A_830 : vector<1x1xf32> to vector<1x256xf32>
      %get3A_832 = arith.constant 7 : index
      %get3A_833 = arith.constant 2 : index
      %get3A_834 = vector.load %arg1[%get3A_832, %get3A_833] : memref<32x16xf32, #tpu.memory_space<vmem>>, vector<1x1xf32>
      %broadcast_in_dim3A_835 = vector.shape_cast %get3A_834 : vector<1x1xf32> to vector<1x1xf32>
      %broadcast_in_dim3A_836 = vector.broadcast %broadcast_in_dim3A_835 : vector<1x1xf32> to vector<1x256xf32>
      %concatenate3A_837 = tpu.concatenate %broadcast_in_dim3A_801, %broadcast_in_dim3A_806, %broadcast_in_dim3A_811, %broadcast_in_dim3A_816, %broadcast_in_dim3A_821, %broadcast_in_dim3A_826, %broadcast_in_dim3A_831, %broadcast_in_dim3A_836 in 1 : vector<1x256xf32>, vector<1x256xf32>, vector<1x256xf32>, vector<1x256xf32>, vector<1x256xf32>, vector<1x256xf32>, vector<1x256xf32>, vector<1x256xf32> -> vector<1x2048xf32>
      %swap3A_838 = arith.constant 2 : index
      %swap3A_839 = arith.constant 0 : index
      %swap3A_840 = arith.constant 0 : index
      %swap3A_841 = vector.load %arg13[%swap3A_838, %swap3A_839, %swap3A_840] : memref<8x4x2048xf32, #tpu.memory_space<vmem>>, vector<1x1x2048xf32>
      %swap3A_842 = vector.shape_cast %swap3A_841 : vector<1x1x2048xf32> to vector<1x2048xf32>
      %swap3A_843 = vector.shape_cast %concatenate3A_837 : vector<1x2048xf32> to vector<1x1x2048xf32>
      tpu.vector_store %arg13[%swap3A_838, %swap3A_839, %swap3A_840], %swap3A_843 {strides = array<i32>} : memref<8x4x2048xf32, #tpu.memory_space<vmem>>, vector<1x1x2048xf32>,
      %get3A_844 = arith.constant 8 : index
      %get3A_845 = arith.constant 2 : index
      %get3A_846 = vector.load %arg1[%get3A_844, %get3A_845] : memref<32x16xf32, #tpu.memory_space<vmem>>, vector<1x1xf32>
      %broadcast_in_dim3A_847 = vector.shape_cast %get3A_846 : vector<1x1xf32> to vector<1x1xf32>
      %broadcast_in_dim3A_848 = vector.broadcast %broadcast_in_dim3A_847 : vector<1x1xf32> to vector<1x256xf32>
      %get3A_849 = arith.constant 9 : index
      %get3A_850 = arith.constant 2 : index
      %get3A_851 = vector.load %arg1[%get3A_849, %get3A_850] : memref<32x16xf32, #tpu.memory_space<vmem>>, vector<1x1xf32>
      %broadcast_in_dim3A_852 = vector.shape_cast %get3A_851 : vector<1x1xf32> to vector<1x1xf32>
      %broadcast_in_dim3A_853 = vector.broadcast %broadcast_in_dim3A_852 : vector<1x1xf32> to vector<1x256xf32>
      %get3A_854 = arith.constant 10 : index
      %get3A_855 = arith.constant 2 : index
      %get3A_856 = vector.load %arg1[%get3A_854, %get3A_855] : memref<32x16xf32, #tpu.memory_space<vmem>>, vector<1x1xf32>
      %broadcast_in_dim3A_857 = vector.shape_cast %get3A_856 : vector<1x1xf32> to vector<1x1xf32>
      %broadcast_in_dim3A_858 = vector.broadcast %broadcast_in_dim3A_857 : vector<1x1xf32> to vector<1x256xf32>
      %get3A_859 = arith.constant 11 : index
      %get3A_860 = arith.constant 2 : index
      %get3A_861 = vector.load %arg1[%get3A_859, %get3A_860] : memref<32x16xf32, #tpu.memory_space<vmem>>, vector<1x1xf32>
      %broadcast_in_dim3A_862 = vector.shape_cast %get3A_861 : vector<1x1xf32> to vector<1x1xf32>
      %broadcast_in_dim3A_863 = vector.broadcast %broadcast_in_dim3A_862 : vector<1x1xf32> to vector<1x256xf32>
      %get3A_864 = arith.constant 12 : index
      %get3A_865 = arith.constant 2 : index
      %get3A_866 = vector.load %arg1[%get3A_864, %get3A_865] : memref<32x16xf32, #tpu.memory_space<vmem>>, vector<1x1xf32>
      %broadcast_in_dim3A_867 = vector.shape_cast %get3A_866 : vector<1x1xf32> to vector<1x1xf32>
      %broadcast_in_dim3A_868 = vector.broadcast %broadcast_in_dim3A_867 : vector<1x1xf32> to vector<1x256xf32>
      %get3A_869 = arith.constant 13 : index
      %get3A_870 = arith.constant 2 : index
      %get3A_871 = vector.load %arg1[%get3A_869, %get3A_870] : memref<32x16xf32, #tpu.memory_space<vmem>>, vector<1x1xf32>
      %broadcast_in_dim3A_872 = vector.shape_cast %get3A_871 : vector<1x1xf32> to vector<1x1xf32>
      %broadcast_in_dim3A_873 = vector.broadcast %broadcast_in_dim3A_872 : vector<1x1xf32> to vector<1x256xf32>
      %get3A_874 = arith.constant 14 : index
      %get3A_875 = arith.constant 2 : index
      %get3A_876 = vector.load %arg1[%get3A_874, %get3A_875] : memref<32x16xf32, #tpu.memory_space<vmem>>, vector<1x1xf32>
      %broadcast_in_dim3A_877 = vector.shape_cast %get3A_876 : vector<1x1xf32> to vector<1x1xf32>
      %broadcast_in_dim3A_878 = vector.broadcast %broadcast_in_dim3A_877 : vector<1x1xf32> to vector<1x256xf32>
      %get3A_879 = arith.constant 15 : index
      %get3A_880 = arith.constant 2 : index
      %get3A_881 = vector.load %arg1[%get3A_879, %get3A_880] : memref<32x16xf32, #tpu.memory_space<vmem>>, vector<1x1xf32>
      %broadcast_in_dim3A_882 = vector.shape_cast %get3A_881 : vector<1x1xf32> to vector<1x1xf32>
      %broadcast_in_dim3A_883 = vector.broadcast %broadcast_in_dim3A_882 : vector<1x1xf32> to vector<1x256xf32>
      %concatenate3A_884 = tpu.concatenate %broadcast_in_dim3A_848, %broadcast_in_dim3A_853, %broadcast_in_dim3A_858, %broadcast_in_dim3A_863, %broadcast_in_dim3A_868, %broadcast_in_dim3A_873, %broadcast_in_dim3A_878, %broadcast_in_dim3A_883 in 1 : vector<1x256xf32>, vector<1x256xf32>, vector<1x256xf32>, vector<1x256xf32>, vector<1x256xf32>, vector<1x256xf32>, vector<1x256xf32>, vector<1x256xf32> -> vector<1x2048xf32>
      %swap3A_885 = arith.constant 2 : index
      %swap3A_886 = arith.constant 1 : index
      %swap3A_887 = arith.constant 0 : index
      %swap3A_888 = vector.load %arg13[%swap3A_885, %swap3A_886, %swap3A_887] : memref<8x4x2048xf32, #tpu.memory_space<vmem>>, vector<1x1x2048xf32>
      %swap3A_889 = vector.shape_cast %swap3A_888 : vector<1x1x2048xf32> to vector<1x2048xf32>
      %swap3A_890 = vector.shape_cast %concatenate3A_884 : vector<1x2048xf32> to vector<1x1x2048xf32>
      tpu.vector_store %arg13[%swap3A_885, %swap3A_886, %swap3A_887], %swap3A_890 {strides = array<i32>} : memref<8x4x2048xf32, #tpu.memory_space<vmem>>, vector<1x1x2048xf32>,
      %get3A_891 = arith.constant 16 : index
      %get3A_892 = arith.constant 2 : index
      %get3A_893 = vector.load %arg1[%get3A_891, %get3A_892] : memref<32x16xf32, #tpu.memory_space<vmem>>, vector<1x1xf32>
      %broadcast_in_dim3A_894 = vector.shape_cast %get3A_893 : vector<1x1xf32> to vector<1x1xf32>
      %broadcast_in_dim3A_895 = vector.broadcast %broadcast_in_dim3A_894 : vector<1x1xf32> to vector<1x256xf32>
      %get3A_896 = arith.constant 17 : index
      %get3A_897 = arith.constant 2 : index
      %get3A_898 = vector.load %arg1[%get3A_896, %get3A_897] : memref<32x16xf32, #tpu.memory_space<vmem>>, vector<1x1xf32>
      %broadcast_in_dim3A_899 = vector.shape_cast %get3A_898 : vector<1x1xf32> to vector<1x1xf32>
      %broadcast_in_dim3A_900 = vector.broadcast %broadcast_in_dim3A_899 : vector<1x1xf32> to vector<1x256xf32>
      %get3A_901 = arith.constant 18 : index
      %get3A_902 = arith.constant 2 : index
      %get3A_903 = vector.load %arg1[%get3A_901, %get3A_902] : memref<32x16xf32, #tpu.memory_space<vmem>>, vector<1x1xf32>
      %broadcast_in_dim3A_904 = vector.shape_cast %get3A_903 : vector<1x1xf32> to vector<1x1xf32>
      %broadcast_in_dim3A_905 = vector.broadcast %broadcast_in_dim3A_904 : vector<1x1xf32> to vector<1x256xf32>
      %get3A_906 = arith.constant 19 : index
      %get3A_907 = arith.constant 2 : index
      %get3A_908 = vector.load %arg1[%get3A_906, %get3A_907] : memref<32x16xf32, #tpu.memory_space<vmem>>, vector<1x1xf32>
      %broadcast_in_dim3A_909 = vector.shape_cast %get3A_908 : vector<1x1xf32> to vector<1x1xf32>
      %broadcast_in_dim3A_910 = vector.broadcast %broadcast_in_dim3A_909 : vector<1x1xf32> to vector<1x256xf32>
      %get3A_911 = arith.constant 20 : index
      %get3A_912 = arith.constant 2 : index
      %get3A_913 = vector.load %arg1[%get3A_911, %get3A_912] : memref<32x16xf32, #tpu.memory_space<vmem>>, vector<1x1xf32>
      %broadcast_in_dim3A_914 = vector.shape_cast %get3A_913 : vector<1x1xf32> to vector<1x1xf32>
      %broadcast_in_dim3A_915 = vector.broadcast %broadcast_in_dim3A_914 : vector<1x1xf32> to vector<1x256xf32>
      %get3A_916 = arith.constant 21 : index
      %get3A_917 = arith.constant 2 : index
      %get3A_918 = vector.load %arg1[%get3A_916, %get3A_917] : memref<32x16xf32, #tpu.memory_space<vmem>>, vector<1x1xf32>
      %broadcast_in_dim3A_919 = vector.shape_cast %get3A_918 : vector<1x1xf32> to vector<1x1xf32>
      %broadcast_in_dim3A_920 = vector.broadcast %broadcast_in_dim3A_919 : vector<1x1xf32> to vector<1x256xf32>
      %get3A_921 = arith.constant 22 : index
      %get3A_922 = arith.constant 2 : index
      %get3A_923 = vector.load %arg1[%get3A_921, %get3A_922] : memref<32x16xf32, #tpu.memory_space<vmem>>, vector<1x1xf32>
      %broadcast_in_dim3A_924 = vector.shape_cast %get3A_923 : vector<1x1xf32> to vector<1x1xf32>
      %broadcast_in_dim3A_925 = vector.broadcast %broadcast_in_dim3A_924 : vector<1x1xf32> to vector<1x256xf32>
      %get3A_926 = arith.constant 23 : index
      %get3A_927 = arith.constant 2 : index
      %get3A_928 = vector.load %arg1[%get3A_926, %get3A_927] : memref<32x16xf32, #tpu.memory_space<vmem>>, vector<1x1xf32>
      %broadcast_in_dim3A_929 = vector.shape_cast %get3A_928 : vector<1x1xf32> to vector<1x1xf32>
      %broadcast_in_dim3A_930 = vector.broadcast %broadcast_in_dim3A_929 : vector<1x1xf32> to vector<1x256xf32>
      %concatenate3A_931 = tpu.concatenate %broadcast_in_dim3A_895, %broadcast_in_dim3A_900, %broadcast_in_dim3A_905, %broadcast_in_dim3A_910, %broadcast_in_dim3A_915, %broadcast_in_dim3A_920, %broadcast_in_dim3A_925, %broadcast_in_dim3A_930 in 1 : vector<1x256xf32>, vector<1x256xf32>, vector<1x256xf32>, vector<1x256xf32>, vector<1x256xf32>, vector<1x256xf32>, vector<1x256xf32>, vector<1x256xf32> -> vector<1x2048xf32>
      %swap3A_932 = arith.constant 2 : index
      %swap3A_933 = arith.constant 2 : index
      %swap3A_934 = arith.constant 0 : index
      %swap3A_935 = vector.load %arg13[%swap3A_932, %swap3A_933, %swap3A_934] : memref<8x4x2048xf32, #tpu.memory_space<vmem>>, vector<1x1x2048xf32>
      %swap3A_936 = vector.shape_cast %swap3A_935 : vector<1x1x2048xf32> to vector<1x2048xf32>
      %swap3A_937 = vector.shape_cast %concatenate3A_931 : vector<1x2048xf32> to vector<1x1x2048xf32>
      tpu.vector_store %arg13[%swap3A_932, %swap3A_933, %swap3A_934], %swap3A_937 {strides = array<i32>} : memref<8x4x2048xf32, #tpu.memory_space<vmem>>, vector<1x1x2048xf32>,
      %get3A_938 = arith.constant 24 : index
      %get3A_939 = arith.constant 2 : index
      %get3A_940 = vector.load %arg1[%get3A_938, %get3A_939] : memref<32x16xf32, #tpu.memory_space<vmem>>, vector<1x1xf32>
      %broadcast_in_dim3A_941 = vector.shape_cast %get3A_940 : vector<1x1xf32> to vector<1x1xf32>
      %broadcast_in_dim3A_942 = vector.broadcast %broadcast_in_dim3A_941 : vector<1x1xf32> to vector<1x256xf32>
      %get3A_943 = arith.constant 25 : index
      %get3A_944 = arith.constant 2 : index
      %get3A_945 = vector.load %arg1[%get3A_943, %get3A_944] : memref<32x16xf32, #tpu.memory_space<vmem>>, vector<1x1xf32>
      %broadcast_in_dim3A_946 = vector.shape_cast %get3A_945 : vector<1x1xf32> to vector<1x1xf32>
      %broadcast_in_dim3A_947 = vector.broadcast %broadcast_in_dim3A_946 : vector<1x1xf32> to vector<1x256xf32>
      %get3A_948 = arith.constant 26 : index
      %get3A_949 = arith.constant 2 : index
      %get3A_950 = vector.load %arg1[%get3A_948, %get3A_949] : memref<32x16xf32, #tpu.memory_space<vmem>>, vector<1x1xf32>
      %broadcast_in_dim3A_951 = vector.shape_cast %get3A_950 : vector<1x1xf32> to vector<1x1xf32>
      %broadcast_in_dim3A_952 = vector.broadcast %broadcast_in_dim3A_951 : vector<1x1xf32> to vector<1x256xf32>
      %get3A_953 = arith.constant 27 : index
      %get3A_954 = arith.constant 2 : index
      %get3A_955 = vector.load %arg1[%get3A_953, %get3A_954] : memref<32x16xf32, #tpu.memory_space<vmem>>, vector<1x1xf32>
      %broadcast_in_dim3A_956 = vector.shape_cast %get3A_955 : vector<1x1xf32> to vector<1x1xf32>
      %broadcast_in_dim3A_957 = vector.broadcast %broadcast_in_dim3A_956 : vector<1x1xf32> to vector<1x256xf32>
      %get3A_958 = arith.constant 28 : index
      %get3A_959 = arith.constant 2 : index
      %get3A_960 = vector.load %arg1[%get3A_958, %get3A_959] : memref<32x16xf32, #tpu.memory_space<vmem>>, vector<1x1xf32>
      %broadcast_in_dim3A_961 = vector.shape_cast %get3A_960 : vector<1x1xf32> to vector<1x1xf32>
      %broadcast_in_dim3A_962 = vector.broadcast %broadcast_in_dim3A_961 : vector<1x1xf32> to vector<1x256xf32>
      %get3A_963 = arith.constant 29 : index
      %get3A_964 = arith.constant 2 : index
      %get3A_965 = vector.load %arg1[%get3A_963, %get3A_964] : memref<32x16xf32, #tpu.memory_space<vmem>>, vector<1x1xf32>
      %broadcast_in_dim3A_966 = vector.shape_cast %get3A_965 : vector<1x1xf32> to vector<1x1xf32>
      %broadcast_in_dim3A_967 = vector.broadcast %broadcast_in_dim3A_966 : vector<1x1xf32> to vector<1x256xf32>
      %get3A_968 = arith.constant 30 : index
      %get3A_969 = arith.constant 2 : index
      %get3A_970 = vector.load %arg1[%get3A_968, %get3A_969] : memref<32x16xf32, #tpu.memory_space<vmem>>, vector<1x1xf32>
      %broadcast_in_dim3A_971 = vector.shape_cast %get3A_970 : vector<1x1xf32> to vector<1x1xf32>
      %broadcast_in_dim3A_972 = vector.broadcast %broadcast_in_dim3A_971 : vector<1x1xf32> to vector<1x256xf32>
      %get3A_973 = arith.constant 31 : index
      %get3A_974 = arith.constant 2 : index
      %get3A_975 = vector.load %arg1[%get3A_973, %get3A_974] : memref<32x16xf32, #tpu.memory_space<vmem>>, vector<1x1xf32>
      %broadcast_in_dim3A_976 = vector.shape_cast %get3A_975 : vector<1x1xf32> to vector<1x1xf32>
      %broadcast_in_dim3A_977 = vector.broadcast %broadcast_in_dim3A_976 : vector<1x1xf32> to vector<1x256xf32>
      %concatenate3A_978 = tpu.concatenate %broadcast_in_dim3A_942, %broadcast_in_dim3A_947, %broadcast_in_dim3A_952, %broadcast_in_dim3A_957, %broadcast_in_dim3A_962, %broadcast_in_dim3A_967, %broadcast_in_dim3A_972, %broadcast_in_dim3A_977 in 1 : vector<1x256xf32>, vector<1x256xf32>, vector<1x256xf32>, vector<1x256xf32>, vector<1x256xf32>, vector<1x256xf32>, vector<1x256xf32>, vector<1x256xf32> -> vector<1x2048xf32>
      %swap3A_979 = arith.constant 2 : index
      %swap3A_980 = arith.constant 3 : index
      %swap3A_981 = arith.constant 0 : index
      %swap3A_982 = vector.load %arg13[%swap3A_979, %swap3A_980, %swap3A_981] : memref<8x4x2048xf32, #tpu.memory_space<vmem>>, vector<1x1x2048xf32>
      %swap3A_983 = vector.shape_cast %swap3A_982 : vector<1x1x2048xf32> to vector<1x2048xf32>
      %swap3A_984 = vector.shape_cast %concatenate3A_978 : vector<1x2048xf32> to vector<1x1x2048xf32>
      tpu.vector_store %arg13[%swap3A_979, %swap3A_980, %swap3A_981], %swap3A_984 {strides = array<i32>} : memref<8x4x2048xf32, #tpu.memory_space<vmem>>, vector<1x1x2048xf32>,
      %get3A_985 = arith.constant 0 : index
      %get3A_986 = arith.constant 3 : index
      %get3A_987 = vector.load %arg1[%get3A_985, %get3A_986] : memref<32x16xf32, #tpu.memory_space<vmem>>, vector<1x1xf32>
      %broadcast_in_dim3A_988 = vector.shape_cast %get3A_987 : vector<1x1xf32> to vector<1x1xf32>
      %broadcast_in_dim3A_989 = vector.broadcast %broadcast_in_dim3A_988 : vector<1x1xf32> to vector<1x256xf32>
      %get3A_990 = arith.constant 1 : index
      %get3A_991 = arith.constant 3 : index
      %get3A_992 = vector.load %arg1[%get3A_990, %get3A_991] : memref<32x16xf32, #tpu.memory_space<vmem>>, vector<1x1xf32>
      %broadcast_in_dim3A_993 = vector.shape_cast %get3A_992 : vector<1x1xf32> to vector<1x1xf32>
      %broadcast_in_dim3A_994 = vector.broadcast %broadcast_in_dim3A_993 : vector<1x1xf32> to vector<1x256xf32>
      %get3A_995 = arith.constant 2 : index
      %get3A_996 = arith.constant 3 : index
      %get3A_997 = vector.load %arg1[%get3A_995, %get3A_996] : memref<32x16xf32, #tpu.memory_space<vmem>>, vector<1x1xf32>
      %broadcast_in_dim3A_998 = vector.shape_cast %get3A_997 : vector<1x1xf32> to vector<1x1xf32>
      %broadcast_in_dim3A_999 = vector.broadcast %broadcast_in_dim3A_998 : vector<1x1xf32> to vector<1x256xf32>
      %get3A_1000 = arith.constant 3 : index
      %get3A_1001 = arith.constant 3 : index
      %get3A_1002 = vector.load %arg1[%get3A_1000, %get3A_1001] : memref<32x16xf32, #tpu.memory_space<vmem>>, vector<1x1xf32>
      %broadcast_in_dim3A_1003 = vector.shape_cast %get3A_1002 : vector<1x1xf32> to vector<1x1xf32>
      %broadcast_in_dim3A_1004 = vector.broadcast %broadcast_in_dim3A_1003 : vector<1x1xf32> to vector<1x256xf32>
      %get3A_1005 = arith.constant 4 : index
      %get3A_1006 = arith.constant 3 : index
      %get3A_1007 = vector.load %arg1[%get3A_1005, %get3A_1006] : memref<32x16xf32, #tpu.memory_space<vmem>>, vector<1x1xf32>
      %broadcast_in_dim3A_1008 = vector.shape_cast %get3A_1007 : vector<1x1xf32> to vector<1x1xf32>
      %broadcast_in_dim3A_1009 = vector.broadcast %broadcast_in_dim3A_1008 : vector<1x1xf32> to vector<1x256xf32>
      %get3A_1010 = arith.constant 5 : index
      %get3A_1011 = arith.constant 3 : index
      %get3A_1012 = vector.load %arg1[%get3A_1010, %get3A_1011] : memref<32x16xf32, #tpu.memory_space<vmem>>, vector<1x1xf32>
      %broadcast_in_dim3A_1013 = vector.shape_cast %get3A_1012 : vector<1x1xf32> to vector<1x1xf32>
      %broadcast_in_dim3A_1014 = vector.broadcast %broadcast_in_dim3A_1013 : vector<1x1xf32> to vector<1x256xf32>
      %get3A_1015 = arith.constant 6 : index
      %get3A_1016 = arith.constant 3 : index
      %get3A_1017 = vector.load %arg1[%get3A_1015, %get3A_1016] : memref<32x16xf32, #tpu.memory_space<vmem>>, vector<1x1xf32>
      %broadcast_in_dim3A_1018 = vector.shape_cast %get3A_1017 : vector<1x1xf32> to vector<1x1xf32>
      %broadcast_in_dim3A_1019 = vector.broadcast %broadcast_in_dim3A_1018 : vector<1x1xf32> to vector<1x256xf32>
      %get3A_1020 = arith.constant 7 : index
      %get3A_1021 = arith.constant 3 : index
      %get3A_1022 = vector.load %arg1[%get3A_1020, %get3A_1021] : memref<32x16xf32, #tpu.memory_space<vmem>>, vector<1x1xf32>
      %broadcast_in_dim3A_1023 = vector.shape_cast %get3A_1022 : vector<1x1xf32> to vector<1x1xf32>
      %broadcast_in_dim3A_1024 = vector.broadcast %broadcast_in_dim3A_1023 : vector<1x1xf32> to vector<1x256xf32>
      %concatenate3A_1025 = tpu.concatenate %broadcast_in_dim3A_989, %broadcast_in_dim3A_994, %broadcast_in_dim3A_999, %broadcast_in_dim3A_1004, %broadcast_in_dim3A_1009, %broadcast_in_dim3A_1014, %broadcast_in_dim3A_1019, %broadcast_in_dim3A_1024 in 1 : vector<1x256xf32>, vector<1x256xf32>, vector<1x256xf32>, vector<1x256xf32>, vector<1x256xf32>, vector<1x256xf32>, vector<1x256xf32>, vector<1x256xf32> -> vector<1x2048xf32>
      %swap3A_1026 = arith.constant 3 : index
      %swap3A_1027 = arith.constant 0 : index
      %swap3A_1028 = arith.constant 0 : index
      %swap3A_1029 = vector.load %arg13[%swap3A_1026, %swap3A_1027, %swap3A_1028] : memref<8x4x2048xf32, #tpu.memory_space<vmem>>, vector<1x1x2048xf32>
      %swap3A_1030 = vector.shape_cast %swap3A_1029 : vector<1x1x2048xf32> to vector<1x2048xf32>
      %swap3A_1031 = vector.shape_cast %concatenate3A_1025 : vector<1x2048xf32> to vector<1x1x2048xf32>
      tpu.vector_store %arg13[%swap3A_1026, %swap3A_1027, %swap3A_1028], %swap3A_1031 {strides = array<i32>} : memref<8x4x2048xf32, #tpu.memory_space<vmem>>, vector<1x1x2048xf32>,
      %get3A_1032 = arith.constant 8 : index
      %get3A_1033 = arith.constant 3 : index
      %get3A_1034 = vector.load %arg1[%get3A_1032, %get3A_1033] : memref<32x16xf32, #tpu.memory_space<vmem>>, vector<1x1xf32>
      %broadcast_in_dim3A_1035 = vector.shape_cast %get3A_1034 : vector<1x1xf32> to vector<1x1xf32>
      %broadcast_in_dim3A_1036 = vector.broadcast %broadcast_in_dim3A_1035 : vector<1x1xf32> to vector<1x256xf32>
      %get3A_1037 = arith.constant 9 : index
      %get3A_1038 = arith.constant 3 : index
      %get3A_1039 = vector.load %arg1[%get3A_1037, %get3A_1038] : memref<32x16xf32, #tpu.memory_space<vmem>>, vector<1x1xf32>
      %broadcast_in_dim3A_1040 = vector.shape_cast %get3A_1039 : vector<1x1xf32> to vector<1x1xf32>
      %broadcast_in_dim3A_1041 = vector.broadcast %broadcast_in_dim3A_1040 : vector<1x1xf32> to vector<1x256xf32>
      %get3A_1042 = arith.constant 10 : index
      %get3A_1043 = arith.constant 3 : index
      %get3A_1044 = vector.load %arg1[%get3A_1042, %get3A_1043] : memref<32x16xf32, #tpu.memory_space<vmem>>, vector<1x1xf32>
      %broadcast_in_dim3A_1045 = vector.shape_cast %get3A_1044 : vector<1x1xf32> to vector<1x1xf32>
      %broadcast_in_dim3A_1046 = vector.broadcast %broadcast_in_dim3A_1045 : vector<1x1xf32> to vector<1x256xf32>
      %get3A_1047 = arith.constant 11 : index
      %get3A_1048 = arith.constant 3 : index
      %get3A_1049 = vector.load %arg1[%get3A_1047, %get3A_1048] : memref<32x16xf32, #tpu.memory_space<vmem>>, vector<1x1xf32>
      %broadcast_in_dim3A_1050 = vector.shape_cast %get3A_1049 : vector<1x1xf32> to vector<1x1xf32>
      %broadcast_in_dim3A_1051 = vector.broadcast %broadcast_in_dim3A_1050 : vector<1x1xf32> to vector<1x256xf32>
      %get3A_1052 = arith.constant 12 : index
      %get3A_1053 = arith.constant 3 : index
      %get3A_1054 = vector.load %arg1[%get3A_1052, %get3A_1053] : memref<32x16xf32, #tpu.memory_space<vmem>>, vector<1x1xf32>
      %broadcast_in_dim3A_1055 = vector.shape_cast %get3A_1054 : vector<1x1xf32> to vector<1x1xf32>
      %broadcast_in_dim3A_1056 = vector.broadcast %broadcast_in_dim3A_1055 : vector<1x1xf32> to vector<1x256xf32>
      %get3A_1057 = arith.constant 13 : index
      %get3A_1058 = arith.constant 3 : index
      %get3A_1059 = vector.load %arg1[%get3A_1057, %get3A_1058] : memref<32x16xf32, #tpu.memory_space<vmem>>, vector<1x1xf32>
      %broadcast_in_dim3A_1060 = vector.shape_cast %get3A_1059 : vector<1x1xf32> to vector<1x1xf32>
      %broadcast_in_dim3A_1061 = vector.broadcast %broadcast_in_dim3A_1060 : vector<1x1xf32> to vector<1x256xf32>
      %get3A_1062 = arith.constant 14 : index
      %get3A_1063 = arith.constant 3 : index
      %get3A_1064 = vector.load %arg1[%get3A_1062, %get3A_1063] : memref<32x16xf32, #tpu.memory_space<vmem>>, vector<1x1xf32>
      %broadcast_in_dim3A_1065 = vector.shape_cast %get3A_1064 : vector<1x1xf32> to vector<1x1xf32>
      %broadcast_in_dim3A_1066 = vector.broadcast %broadcast_in_dim3A_1065 : vector<1x1xf32> to vector<1x256xf32>
      %get3A_1067 = arith.constant 15 : index
      %get3A_1068 = arith.constant 3 : index
      %get3A_1069 = vector.load %arg1[%get3A_1067, %get3A_1068] : memref<32x16xf32, #tpu.memory_space<vmem>>, vector<1x1xf32>
      %broadcast_in_dim3A_1070 = vector.shape_cast %get3A_1069 : vector<1x1xf32> to vector<1x1xf32>
      %broadcast_in_dim3A_1071 = vector.broadcast %broadcast_in_dim3A_1070 : vector<1x1xf32> to vector<1x256xf32>
      %concatenate3A_1072 = tpu.concatenate %broadcast_in_dim3A_1036, %broadcast_in_dim3A_1041, %broadcast_in_dim3A_1046, %broadcast_in_dim3A_1051, %broadcast_in_dim3A_1056, %broadcast_in_dim3A_1061, %broadcast_in_dim3A_1066, %broadcast_in_dim3A_1071 in 1 : vector<1x256xf32>, vector<1x256xf32>, vector<1x256xf32>, vector<1x256xf32>, vector<1x256xf32>, vector<1x256xf32>, vector<1x256xf32>, vector<1x256xf32> -> vector<1x2048xf32>
      %swap3A_1073 = arith.constant 3 : index
      %swap3A_1074 = arith.constant 1 : index
      %swap3A_1075 = arith.constant 0 : index
      %swap3A_1076 = vector.load %arg13[%swap3A_1073, %swap3A_1074, %swap3A_1075] : memref<8x4x2048xf32, #tpu.memory_space<vmem>>, vector<1x1x2048xf32>
      %swap3A_1077 = vector.shape_cast %swap3A_1076 : vector<1x1x2048xf32> to vector<1x2048xf32>
      %swap3A_1078 = vector.shape_cast %concatenate3A_1072 : vector<1x2048xf32> to vector<1x1x2048xf32>
      tpu.vector_store %arg13[%swap3A_1073, %swap3A_1074, %swap3A_1075], %swap3A_1078 {strides = array<i32>} : memref<8x4x2048xf32, #tpu.memory_space<vmem>>, vector<1x1x2048xf32>,
      %get3A_1079 = arith.constant 16 : index
      %get3A_1080 = arith.constant 3 : index
      %get3A_1081 = vector.load %arg1[%get3A_1079, %get3A_1080] : memref<32x16xf32, #tpu.memory_space<vmem>>, vector<1x1xf32>
      %broadcast_in_dim3A_1082 = vector.shape_cast %get3A_1081 : vector<1x1xf32> to vector<1x1xf32>
      %broadcast_in_dim3A_1083 = vector.broadcast %broadcast_in_dim3A_1082 : vector<1x1xf32> to vector<1x256xf32>
      %get3A_1084 = arith.constant 17 : index
      %get3A_1085 = arith.constant 3 : index
      %get3A_1086 = vector.load %arg1[%get3A_1084, %get3A_1085] : memref<32x16xf32, #tpu.memory_space<vmem>>, vector<1x1xf32>
      %broadcast_in_dim3A_1087 = vector.shape_cast %get3A_1086 : vector<1x1xf32> to vector<1x1xf32>
      %broadcast_in_dim3A_1088 = vector.broadcast %broadcast_in_dim3A_1087 : vector<1x1xf32> to vector<1x256xf32>
      %get3A_1089 = arith.constant 18 : index
      %get3A_1090 = arith.constant 3 : index
      %get3A_1091 = vector.load %arg1[%get3A_1089, %get3A_1090] : memref<32x16xf32, #tpu.memory_space<vmem>>, vector<1x1xf32>
      %broadcast_in_dim3A_1092 = vector.shape_cast %get3A_1091 : vector<1x1xf32> to vector<1x1xf32>
      %broadcast_in_dim3A_1093 = vector.broadcast %broadcast_in_dim3A_1092 : vector<1x1xf32> to vector<1x256xf32>
      %get3A_1094 = arith.constant 19 : index
      %get3A_1095 = arith.constant 3 : index
      %get3A_1096 = vector.load %arg1[%get3A_1094, %get3A_1095] : memref<32x16xf32, #tpu.memory_space<vmem>>, vector<1x1xf32>
      %broadcast_in_dim3A_1097 = vector.shape_cast %get3A_1096 : vector<1x1xf32> to vector<1x1xf32>
      %broadcast_in_dim3A_1098 = vector.broadcast %broadcast_in_dim3A_1097 : vector<1x1xf32> to vector<1x256xf32>
      %get3A_1099 = arith.constant 20 : index
      %get3A_1100 = arith.constant 3 : index
      %get3A_1101 = vector.load %arg1[%get3A_1099, %get3A_1100] : memref<32x16xf32, #tpu.memory_space<vmem>>, vector<1x1xf32>
      %broadcast_in_dim3A_1102 = vector.shape_cast %get3A_1101 : vector<1x1xf32> to vector<1x1xf32>
      %broadcast_in_dim3A_1103 = vector.broadcast %broadcast_in_dim3A_1102 : vector<1x1xf32> to vector<1x256xf32>
      %get3A_1104 = arith.constant 21 : index
      %get3A_1105 = arith.constant 3 : index
      %get3A_1106 = vector.load %arg1[%get3A_1104, %get3A_1105] : memref<32x16xf32, #tpu.memory_space<vmem>>, vector<1x1xf32>
      %broadcast_in_dim3A_1107 = vector.shape_cast %get3A_1106 : vector<1x1xf32> to vector<1x1xf32>
      %broadcast_in_dim3A_1108 = vector.broadcast %broadcast_in_dim3A_1107 : vector<1x1xf32> to vector<1x256xf32>
      %get3A_1109 = arith.constant 22 : index
      %get3A_1110 = arith.constant 3 : index
      %get3A_1111 = vector.load %arg1[%get3A_1109, %get3A_1110] : memref<32x16xf32, #tpu.memory_space<vmem>>, vector<1x1xf32>
      %broadcast_in_dim3A_1112 = vector.shape_cast %get3A_1111 : vector<1x1xf32> to vector<1x1xf32>
      %broadcast_in_dim3A_1113 = vector.broadcast %broadcast_in_dim3A_1112 : vector<1x1xf32> to vector<1x256xf32>
      %get3A_1114 = arith.constant 23 : index
      %get3A_1115 = arith.constant 3 : index
      %get3A_1116 = vector.load %arg1[%get3A_1114, %get3A_1115] : memref<32x16xf32, #tpu.memory_space<vmem>>, vector<1x1xf32>
      %broadcast_in_dim3A_1117 = vector.shape_cast %get3A_1116 : vector<1x1xf32> to vector<1x1xf32>
      %broadcast_in_dim3A_1118 = vector.broadcast %broadcast_in_dim3A_1117 : vector<1x1xf32> to vector<1x256xf32>
      %concatenate3A_1119 = tpu.concatenate %broadcast_in_dim3A_1083, %broadcast_in_dim3A_1088, %broadcast_in_dim3A_1093, %broadcast_in_dim3A_1098, %broadcast_in_dim3A_1103, %broadcast_in_dim3A_1108, %broadcast_in_dim3A_1113, %broadcast_in_dim3A_1118 in 1 : vector<1x256xf32>, vector<1x256xf32>, vector<1x256xf32>, vector<1x256xf32>, vector<1x256xf32>, vector<1x256xf32>, vector<1x256xf32>, vector<1x256xf32> -> vector<1x2048xf32>
      %swap3A_1120 = arith.constant 3 : index
      %swap3A_1121 = arith.constant 2 : index
      %swap3A_1122 = arith.constant 0 : index
      %swap3A_1123 = vector.load %arg13[%swap3A_1120, %swap3A_1121, %swap3A_1122] : memref<8x4x2048xf32, #tpu.memory_space<vmem>>, vector<1x1x2048xf32>
      %swap3A_1124 = vector.shape_cast %swap3A_1123 : vector<1x1x2048xf32> to vector<1x2048xf32>
      %swap3A_1125 = vector.shape_cast %concatenate3A_1119 : vector<1x2048xf32> to vector<1x1x2048xf32>
      tpu.vector_store %arg13[%swap3A_1120, %swap3A_1121, %swap3A_1122], %swap3A_1125 {strides = array<i32>} : memref<8x4x2048xf32, #tpu.memory_space<vmem>>, vector<1x1x2048xf32>,
      %get3A_1126 = arith.constant 24 : index
      %get3A_1127 = arith.constant 3 : index
      %get3A_1128 = vector.load %arg1[%get3A_1126, %get3A_1127] : memref<32x16xf32, #tpu.memory_space<vmem>>, vector<1x1xf32>
      %broadcast_in_dim3A_1129 = vector.shape_cast %get3A_1128 : vector<1x1xf32> to vector<1x1xf32>
      %broadcast_in_dim3A_1130 = vector.broadcast %broadcast_in_dim3A_1129 : vector<1x1xf32> to vector<1x256xf32>
      %get3A_1131 = arith.constant 25 : index
      %get3A_1132 = arith.constant 3 : index
      %get3A_1133 = vector.load %arg1[%get3A_1131, %get3A_1132] : memref<32x16xf32, #tpu.memory_space<vmem>>, vector<1x1xf32>
      %broadcast_in_dim3A_1134 = vector.shape_cast %get3A_1133 : vector<1x1xf32> to vector<1x1xf32>
      %broadcast_in_dim3A_1135 = vector.broadcast %broadcast_in_dim3A_1134 : vector<1x1xf32> to vector<1x256xf32>
      %get3A_1136 = arith.constant 26 : index
      %get3A_1137 = arith.constant 3 : index
      %get3A_1138 = vector.load %arg1[%get3A_1136, %get3A_1137] : memref<32x16xf32, #tpu.memory_space<vmem>>, vector<1x1xf32>
      %broadcast_in_dim3A_1139 = vector.shape_cast %get3A_1138 : vector<1x1xf32> to vector<1x1xf32>
      %broadcast_in_dim3A_1140 = vector.broadcast %broadcast_in_dim3A_1139 : vector<1x1xf32> to vector<1x256xf32>
      %get3A_1141 = arith.constant 27 : index
      %get3A_1142 = arith.constant 3 : index
      %get3A_1143 = vector.load %arg1[%get3A_1141, %get3A_1142] : memref<32x16xf32, #tpu.memory_space<vmem>>, vector<1x1xf32>
      %broadcast_in_dim3A_1144 = vector.shape_cast %get3A_1143 : vector<1x1xf32> to vector<1x1xf32>
      %broadcast_in_dim3A_1145 = vector.broadcast %broadcast_in_dim3A_1144 : vector<1x1xf32> to vector<1x256xf32>
      %get3A_1146 = arith.constant 28 : index
      %get3A_1147 = arith.constant 3 : index
      %get3A_1148 = vector.load %arg1[%get3A_1146, %get3A_1147] : memref<32x16xf32, #tpu.memory_space<vmem>>, vector<1x1xf32>
      %broadcast_in_dim3A_1149 = vector.shape_cast %get3A_1148 : vector<1x1xf32> to vector<1x1xf32>
      %broadcast_in_dim3A_1150 = vector.broadcast %broadcast_in_dim3A_1149 : vector<1x1xf32> to vector<1x256xf32>
      %get3A_1151 = arith.constant 29 : index
      %get3A_1152 = arith.constant 3 : index
      %get3A_1153 = vector.load %arg1[%get3A_1151, %get3A_1152] : memref<32x16xf32, #tpu.memory_space<vmem>>, vector<1x1xf32>
      %broadcast_in_dim3A_1154 = vector.shape_cast %get3A_1153 : vector<1x1xf32> to vector<1x1xf32>
      %broadcast_in_dim3A_1155 = vector.broadcast %broadcast_in_dim3A_1154 : vector<1x1xf32> to vector<1x256xf32>
      %get3A_1156 = arith.constant 30 : index
      %get3A_1157 = arith.constant 3 : index
      %get3A_1158 = vector.load %arg1[%get3A_1156, %get3A_1157] : memref<32x16xf32, #tpu.memory_space<vmem>>, vector<1x1xf32>
      %broadcast_in_dim3A_1159 = vector.shape_cast %get3A_1158 : vector<1x1xf32> to vector<1x1xf32>
      %broadcast_in_dim3A_1160 = vector.broadcast %broadcast_in_dim3A_1159 : vector<1x1xf32> to vector<1x256xf32>
      %get3A_1161 = arith.constant 31 : index
      %get3A_1162 = arith.constant 3 : index
      %get3A_1163 = vector.load %arg1[%get3A_1161, %get3A_1162] : memref<32x16xf32, #tpu.memory_space<vmem>>, vector<1x1xf32>
      %broadcast_in_dim3A_1164 = vector.shape_cast %get3A_1163 : vector<1x1xf32> to vector<1x1xf32>
      %broadcast_in_dim3A_1165 = vector.broadcast %broadcast_in_dim3A_1164 : vector<1x1xf32> to vector<1x256xf32>
      %concatenate3A_1166 = tpu.concatenate %broadcast_in_dim3A_1130, %broadcast_in_dim3A_1135, %broadcast_in_dim3A_1140, %broadcast_in_dim3A_1145, %broadcast_in_dim3A_1150, %broadcast_in_dim3A_1155, %broadcast_in_dim3A_1160, %broadcast_in_dim3A_1165 in 1 : vector<1x256xf32>, vector<1x256xf32>, vector<1x256xf32>, vector<1x256xf32>, vector<1x256xf32>, vector<1x256xf32>, vector<1x256xf32>, vector<1x256xf32> -> vector<1x2048xf32>
      %swap3A_1167 = arith.constant 3 : index
      %swap3A_1168 = arith.constant 3 : index
      %swap3A_1169 = arith.constant 0 : index
      %swap3A_1170 = vector.load %arg13[%swap3A_1167, %swap3A_1168, %swap3A_1169] : memref<8x4x2048xf32, #tpu.memory_space<vmem>>, vector<1x1x2048xf32>
      %swap3A_1171 = vector.shape_cast %swap3A_1170 : vector<1x1x2048xf32> to vector<1x2048xf32>
      %swap3A_1172 = vector.shape_cast %concatenate3A_1166 : vector<1x2048xf32> to vector<1x1x2048xf32>
      tpu.vector_store %arg13[%swap3A_1167, %swap3A_1168, %swap3A_1169], %swap3A_1172 {strides = array<i32>} : memref<8x4x2048xf32, #tpu.memory_space<vmem>>, vector<1x1x2048xf32>,
      %get3A_1173 = arith.constant 0 : index
      %get3A_1174 = arith.constant 4 : index
      %get3A_1175 = vector.load %arg1[%get3A_1173, %get3A_1174] : memref<32x16xf32, #tpu.memory_space<vmem>>, vector<1x1xf32>
      %broadcast_in_dim3A_1176 = vector.shape_cast %get3A_1175 : vector<1x1xf32> to vector<1x1xf32>
      %broadcast_in_dim3A_1177 = vector.broadcast %broadcast_in_dim3A_1176 : vector<1x1xf32> to vector<1x256xf32>
      %get3A_1178 = arith.constant 1 : index
      %get3A_1179 = arith.constant 4 : index
      %get3A_1180 = vector.load %arg1[%get3A_1178, %get3A_1179] : memref<32x16xf32, #tpu.memory_space<vmem>>, vector<1x1xf32>
      %broadcast_in_dim3A_1181 = vector.shape_cast %get3A_1180 : vector<1x1xf32> to vector<1x1xf32>
      %broadcast_in_dim3A_1182 = vector.broadcast %broadcast_in_dim3A_1181 : vector<1x1xf32> to vector<1x256xf32>
      %get3A_1183 = arith.constant 2 : index
      %get3A_1184 = arith.constant 4 : index
      %get3A_1185 = vector.load %arg1[%get3A_1183, %get3A_1184] : memref<32x16xf32, #tpu.memory_space<vmem>>, vector<1x1xf32>
      %broadcast_in_dim3A_1186 = vector.shape_cast %get3A_1185 : vector<1x1xf32> to vector<1x1xf32>
      %broadcast_in_dim3A_1187 = vector.broadcast %broadcast_in_dim3A_1186 : vector<1x1xf32> to vector<1x256xf32>
      %get3A_1188 = arith.constant 3 : index
      %get3A_1189 = arith.constant 4 : index
      %get3A_1190 = vector.load %arg1[%get3A_1188, %get3A_1189] : memref<32x16xf32, #tpu.memory_space<vmem>>, vector<1x1xf32>
      %broadcast_in_dim3A_1191 = vector.shape_cast %get3A_1190 : vector<1x1xf32> to vector<1x1xf32>
      %broadcast_in_dim3A_1192 = vector.broadcast %broadcast_in_dim3A_1191 : vector<1x1xf32> to vector<1x256xf32>
      %get3A_1193 = arith.constant 4 : index
      %get3A_1194 = arith.constant 4 : index
      %get3A_1195 = vector.load %arg1[%get3A_1193, %get3A_1194] : memref<32x16xf32, #tpu.memory_space<vmem>>, vector<1x1xf32>
      %broadcast_in_dim3A_1196 = vector.shape_cast %get3A_1195 : vector<1x1xf32> to vector<1x1xf32>
      %broadcast_in_dim3A_1197 = vector.broadcast %broadcast_in_dim3A_1196 : vector<1x1xf32> to vector<1x256xf32>
      %get3A_1198 = arith.constant 5 : index
      %get3A_1199 = arith.constant 4 : index
      %get3A_1200 = vector.load %arg1[%get3A_1198, %get3A_1199] : memref<32x16xf32, #tpu.memory_space<vmem>>, vector<1x1xf32>
      %broadcast_in_dim3A_1201 = vector.shape_cast %get3A_1200 : vector<1x1xf32> to vector<1x1xf32>
      %broadcast_in_dim3A_1202 = vector.broadcast %broadcast_in_dim3A_1201 : vector<1x1xf32> to vector<1x256xf32>
      %get3A_1203 = arith.constant 6 : index
      %get3A_1204 = arith.constant 4 : index
      %get3A_1205 = vector.load %arg1[%get3A_1203, %get3A_1204] : memref<32x16xf32, #tpu.memory_space<vmem>>, vector<1x1xf32>
      %broadcast_in_dim3A_1206 = vector.shape_cast %get3A_1205 : vector<1x1xf32> to vector<1x1xf32>
      %broadcast_in_dim3A_1207 = vector.broadcast %broadcast_in_dim3A_1206 : vector<1x1xf32> to vector<1x256xf32>
      %get3A_1208 = arith.constant 7 : index
      %get3A_1209 = arith.constant 4 : index
      %get3A_1210 = vector.load %arg1[%get3A_1208, %get3A_1209] : memref<32x16xf32, #tpu.memory_space<vmem>>, vector<1x1xf32>
      %broadcast_in_dim3A_1211 = vector.shape_cast %get3A_1210 : vector<1x1xf32> to vector<1x1xf32>
      %broadcast_in_dim3A_1212 = vector.broadcast %broadcast_in_dim3A_1211 : vector<1x1xf32> to vector<1x256xf32>
      %concatenate3A_1213 = tpu.concatenate %broadcast_in_dim3A_1177, %broadcast_in_dim3A_1182, %broadcast_in_dim3A_1187, %broadcast_in_dim3A_1192, %broadcast_in_dim3A_1197, %broadcast_in_dim3A_1202, %broadcast_in_dim3A_1207, %broadcast_in_dim3A_1212 in 1 : vector<1x256xf32>, vector<1x256xf32>, vector<1x256xf32>, vector<1x256xf32>, vector<1x256xf32>, vector<1x256xf32>, vector<1x256xf32>, vector<1x256xf32> -> vector<1x2048xf32>
      %swap3A_1214 = arith.constant 4 : index
      %swap3A_1215 = arith.constant 0 : index
      %swap3A_1216 = arith.constant 0 : index
      %swap3A_1217 = vector.load %arg13[%swap3A_1214, %swap3A_1215, %swap3A_1216] : memref<8x4x2048xf32, #tpu.memory_space<vmem>>, vector<1x1x2048xf32>
      %swap3A_1218 = vector.shape_cast %swap3A_1217 : vector<1x1x2048xf32> to vector<1x2048xf32>
      %swap3A_1219 = vector.shape_cast %concatenate3A_1213 : vector<1x2048xf32> to vector<1x1x2048xf32>
      tpu.vector_store %arg13[%swap3A_1214, %swap3A_1215, %swap3A_1216], %swap3A_1219 {strides = array<i32>} : memref<8x4x2048xf32, #tpu.memory_space<vmem>>, vector<1x1x2048xf32>,
      %get3A_1220 = arith.constant 8 : index
      %get3A_1221 = arith.constant 4 : index
      %get3A_1222 = vector.load %arg1[%get3A_1220, %get3A_1221] : memref<32x16xf32, #tpu.memory_space<vmem>>, vector<1x1xf32>
      %broadcast_in_dim3A_1223 = vector.shape_cast %get3A_1222 : vector<1x1xf32> to vector<1x1xf32>
      %broadcast_in_dim3A_1224 = vector.broadcast %broadcast_in_dim3A_1223 : vector<1x1xf32> to vector<1x256xf32>
      %get3A_1225 = arith.constant 9 : index
      %get3A_1226 = arith.constant 4 : index
      %get3A_1227 = vector.load %arg1[%get3A_1225, %get3A_1226] : memref<32x16xf32, #tpu.memory_space<vmem>>, vector<1x1xf32>
      %broadcast_in_dim3A_1228 = vector.shape_cast %get3A_1227 : vector<1x1xf32> to vector<1x1xf32>
      %broadcast_in_dim3A_1229 = vector.broadcast %broadcast_in_dim3A_1228 : vector<1x1xf32> to vector<1x256xf32>
      %get3A_1230 = arith.constant 10 : index
      %get3A_1231 = arith.constant 4 : index
      %get3A_1232 = vector.load %arg1[%get3A_1230, %get3A_1231] : memref<32x16xf32, #tpu.memory_space<vmem>>, vector<1x1xf32>
      %broadcast_in_dim3A_1233 = vector.shape_cast %get3A_1232 : vector<1x1xf32> to vector<1x1xf32>
      %broadcast_in_dim3A_1234 = vector.broadcast %broadcast_in_dim3A_1233 : vector<1x1xf32> to vector<1x256xf32>
      %get3A_1235 = arith.constant 11 : index
      %get3A_1236 = arith.constant 4 : index
      %get3A_1237 = vector.load %arg1[%get3A_1235, %get3A_1236] : memref<32x16xf32, #tpu.memory_space<vmem>>, vector<1x1xf32>
      %broadcast_in_dim3A_1238 = vector.shape_cast %get3A_1237 : vector<1x1xf32> to vector<1x1xf32>
      %broadcast_in_dim3A_1239 = vector.broadcast %broadcast_in_dim3A_1238 : vector<1x1xf32> to vector<1x256xf32>
      %get3A_1240 = arith.constant 12 : index
      %get3A_1241 = arith.constant 4 : index
      %get3A_1242 = vector.load %arg1[%get3A_1240, %get3A_1241] : memref<32x16xf32, #tpu.memory_space<vmem>>, vector<1x1xf32>
      %broadcast_in_dim3A_1243 = vector.shape_cast %get3A_1242 : vector<1x1xf32> to vector<1x1xf32>
      %broadcast_in_dim3A_1244 = vector.broadcast %broadcast_in_dim3A_1243 : vector<1x1xf32> to vector<1x256xf32>
      %get3A_1245 = arith.constant 13 : index
      %get3A_1246 = arith.constant 4 : index
      %get3A_1247 = vector.load %arg1[%get3A_1245, %get3A_1246] : memref<32x16xf32, #tpu.memory_space<vmem>>, vector<1x1xf32>
      %broadcast_in_dim3A_1248 = vector.shape_cast %get3A_1247 : vector<1x1xf32> to vector<1x1xf32>
      %broadcast_in_dim3A_1249 = vector.broadcast %broadcast_in_dim3A_1248 : vector<1x1xf32> to vector<1x256xf32>
      %get3A_1250 = arith.constant 14 : index
      %get3A_1251 = arith.constant 4 : index
      %get3A_1252 = vector.load %arg1[%get3A_1250, %get3A_1251] : memref<32x16xf32, #tpu.memory_space<vmem>>, vector<1x1xf32>
      %broadcast_in_dim3A_1253 = vector.shape_cast %get3A_1252 : vector<1x1xf32> to vector<1x1xf32>
      %broadcast_in_dim3A_1254 = vector.broadcast %broadcast_in_dim3A_1253 : vector<1x1xf32> to vector<1x256xf32>
      %get3A_1255 = arith.constant 15 : index
      %get3A_1256 = arith.constant 4 : index
      %get3A_1257 = vector.load %arg1[%get3A_1255, %get3A_1256] : memref<32x16xf32, #tpu.memory_space<vmem>>, vector<1x1xf32>
      %broadcast_in_dim3A_1258 = vector.shape_cast %get3A_1257 : vector<1x1xf32> to vector<1x1xf32>
      %broadcast_in_dim3A_1259 = vector.broadcast %broadcast_in_dim3A_1258 : vector<1x1xf32> to vector<1x256xf32>
      %concatenate3A_1260 = tpu.concatenate %broadcast_in_dim3A_1224, %broadcast_in_dim3A_1229, %broadcast_in_dim3A_1234, %broadcast_in_dim3A_1239, %broadcast_in_dim3A_1244, %broadcast_in_dim3A_1249, %broadcast_in_dim3A_1254, %broadcast_in_dim3A_1259 in 1 : vector<1x256xf32>, vector<1x256xf32>, vector<1x256xf32>, vector<1x256xf32>, vector<1x256xf32>, vector<1x256xf32>, vector<1x256xf32>, vector<1x256xf32> -> vector<1x2048xf32>
      %swap3A_1261 = arith.constant 4 : index
      %swap3A_1262 = arith.constant 1 : index
      %swap3A_1263 = arith.constant 0 : index
      %swap3A_1264 = vector.load %arg13[%swap3A_1261, %swap3A_1262, %swap3A_1263] : memref<8x4x2048xf32, #tpu.memory_space<vmem>>, vector<1x1x2048xf32>
      %swap3A_1265 = vector.shape_cast %swap3A_1264 : vector<1x1x2048xf32> to vector<1x2048xf32>
      %swap3A_1266 = vector.shape_cast %concatenate3A_1260 : vector<1x2048xf32> to vector<1x1x2048xf32>
      tpu.vector_store %arg13[%swap3A_1261, %swap3A_1262, %swap3A_1263], %swap3A_1266 {strides = array<i32>} : memref<8x4x2048xf32, #tpu.memory_space<vmem>>, vector<1x1x2048xf32>,
      %get3A_1267 = arith.constant 16 : index
      %get3A_1268 = arith.constant 4 : index
      %get3A_1269 = vector.load %arg1[%get3A_1267, %get3A_1268] : memref<32x16xf32, #tpu.memory_space<vmem>>, vector<1x1xf32>
      %broadcast_in_dim3A_1270 = vector.shape_cast %get3A_1269 : vector<1x1xf32> to vector<1x1xf32>
      %broadcast_in_dim3A_1271 = vector.broadcast %broadcast_in_dim3A_1270 : vector<1x1xf32> to vector<1x256xf32>
      %get3A_1272 = arith.constant 17 : index
      %get3A_1273 = arith.constant 4 : index
      %get3A_1274 = vector.load %arg1[%get3A_1272, %get3A_1273] : memref<32x16xf32, #tpu.memory_space<vmem>>, vector<1x1xf32>
      %broadcast_in_dim3A_1275 = vector.shape_cast %get3A_1274 : vector<1x1xf32> to vector<1x1xf32>
      %broadcast_in_dim3A_1276 = vector.broadcast %broadcast_in_dim3A_1275 : vector<1x1xf32> to vector<1x256xf32>
      %get3A_1277 = arith.constant 18 : index
      %get3A_1278 = arith.constant 4 : index
      %get3A_1279 = vector.load %arg1[%get3A_1277, %get3A_1278] : memref<32x16xf32, #tpu.memory_space<vmem>>, vector<1x1xf32>
      %broadcast_in_dim3A_1280 = vector.shape_cast %get3A_1279 : vector<1x1xf32> to vector<1x1xf32>
      %broadcast_in_dim3A_1281 = vector.broadcast %broadcast_in_dim3A_1280 : vector<1x1xf32> to vector<1x256xf32>
      %get3A_1282 = arith.constant 19 : index
      %get3A_1283 = arith.constant 4 : index
      %get3A_1284 = vector.load %arg1[%get3A_1282, %get3A_1283] : memref<32x16xf32, #tpu.memory_space<vmem>>, vector<1x1xf32>
      %broadcast_in_dim3A_1285 = vector.shape_cast %get3A_1284 : vector<1x1xf32> to vector<1x1xf32>
      %broadcast_in_dim3A_1286 = vector.broadcast %broadcast_in_dim3A_1285 : vector<1x1xf32> to vector<1x256xf32>
      %get3A_1287 = arith.constant 20 : index
      %get3A_1288 = arith.constant 4 : index
      %get3A_1289 = vector.load %arg1[%get3A_1287, %get3A_1288] : memref<32x16xf32, #tpu.memory_space<vmem>>, vector<1x1xf32>
      %broadcast_in_dim3A_1290 = vector.shape_cast %get3A_1289 : vector<1x1xf32> to vector<1x1xf32>
      %broadcast_in_dim3A_1291 = vector.broadcast %broadcast_in_dim3A_1290 : vector<1x1xf32> to vector<1x256xf32>
      %get3A_1292 = arith.constant 21 : index
      %get3A_1293 = arith.constant 4 : index
      %get3A_1294 = vector.load %arg1[%get3A_1292, %get3A_1293] : memref<32x16xf32, #tpu.memory_space<vmem>>, vector<1x1xf32>
      %broadcast_in_dim3A_1295 = vector.shape_cast %get3A_1294 : vector<1x1xf32> to vector<1x1xf32>
      %broadcast_in_dim3A_1296 = vector.broadcast %broadcast_in_dim3A_1295 : vector<1x1xf32> to vector<1x256xf32>
      %get3A_1297 = arith.constant 22 : index
      %get3A_1298 = arith.constant 4 : index
      %get3A_1299 = vector.load %arg1[%get3A_1297, %get3A_1298] : memref<32x16xf32, #tpu.memory_space<vmem>>, vector<1x1xf32>
      %broadcast_in_dim3A_1300 = vector.shape_cast %get3A_1299 : vector<1x1xf32> to vector<1x1xf32>
      %broadcast_in_dim3A_1301 = vector.broadcast %broadcast_in_dim3A_1300 : vector<1x1xf32> to vector<1x256xf32>
      %get3A_1302 = arith.constant 23 : index
      %get3A_1303 = arith.constant 4 : index
      %get3A_1304 = vector.load %arg1[%get3A_1302, %get3A_1303] : memref<32x16xf32, #tpu.memory_space<vmem>>, vector<1x1xf32>
      %broadcast_in_dim3A_1305 = vector.shape_cast %get3A_1304 : vector<1x1xf32> to vector<1x1xf32>
      %broadcast_in_dim3A_1306 = vector.broadcast %broadcast_in_dim3A_1305 : vector<1x1xf32> to vector<1x256xf32>
      %concatenate3A_1307 = tpu.concatenate %broadcast_in_dim3A_1271, %broadcast_in_dim3A_1276, %broadcast_in_dim3A_1281, %broadcast_in_dim3A_1286, %broadcast_in_dim3A_1291, %broadcast_in_dim3A_1296, %broadcast_in_dim3A_1301, %broadcast_in_dim3A_1306 in 1 : vector<1x256xf32>, vector<1x256xf32>, vector<1x256xf32>, vector<1x256xf32>, vector<1x256xf32>, vector<1x256xf32>, vector<1x256xf32>, vector<1x256xf32> -> vector<1x2048xf32>
      %swap3A_1308 = arith.constant 4 : index
      %swap3A_1309 = arith.constant 2 : index
      %swap3A_1310 = arith.constant 0 : index
      %swap3A_1311 = vector.load %arg13[%swap3A_1308, %swap3A_1309, %swap3A_1310] : memref<8x4x2048xf32, #tpu.memory_space<vmem>>, vector<1x1x2048xf32>
      %swap3A_1312 = vector.shape_cast %swap3A_1311 : vector<1x1x2048xf32> to vector<1x2048xf32>
      %swap3A_1313 = vector.shape_cast %concatenate3A_1307 : vector<1x2048xf32> to vector<1x1x2048xf32>
      tpu.vector_store %arg13[%swap3A_1308, %swap3A_1309, %swap3A_1310], %swap3A_1313 {strides = array<i32>} : memref<8x4x2048xf32, #tpu.memory_space<vmem>>, vector<1x1x2048xf32>,
      %get3A_1314 = arith.constant 24 : index
      %get3A_1315 = arith.constant 4 : index
      %get3A_1316 = vector.load %arg1[%get3A_1314, %get3A_1315] : memref<32x16xf32, #tpu.memory_space<vmem>>, vector<1x1xf32>
      %broadcast_in_dim3A_1317 = vector.shape_cast %get3A_1316 : vector<1x1xf32> to vector<1x1xf32>
      %broadcast_in_dim3A_1318 = vector.broadcast %broadcast_in_dim3A_1317 : vector<1x1xf32> to vector<1x256xf32>
      %get3A_1319 = arith.constant 25 : index
      %get3A_1320 = arith.constant 4 : index
      %get3A_1321 = vector.load %arg1[%get3A_1319, %get3A_1320] : memref<32x16xf32, #tpu.memory_space<vmem>>, vector<1x1xf32>
      %broadcast_in_dim3A_1322 = vector.shape_cast %get3A_1321 : vector<1x1xf32> to vector<1x1xf32>
      %broadcast_in_dim3A_1323 = vector.broadcast %broadcast_in_dim3A_1322 : vector<1x1xf32> to vector<1x256xf32>
      %get3A_1324 = arith.constant 26 : index
      %get3A_1325 = arith.constant 4 : index
      %get3A_1326 = vector.load %arg1[%get3A_1324, %get3A_1325] : memref<32x16xf32, #tpu.memory_space<vmem>>, vector<1x1xf32>
      %broadcast_in_dim3A_1327 = vector.shape_cast %get3A_1326 : vector<1x1xf32> to vector<1x1xf32>
      %broadcast_in_dim3A_1328 = vector.broadcast %broadcast_in_dim3A_1327 : vector<1x1xf32> to vector<1x256xf32>
      %get3A_1329 = arith.constant 27 : index
      %get3A_1330 = arith.constant 4 : index
      %get3A_1331 = vector.load %arg1[%get3A_1329, %get3A_1330] : memref<32x16xf32, #tpu.memory_space<vmem>>, vector<1x1xf32>
      %broadcast_in_dim3A_1332 = vector.shape_cast %get3A_1331 : vector<1x1xf32> to vector<1x1xf32>
      %broadcast_in_dim3A_1333 = vector.broadcast %broadcast_in_dim3A_1332 : vector<1x1xf32> to vector<1x256xf32>
      %get3A_1334 = arith.constant 28 : index
      %get3A_1335 = arith.constant 4 : index
      %get3A_1336 = vector.load %arg1[%get3A_1334, %get3A_1335] : memref<32x16xf32, #tpu.memory_space<vmem>>, vector<1x1xf32>
      %broadcast_in_dim3A_1337 = vector.shape_cast %get3A_1336 : vector<1x1xf32> to vector<1x1xf32>
      %broadcast_in_dim3A_1338 = vector.broadcast %broadcast_in_dim3A_1337 : vector<1x1xf32> to vector<1x256xf32>
      %get3A_1339 = arith.constant 29 : index
      %get3A_1340 = arith.constant 4 : index
      %get3A_1341 = vector.load %arg1[%get3A_1339, %get3A_1340] : memref<32x16xf32, #tpu.memory_space<vmem>>, vector<1x1xf32>
      %broadcast_in_dim3A_1342 = vector.shape_cast %get3A_1341 : vector<1x1xf32> to vector<1x1xf32>
      %broadcast_in_dim3A_1343 = vector.broadcast %broadcast_in_dim3A_1342 : vector<1x1xf32> to vector<1x256xf32>
      %get3A_1344 = arith.constant 30 : index
      %get3A_1345 = arith.constant 4 : index
      %get3A_1346 = vector.load %arg1[%get3A_1344, %get3A_1345] : memref<32x16xf32, #tpu.memory_space<vmem>>, vector<1x1xf32>
      %broadcast_in_dim3A_1347 = vector.shape_cast %get3A_1346 : vector<1x1xf32> to vector<1x1xf32>
      %broadcast_in_dim3A_1348 = vector.broadcast %broadcast_in_dim3A_1347 : vector<1x1xf32> to vector<1x256xf32>
      %get3A_1349 = arith.constant 31 : index
      %get3A_1350 = arith.constant 4 : index
      %get3A_1351 = vector.load %arg1[%get3A_1349, %get3A_1350] : memref<32x16xf32, #tpu.memory_space<vmem>>, vector<1x1xf32>
      %broadcast_in_dim3A_1352 = vector.shape_cast %get3A_1351 : vector<1x1xf32> to vector<1x1xf32>
      %broadcast_in_dim3A_1353 = vector.broadcast %broadcast_in_dim3A_1352 : vector<1x1xf32> to vector<1x256xf32>
      %concatenate3A_1354 = tpu.concatenate %broadcast_in_dim3A_1318, %broadcast_in_dim3A_1323, %broadcast_in_dim3A_1328, %broadcast_in_dim3A_1333, %broadcast_in_dim3A_1338, %broadcast_in_dim3A_1343, %broadcast_in_dim3A_1348, %broadcast_in_dim3A_1353 in 1 : vector<1x256xf32>, vector<1x256xf32>, vector<1x256xf32>, vector<1x256xf32>, vector<1x256xf32>, vector<1x256xf32>, vector<1x256xf32>, vector<1x256xf32> -> vector<1x2048xf32>
      %swap3A_1355 = arith.constant 4 : index
      %swap3A_1356 = arith.constant 3 : index
      %swap3A_1357 = arith.constant 0 : index
      %swap3A_1358 = vector.load %arg13[%swap3A_1355, %swap3A_1356, %swap3A_1357] : memref<8x4x2048xf32, #tpu.memory_space<vmem>>, vector<1x1x2048xf32>
      %swap3A_1359 = vector.shape_cast %swap3A_1358 : vector<1x1x2048xf32> to vector<1x2048xf32>
      %swap3A_1360 = vector.shape_cast %concatenate3A_1354 : vector<1x2048xf32> to vector<1x1x2048xf32>
      tpu.vector_store %arg13[%swap3A_1355, %swap3A_1356, %swap3A_1357], %swap3A_1360 {strides = array<i32>} : memref<8x4x2048xf32, #tpu.memory_space<vmem>>, vector<1x1x2048xf32>,
      %get3A_1361 = arith.constant 0 : index
      %get3A_1362 = arith.constant 5 : index
      %get3A_1363 = vector.load %arg1[%get3A_1361, %get3A_1362] : memref<32x16xf32, #tpu.memory_space<vmem>>, vector<1x1xf32>
      %broadcast_in_dim3A_1364 = vector.shape_cast %get3A_1363 : vector<1x1xf32> to vector<1x1xf32>
      %broadcast_in_dim3A_1365 = vector.broadcast %broadcast_in_dim3A_1364 : vector<1x1xf32> to vector<1x256xf32>
      %get3A_1366 = arith.constant 1 : index
      %get3A_1367 = arith.constant 5 : index
      %get3A_1368 = vector.load %arg1[%get3A_1366, %get3A_1367] : memref<32x16xf32, #tpu.memory_space<vmem>>, vector<1x1xf32>
      %broadcast_in_dim3A_1369 = vector.shape_cast %get3A_1368 : vector<1x1xf32> to vector<1x1xf32>
      %broadcast_in_dim3A_1370 = vector.broadcast %broadcast_in_dim3A_1369 : vector<1x1xf32> to vector<1x256xf32>
      %get3A_1371 = arith.constant 2 : index
      %get3A_1372 = arith.constant 5 : index
      %get3A_1373 = vector.load %arg1[%get3A_1371, %get3A_1372] : memref<32x16xf32, #tpu.memory_space<vmem>>, vector<1x1xf32>
      %broadcast_in_dim3A_1374 = vector.shape_cast %get3A_1373 : vector<1x1xf32> to vector<1x1xf32>
      %broadcast_in_dim3A_1375 = vector.broadcast %broadcast_in_dim3A_1374 : vector<1x1xf32> to vector<1x256xf32>
      %get3A_1376 = arith.constant 3 : index
      %get3A_1377 = arith.constant 5 : index
      %get3A_1378 = vector.load %arg1[%get3A_1376, %get3A_1377] : memref<32x16xf32, #tpu.memory_space<vmem>>, vector<1x1xf32>
      %broadcast_in_dim3A_1379 = vector.shape_cast %get3A_1378 : vector<1x1xf32> to vector<1x1xf32>
      %broadcast_in_dim3A_1380 = vector.broadcast %broadcast_in_dim3A_1379 : vector<1x1xf32> to vector<1x256xf32>
      %get3A_1381 = arith.constant 4 : index
      %get3A_1382 = arith.constant 5 : index
      %get3A_1383 = vector.load %arg1[%get3A_1381, %get3A_1382] : memref<32x16xf32, #tpu.memory_space<vmem>>, vector<1x1xf32>
      %broadcast_in_dim3A_1384 = vector.shape_cast %get3A_1383 : vector<1x1xf32> to vector<1x1xf32>
      %broadcast_in_dim3A_1385 = vector.broadcast %broadcast_in_dim3A_1384 : vector<1x1xf32> to vector<1x256xf32>
      %get3A_1386 = arith.constant 5 : index
      %get3A_1387 = arith.constant 5 : index
      %get3A_1388 = vector.load %arg1[%get3A_1386, %get3A_1387] : memref<32x16xf32, #tpu.memory_space<vmem>>, vector<1x1xf32>
      %broadcast_in_dim3A_1389 = vector.shape_cast %get3A_1388 : vector<1x1xf32> to vector<1x1xf32>
      %broadcast_in_dim3A_1390 = vector.broadcast %broadcast_in_dim3A_1389 : vector<1x1xf32> to vector<1x256xf32>
      %get3A_1391 = arith.constant 6 : index
      %get3A_1392 = arith.constant 5 : index
      %get3A_1393 = vector.load %arg1[%get3A_1391, %get3A_1392] : memref<32x16xf32, #tpu.memory_space<vmem>>, vector<1x1xf32>
      %broadcast_in_dim3A_1394 = vector.shape_cast %get3A_1393 : vector<1x1xf32> to vector<1x1xf32>
      %broadcast_in_dim3A_1395 = vector.broadcast %broadcast_in_dim3A_1394 : vector<1x1xf32> to vector<1x256xf32>
      %get3A_1396 = arith.constant 7 : index
      %get3A_1397 = arith.constant 5 : index
      %get3A_1398 = vector.load %arg1[%get3A_1396, %get3A_1397] : memref<32x16xf32, #tpu.memory_space<vmem>>, vector<1x1xf32>
      %broadcast_in_dim3A_1399 = vector.shape_cast %get3A_1398 : vector<1x1xf32> to vector<1x1xf32>
      %broadcast_in_dim3A_1400 = vector.broadcast %broadcast_in_dim3A_1399 : vector<1x1xf32> to vector<1x256xf32>
      %concatenate3A_1401 = tpu.concatenate %broadcast_in_dim3A_1365, %broadcast_in_dim3A_1370, %broadcast_in_dim3A_1375, %broadcast_in_dim3A_1380, %broadcast_in_dim3A_1385, %broadcast_in_dim3A_1390, %broadcast_in_dim3A_1395, %broadcast_in_dim3A_1400 in 1 : vector<1x256xf32>, vector<1x256xf32>, vector<1x256xf32>, vector<1x256xf32>, vector<1x256xf32>, vector<1x256xf32>, vector<1x256xf32>, vector<1x256xf32> -> vector<1x2048xf32>
      %swap3A_1402 = arith.constant 5 : index
      %swap3A_1403 = arith.constant 0 : index
      %swap3A_1404 = arith.constant 0 : index
      %swap3A_1405 = vector.load %arg13[%swap3A_1402, %swap3A_1403, %swap3A_1404] : memref<8x4x2048xf32, #tpu.memory_space<vmem>>, vector<1x1x2048xf32>
      %swap3A_1406 = vector.shape_cast %swap3A_1405 : vector<1x1x2048xf32> to vector<1x2048xf32>
      %swap3A_1407 = vector.shape_cast %concatenate3A_1401 : vector<1x2048xf32> to vector<1x1x2048xf32>
      tpu.vector_store %arg13[%swap3A_1402, %swap3A_1403, %swap3A_1404], %swap3A_1407 {strides = array<i32>} : memref<8x4x2048xf32, #tpu.memory_space<vmem>>, vector<1x1x2048xf32>,
      %get3A_1408 = arith.constant 8 : index
      %get3A_1409 = arith.constant 5 : index
      %get3A_1410 = vector.load %arg1[%get3A_1408, %get3A_1409] : memref<32x16xf32, #tpu.memory_space<vmem>>, vector<1x1xf32>
      %broadcast_in_dim3A_1411 = vector.shape_cast %get3A_1410 : vector<1x1xf32> to vector<1x1xf32>
      %broadcast_in_dim3A_1412 = vector.broadcast %broadcast_in_dim3A_1411 : vector<1x1xf32> to vector<1x256xf32>
      %get3A_1413 = arith.constant 9 : index
      %get3A_1414 = arith.constant 5 : index
      %get3A_1415 = vector.load %arg1[%get3A_1413, %get3A_1414] : memref<32x16xf32, #tpu.memory_space<vmem>>, vector<1x1xf32>
      %broadcast_in_dim3A_1416 = vector.shape_cast %get3A_1415 : vector<1x1xf32> to vector<1x1xf32>
      %broadcast_in_dim3A_1417 = vector.broadcast %broadcast_in_dim3A_1416 : vector<1x1xf32> to vector<1x256xf32>
      %get3A_1418 = arith.constant 10 : index
      %get3A_1419 = arith.constant 5 : index
      %get3A_1420 = vector.load %arg1[%get3A_1418, %get3A_1419] : memref<32x16xf32, #tpu.memory_space<vmem>>, vector<1x1xf32>
      %broadcast_in_dim3A_1421 = vector.shape_cast %get3A_1420 : vector<1x1xf32> to vector<1x1xf32>
      %broadcast_in_dim3A_1422 = vector.broadcast %broadcast_in_dim3A_1421 : vector<1x1xf32> to vector<1x256xf32>
      %get3A_1423 = arith.constant 11 : index
      %get3A_1424 = arith.constant 5 : index
      %get3A_1425 = vector.load %arg1[%get3A_1423, %get3A_1424] : memref<32x16xf32, #tpu.memory_space<vmem>>, vector<1x1xf32>
      %broadcast_in_dim3A_1426 = vector.shape_cast %get3A_1425 : vector<1x1xf32> to vector<1x1xf32>
      %broadcast_in_dim3A_1427 = vector.broadcast %broadcast_in_dim3A_1426 : vector<1x1xf32> to vector<1x256xf32>
      %get3A_1428 = arith.constant 12 : index
      %get3A_1429 = arith.constant 5 : index
      %get3A_1430 = vector.load %arg1[%get3A_1428, %get3A_1429] : memref<32x16xf32, #tpu.memory_space<vmem>>, vector<1x1xf32>
      %broadcast_in_dim3A_1431 = vector.shape_cast %get3A_1430 : vector<1x1xf32> to vector<1x1xf32>
      %broadcast_in_dim3A_1432 = vector.broadcast %broadcast_in_dim3A_1431 : vector<1x1xf32> to vector<1x256xf32>
      %get3A_1433 = arith.constant 13 : index
      %get3A_1434 = arith.constant 5 : index
      %get3A_1435 = vector.load %arg1[%get3A_1433, %get3A_1434] : memref<32x16xf32, #tpu.memory_space<vmem>>, vector<1x1xf32>
      %broadcast_in_dim3A_1436 = vector.shape_cast %get3A_1435 : vector<1x1xf32> to vector<1x1xf32>
      %broadcast_in_dim3A_1437 = vector.broadcast %broadcast_in_dim3A_1436 : vector<1x1xf32> to vector<1x256xf32>
      %get3A_1438 = arith.constant 14 : index
      %get3A_1439 = arith.constant 5 : index
      %get3A_1440 = vector.load %arg1[%get3A_1438, %get3A_1439] : memref<32x16xf32, #tpu.memory_space<vmem>>, vector<1x1xf32>
      %broadcast_in_dim3A_1441 = vector.shape_cast %get3A_1440 : vector<1x1xf32> to vector<1x1xf32>
      %broadcast_in_dim3A_1442 = vector.broadcast %broadcast_in_dim3A_1441 : vector<1x1xf32> to vector<1x256xf32>
      %get3A_1443 = arith.constant 15 : index
      %get3A_1444 = arith.constant 5 : index
      %get3A_1445 = vector.load %arg1[%get3A_1443, %get3A_1444] : memref<32x16xf32, #tpu.memory_space<vmem>>, vector<1x1xf32>
      %broadcast_in_dim3A_1446 = vector.shape_cast %get3A_1445 : vector<1x1xf32> to vector<1x1xf32>
      %broadcast_in_dim3A_1447 = vector.broadcast %broadcast_in_dim3A_1446 : vector<1x1xf32> to vector<1x256xf32>
      %concatenate3A_1448 = tpu.concatenate %broadcast_in_dim3A_1412, %broadcast_in_dim3A_1417, %broadcast_in_dim3A_1422, %broadcast_in_dim3A_1427, %broadcast_in_dim3A_1432, %broadcast_in_dim3A_1437, %broadcast_in_dim3A_1442, %broadcast_in_dim3A_1447 in 1 : vector<1x256xf32>, vector<1x256xf32>, vector<1x256xf32>, vector<1x256xf32>, vector<1x256xf32>, vector<1x256xf32>, vector<1x256xf32>, vector<1x256xf32> -> vector<1x2048xf32>
      %swap3A_1449 = arith.constant 5 : index
      %swap3A_1450 = arith.constant 1 : index
      %swap3A_1451 = arith.constant 0 : index
      %swap3A_1452 = vector.load %arg13[%swap3A_1449, %swap3A_1450, %swap3A_1451] : memref<8x4x2048xf32, #tpu.memory_space<vmem>>, vector<1x1x2048xf32>
      %swap3A_1453 = vector.shape_cast %swap3A_1452 : vector<1x1x2048xf32> to vector<1x2048xf32>
      %swap3A_1454 = vector.shape_cast %concatenate3A_1448 : vector<1x2048xf32> to vector<1x1x2048xf32>
      tpu.vector_store %arg13[%swap3A_1449, %swap3A_1450, %swap3A_1451], %swap3A_1454 {strides = array<i32>} : memref<8x4x2048xf32, #tpu.memory_space<vmem>>, vector<1x1x2048xf32>,
      %get3A_1455 = arith.constant 16 : index
      %get3A_1456 = arith.constant 5 : index
      %get3A_1457 = vector.load %arg1[%get3A_1455, %get3A_1456] : memref<32x16xf32, #tpu.memory_space<vmem>>, vector<1x1xf32>
      %broadcast_in_dim3A_1458 = vector.shape_cast %get3A_1457 : vector<1x1xf32> to vector<1x1xf32>
      %broadcast_in_dim3A_1459 = vector.broadcast %broadcast_in_dim3A_1458 : vector<1x1xf32> to vector<1x256xf32>
      %get3A_1460 = arith.constant 17 : index
      %get3A_1461 = arith.constant 5 : index
      %get3A_1462 = vector.load %arg1[%get3A_1460, %get3A_1461] : memref<32x16xf32, #tpu.memory_space<vmem>>, vector<1x1xf32>
      %broadcast_in_dim3A_1463 = vector.shape_cast %get3A_1462 : vector<1x1xf32> to vector<1x1xf32>
      %broadcast_in_dim3A_1464 = vector.broadcast %broadcast_in_dim3A_1463 : vector<1x1xf32> to vector<1x256xf32>
      %get3A_1465 = arith.constant 18 : index
      %get3A_1466 = arith.constant 5 : index
      %get3A_1467 = vector.load %arg1[%get3A_1465, %get3A_1466] : memref<32x16xf32, #tpu.memory_space<vmem>>, vector<1x1xf32>
      %broadcast_in_dim3A_1468 = vector.shape_cast %get3A_1467 : vector<1x1xf32> to vector<1x1xf32>
      %broadcast_in_dim3A_1469 = vector.broadcast %broadcast_in_dim3A_1468 : vector<1x1xf32> to vector<1x256xf32>
      %get3A_1470 = arith.constant 19 : index
      %get3A_1471 = arith.constant 5 : index
      %get3A_1472 = vector.load %arg1[%get3A_1470, %get3A_1471] : memref<32x16xf32, #tpu.memory_space<vmem>>, vector<1x1xf32>
      %broadcast_in_dim3A_1473 = vector.shape_cast %get3A_1472 : vector<1x1xf32> to vector<1x1xf32>
      %broadcast_in_dim3A_1474 = vector.broadcast %broadcast_in_dim3A_1473 : vector<1x1xf32> to vector<1x256xf32>
      %get3A_1475 = arith.constant 20 : index
      %get3A_1476 = arith.constant 5 : index
      %get3A_1477 = vector.load %arg1[%get3A_1475, %get3A_1476] : memref<32x16xf32, #tpu.memory_space<vmem>>, vector<1x1xf32>
      %broadcast_in_dim3A_1478 = vector.shape_cast %get3A_1477 : vector<1x1xf32> to vector<1x1xf32>
      %broadcast_in_dim3A_1479 = vector.broadcast %broadcast_in_dim3A_1478 : vector<1x1xf32> to vector<1x256xf32>
      %get3A_1480 = arith.constant 21 : index
      %get3A_1481 = arith.constant 5 : index
      %get3A_1482 = vector.load %arg1[%get3A_1480, %get3A_1481] : memref<32x16xf32, #tpu.memory_space<vmem>>, vector<1x1xf32>
      %broadcast_in_dim3A_1483 = vector.shape_cast %get3A_1482 : vector<1x1xf32> to vector<1x1xf32>
      %broadcast_in_dim3A_1484 = vector.broadcast %broadcast_in_dim3A_1483 : vector<1x1xf32> to vector<1x256xf32>
      %get3A_1485 = arith.constant 22 : index
      %get3A_1486 = arith.constant 5 : index
      %get3A_1487 = vector.load %arg1[%get3A_1485, %get3A_1486] : memref<32x16xf32, #tpu.memory_space<vmem>>, vector<1x1xf32>
      %broadcast_in_dim3A_1488 = vector.shape_cast %get3A_1487 : vector<1x1xf32> to vector<1x1xf32>
      %broadcast_in_dim3A_1489 = vector.broadcast %broadcast_in_dim3A_1488 : vector<1x1xf32> to vector<1x256xf32>
      %get3A_1490 = arith.constant 23 : index
      %get3A_1491 = arith.constant 5 : index
      %get3A_1492 = vector.load %arg1[%get3A_1490, %get3A_1491] : memref<32x16xf32, #tpu.memory_space<vmem>>, vector<1x1xf32>
      %broadcast_in_dim3A_1493 = vector.shape_cast %get3A_1492 : vector<1x1xf32> to vector<1x1xf32>
      %broadcast_in_dim3A_1494 = vector.broadcast %broadcast_in_dim3A_1493 : vector<1x1xf32> to vector<1x256xf32>
      %concatenate3A_1495 = tpu.concatenate %broadcast_in_dim3A_1459, %broadcast_in_dim3A_1464, %broadcast_in_dim3A_1469, %broadcast_in_dim3A_1474, %broadcast_in_dim3A_1479, %broadcast_in_dim3A_1484, %broadcast_in_dim3A_1489, %broadcast_in_dim3A_1494 in 1 : vector<1x256xf32>, vector<1x256xf32>, vector<1x256xf32>, vector<1x256xf32>, vector<1x256xf32>, vector<1x256xf32>, vector<1x256xf32>, vector<1x256xf32> -> vector<1x2048xf32>
      %swap3A_1496 = arith.constant 5 : index
      %swap3A_1497 = arith.constant 2 : index
      %swap3A_1498 = arith.constant 0 : index
      %swap3A_1499 = vector.load %arg13[%swap3A_1496, %swap3A_1497, %swap3A_1498] : memref<8x4x2048xf32, #tpu.memory_space<vmem>>, vector<1x1x2048xf32>
      %swap3A_1500 = vector.shape_cast %swap3A_1499 : vector<1x1x2048xf32> to vector<1x2048xf32>
      %swap3A_1501 = vector.shape_cast %concatenate3A_1495 : vector<1x2048xf32> to vector<1x1x2048xf32>
      tpu.vector_store %arg13[%swap3A_1496, %swap3A_1497, %swap3A_1498], %swap3A_1501 {strides = array<i32>} : memref<8x4x2048xf32, #tpu.memory_space<vmem>>, vector<1x1x2048xf32>,
      %get3A_1502 = arith.constant 24 : index
      %get3A_1503 = arith.constant 5 : index
      %get3A_1504 = vector.load %arg1[%get3A_1502, %get3A_1503] : memref<32x16xf32, #tpu.memory_space<vmem>>, vector<1x1xf32>
      %broadcast_in_dim3A_1505 = vector.shape_cast %get3A_1504 : vector<1x1xf32> to vector<1x1xf32>
      %broadcast_in_dim3A_1506 = vector.broadcast %broadcast_in_dim3A_1505 : vector<1x1xf32> to vector<1x256xf32>
      %get3A_1507 = arith.constant 25 : index
      %get3A_1508 = arith.constant 5 : index
      %get3A_1509 = vector.load %arg1[%get3A_1507, %get3A_1508] : memref<32x16xf32, #tpu.memory_space<vmem>>, vector<1x1xf32>
      %broadcast_in_dim3A_1510 = vector.shape_cast %get3A_1509 : vector<1x1xf32> to vector<1x1xf32>
      %broadcast_in_dim3A_1511 = vector.broadcast %broadcast_in_dim3A_1510 : vector<1x1xf32> to vector<1x256xf32>
      %get3A_1512 = arith.constant 26 : index
      %get3A_1513 = arith.constant 5 : index
      %get3A_1514 = vector.load %arg1[%get3A_1512, %get3A_1513] : memref<32x16xf32, #tpu.memory_space<vmem>>, vector<1x1xf32>
      %broadcast_in_dim3A_1515 = vector.shape_cast %get3A_1514 : vector<1x1xf32> to vector<1x1xf32>
      %broadcast_in_dim3A_1516 = vector.broadcast %broadcast_in_dim3A_1515 : vector<1x1xf32> to vector<1x256xf32>
      %get3A_1517 = arith.constant 27 : index
      %get3A_1518 = arith.constant 5 : index
      %get3A_1519 = vector.load %arg1[%get3A_1517, %get3A_1518] : memref<32x16xf32, #tpu.memory_space<vmem>>, vector<1x1xf32>
      %broadcast_in_dim3A_1520 = vector.shape_cast %get3A_1519 : vector<1x1xf32> to vector<1x1xf32>
      %broadcast_in_dim3A_1521 = vector.broadcast %broadcast_in_dim3A_1520 : vector<1x1xf32> to vector<1x256xf32>
      %get3A_1522 = arith.constant 28 : index
      %get3A_1523 = arith.constant 5 : index
      %get3A_1524 = vector.load %arg1[%get3A_1522, %get3A_1523] : memref<32x16xf32, #tpu.memory_space<vmem>>, vector<1x1xf32>
      %broadcast_in_dim3A_1525 = vector.shape_cast %get3A_1524 : vector<1x1xf32> to vector<1x1xf32>
      %broadcast_in_dim3A_1526 = vector.broadcast %broadcast_in_dim3A_1525 : vector<1x1xf32> to vector<1x256xf32>
      %get3A_1527 = arith.constant 29 : index
      %get3A_1528 = arith.constant 5 : index
      %get3A_1529 = vector.load %arg1[%get3A_1527, %get3A_1528] : memref<32x16xf32, #tpu.memory_space<vmem>>, vector<1x1xf32>
      %broadcast_in_dim3A_1530 = vector.shape_cast %get3A_1529 : vector<1x1xf32> to vector<1x1xf32>
      %broadcast_in_dim3A_1531 = vector.broadcast %broadcast_in_dim3A_1530 : vector<1x1xf32> to vector<1x256xf32>
      %get3A_1532 = arith.constant 30 : index
      %get3A_1533 = arith.constant 5 : index
      %get3A_1534 = vector.load %arg1[%get3A_1532, %get3A_1533] : memref<32x16xf32, #tpu.memory_space<vmem>>, vector<1x1xf32>
      %broadcast_in_dim3A_1535 = vector.shape_cast %get3A_1534 : vector<1x1xf32> to vector<1x1xf32>
      %broadcast_in_dim3A_1536 = vector.broadcast %broadcast_in_dim3A_1535 : vector<1x1xf32> to vector<1x256xf32>
      %get3A_1537 = arith.constant 31 : index
      %get3A_1538 = arith.constant 5 : index
      %get3A_1539 = vector.load %arg1[%get3A_1537, %get3A_1538] : memref<32x16xf32, #tpu.memory_space<vmem>>, vector<1x1xf32>
      %broadcast_in_dim3A_1540 = vector.shape_cast %get3A_1539 : vector<1x1xf32> to vector<1x1xf32>
      %broadcast_in_dim3A_1541 = vector.broadcast %broadcast_in_dim3A_1540 : vector<1x1xf32> to vector<1x256xf32>
      %concatenate3A_1542 = tpu.concatenate %broadcast_in_dim3A_1506, %broadcast_in_dim3A_1511, %broadcast_in_dim3A_1516, %broadcast_in_dim3A_1521, %broadcast_in_dim3A_1526, %broadcast_in_dim3A_1531, %broadcast_in_dim3A_1536, %broadcast_in_dim3A_1541 in 1 : vector<1x256xf32>, vector<1x256xf32>, vector<1x256xf32>, vector<1x256xf32>, vector<1x256xf32>, vector<1x256xf32>, vector<1x256xf32>, vector<1x256xf32> -> vector<1x2048xf32>
      %swap3A_1543 = arith.constant 5 : index
      %swap3A_1544 = arith.constant 3 : index
      %swap3A_1545 = arith.constant 0 : index
      %swap3A_1546 = vector.load %arg13[%swap3A_1543, %swap3A_1544, %swap3A_1545] : memref<8x4x2048xf32, #tpu.memory_space<vmem>>, vector<1x1x2048xf32>
      %swap3A_1547 = vector.shape_cast %swap3A_1546 : vector<1x1x2048xf32> to vector<1x2048xf32>
      %swap3A_1548 = vector.shape_cast %concatenate3A_1542 : vector<1x2048xf32> to vector<1x1x2048xf32>
      tpu.vector_store %arg13[%swap3A_1543, %swap3A_1544, %swap3A_1545], %swap3A_1548 {strides = array<i32>} : memref<8x4x2048xf32, #tpu.memory_space<vmem>>, vector<1x1x2048xf32>,
      %get3A_1549 = arith.constant 0 : index
      %get3A_1550 = arith.constant 6 : index
      %get3A_1551 = vector.load %arg1[%get3A_1549, %get3A_1550] : memref<32x16xf32, #tpu.memory_space<vmem>>, vector<1x1xf32>
      %broadcast_in_dim3A_1552 = vector.shape_cast %get3A_1551 : vector<1x1xf32> to vector<1x1xf32>
      %broadcast_in_dim3A_1553 = vector.broadcast %broadcast_in_dim3A_1552 : vector<1x1xf32> to vector<1x256xf32>
      %get3A_1554 = arith.constant 1 : index
      %get3A_1555 = arith.constant 6 : index
      %get3A_1556 = vector.load %arg1[%get3A_1554, %get3A_1555] : memref<32x16xf32, #tpu.memory_space<vmem>>, vector<1x1xf32>
      %broadcast_in_dim3A_1557 = vector.shape_cast %get3A_1556 : vector<1x1xf32> to vector<1x1xf32>
      %broadcast_in_dim3A_1558 = vector.broadcast %broadcast_in_dim3A_1557 : vector<1x1xf32> to vector<1x256xf32>
      %get3A_1559 = arith.constant 2 : index
      %get3A_1560 = arith.constant 6 : index
      %get3A_1561 = vector.load %arg1[%get3A_1559, %get3A_1560] : memref<32x16xf32, #tpu.memory_space<vmem>>, vector<1x1xf32>
      %broadcast_in_dim3A_1562 = vector.shape_cast %get3A_1561 : vector<1x1xf32> to vector<1x1xf32>
      %broadcast_in_dim3A_1563 = vector.broadcast %broadcast_in_dim3A_1562 : vector<1x1xf32> to vector<1x256xf32>
      %get3A_1564 = arith.constant 3 : index
      %get3A_1565 = arith.constant 6 : index
      %get3A_1566 = vector.load %arg1[%get3A_1564, %get3A_1565] : memref<32x16xf32, #tpu.memory_space<vmem>>, vector<1x1xf32>
      %broadcast_in_dim3A_1567 = vector.shape_cast %get3A_1566 : vector<1x1xf32> to vector<1x1xf32>
      %broadcast_in_dim3A_1568 = vector.broadcast %broadcast_in_dim3A_1567 : vector<1x1xf32> to vector<1x256xf32>
      %get3A_1569 = arith.constant 4 : index
      %get3A_1570 = arith.constant 6 : index
      %get3A_1571 = vector.load %arg1[%get3A_1569, %get3A_1570] : memref<32x16xf32, #tpu.memory_space<vmem>>, vector<1x1xf32>
      %broadcast_in_dim3A_1572 = vector.shape_cast %get3A_1571 : vector<1x1xf32> to vector<1x1xf32>
      %broadcast_in_dim3A_1573 = vector.broadcast %broadcast_in_dim3A_1572 : vector<1x1xf32> to vector<1x256xf32>
      %get3A_1574 = arith.constant 5 : index
      %get3A_1575 = arith.constant 6 : index
      %get3A_1576 = vector.load %arg1[%get3A_1574, %get3A_1575] : memref<32x16xf32, #tpu.memory_space<vmem>>, vector<1x1xf32>
      %broadcast_in_dim3A_1577 = vector.shape_cast %get3A_1576 : vector<1x1xf32> to vector<1x1xf32>
      %broadcast_in_dim3A_1578 = vector.broadcast %broadcast_in_dim3A_1577 : vector<1x1xf32> to vector<1x256xf32>
      %get3A_1579 = arith.constant 6 : index
      %get3A_1580 = arith.constant 6 : index
      %get3A_1581 = vector.load %arg1[%get3A_1579, %get3A_1580] : memref<32x16xf32, #tpu.memory_space<vmem>>, vector<1x1xf32>
      %broadcast_in_dim3A_1582 = vector.shape_cast %get3A_1581 : vector<1x1xf32> to vector<1x1xf32>
      %broadcast_in_dim3A_1583 = vector.broadcast %broadcast_in_dim3A_1582 : vector<1x1xf32> to vector<1x256xf32>
      %get3A_1584 = arith.constant 7 : index
      %get3A_1585 = arith.constant 6 : index
      %get3A_1586 = vector.load %arg1[%get3A_1584, %get3A_1585] : memref<32x16xf32, #tpu.memory_space<vmem>>, vector<1x1xf32>
      %broadcast_in_dim3A_1587 = vector.shape_cast %get3A_1586 : vector<1x1xf32> to vector<1x1xf32>
      %broadcast_in_dim3A_1588 = vector.broadcast %broadcast_in_dim3A_1587 : vector<1x1xf32> to vector<1x256xf32>
      %concatenate3A_1589 = tpu.concatenate %broadcast_in_dim3A_1553, %broadcast_in_dim3A_1558, %broadcast_in_dim3A_1563, %broadcast_in_dim3A_1568, %broadcast_in_dim3A_1573, %broadcast_in_dim3A_1578, %broadcast_in_dim3A_1583, %broadcast_in_dim3A_1588 in 1 : vector<1x256xf32>, vector<1x256xf32>, vector<1x256xf32>, vector<1x256xf32>, vector<1x256xf32>, vector<1x256xf32>, vector<1x256xf32>, vector<1x256xf32> -> vector<1x2048xf32>
      %swap3A_1590 = arith.constant 6 : index
      %swap3A_1591 = arith.constant 0 : index
      %swap3A_1592 = arith.constant 0 : index
      %swap3A_1593 = vector.load %arg13[%swap3A_1590, %swap3A_1591, %swap3A_1592] : memref<8x4x2048xf32, #tpu.memory_space<vmem>>, vector<1x1x2048xf32>
      %swap3A_1594 = vector.shape_cast %swap3A_1593 : vector<1x1x2048xf32> to vector<1x2048xf32>
      %swap3A_1595 = vector.shape_cast %concatenate3A_1589 : vector<1x2048xf32> to vector<1x1x2048xf32>
      tpu.vector_store %arg13[%swap3A_1590, %swap3A_1591, %swap3A_1592], %swap3A_1595 {strides = array<i32>} : memref<8x4x2048xf32, #tpu.memory_space<vmem>>, vector<1x1x2048xf32>,
      %get3A_1596 = arith.constant 8 : index
      %get3A_1597 = arith.constant 6 : index
      %get3A_1598 = vector.load %arg1[%get3A_1596, %get3A_1597] : memref<32x16xf32, #tpu.memory_space<vmem>>, vector<1x1xf32>
      %broadcast_in_dim3A_1599 = vector.shape_cast %get3A_1598 : vector<1x1xf32> to vector<1x1xf32>
      %broadcast_in_dim3A_1600 = vector.broadcast %broadcast_in_dim3A_1599 : vector<1x1xf32> to vector<1x256xf32>
      %get3A_1601 = arith.constant 9 : index
      %get3A_1602 = arith.constant 6 : index
      %get3A_1603 = vector.load %arg1[%get3A_1601, %get3A_1602] : memref<32x16xf32, #tpu.memory_space<vmem>>, vector<1x1xf32>
      %broadcast_in_dim3A_1604 = vector.shape_cast %get3A_1603 : vector<1x1xf32> to vector<1x1xf32>
      %broadcast_in_dim3A_1605 = vector.broadcast %broadcast_in_dim3A_1604 : vector<1x1xf32> to vector<1x256xf32>
      %get3A_1606 = arith.constant 10 : index
      %get3A_1607 = arith.constant 6 : index
      %get3A_1608 = vector.load %arg1[%get3A_1606, %get3A_1607] : memref<32x16xf32, #tpu.memory_space<vmem>>, vector<1x1xf32>
      %broadcast_in_dim3A_1609 = vector.shape_cast %get3A_1608 : vector<1x1xf32> to vector<1x1xf32>
      %broadcast_in_dim3A_1610 = vector.broadcast %broadcast_in_dim3A_1609 : vector<1x1xf32> to vector<1x256xf32>
      %get3A_1611 = arith.constant 11 : index
      %get3A_1612 = arith.constant 6 : index
      %get3A_1613 = vector.load %arg1[%get3A_1611, %get3A_1612] : memref<32x16xf32, #tpu.memory_space<vmem>>, vector<1x1xf32>
      %broadcast_in_dim3A_1614 = vector.shape_cast %get3A_1613 : vector<1x1xf32> to vector<1x1xf32>
      %broadcast_in_dim3A_1615 = vector.broadcast %broadcast_in_dim3A_1614 : vector<1x1xf32> to vector<1x256xf32>
      %get3A_1616 = arith.constant 12 : index
      %get3A_1617 = arith.constant 6 : index
      %get3A_1618 = vector.load %arg1[%get3A_1616, %get3A_1617] : memref<32x16xf32, #tpu.memory_space<vmem>>, vector<1x1xf32>
      %broadcast_in_dim3A_1619 = vector.shape_cast %get3A_1618 : vector<1x1xf32> to vector<1x1xf32>
      %broadcast_in_dim3A_1620 = vector.broadcast %broadcast_in_dim3A_1619 : vector<1x1xf32> to vector<1x256xf32>
      %get3A_1621 = arith.constant 13 : index
      %get3A_1622 = arith.constant 6 : index
      %get3A_1623 = vector.load %arg1[%get3A_1621, %get3A_1622] : memref<32x16xf32, #tpu.memory_space<vmem>>, vector<1x1xf32>
      %broadcast_in_dim3A_1624 = vector.shape_cast %get3A_1623 : vector<1x1xf32> to vector<1x1xf32>
      %broadcast_in_dim3A_1625 = vector.broadcast %broadcast_in_dim3A_1624 : vector<1x1xf32> to vector<1x256xf32>
      %get3A_1626 = arith.constant 14 : index
      %get3A_1627 = arith.constant 6 : index
      %get3A_1628 = vector.load %arg1[%get3A_1626, %get3A_1627] : memref<32x16xf32, #tpu.memory_space<vmem>>, vector<1x1xf32>
      %broadcast_in_dim3A_1629 = vector.shape_cast %get3A_1628 : vector<1x1xf32> to vector<1x1xf32>
      %broadcast_in_dim3A_1630 = vector.broadcast %broadcast_in_dim3A_1629 : vector<1x1xf32> to vector<1x256xf32>
      %get3A_1631 = arith.constant 15 : index
      %get3A_1632 = arith.constant 6 : index
      %get3A_1633 = vector.load %arg1[%get3A_1631, %get3A_1632] : memref<32x16xf32, #tpu.memory_space<vmem>>, vector<1x1xf32>
      %broadcast_in_dim3A_1634 = vector.shape_cast %get3A_1633 : vector<1x1xf32> to vector<1x1xf32>
      %broadcast_in_dim3A_1635 = vector.broadcast %broadcast_in_dim3A_1634 : vector<1x1xf32> to vector<1x256xf32>
      %concatenate3A_1636 = tpu.concatenate %broadcast_in_dim3A_1600, %broadcast_in_dim3A_1605, %broadcast_in_dim3A_1610, %broadcast_in_dim3A_1615, %broadcast_in_dim3A_1620, %broadcast_in_dim3A_1625, %broadcast_in_dim3A_1630, %broadcast_in_dim3A_1635 in 1 : vector<1x256xf32>, vector<1x256xf32>, vector<1x256xf32>, vector<1x256xf32>, vector<1x256xf32>, vector<1x256xf32>, vector<1x256xf32>, vector<1x256xf32> -> vector<1x2048xf32>
      %swap3A_1637 = arith.constant 6 : index
      %swap3A_1638 = arith.constant 1 : index
      %swap3A_1639 = arith.constant 0 : index
      %swap3A_1640 = vector.load %arg13[%swap3A_1637, %swap3A_1638, %swap3A_1639] : memref<8x4x2048xf32, #tpu.memory_space<vmem>>, vector<1x1x2048xf32>
      %swap3A_1641 = vector.shape_cast %swap3A_1640 : vector<1x1x2048xf32> to vector<1x2048xf32>
      %swap3A_1642 = vector.shape_cast %concatenate3A_1636 : vector<1x2048xf32> to vector<1x1x2048xf32>
      tpu.vector_store %arg13[%swap3A_1637, %swap3A_1638, %swap3A_1639], %swap3A_1642 {strides = array<i32>} : memref<8x4x2048xf32, #tpu.memory_space<vmem>>, vector<1x1x2048xf32>,
      %get3A_1643 = arith.constant 16 : index
      %get3A_1644 = arith.constant 6 : index
      %get3A_1645 = vector.load %arg1[%get3A_1643, %get3A_1644] : memref<32x16xf32, #tpu.memory_space<vmem>>, vector<1x1xf32>
      %broadcast_in_dim3A_1646 = vector.shape_cast %get3A_1645 : vector<1x1xf32> to vector<1x1xf32>
      %broadcast_in_dim3A_1647 = vector.broadcast %broadcast_in_dim3A_1646 : vector<1x1xf32> to vector<1x256xf32>
      %get3A_1648 = arith.constant 17 : index
      %get3A_1649 = arith.constant 6 : index
      %get3A_1650 = vector.load %arg1[%get3A_1648, %get3A_1649] : memref<32x16xf32, #tpu.memory_space<vmem>>, vector<1x1xf32>
      %broadcast_in_dim3A_1651 = vector.shape_cast %get3A_1650 : vector<1x1xf32> to vector<1x1xf32>
      %broadcast_in_dim3A_1652 = vector.broadcast %broadcast_in_dim3A_1651 : vector<1x1xf32> to vector<1x256xf32>
      %get3A_1653 = arith.constant 18 : index
      %get3A_1654 = arith.constant 6 : index
      %get3A_1655 = vector.load %arg1[%get3A_1653, %get3A_1654] : memref<32x16xf32, #tpu.memory_space<vmem>>, vector<1x1xf32>
      %broadcast_in_dim3A_1656 = vector.shape_cast %get3A_1655 : vector<1x1xf32> to vector<1x1xf32>
      %broadcast_in_dim3A_1657 = vector.broadcast %broadcast_in_dim3A_1656 : vector<1x1xf32> to vector<1x256xf32>
      %get3A_1658 = arith.constant 19 : index
      %get3A_1659 = arith.constant 6 : index
      %get3A_1660 = vector.load %arg1[%get3A_1658, %get3A_1659] : memref<32x16xf32, #tpu.memory_space<vmem>>, vector<1x1xf32>
      %broadcast_in_dim3A_1661 = vector.shape_cast %get3A_1660 : vector<1x1xf32> to vector<1x1xf32>
      %broadcast_in_dim3A_1662 = vector.broadcast %broadcast_in_dim3A_1661 : vector<1x1xf32> to vector<1x256xf32>
      %get3A_1663 = arith.constant 20 : index
      %get3A_1664 = arith.constant 6 : index
      %get3A_1665 = vector.load %arg1[%get3A_1663, %get3A_1664] : memref<32x16xf32, #tpu.memory_space<vmem>>, vector<1x1xf32>
      %broadcast_in_dim3A_1666 = vector.shape_cast %get3A_1665 : vector<1x1xf32> to vector<1x1xf32>
      %broadcast_in_dim3A_1667 = vector.broadcast %broadcast_in_dim3A_1666 : vector<1x1xf32> to vector<1x256xf32>
      %get3A_1668 = arith.constant 21 : index
      %get3A_1669 = arith.constant 6 : index
      %get3A_1670 = vector.load %arg1[%get3A_1668, %get3A_1669] : memref<32x16xf32, #tpu.memory_space<vmem>>, vector<1x1xf32>
      %broadcast_in_dim3A_1671 = vector.shape_cast %get3A_1670 : vector<1x1xf32> to vector<1x1xf32>
      %broadcast_in_dim3A_1672 = vector.broadcast %broadcast_in_dim3A_1671 : vector<1x1xf32> to vector<1x256xf32>
      %get3A_1673 = arith.constant 22 : index
      %get3A_1674 = arith.constant 6 : index
      %get3A_1675 = vector.load %arg1[%get3A_1673, %get3A_1674] : memref<32x16xf32, #tpu.memory_space<vmem>>, vector<1x1xf32>
      %broadcast_in_dim3A_1676 = vector.shape_cast %get3A_1675 : vector<1x1xf32> to vector<1x1xf32>
      %broadcast_in_dim3A_1677 = vector.broadcast %broadcast_in_dim3A_1676 : vector<1x1xf32> to vector<1x256xf32>
      %get3A_1678 = arith.constant 23 : index
      %get3A_1679 = arith.constant 6 : index
      %get3A_1680 = vector.load %arg1[%get3A_1678, %get3A_1679] : memref<32x16xf32, #tpu.memory_space<vmem>>, vector<1x1xf32>
      %broadcast_in_dim3A_1681 = vector.shape_cast %get3A_1680 : vector<1x1xf32> to vector<1x1xf32>
      %broadcast_in_dim3A_1682 = vector.broadcast %broadcast_in_dim3A_1681 : vector<1x1xf32> to vector<1x256xf32>
      %concatenate3A_1683 = tpu.concatenate %broadcast_in_dim3A_1647, %broadcast_in_dim3A_1652, %broadcast_in_dim3A_1657, %broadcast_in_dim3A_1662, %broadcast_in_dim3A_1667, %broadcast_in_dim3A_1672, %broadcast_in_dim3A_1677, %broadcast_in_dim3A_1682 in 1 : vector<1x256xf32>, vector<1x256xf32>, vector<1x256xf32>, vector<1x256xf32>, vector<1x256xf32>, vector<1x256xf32>, vector<1x256xf32>, vector<1x256xf32> -> vector<1x2048xf32>
      %swap3A_1684 = arith.constant 6 : index
      %swap3A_1685 = arith.constant 2 : index
      %swap3A_1686 = arith.constant 0 : index
      %swap3A_1687 = vector.load %arg13[%swap3A_1684, %swap3A_1685, %swap3A_1686] : memref<8x4x2048xf32, #tpu.memory_space<vmem>>, vector<1x1x2048xf32>
      %swap3A_1688 = vector.shape_cast %swap3A_1687 : vector<1x1x2048xf32> to vector<1x2048xf32>
      %swap3A_1689 = vector.shape_cast %concatenate3A_1683 : vector<1x2048xf32> to vector<1x1x2048xf32>
      tpu.vector_store %arg13[%swap3A_1684, %swap3A_1685, %swap3A_1686], %swap3A_1689 {strides = array<i32>} : memref<8x4x2048xf32, #tpu.memory_space<vmem>>, vector<1x1x2048xf32>,
      %get3A_1690 = arith.constant 24 : index
      %get3A_1691 = arith.constant 6 : index
      %get3A_1692 = vector.load %arg1[%get3A_1690, %get3A_1691] : memref<32x16xf32, #tpu.memory_space<vmem>>, vector<1x1xf32>
      %broadcast_in_dim3A_1693 = vector.shape_cast %get3A_1692 : vector<1x1xf32> to vector<1x1xf32>
      %broadcast_in_dim3A_1694 = vector.broadcast %broadcast_in_dim3A_1693 : vector<1x1xf32> to vector<1x256xf32>
      %get3A_1695 = arith.constant 25 : index
      %get3A_1696 = arith.constant 6 : index
      %get3A_1697 = vector.load %arg1[%get3A_1695, %get3A_1696] : memref<32x16xf32, #tpu.memory_space<vmem>>, vector<1x1xf32>
      %broadcast_in_dim3A_1698 = vector.shape_cast %get3A_1697 : vector<1x1xf32> to vector<1x1xf32>
      %broadcast_in_dim3A_1699 = vector.broadcast %broadcast_in_dim3A_1698 : vector<1x1xf32> to vector<1x256xf32>
      %get3A_1700 = arith.constant 26 : index
      %get3A_1701 = arith.constant 6 : index
      %get3A_1702 = vector.load %arg1[%get3A_1700, %get3A_1701] : memref<32x16xf32, #tpu.memory_space<vmem>>, vector<1x1xf32>
      %broadcast_in_dim3A_1703 = vector.shape_cast %get3A_1702 : vector<1x1xf32> to vector<1x1xf32>
      %broadcast_in_dim3A_1704 = vector.broadcast %broadcast_in_dim3A_1703 : vector<1x1xf32> to vector<1x256xf32>
      %get3A_1705 = arith.constant 27 : index
      %get3A_1706 = arith.constant 6 : index
      %get3A_1707 = vector.load %arg1[%get3A_1705, %get3A_1706] : memref<32x16xf32, #tpu.memory_space<vmem>>, vector<1x1xf32>
      %broadcast_in_dim3A_1708 = vector.shape_cast %get3A_1707 : vector<1x1xf32> to vector<1x1xf32>
      %broadcast_in_dim3A_1709 = vector.broadcast %broadcast_in_dim3A_1708 : vector<1x1xf32> to vector<1x256xf32>
      %get3A_1710 = arith.constant 28 : index
      %get3A_1711 = arith.constant 6 : index
      %get3A_1712 = vector.load %arg1[%get3A_1710, %get3A_1711] : memref<32x16xf32, #tpu.memory_space<vmem>>, vector<1x1xf32>
      %broadcast_in_dim3A_1713 = vector.shape_cast %get3A_1712 : vector<1x1xf32> to vector<1x1xf32>
      %broadcast_in_dim3A_1714 = vector.broadcast %broadcast_in_dim3A_1713 : vector<1x1xf32> to vector<1x256xf32>
      %get3A_1715 = arith.constant 29 : index
      %get3A_1716 = arith.constant 6 : index
      %get3A_1717 = vector.load %arg1[%get3A_1715, %get3A_1716] : memref<32x16xf32, #tpu.memory_space<vmem>>, vector<1x1xf32>
      %broadcast_in_dim3A_1718 = vector.shape_cast %get3A_1717 : vector<1x1xf32> to vector<1x1xf32>
      %broadcast_in_dim3A_1719 = vector.broadcast %broadcast_in_dim3A_1718 : vector<1x1xf32> to vector<1x256xf32>
      %get3A_1720 = arith.constant 30 : index
      %get3A_1721 = arith.constant 6 : index
      %get3A_1722 = vector.load %arg1[%get3A_1720, %get3A_1721] : memref<32x16xf32, #tpu.memory_space<vmem>>, vector<1x1xf32>
      %broadcast_in_dim3A_1723 = vector.shape_cast %get3A_1722 : vector<1x1xf32> to vector<1x1xf32>
      %broadcast_in_dim3A_1724 = vector.broadcast %broadcast_in_dim3A_1723 : vector<1x1xf32> to vector<1x256xf32>
      %get3A_1725 = arith.constant 31 : index
      %get3A_1726 = arith.constant 6 : index
      %get3A_1727 = vector.load %arg1[%get3A_1725, %get3A_1726] : memref<32x16xf32, #tpu.memory_space<vmem>>, vector<1x1xf32>
      %broadcast_in_dim3A_1728 = vector.shape_cast %get3A_1727 : vector<1x1xf32> to vector<1x1xf32>
      %broadcast_in_dim3A_1729 = vector.broadcast %broadcast_in_dim3A_1728 : vector<1x1xf32> to vector<1x256xf32>
      %concatenate3A_1730 = tpu.concatenate %broadcast_in_dim3A_1694, %broadcast_in_dim3A_1699, %broadcast_in_dim3A_1704, %broadcast_in_dim3A_1709, %broadcast_in_dim3A_1714, %broadcast_in_dim3A_1719, %broadcast_in_dim3A_1724, %broadcast_in_dim3A_1729 in 1 : vector<1x256xf32>, vector<1x256xf32>, vector<1x256xf32>, vector<1x256xf32>, vector<1x256xf32>, vector<1x256xf32>, vector<1x256xf32>, vector<1x256xf32> -> vector<1x2048xf32>
      %swap3A_1731 = arith.constant 6 : index
      %swap3A_1732 = arith.constant 3 : index
      %swap3A_1733 = arith.constant 0 : index
      %swap3A_1734 = vector.load %arg13[%swap3A_1731, %swap3A_1732, %swap3A_1733] : memref<8x4x2048xf32, #tpu.memory_space<vmem>>, vector<1x1x2048xf32>
      %swap3A_1735 = vector.shape_cast %swap3A_1734 : vector<1x1x2048xf32> to vector<1x2048xf32>
      %swap3A_1736 = vector.shape_cast %concatenate3A_1730 : vector<1x2048xf32> to vector<1x1x2048xf32>
      tpu.vector_store %arg13[%swap3A_1731, %swap3A_1732, %swap3A_1733], %swap3A_1736 {strides = array<i32>} : memref<8x4x2048xf32, #tpu.memory_space<vmem>>, vector<1x1x2048xf32>,
      %get3A_1737 = arith.constant 0 : index
      %get3A_1738 = arith.constant 7 : index
      %get3A_1739 = vector.load %arg1[%get3A_1737, %get3A_1738] : memref<32x16xf32, #tpu.memory_space<vmem>>, vector<1x1xf32>
      %broadcast_in_dim3A_1740 = vector.shape_cast %get3A_1739 : vector<1x1xf32> to vector<1x1xf32>
      %broadcast_in_dim3A_1741 = vector.broadcast %broadcast_in_dim3A_1740 : vector<1x1xf32> to vector<1x256xf32>
      %get3A_1742 = arith.constant 1 : index
      %get3A_1743 = arith.constant 7 : index
      %get3A_1744 = vector.load %arg1[%get3A_1742, %get3A_1743] : memref<32x16xf32, #tpu.memory_space<vmem>>, vector<1x1xf32>
      %broadcast_in_dim3A_1745 = vector.shape_cast %get3A_1744 : vector<1x1xf32> to vector<1x1xf32>
      %broadcast_in_dim3A_1746 = vector.broadcast %broadcast_in_dim3A_1745 : vector<1x1xf32> to vector<1x256xf32>
      %get3A_1747 = arith.constant 2 : index
      %get3A_1748 = arith.constant 7 : index
      %get3A_1749 = vector.load %arg1[%get3A_1747, %get3A_1748] : memref<32x16xf32, #tpu.memory_space<vmem>>, vector<1x1xf32>
      %broadcast_in_dim3A_1750 = vector.shape_cast %get3A_1749 : vector<1x1xf32> to vector<1x1xf32>
      %broadcast_in_dim3A_1751 = vector.broadcast %broadcast_in_dim3A_1750 : vector<1x1xf32> to vector<1x256xf32>
      %get3A_1752 = arith.constant 3 : index
      %get3A_1753 = arith.constant 7 : index
      %get3A_1754 = vector.load %arg1[%get3A_1752, %get3A_1753] : memref<32x16xf32, #tpu.memory_space<vmem>>, vector<1x1xf32>
      %broadcast_in_dim3A_1755 = vector.shape_cast %get3A_1754 : vector<1x1xf32> to vector<1x1xf32>
      %broadcast_in_dim3A_1756 = vector.broadcast %broadcast_in_dim3A_1755 : vector<1x1xf32> to vector<1x256xf32>
      %get3A_1757 = arith.constant 4 : index
      %get3A_1758 = arith.constant 7 : index
      %get3A_1759 = vector.load %arg1[%get3A_1757, %get3A_1758] : memref<32x16xf32, #tpu.memory_space<vmem>>, vector<1x1xf32>
      %broadcast_in_dim3A_1760 = vector.shape_cast %get3A_1759 : vector<1x1xf32> to vector<1x1xf32>
      %broadcast_in_dim3A_1761 = vector.broadcast %broadcast_in_dim3A_1760 : vector<1x1xf32> to vector<1x256xf32>
      %get3A_1762 = arith.constant 5 : index
      %get3A_1763 = arith.constant 7 : index
      %get3A_1764 = vector.load %arg1[%get3A_1762, %get3A_1763] : memref<32x16xf32, #tpu.memory_space<vmem>>, vector<1x1xf32>
      %broadcast_in_dim3A_1765 = vector.shape_cast %get3A_1764 : vector<1x1xf32> to vector<1x1xf32>
      %broadcast_in_dim3A_1766 = vector.broadcast %broadcast_in_dim3A_1765 : vector<1x1xf32> to vector<1x256xf32>
      %get3A_1767 = arith.constant 6 : index
      %get3A_1768 = arith.constant 7 : index
      %get3A_1769 = vector.load %arg1[%get3A_1767, %get3A_1768] : memref<32x16xf32, #tpu.memory_space<vmem>>, vector<1x1xf32>
      %broadcast_in_dim3A_1770 = vector.shape_cast %get3A_1769 : vector<1x1xf32> to vector<1x1xf32>
      %broadcast_in_dim3A_1771 = vector.broadcast %broadcast_in_dim3A_1770 : vector<1x1xf32> to vector<1x256xf32>
      %get3A_1772 = arith.constant 7 : index
      %get3A_1773 = arith.constant 7 : index
      %get3A_1774 = vector.load %arg1[%get3A_1772, %get3A_1773] : memref<32x16xf32, #tpu.memory_space<vmem>>, vector<1x1xf32>
      %broadcast_in_dim3A_1775 = vector.shape_cast %get3A_1774 : vector<1x1xf32> to vector<1x1xf32>
      %broadcast_in_dim3A_1776 = vector.broadcast %broadcast_in_dim3A_1775 : vector<1x1xf32> to vector<1x256xf32>
      %concatenate3A_1777 = tpu.concatenate %broadcast_in_dim3A_1741, %broadcast_in_dim3A_1746, %broadcast_in_dim3A_1751, %broadcast_in_dim3A_1756, %broadcast_in_dim3A_1761, %broadcast_in_dim3A_1766, %broadcast_in_dim3A_1771, %broadcast_in_dim3A_1776 in 1 : vector<1x256xf32>, vector<1x256xf32>, vector<1x256xf32>, vector<1x256xf32>, vector<1x256xf32>, vector<1x256xf32>, vector<1x256xf32>, vector<1x256xf32> -> vector<1x2048xf32>
      %swap3A_1778 = arith.constant 7 : index
      %swap3A_1779 = arith.constant 0 : index
      %swap3A_1780 = arith.constant 0 : index
      %swap3A_1781 = vector.load %arg13[%swap3A_1778, %swap3A_1779, %swap3A_1780] : memref<8x4x2048xf32, #tpu.memory_space<vmem>>, vector<1x1x2048xf32>
      %swap3A_1782 = vector.shape_cast %swap3A_1781 : vector<1x1x2048xf32> to vector<1x2048xf32>
      %swap3A_1783 = vector.shape_cast %concatenate3A_1777 : vector<1x2048xf32> to vector<1x1x2048xf32>
      tpu.vector_store %arg13[%swap3A_1778, %swap3A_1779, %swap3A_1780], %swap3A_1783 {strides = array<i32>} : memref<8x4x2048xf32, #tpu.memory_space<vmem>>, vector<1x1x2048xf32>,
      %get3A_1784 = arith.constant 8 : index
      %get3A_1785 = arith.constant 7 : index
      %get3A_1786 = vector.load %arg1[%get3A_1784, %get3A_1785] : memref<32x16xf32, #tpu.memory_space<vmem>>, vector<1x1xf32>
      %broadcast_in_dim3A_1787 = vector.shape_cast %get3A_1786 : vector<1x1xf32> to vector<1x1xf32>
      %broadcast_in_dim3A_1788 = vector.broadcast %broadcast_in_dim3A_1787 : vector<1x1xf32> to vector<1x256xf32>
      %get3A_1789 = arith.constant 9 : index
      %get3A_1790 = arith.constant 7 : index
      %get3A_1791 = vector.load %arg1[%get3A_1789, %get3A_1790] : memref<32x16xf32, #tpu.memory_space<vmem>>, vector<1x1xf32>
      %broadcast_in_dim3A_1792 = vector.shape_cast %get3A_1791 : vector<1x1xf32> to vector<1x1xf32>
      %broadcast_in_dim3A_1793 = vector.broadcast %broadcast_in_dim3A_1792 : vector<1x1xf32> to vector<1x256xf32>
      %get3A_1794 = arith.constant 10 : index
      %get3A_1795 = arith.constant 7 : index
      %get3A_1796 = vector.load %arg1[%get3A_1794, %get3A_1795] : memref<32x16xf32, #tpu.memory_space<vmem>>, vector<1x1xf32>
      %broadcast_in_dim3A_1797 = vector.shape_cast %get3A_1796 : vector<1x1xf32> to vector<1x1xf32>
      %broadcast_in_dim3A_1798 = vector.broadcast %broadcast_in_dim3A_1797 : vector<1x1xf32> to vector<1x256xf32>
      %get3A_1799 = arith.constant 11 : index
      %get3A_1800 = arith.constant 7 : index
      %get3A_1801 = vector.load %arg1[%get3A_1799, %get3A_1800] : memref<32x16xf32, #tpu.memory_space<vmem>>, vector<1x1xf32>
      %broadcast_in_dim3A_1802 = vector.shape_cast %get3A_1801 : vector<1x1xf32> to vector<1x1xf32>
      %broadcast_in_dim3A_1803 = vector.broadcast %broadcast_in_dim3A_1802 : vector<1x1xf32> to vector<1x256xf32>
      %get3A_1804 = arith.constant 12 : index
      %get3A_1805 = arith.constant 7 : index
      %get3A_1806 = vector.load %arg1[%get3A_1804, %get3A_1805] : memref<32x16xf32, #tpu.memory_space<vmem>>, vector<1x1xf32>
      %broadcast_in_dim3A_1807 = vector.shape_cast %get3A_1806 : vector<1x1xf32> to vector<1x1xf32>
      %broadcast_in_dim3A_1808 = vector.broadcast %broadcast_in_dim3A_1807 : vector<1x1xf32> to vector<1x256xf32>
      %get3A_1809 = arith.constant 13 : index
      %get3A_1810 = arith.constant 7 : index
      %get3A_1811 = vector.load %arg1[%get3A_1809, %get3A_1810] : memref<32x16xf32, #tpu.memory_space<vmem>>, vector<1x1xf32>
      %broadcast_in_dim3A_1812 = vector.shape_cast %get3A_1811 : vector<1x1xf32> to vector<1x1xf32>
      %broadcast_in_dim3A_1813 = vector.broadcast %broadcast_in_dim3A_1812 : vector<1x1xf32> to vector<1x256xf32>
      %get3A_1814 = arith.constant 14 : index
      %get3A_1815 = arith.constant 7 : index
      %get3A_1816 = vector.load %arg1[%get3A_1814, %get3A_1815] : memref<32x16xf32, #tpu.memory_space<vmem>>, vector<1x1xf32>
      %broadcast_in_dim3A_1817 = vector.shape_cast %get3A_1816 : vector<1x1xf32> to vector<1x1xf32>
      %broadcast_in_dim3A_1818 = vector.broadcast %broadcast_in_dim3A_1817 : vector<1x1xf32> to vector<1x256xf32>
      %get3A_1819 = arith.constant 15 : index
      %get3A_1820 = arith.constant 7 : index
      %get3A_1821 = vector.load %arg1[%get3A_1819, %get3A_1820] : memref<32x16xf32, #tpu.memory_space<vmem>>, vector<1x1xf32>
      %broadcast_in_dim3A_1822 = vector.shape_cast %get3A_1821 : vector<1x1xf32> to vector<1x1xf32>
      %broadcast_in_dim3A_1823 = vector.broadcast %broadcast_in_dim3A_1822 : vector<1x1xf32> to vector<1x256xf32>
      %concatenate3A_1824 = tpu.concatenate %broadcast_in_dim3A_1788, %broadcast_in_dim3A_1793, %broadcast_in_dim3A_1798, %broadcast_in_dim3A_1803, %broadcast_in_dim3A_1808, %broadcast_in_dim3A_1813, %broadcast_in_dim3A_1818, %broadcast_in_dim3A_1823 in 1 : vector<1x256xf32>, vector<1x256xf32>, vector<1x256xf32>, vector<1x256xf32>, vector<1x256xf32>, vector<1x256xf32>, vector<1x256xf32>, vector<1x256xf32> -> vector<1x2048xf32>
      %swap3A_1825 = arith.constant 7 : index
      %swap3A_1826 = arith.constant 1 : index
      %swap3A_1827 = arith.constant 0 : index
      %swap3A_1828 = vector.load %arg13[%swap3A_1825, %swap3A_1826, %swap3A_1827] : memref<8x4x2048xf32, #tpu.memory_space<vmem>>, vector<1x1x2048xf32>
      %swap3A_1829 = vector.shape_cast %swap3A_1828 : vector<1x1x2048xf32> to vector<1x2048xf32>
      %swap3A_1830 = vector.shape_cast %concatenate3A_1824 : vector<1x2048xf32> to vector<1x1x2048xf32>
      tpu.vector_store %arg13[%swap3A_1825, %swap3A_1826, %swap3A_1827], %swap3A_1830 {strides = array<i32>} : memref<8x4x2048xf32, #tpu.memory_space<vmem>>, vector<1x1x2048xf32>,
      %get3A_1831 = arith.constant 16 : index
      %get3A_1832 = arith.constant 7 : index
      %get3A_1833 = vector.load %arg1[%get3A_1831, %get3A_1832] : memref<32x16xf32, #tpu.memory_space<vmem>>, vector<1x1xf32>
      %broadcast_in_dim3A_1834 = vector.shape_cast %get3A_1833 : vector<1x1xf32> to vector<1x1xf32>
      %broadcast_in_dim3A_1835 = vector.broadcast %broadcast_in_dim3A_1834 : vector<1x1xf32> to vector<1x256xf32>
      %get3A_1836 = arith.constant 17 : index
      %get3A_1837 = arith.constant 7 : index
      %get3A_1838 = vector.load %arg1[%get3A_1836, %get3A_1837] : memref<32x16xf32, #tpu.memory_space<vmem>>, vector<1x1xf32>
      %broadcast_in_dim3A_1839 = vector.shape_cast %get3A_1838 : vector<1x1xf32> to vector<1x1xf32>
      %broadcast_in_dim3A_1840 = vector.broadcast %broadcast_in_dim3A_1839 : vector<1x1xf32> to vector<1x256xf32>
      %get3A_1841 = arith.constant 18 : index
      %get3A_1842 = arith.constant 7 : index
      %get3A_1843 = vector.load %arg1[%get3A_1841, %get3A_1842] : memref<32x16xf32, #tpu.memory_space<vmem>>, vector<1x1xf32>
      %broadcast_in_dim3A_1844 = vector.shape_cast %get3A_1843 : vector<1x1xf32> to vector<1x1xf32>
      %broadcast_in_dim3A_1845 = vector.broadcast %broadcast_in_dim3A_1844 : vector<1x1xf32> to vector<1x256xf32>
      %get3A_1846 = arith.constant 19 : index
      %get3A_1847 = arith.constant 7 : index
      %get3A_1848 = vector.load %arg1[%get3A_1846, %get3A_1847] : memref<32x16xf32, #tpu.memory_space<vmem>>, vector<1x1xf32>
      %broadcast_in_dim3A_1849 = vector.shape_cast %get3A_1848 : vector<1x1xf32> to vector<1x1xf32>
      %broadcast_in_dim3A_1850 = vector.broadcast %broadcast_in_dim3A_1849 : vector<1x1xf32> to vector<1x256xf32>
      %get3A_1851 = arith.constant 20 : index
      %get3A_1852 = arith.constant 7 : index
      %get3A_1853 = vector.load %arg1[%get3A_1851, %get3A_1852] : memref<32x16xf32, #tpu.memory_space<vmem>>, vector<1x1xf32>
      %broadcast_in_dim3A_1854 = vector.shape_cast %get3A_1853 : vector<1x1xf32> to vector<1x1xf32>
      %broadcast_in_dim3A_1855 = vector.broadcast %broadcast_in_dim3A_1854 : vector<1x1xf32> to vector<1x256xf32>
      %get3A_1856 = arith.constant 21 : index
      %get3A_1857 = arith.constant 7 : index
      %get3A_1858 = vector.load %arg1[%get3A_1856, %get3A_1857] : memref<32x16xf32, #tpu.memory_space<vmem>>, vector<1x1xf32>
      %broadcast_in_dim3A_1859 = vector.shape_cast %get3A_1858 : vector<1x1xf32> to vector<1x1xf32>
      %broadcast_in_dim3A_1860 = vector.broadcast %broadcast_in_dim3A_1859 : vector<1x1xf32> to vector<1x256xf32>
      %get3A_1861 = arith.constant 22 : index
      %get3A_1862 = arith.constant 7 : index
      %get3A_1863 = vector.load %arg1[%get3A_1861, %get3A_1862] : memref<32x16xf32, #tpu.memory_space<vmem>>, vector<1x1xf32>
      %broadcast_in_dim3A_1864 = vector.shape_cast %get3A_1863 : vector<1x1xf32> to vector<1x1xf32>
      %broadcast_in_dim3A_1865 = vector.broadcast %broadcast_in_dim3A_1864 : vector<1x1xf32> to vector<1x256xf32>
      %get3A_1866 = arith.constant 23 : index
      %get3A_1867 = arith.constant 7 : index
      %get3A_1868 = vector.load %arg1[%get3A_1866, %get3A_1867] : memref<32x16xf32, #tpu.memory_space<vmem>>, vector<1x1xf32>
      %broadcast_in_dim3A_1869 = vector.shape_cast %get3A_1868 : vector<1x1xf32> to vector<1x1xf32>
      %broadcast_in_dim3A_1870 = vector.broadcast %broadcast_in_dim3A_1869 : vector<1x1xf32> to vector<1x256xf32>
      %concatenate3A_1871 = tpu.concatenate %broadcast_in_dim3A_1835, %broadcast_in_dim3A_1840, %broadcast_in_dim3A_1845, %broadcast_in_dim3A_1850, %broadcast_in_dim3A_1855, %broadcast_in_dim3A_1860, %broadcast_in_dim3A_1865, %broadcast_in_dim3A_1870 in 1 : vector<1x256xf32>, vector<1x256xf32>, vector<1x256xf32>, vector<1x256xf32>, vector<1x256xf32>, vector<1x256xf32>, vector<1x256xf32>, vector<1x256xf32> -> vector<1x2048xf32>
      %swap3A_1872 = arith.constant 7 : index
      %swap3A_1873 = arith.constant 2 : index
      %swap3A_1874 = arith.constant 0 : index
      %swap3A_1875 = vector.load %arg13[%swap3A_1872, %swap3A_1873, %swap3A_1874] : memref<8x4x2048xf32, #tpu.memory_space<vmem>>, vector<1x1x2048xf32>
      %swap3A_1876 = vector.shape_cast %swap3A_1875 : vector<1x1x2048xf32> to vector<1x2048xf32>
      %swap3A_1877 = vector.shape_cast %concatenate3A_1871 : vector<1x2048xf32> to vector<1x1x2048xf32>
      tpu.vector_store %arg13[%swap3A_1872, %swap3A_1873, %swap3A_1874], %swap3A_1877 {strides = array<i32>} : memref<8x4x2048xf32, #tpu.memory_space<vmem>>, vector<1x1x2048xf32>,
      %get3A_1878 = arith.constant 24 : index
      %get3A_1879 = arith.constant 7 : index
      %get3A_1880 = vector.load %arg1[%get3A_1878, %get3A_1879] : memref<32x16xf32, #tpu.memory_space<vmem>>, vector<1x1xf32>
      %broadcast_in_dim3A_1881 = vector.shape_cast %get3A_1880 : vector<1x1xf32> to vector<1x1xf32>
      %broadcast_in_dim3A_1882 = vector.broadcast %broadcast_in_dim3A_1881 : vector<1x1xf32> to vector<1x256xf32>
      %get3A_1883 = arith.constant 25 : index
      %get3A_1884 = arith.constant 7 : index
      %get3A_1885 = vector.load %arg1[%get3A_1883, %get3A_1884] : memref<32x16xf32, #tpu.memory_space<vmem>>, vector<1x1xf32>
      %broadcast_in_dim3A_1886 = vector.shape_cast %get3A_1885 : vector<1x1xf32> to vector<1x1xf32>
      %broadcast_in_dim3A_1887 = vector.broadcast %broadcast_in_dim3A_1886 : vector<1x1xf32> to vector<1x256xf32>
      %get3A_1888 = arith.constant 26 : index
      %get3A_1889 = arith.constant 7 : index
      %get3A_1890 = vector.load %arg1[%get3A_1888, %get3A_1889] : memref<32x16xf32, #tpu.memory_space<vmem>>, vector<1x1xf32>
      %broadcast_in_dim3A_1891 = vector.shape_cast %get3A_1890 : vector<1x1xf32> to vector<1x1xf32>
      %broadcast_in_dim3A_1892 = vector.broadcast %broadcast_in_dim3A_1891 : vector<1x1xf32> to vector<1x256xf32>
      %get3A_1893 = arith.constant 27 : index
      %get3A_1894 = arith.constant 7 : index
      %get3A_1895 = vector.load %arg1[%get3A_1893, %get3A_1894] : memref<32x16xf32, #tpu.memory_space<vmem>>, vector<1x1xf32>
      %broadcast_in_dim3A_1896 = vector.shape_cast %get3A_1895 : vector<1x1xf32> to vector<1x1xf32>
      %broadcast_in_dim3A_1897 = vector.broadcast %broadcast_in_dim3A_1896 : vector<1x1xf32> to vector<1x256xf32>
      %get3A_1898 = arith.constant 28 : index
      %get3A_1899 = arith.constant 7 : index
      %get3A_1900 = vector.load %arg1[%get3A_1898, %get3A_1899] : memref<32x16xf32, #tpu.memory_space<vmem>>, vector<1x1xf32>
      %broadcast_in_dim3A_1901 = vector.shape_cast %get3A_1900 : vector<1x1xf32> to vector<1x1xf32>
      %broadcast_in_dim3A_1902 = vector.broadcast %broadcast_in_dim3A_1901 : vector<1x1xf32> to vector<1x256xf32>
      %get3A_1903 = arith.constant 29 : index
      %get3A_1904 = arith.constant 7 : index
      %get3A_1905 = vector.load %arg1[%get3A_1903, %get3A_1904] : memref<32x16xf32, #tpu.memory_space<vmem>>, vector<1x1xf32>
      %broadcast_in_dim3A_1906 = vector.shape_cast %get3A_1905 : vector<1x1xf32> to vector<1x1xf32>
      %broadcast_in_dim3A_1907 = vector.broadcast %broadcast_in_dim3A_1906 : vector<1x1xf32> to vector<1x256xf32>
      %get3A_1908 = arith.constant 30 : index
      %get3A_1909 = arith.constant 7 : index
      %get3A_1910 = vector.load %arg1[%get3A_1908, %get3A_1909] : memref<32x16xf32, #tpu.memory_space<vmem>>, vector<1x1xf32>
      %broadcast_in_dim3A_1911 = vector.shape_cast %get3A_1910 : vector<1x1xf32> to vector<1x1xf32>
      %broadcast_in_dim3A_1912 = vector.broadcast %broadcast_in_dim3A_1911 : vector<1x1xf32> to vector<1x256xf32>
      %get3A_1913 = arith.constant 31 : index
      %get3A_1914 = arith.constant 7 : index
      %get3A_1915 = vector.load %arg1[%get3A_1913, %get3A_1914] : memref<32x16xf32, #tpu.memory_space<vmem>>, vector<1x1xf32>
      %broadcast_in_dim3A_1916 = vector.shape_cast %get3A_1915 : vector<1x1xf32> to vector<1x1xf32>
      %broadcast_in_dim3A_1917 = vector.broadcast %broadcast_in_dim3A_1916 : vector<1x1xf32> to vector<1x256xf32>
      %concatenate3A_1918 = tpu.concatenate %broadcast_in_dim3A_1882, %broadcast_in_dim3A_1887, %broadcast_in_dim3A_1892, %broadcast_in_dim3A_1897, %broadcast_in_dim3A_1902, %broadcast_in_dim3A_1907, %broadcast_in_dim3A_1912, %broadcast_in_dim3A_1917 in 1 : vector<1x256xf32>, vector<1x256xf32>, vector<1x256xf32>, vector<1x256xf32>, vector<1x256xf32>, vector<1x256xf32>, vector<1x256xf32>, vector<1x256xf32> -> vector<1x2048xf32>
      %swap3A_1919 = arith.constant 7 : index
      %swap3A_1920 = arith.constant 3 : index
      %swap3A_1921 = arith.constant 0 : index
      %swap3A_1922 = vector.load %arg13[%swap3A_1919, %swap3A_1920, %swap3A_1921] : memref<8x4x2048xf32, #tpu.memory_space<vmem>>, vector<1x1x2048xf32>
      %swap3A_1923 = vector.shape_cast %swap3A_1922 : vector<1x1x2048xf32> to vector<1x2048xf32>
      %swap3A_1924 = vector.shape_cast %concatenate3A_1918 : vector<1x2048xf32> to vector<1x1x2048xf32>
      tpu.vector_store %arg13[%swap3A_1919, %swap3A_1920, %swap3A_1921], %swap3A_1924 {strides = array<i32>} : memref<8x4x2048xf32, #tpu.memory_space<vmem>>, vector<1x1x2048xf32>,
      %get3A_1925 = arith.constant 0 : index
      %get3A_1926 = arith.constant 0 : index
      %get3A_1927 = arith.constant 0 : index
      %get3A_1928 = vector.load %arg7[%get3A_1925, %get3A_1926, %get3A_1927] : memref<8x192x256xf32, #tpu.memory_space<vmem>>, vector<1x192x256xf32>
      %get3A_1929 = vector.shape_cast %get3A_1928 : vector<1x192x256xf32> to vector<192x256xf32>
      %get3A_1930 = arith.constant 1 : index
      %get3A_1931 = arith.constant 0 : index
      %get3A_1932 = arith.constant 0 : index
      %get3A_1933 = vector.load %arg7[%get3A_1930, %get3A_1931, %get3A_1932] : memref<8x192x256xf32, #tpu.memory_space<vmem>>, vector<1x192x256xf32>
      %get3A_1934 = vector.shape_cast %get3A_1933 : vector<1x192x256xf32> to vector<192x256xf32>
      %get3A_1935 = arith.constant 2 : index
      %get3A_1936 = arith.constant 0 : index
      %get3A_1937 = arith.constant 0 : index
      %get3A_1938 = vector.load %arg7[%get3A_1935, %get3A_1936, %get3A_1937] : memref<8x192x256xf32, #tpu.memory_space<vmem>>, vector<1x192x256xf32>
      %get3A_1939 = vector.shape_cast %get3A_1938 : vector<1x192x256xf32> to vector<192x256xf32>
      %get3A_1940 = arith.constant 3 : index
      %get3A_1941 = arith.constant 0 : index
      %get3A_1942 = arith.constant 0 : index
      %get3A_1943 = vector.load %arg7[%get3A_1940, %get3A_1941, %get3A_1942] : memref<8x192x256xf32, #tpu.memory_space<vmem>>, vector<1x192x256xf32>
      %get3A_1944 = vector.shape_cast %get3A_1943 : vector<1x192x256xf32> to vector<192x256xf32>
      %get3A_1945 = arith.constant 4 : index
      %get3A_1946 = arith.constant 0 : index
      %get3A_1947 = arith.constant 0 : index
      %get3A_1948 = vector.load %arg7[%get3A_1945, %get3A_1946, %get3A_1947] : memref<8x192x256xf32, #tpu.memory_space<vmem>>, vector<1x192x256xf32>
      %get3A_1949 = vector.shape_cast %get3A_1948 : vector<1x192x256xf32> to vector<192x256xf32>
      %get3A_1950 = arith.constant 5 : index
      %get3A_1951 = arith.constant 0 : index
      %get3A_1952 = arith.constant 0 : index
      %get3A_1953 = vector.load %arg7[%get3A_1950, %get3A_1951, %get3A_1952] : memref<8x192x256xf32, #tpu.memory_space<vmem>>, vector<1x192x256xf32>
      %get3A_1954 = vector.shape_cast %get3A_1953 : vector<1x192x256xf32> to vector<192x256xf32>
      %get3A_1955 = arith.constant 6 : index
      %get3A_1956 = arith.constant 0 : index
      %get3A_1957 = arith.constant 0 : index
      %get3A_1958 = vector.load %arg7[%get3A_1955, %get3A_1956, %get3A_1957] : memref<8x192x256xf32, #tpu.memory_space<vmem>>, vector<1x192x256xf32>
      %get3A_1959 = vector.shape_cast %get3A_1958 : vector<1x192x256xf32> to vector<192x256xf32>
      %get3A_1960 = arith.constant 7 : index
      %get3A_1961 = arith.constant 0 : index
      %get3A_1962 = arith.constant 0 : index
      %get3A_1963 = vector.load %arg7[%get3A_1960, %get3A_1961, %get3A_1962] : memref<8x192x256xf32, #tpu.memory_space<vmem>>, vector<1x192x256xf32>
      %get3A_1964 = vector.shape_cast %get3A_1963 : vector<1x192x256xf32> to vector<192x256xf32>
      %concatenate3A_1965 = tpu.concatenate %get3A_1929, %get3A_1934, %get3A_1939, %get3A_1944, %get3A_1949, %get3A_1954, %get3A_1959, %get3A_1964 in 1 : vector<192x256xf32>, vector<192x256xf32>, vector<192x256xf32>, vector<192x256xf32>, vector<192x256xf32>, vector<192x256xf32>, vector<192x256xf32>, vector<192x256xf32> -> vector<192x2048xf32>
      %convert_element_type3A_1966 = arith.truncf %concatenate3A_1965 : vector<192x2048xf32> to vector<192x2048xbf16>
      %iota3A = tpu.iota {dimensions = array<i32: 1>} : vector<1x2048xi32>
      %jit3A = arith.constant 16 : i32
      %div3A_1967 = vector.broadcast %jit3A : i32 to vector<1x2048xi32>
      %div3A_1968 = arith.divsi %iota3A, %div3A_1967 : vector<1x2048xi32>
      %sign3A = arith.constant 0 : i32
      %sign3A_1969 = vector.broadcast %sign3A : i32 to vector<1x2048xi32>
      %sign3A_1970 = arith.cmpi sgt, %iota3A, %sign3A_1969 : vector<1x2048xi32>
      %sign3A_1971 = arith.extui %sign3A_1970 : vector<1x2048xi1> to vector<1x2048xi32>
      %sign3A_1972 = arith.constant 0 : i32
      %sign3A_1973 = vector.broadcast %sign3A_1972 : i32 to vector<1x2048xi32>
      %sign3A_1974 = arith.cmpi slt, %iota3A, %sign3A_1973 : vector<1x2048xi32>
      %sign3A_1975 = arith.extui %sign3A_1974 : vector<1x2048xi1> to vector<1x2048xi32>
      %sign3A_1976 = arith.subi %sign3A_1971, %sign3A_1975 : vector<1x2048xi32>
      %sign3A_1977 = arith.constant 0 : i32
      %sign3A_1978 = arith.cmpi sgt, %jit3A, %sign3A_1977 : i32
      %sign3A_1979 = arith.extui %sign3A_1978 : i1 to i32
      %sign3A_1980 = arith.constant 0 : i32
      %sign3A_1981 = arith.cmpi slt, %jit3A, %sign3A_1980 : i32
      %sign3A_1982 = arith.extui %sign3A_1981 : i1 to i32
      %sign3A_1983 = arith.subi %sign3A_1979, %sign3A_1982 : i32
      %ne3A = vector.broadcast %sign3A_1983 : i32 to vector<1x2048xi32>
      %ne3A_1984 = arith.cmpi ne, %sign3A_1976, %ne3A : vector<1x2048xi32>
      %rem3A = vector.broadcast %jit3A : i32 to vector<1x2048xi32>
      %rem3A_1985 = arith.remsi %iota3A, %rem3A : vector<1x2048xi32>
      %ne3A_1986 = arith.constant 0 : i32
      %ne3A_1987 = vector.broadcast %ne3A_1986 : i32 to vector<1x2048xi32>
      %ne3A_1988 = arith.cmpi ne, %rem3A_1985, %ne3A_1987 : vector<1x2048xi32>
      %and3A = arith.andi %ne3A_1984, %ne3A_1988 : vector<1x2048xi1>
      %sub3A = arith.constant 1 : i32
      %sub3A_1989 = vector.broadcast %sub3A : i32 to vector<1x2048xi32>
      %sub3A_1990 = arith.subi %div3A_1968, %sub3A_1989 : vector<1x2048xi32>
      %select_n3A = arith.select %and3A, %sub3A_1990, %div3A_1968 : vector<1x2048xi1>, vector<1x2048xi32>
      %jit3A_1991 = arith.constant 16 : i32
      %eq3A_1992 = arith.constant 0 : i32
      %eq3A_1993 = arith.cmpi eq, %jit3A_1991, %eq3A_1992 : i32
      %jit3A_1994 = arith.constant 1 : i32
      %select_n3A_1995 = arith.select %eq3A_1993, %jit3A_1994, %jit3A_1991 : i32
      %rem3A_1996 = vector.broadcast %select_n3A_1995 : i32 to vector<1x2048xi32>
      %rem3A_1997 = arith.remsi %select_n3A, %rem3A_1996 : vector<1x2048xi32>
      %ne3A_1998 = arith.constant 0 : i32
      %ne3A_1999 = vector.broadcast %ne3A_1998 : i32 to vector<1x2048xi32>
      %ne3A_2000 = arith.cmpi ne, %rem3A_1997, %ne3A_1999 : vector<1x2048xi32>
      %lt3A = arith.constant 0 : i32
      %lt3A_2001 = vector.broadcast %lt3A : i32 to vector<1x2048xi32>
      %lt3A_2002 = arith.cmpi slt, %rem3A_1997, %lt3A_2001 : vector<1x2048xi32>
      %lt3A_2003 = arith.constant 0 : i32
      %lt3A_2004 = arith.cmpi slt, %select_n3A_1995, %lt3A_2003 : i32
      %ne3A_2005 = vector.broadcast %lt3A_2004 : i1 to vector<1x2048xi1>
      %ne3A_2006 = vector.broadcast %ne3A_2005 : vector<1x2048xi1> to vector<1x2048xi1>
      %ne3A_2007 = arith.xori %lt3A_2002, %ne3A_2006 : vector<1x2048xi1>
      %and3A_2008 = arith.andi %ne3A_2007, %ne3A_2000 : vector<1x2048xi1>
      %add3A_2009 = vector.broadcast %select_n3A_1995 : i32 to vector<1x2048xi32>
      %add3A_2010 = arith.addi %rem3A_1997, %add3A_2009 : vector<1x2048xi32>
      %select_n3A_2011 = arith.select %and3A_2008, %add3A_2010, %rem3A_1997 : vector<1x2048xi1>, vector<1x2048xi32>
      %jit3A_2012 = arith.constant 16 : i32
      %eq3A_2013 = arith.constant 0 : i32
      %eq3A_2014 = arith.cmpi eq, %jit3A_2012, %eq3A_2013 : i32
      %jit3A_2015 = arith.constant 1 : i32
      %select_n3A_2016 = arith.select %eq3A_2014, %jit3A_2015, %jit3A_2012 : i32
      %rem3A_2017 = vector.broadcast %select_n3A_2016 : i32 to vector<1x2048xi32>
      %rem3A_2018 = arith.remsi %iota3A, %rem3A_2017 : vector<1x2048xi32>
      %ne3A_2019 = arith.constant 0 : i32
      %ne3A_2020 = vector.broadcast %ne3A_2019 : i32 to vector<1x2048xi32>
      %ne3A_2021 = arith.cmpi ne, %rem3A_2018, %ne3A_2020 : vector<1x2048xi32>
      %lt3A_2022 = arith.constant 0 : i32
      %lt3A_2023 = vector.broadcast %lt3A_2022 : i32 to vector<1x2048xi32>
      %lt3A_2024 = arith.cmpi slt, %rem3A_2018, %lt3A_2023 : vector<1x2048xi32>
      %lt3A_2025 = arith.constant 0 : i32
      %lt3A_2026 = arith.cmpi slt, %select_n3A_2016, %lt3A_2025 : i32
      %ne3A_2027 = vector.broadcast %lt3A_2026 : i1 to vector<1x2048xi1>
      %ne3A_2028 = vector.broadcast %ne3A_2027 : vector<1x2048xi1> to vector<1x2048xi1>
      %ne3A_2029 = arith.xori %lt3A_2024, %ne3A_2028 : vector<1x2048xi1>
      %and3A_2030 = arith.andi %ne3A_2029, %ne3A_2021 : vector<1x2048xi1>
      %add3A_2031 = vector.broadcast %select_n3A_2016 : i32 to vector<1x2048xi32>
      %add3A_2032 = arith.addi %rem3A_2018, %add3A_2031 : vector<1x2048xi32>
      %select_n3A_2033 = arith.select %and3A_2030, %add3A_2032, %rem3A_2018 : vector<1x2048xi1>, vector<1x2048xi32>
      %slice3A_2034 = vector.extract_strided_slice %convert_element_type3A_1966 {offsets = [0, 2031], sizes = [192, 17], strides = [1, 1]} : vector<192x2048xbf16> to vector<192x17xbf16>
      %slice3A_2035 = vector.extract_strided_slice %convert_element_type3A_1966 {offsets = [0, 0], sizes = [192, 2031], strides = [1, 1]} : vector<192x2048xbf16> to vector<192x2031xbf16>
      %concatenate3A_2036 = tpu.concatenate %slice3A_2034, %slice3A_2035 in 1 : vector<192x17xbf16>, vector<192x2031xbf16> -> vector<192x2048xbf16>
      %broadcast_in_dim3A_2037 = arith.constant true
      %broadcast_in_dim3A_2038 = vector.broadcast %broadcast_in_dim3A_2037 : i1 to vector<1x2048xi1>
      %ge3A = arith.constant 1 : i32
      %ge3A_2039 = vector.broadcast %ge3A : i32 to vector<1x2048xi32>
      %ge3A_2040 = arith.cmpi sge, %select_n3A_2011, %ge3A_2039 : vector<1x2048xi32>
      %and3A_2041 = arith.andi %broadcast_in_dim3A_2038, %ge3A_2040 : vector<1x2048xi1>
      %ge3A_2042 = arith.constant 1 : i32
      %ge3A_2043 = vector.broadcast %ge3A_2042 : i32 to vector<1x2048xi32>
      %ge3A_2044 = arith.cmpi sge, %select_n3A_2033, %ge3A_2043 : vector<1x2048xi32>
      %and3A_2045 = arith.andi %and3A_2041, %ge3A_2044 : vector<1x2048xi1>
      %convert_element_type3A_2046 = arith.extui %and3A_2045 : vector<1x2048xi1> to vector<1x2048xi32>
      %convert_element_type3A_2047 = arith.sitofp %convert_element_type3A_2046 : vector<1x2048xi32> to vector<1x2048xf32>
      %convert_element_type3A_2048 = arith.truncf %convert_element_type3A_2047 : vector<1x2048xf32> to vector<1x2048xbf16>
      %mul3A_2049 = vector.broadcast %convert_element_type3A_2048 : vector<1x2048xbf16> to vector<192x2048xbf16>
      %mul3A_2050 = arith.mulf %concatenate3A_2036, %mul3A_2049 : vector<192x2048xbf16>
      %swap3A_2051 = arith.constant 0 : index
      %swap3A_2052 = arith.constant 0 : index
      %swap3A_2053 = vector.load %arg12[%swap3A_2051, %swap3A_2052] : memref<1728x2048xbf16, #tpu.memory_space<vmem>>, vector<192x2048xbf16>
      tpu.vector_store %arg12[%swap3A_2051, %swap3A_2052], %mul3A_2050 {strides = array<i32>} : memref<1728x2048xbf16, #tpu.memory_space<vmem>>, vector<192x2048xbf16>,
      %slice3A_2054 = vector.extract_strided_slice %convert_element_type3A_1966 {offsets = [0, 2032], sizes = [192, 16], strides = [1, 1]} : vector<192x2048xbf16> to vector<192x16xbf16>
      %slice3A_2055 = vector.extract_strided_slice %convert_element_type3A_1966 {offsets = [0, 0], sizes = [192, 2032], strides = [1, 1]} : vector<192x2048xbf16> to vector<192x2032xbf16>
      %concatenate3A_2056 = tpu.concatenate %slice3A_2054, %slice3A_2055 in 1 : vector<192x16xbf16>, vector<192x2032xbf16> -> vector<192x2048xbf16>
      %broadcast_in_dim3A_2057 = arith.constant true
      %broadcast_in_dim3A_2058 = vector.broadcast %broadcast_in_dim3A_2057 : i1 to vector<1x2048xi1>
      %ge3A_2059 = arith.constant 1 : i32
      %ge3A_2060 = vector.broadcast %ge3A_2059 : i32 to vector<1x2048xi32>
      %ge3A_2061 = arith.cmpi sge, %select_n3A_2011, %ge3A_2060 : vector<1x2048xi32>
      %and3A_2062 = arith.andi %broadcast_in_dim3A_2058, %ge3A_2061 : vector<1x2048xi1>
      %convert_element_type3A_2063 = arith.extui %and3A_2062 : vector<1x2048xi1> to vector<1x2048xi32>
      %convert_element_type3A_2064 = arith.sitofp %convert_element_type3A_2063 : vector<1x2048xi32> to vector<1x2048xf32>
      %convert_element_type3A_2065 = arith.truncf %convert_element_type3A_2064 : vector<1x2048xf32> to vector<1x2048xbf16>
      %mul3A_2066 = vector.broadcast %convert_element_type3A_2065 : vector<1x2048xbf16> to vector<192x2048xbf16>
      %mul3A_2067 = arith.mulf %concatenate3A_2056, %mul3A_2066 : vector<192x2048xbf16>
      %swap3A_2068 = arith.constant 192 : index
      %swap3A_2069 = arith.constant 0 : index
      %swap3A_2070 = vector.load %arg12[%swap3A_2068, %swap3A_2069] : memref<1728x2048xbf16, #tpu.memory_space<vmem>>, vector<192x2048xbf16>
      tpu.vector_store %arg12[%swap3A_2068, %swap3A_2069], %mul3A_2067 {strides = array<i32>} : memref<1728x2048xbf16, #tpu.memory_space<vmem>>, vector<192x2048xbf16>,
      %slice3A_2071 = vector.extract_strided_slice %convert_element_type3A_1966 {offsets = [0, 2033], sizes = [192, 15], strides = [1, 1]} : vector<192x2048xbf16> to vector<192x15xbf16>
      %slice3A_2072 = vector.extract_strided_slice %convert_element_type3A_1966 {offsets = [0, 0], sizes = [192, 2033], strides = [1, 1]} : vector<192x2048xbf16> to vector<192x2033xbf16>
      %concatenate3A_2073 = tpu.concatenate %slice3A_2071, %slice3A_2072 in 1 : vector<192x15xbf16>, vector<192x2033xbf16> -> vector<192x2048xbf16>
      %broadcast_in_dim3A_2074 = arith.constant true
      %broadcast_in_dim3A_2075 = vector.broadcast %broadcast_in_dim3A_2074 : i1 to vector<1x2048xi1>
      %ge3A_2076 = arith.constant 1 : i32
      %ge3A_2077 = vector.broadcast %ge3A_2076 : i32 to vector<1x2048xi32>
      %ge3A_2078 = arith.cmpi sge, %select_n3A_2011, %ge3A_2077 : vector<1x2048xi32>
      %and3A_2079 = arith.andi %broadcast_in_dim3A_2075, %ge3A_2078 : vector<1x2048xi1>
      %lt3A_2080 = arith.constant 15 : i32
      %lt3A_2081 = vector.broadcast %lt3A_2080 : i32 to vector<1x2048xi32>
      %lt3A_2082 = arith.cmpi slt, %select_n3A_2033, %lt3A_2081 : vector<1x2048xi32>
      %and3A_2083 = arith.andi %and3A_2079, %lt3A_2082 : vector<1x2048xi1>
      %convert_element_type3A_2084 = arith.extui %and3A_2083 : vector<1x2048xi1> to vector<1x2048xi32>
      %convert_element_type3A_2085 = arith.sitofp %convert_element_type3A_2084 : vector<1x2048xi32> to vector<1x2048xf32>
      %convert_element_type3A_2086 = arith.truncf %convert_element_type3A_2085 : vector<1x2048xf32> to vector<1x2048xbf16>
      %mul3A_2087 = vector.broadcast %convert_element_type3A_2086 : vector<1x2048xbf16> to vector<192x2048xbf16>
      %mul3A_2088 = arith.mulf %concatenate3A_2073, %mul3A_2087 : vector<192x2048xbf16>
      %swap3A_2089 = arith.constant 384 : index
      %swap3A_2090 = arith.constant 0 : index
      %swap3A_2091 = vector.load %arg12[%swap3A_2089, %swap3A_2090] : memref<1728x2048xbf16, #tpu.memory_space<vmem>>, vector<192x2048xbf16>
      tpu.vector_store %arg12[%swap3A_2089, %swap3A_2090], %mul3A_2088 {strides = array<i32>} : memref<1728x2048xbf16, #tpu.memory_space<vmem>>, vector<192x2048xbf16>,
      %slice3A_2092 = vector.extract_strided_slice %convert_element_type3A_1966 {offsets = [0, 2047], sizes = [192, 1], strides = [1, 1]} : vector<192x2048xbf16> to vector<192x1xbf16>
      %slice3A_2093 = vector.extract_strided_slice %convert_element_type3A_1966 {offsets = [0, 0], sizes = [192, 2047], strides = [1, 1]} : vector<192x2048xbf16> to vector<192x2047xbf16>
      %concatenate3A_2094 = tpu.concatenate %slice3A_2092, %slice3A_2093 in 1 : vector<192x1xbf16>, vector<192x2047xbf16> -> vector<192x2048xbf16>
      %broadcast_in_dim3A_2095 = arith.constant true
      %broadcast_in_dim3A_2096 = vector.broadcast %broadcast_in_dim3A_2095 : i1 to vector<1x2048xi1>
      %ge3A_2097 = arith.constant 1 : i32
      %ge3A_2098 = vector.broadcast %ge3A_2097 : i32 to vector<1x2048xi32>
      %ge3A_2099 = arith.cmpi sge, %select_n3A_2033, %ge3A_2098 : vector<1x2048xi32>
      %and3A_2100 = arith.andi %broadcast_in_dim3A_2096, %ge3A_2099 : vector<1x2048xi1>
      %convert_element_type3A_2101 = arith.extui %and3A_2100 : vector<1x2048xi1> to vector<1x2048xi32>
      %convert_element_type3A_2102 = arith.sitofp %convert_element_type3A_2101 : vector<1x2048xi32> to vector<1x2048xf32>
      %convert_element_type3A_2103 = arith.truncf %convert_element_type3A_2102 : vector<1x2048xf32> to vector<1x2048xbf16>
      %mul3A_2104 = vector.broadcast %convert_element_type3A_2103 : vector<1x2048xbf16> to vector<192x2048xbf16>
      %mul3A_2105 = arith.mulf %concatenate3A_2094, %mul3A_2104 : vector<192x2048xbf16>
      %swap3A_2106 = arith.constant 576 : index
      %swap3A_2107 = arith.constant 0 : index
      %swap3A_2108 = vector.load %arg12[%swap3A_2106, %swap3A_2107] : memref<1728x2048xbf16, #tpu.memory_space<vmem>>, vector<192x2048xbf16>
      tpu.vector_store %arg12[%swap3A_2106, %swap3A_2107], %mul3A_2105 {strides = array<i32>} : memref<1728x2048xbf16, #tpu.memory_space<vmem>>, vector<192x2048xbf16>,
      %broadcast_in_dim3A_2109 = arith.constant true
      %broadcast_in_dim3A_2110 = vector.broadcast %broadcast_in_dim3A_2109 : i1 to vector<1x2048xi1>
      %convert_element_type3A_2111 = arith.extui %broadcast_in_dim3A_2110 : vector<1x2048xi1> to vector<1x2048xi32>
      %convert_element_type3A_2112 = arith.sitofp %convert_element_type3A_2111 : vector<1x2048xi32> to vector<1x2048xf32>
      %convert_element_type3A_2113 = arith.truncf %convert_element_type3A_2112 : vector<1x2048xf32> to vector<1x2048xbf16>
      %mul3A_2114 = vector.broadcast %convert_element_type3A_2113 : vector<1x2048xbf16> to vector<192x2048xbf16>
      %mul3A_2115 = arith.mulf %convert_element_type3A_1966, %mul3A_2114 : vector<192x2048xbf16>
      %swap3A_2116 = arith.constant 768 : index
      %swap3A_2117 = arith.constant 0 : index
      %swap3A_2118 = vector.load %arg12[%swap3A_2116, %swap3A_2117] : memref<1728x2048xbf16, #tpu.memory_space<vmem>>, vector<192x2048xbf16>
      tpu.vector_store %arg12[%swap3A_2116, %swap3A_2117], %mul3A_2115 {strides = array<i32>} : memref<1728x2048xbf16, #tpu.memory_space<vmem>>, vector<192x2048xbf16>,
      %slice3A_2119 = vector.extract_strided_slice %convert_element_type3A_1966 {offsets = [0, 1], sizes = [192, 2047], strides = [1, 1]} : vector<192x2048xbf16> to vector<192x2047xbf16>
      %slice3A_2120 = vector.extract_strided_slice %convert_element_type3A_1966 {offsets = [0, 0], sizes = [192, 1], strides = [1, 1]} : vector<192x2048xbf16> to vector<192x1xbf16>
      %concatenate3A_2121 = tpu.concatenate %slice3A_2119, %slice3A_2120 in 1 : vector<192x2047xbf16>, vector<192x1xbf16> -> vector<192x2048xbf16>
      %broadcast_in_dim3A_2122 = arith.constant true
      %broadcast_in_dim3A_2123 = vector.broadcast %broadcast_in_dim3A_2122 : i1 to vector<1x2048xi1>
      %lt3A_2124 = arith.constant 15 : i32
      %lt3A_2125 = vector.broadcast %lt3A_2124 : i32 to vector<1x2048xi32>
      %lt3A_2126 = arith.cmpi slt, %select_n3A_2033, %lt3A_2125 : vector<1x2048xi32>
      %and3A_2127 = arith.andi %broadcast_in_dim3A_2123, %lt3A_2126 : vector<1x2048xi1>
      %convert_element_type3A_2128 = arith.extui %and3A_2127 : vector<1x2048xi1> to vector<1x2048xi32>
      %convert_element_type3A_2129 = arith.sitofp %convert_element_type3A_2128 : vector<1x2048xi32> to vector<1x2048xf32>
      %convert_element_type3A_2130 = arith.truncf %convert_element_type3A_2129 : vector<1x2048xf32> to vector<1x2048xbf16>
      %mul3A_2131 = vector.broadcast %convert_element_type3A_2130 : vector<1x2048xbf16> to vector<192x2048xbf16>
      %mul3A_2132 = arith.mulf %concatenate3A_2121, %mul3A_2131 : vector<192x2048xbf16>
      %swap3A_2133 = arith.constant 960 : index
      %swap3A_2134 = arith.constant 0 : index
      %swap3A_2135 = vector.load %arg12[%swap3A_2133, %swap3A_2134] : memref<1728x2048xbf16, #tpu.memory_space<vmem>>, vector<192x2048xbf16>
      tpu.vector_store %arg12[%swap3A_2133, %swap3A_2134], %mul3A_2132 {strides = array<i32>} : memref<1728x2048xbf16, #tpu.memory_space<vmem>>, vector<192x2048xbf16>,
      %slice3A_2136 = vector.extract_strided_slice %convert_element_type3A_1966 {offsets = [0, 15], sizes = [192, 2033], strides = [1, 1]} : vector<192x2048xbf16> to vector<192x2033xbf16>
      %slice3A_2137 = vector.extract_strided_slice %convert_element_type3A_1966 {offsets = [0, 0], sizes = [192, 15], strides = [1, 1]} : vector<192x2048xbf16> to vector<192x15xbf16>
      %concatenate3A_2138 = tpu.concatenate %slice3A_2136, %slice3A_2137 in 1 : vector<192x2033xbf16>, vector<192x15xbf16> -> vector<192x2048xbf16>
      %broadcast_in_dim3A_2139 = arith.constant true
      %broadcast_in_dim3A_2140 = vector.broadcast %broadcast_in_dim3A_2139 : i1 to vector<1x2048xi1>
      %lt3A_2141 = arith.constant 15 : i32
      %lt3A_2142 = vector.broadcast %lt3A_2141 : i32 to vector<1x2048xi32>
      %lt3A_2143 = arith.cmpi slt, %select_n3A_2011, %lt3A_2142 : vector<1x2048xi32>
      %and3A_2144 = arith.andi %broadcast_in_dim3A_2140, %lt3A_2143 : vector<1x2048xi1>
      %ge3A_2145 = arith.constant 1 : i32
      %ge3A_2146 = vector.broadcast %ge3A_2145 : i32 to vector<1x2048xi32>
      %ge3A_2147 = arith.cmpi sge, %select_n3A_2033, %ge3A_2146 : vector<1x2048xi32>
      %and3A_2148 = arith.andi %and3A_2144, %ge3A_2147 : vector<1x2048xi1>
      %convert_element_type3A_2149 = arith.extui %and3A_2148 : vector<1x2048xi1> to vector<1x2048xi32>
      %convert_element_type3A_2150 = arith.sitofp %convert_element_type3A_2149 : vector<1x2048xi32> to vector<1x2048xf32>
      %convert_element_type3A_2151 = arith.truncf %convert_element_type3A_2150 : vector<1x2048xf32> to vector<1x2048xbf16>
      %mul3A_2152 = vector.broadcast %convert_element_type3A_2151 : vector<1x2048xbf16> to vector<192x2048xbf16>
      %mul3A_2153 = arith.mulf %concatenate3A_2138, %mul3A_2152 : vector<192x2048xbf16>
      %swap3A_2154 = arith.constant 1152 : index
      %swap3A_2155 = arith.constant 0 : index
      %swap3A_2156 = vector.load %arg12[%swap3A_2154, %swap3A_2155] : memref<1728x2048xbf16, #tpu.memory_space<vmem>>, vector<192x2048xbf16>
      tpu.vector_store %arg12[%swap3A_2154, %swap3A_2155], %mul3A_2153 {strides = array<i32>} : memref<1728x2048xbf16, #tpu.memory_space<vmem>>, vector<192x2048xbf16>,
      %slice3A_2157 = vector.extract_strided_slice %convert_element_type3A_1966 {offsets = [0, 16], sizes = [192, 2032], strides = [1, 1]} : vector<192x2048xbf16> to vector<192x2032xbf16>
      %slice3A_2158 = vector.extract_strided_slice %convert_element_type3A_1966 {offsets = [0, 0], sizes = [192, 16], strides = [1, 1]} : vector<192x2048xbf16> to vector<192x16xbf16>
      %concatenate3A_2159 = tpu.concatenate %slice3A_2157, %slice3A_2158 in 1 : vector<192x2032xbf16>, vector<192x16xbf16> -> vector<192x2048xbf16>
      %broadcast_in_dim3A_2160 = arith.constant true
      %broadcast_in_dim3A_2161 = vector.broadcast %broadcast_in_dim3A_2160 : i1 to vector<1x2048xi1>
      %lt3A_2162 = arith.constant 15 : i32
      %lt3A_2163 = vector.broadcast %lt3A_2162 : i32 to vector<1x2048xi32>
      %lt3A_2164 = arith.cmpi slt, %select_n3A_2011, %lt3A_2163 : vector<1x2048xi32>
      %and3A_2165 = arith.andi %broadcast_in_dim3A_2161, %lt3A_2164 : vector<1x2048xi1>
      %convert_element_type3A_2166 = arith.extui %and3A_2165 : vector<1x2048xi1> to vector<1x2048xi32>
      %convert_element_type3A_2167 = arith.sitofp %convert_element_type3A_2166 : vector<1x2048xi32> to vector<1x2048xf32>
      %convert_element_type3A_2168 = arith.truncf %convert_element_type3A_2167 : vector<1x2048xf32> to vector<1x2048xbf16>
      %mul3A_2169 = vector.broadcast %convert_element_type3A_2168 : vector<1x2048xbf16> to vector<192x2048xbf16>
      %mul3A_2170 = arith.mulf %concatenate3A_2159, %mul3A_2169 : vector<192x2048xbf16>
      %swap3A_2171 = arith.constant 1344 : index
      %swap3A_2172 = arith.constant 0 : index
      %swap3A_2173 = vector.load %arg12[%swap3A_2171, %swap3A_2172] : memref<1728x2048xbf16, #tpu.memory_space<vmem>>, vector<192x2048xbf16>
      tpu.vector_store %arg12[%swap3A_2171, %swap3A_2172], %mul3A_2170 {strides = array<i32>} : memref<1728x2048xbf16, #tpu.memory_space<vmem>>, vector<192x2048xbf16>,
      %slice3A_2174 = vector.extract_strided_slice %convert_element_type3A_1966 {offsets = [0, 17], sizes = [192, 2031], strides = [1, 1]} : vector<192x2048xbf16> to vector<192x2031xbf16>
      %slice3A_2175 = vector.extract_strided_slice %convert_element_type3A_1966 {offsets = [0, 0], sizes = [192, 17], strides = [1, 1]} : vector<192x2048xbf16> to vector<192x17xbf16>
      %concatenate3A_2176 = tpu.concatenate %slice3A_2174, %slice3A_2175 in 1 : vector<192x2031xbf16>, vector<192x17xbf16> -> vector<192x2048xbf16>
      %broadcast_in_dim3A_2177 = arith.constant true
      %broadcast_in_dim3A_2178 = vector.broadcast %broadcast_in_dim3A_2177 : i1 to vector<1x2048xi1>
      %lt3A_2179 = arith.constant 15 : i32
      %lt3A_2180 = vector.broadcast %lt3A_2179 : i32 to vector<1x2048xi32>
      %lt3A_2181 = arith.cmpi slt, %select_n3A_2011, %lt3A_2180 : vector<1x2048xi32>
      %and3A_2182 = arith.andi %broadcast_in_dim3A_2178, %lt3A_2181 : vector<1x2048xi1>
      %lt3A_2183 = arith.constant 15 : i32
      %lt3A_2184 = vector.broadcast %lt3A_2183 : i32 to vector<1x2048xi32>
      %lt3A_2185 = arith.cmpi slt, %select_n3A_2033, %lt3A_2184 : vector<1x2048xi32>
      %and3A_2186 = arith.andi %and3A_2182, %lt3A_2185 : vector<1x2048xi1>
      %convert_element_type3A_2187 = arith.extui %and3A_2186 : vector<1x2048xi1> to vector<1x2048xi32>
      %convert_element_type3A_2188 = arith.sitofp %convert_element_type3A_2187 : vector<1x2048xi32> to vector<1x2048xf32>
      %convert_element_type3A_2189 = arith.truncf %convert_element_type3A_2188 : vector<1x2048xf32> to vector<1x2048xbf16>
      %mul3A_2190 = vector.broadcast %convert_element_type3A_2189 : vector<1x2048xbf16> to vector<192x2048xbf16>
      %mul3A_2191 = arith.mulf %concatenate3A_2176, %mul3A_2190 : vector<192x2048xbf16>
      %swap3A_2192 = arith.constant 1536 : index
      %swap3A_2193 = arith.constant 0 : index
      %swap3A_2194 = vector.load %arg12[%swap3A_2192, %swap3A_2193] : memref<1728x2048xbf16, #tpu.memory_space<vmem>>, vector<192x2048xbf16>
      tpu.vector_store %arg12[%swap3A_2192, %swap3A_2193], %mul3A_2191 {strides = array<i32>} : memref<1728x2048xbf16, #tpu.memory_space<vmem>>, vector<192x2048xbf16>,
    } else {
    }
    %broadcast_in_dim3A = arith.constant 1.000000e+00 : bf16
    %broadcast_in_dim3A_2 = vector.broadcast %broadcast_in_dim3A : bf16 to vector<1x192xbf16>
    %get3A = arith.constant 0 : index
    %get3A_3 = arith.constant 0 : index
    %get3A_4 = arith.constant 0 : index
    %get3A_5 = vector.load %arg3[%get3A, %get3A_3, %get3A_4] : memref<1x192x1728xbf16, #tpu.memory_space<vmem>>, vector<1x192x1728xbf16>
    %get3A_6 = vector.shape_cast %get3A_5 : vector<1x192x1728xbf16> to vector<192x1728xbf16>
    %get3A_7 = arith.constant 0 : index
    %get3A_8 = arith.constant 0 : index
    %get3A_9 = vector.load %arg12[%get3A_7, %get3A_8] : memref<1728x2048xbf16, #tpu.memory_space<vmem>>, vector<1728x2048xbf16>
    %dot_general3A = arith.constant dense<0.000000e+00> : vector<192x2048xf32>
    %dot_general3A_10 = tpu.matmul %get3A_6, %get3A_9, %dot_general3A {dimension_numbers = #tpu.dot_dimension_numbers<[1], [0], [0], [1], [0, 0, 1, 1], [], []>, transpose_lhs_hint = false} : vector<192x1728xbf16>, vector<1728x2048xbf16>, vector<192x2048xf32> -> vector<192x2048xf32>
    %get3A_11 = arith.constant 0 : index
    %get3A_12 = arith.constant 0 : index
    %get3A_13 = arith.constant 0 : index
    %get3A_14 = vector.load %arg4[%get3A_11, %get3A_12, %get3A_13] : memref<1x192x1xf32, #tpu.memory_space<vmem>>, vector<1x192x1xf32>
    %get3A_15 = vector.shape_cast %get3A_14 : vector<1x192x1xf32> to vector<192x1xf32>
    %add3A = vector.broadcast %get3A_15 : vector<192x1xf32> to vector<192x2048xf32>
    %add3A_16 = arith.addf %dot_general3A_10, %add3A : vector<192x2048xf32>
    %convert_element_type3A_17 = arith.truncf %add3A_16 : vector<192x2048xf32> to vector<192x2048xbf16>
    %mul3A = arith.mulf %convert_element_type3A_17, %convert_element_type3A_17 : vector<192x2048xbf16>
    %dot_general3A_18 = arith.constant dense<0.000000e+00> : vector<1x2048xf32>
    %dot_general3A_19 = tpu.matmul %broadcast_in_dim3A_2, %mul3A, %dot_general3A_18 {dimension_numbers = #tpu.dot_dimension_numbers<[1], [0], [0], [1], [0, 0, 1, 1], [], []>, transpose_lhs_hint = false} : vector<1x192xbf16>, vector<192x2048xbf16>, vector<1x2048xf32> -> vector<1x2048xf32>
    %add3A_20 = arith.constant 1.000000e+00 : f32
    %add3A_21 = vector.broadcast %add3A_20 : f32 to vector<1x2048xf32>
    %add3A_22 = arith.addf %add3A_21, %dot_general3A_19 : vector<1x2048xf32>
    %sqrt3A = math.sqrt %dot_general3A_19 : vector<1x2048xf32>
    %add3A_23 = arith.constant 9.99999993E-9 : f32
    %add3A_24 = vector.broadcast %add3A_23 : f32 to vector<1x2048xf32>
    %add3A_25 = arith.addf %sqrt3A, %add3A_24 : vector<1x2048xf32>
    %mul3A_26 = arith.mulf %add3A_22, %add3A_25 : vector<1x2048xf32>
    %div3A = arith.divf %dot_general3A_19, %mul3A_26 : vector<1x2048xf32>
    %mul3A_27 = vector.broadcast %div3A : vector<1x2048xf32> to vector<192x2048xf32>
    %mul3A_28 = arith.mulf %mul3A_27, %add3A_16 : vector<192x2048xf32>
    %convert_element_type3A_29 = arith.truncf %mul3A_28 : vector<192x2048xf32> to vector<192x2048xbf16>
    %get3A_30 = arith.constant 0 : index
    %get3A_31 = arith.constant 0 : index
    %get3A_32 = arith.constant 0 : index
    %get3A_33 = vector.load %arg5[%get3A_30, %get3A_31, %get3A_32] : memref<1x192x192xf32, #tpu.memory_space<vmem>>, vector<1x192x192xf32>
    %get3A_34 = vector.shape_cast %get3A_33 : vector<1x192x192xf32> to vector<192x192xf32>
    %convert_element_type3A_35 = arith.truncf %get3A_34 : vector<192x192xf32> to vector<192x192xbf16>
    %dot_general3A_36 = arith.constant dense<0.000000e+00> : vector<192x2048xf32>
    %dot_general3A_37 = tpu.matmul %convert_element_type3A_35, %convert_element_type3A_29, %dot_general3A_36 {dimension_numbers = #tpu.dot_dimension_numbers<[1], [0], [0], [1], [0, 0, 1, 1], [], []>, transpose_lhs_hint = false} : vector<192x192xbf16>, vector<192x2048xbf16>, vector<192x2048xf32> -> vector<192x2048xf32>
    %get3A_38 = arith.constant 0 : index
    %get3A_39 = arith.constant 0 : index
    %get3A_40 = arith.constant 0 : index
    %get3A_41 = vector.load %arg6[%get3A_38, %get3A_39, %get3A_40] : memref<1x192x1xf32, #tpu.memory_space<vmem>>, vector<1x192x1xf32>
    %get3A_42 = vector.shape_cast %get3A_41 : vector<1x192x1xf32> to vector<192x1xf32>
    %add3A_43 = vector.broadcast %get3A_42 : vector<192x1xf32> to vector<192x2048xf32>
    %add3A_44 = arith.addf %dot_general3A_37, %add3A_43 : vector<192x2048xf32>
    %get3A_45 = arith.index_cast %arg0 : i32 to index
    %get3A_46 = arith.constant 0 : index
    %get3A_47 = arith.constant 0 : index
    %get3A_48 = vector.load %arg13[%get3A_45, %get3A_46, %get3A_47] : memref<8x4x2048xf32, #tpu.memory_space<vmem>>, vector<1x1x2048xf32>
    %get3A_49 = vector.shape_cast %get3A_48 : vector<1x1x2048xf32> to vector<1x2048xf32>
    %mul3A_50 = vector.broadcast %get3A_49 : vector<1x2048xf32> to vector<192x2048xf32>
    %mul3A_51 = arith.mulf %mul3A_50, %add3A_44 : vector<192x2048xf32>
    %slice3A = vector.extract_strided_slice %mul3A_51 {offsets = [0, 0], sizes = [192, 256], strides = [1, 1]} : vector<192x2048xf32> to vector<192x256xf32>
    %eq3A_52 = arith.constant 0 : i32
    %eq3A_53 = arith.cmpi eq, %arg0, %eq3A_52 : i32
    %convert_element_type3A_54 = arith.extui %eq3A_53 : i1 to i32
    %cond3A_55 = arith.constant 0 : i32
    %cond3A_56 = arith.cmpi ne, %convert_element_type3A_54, %cond3A_55 : i32
    scf.if %cond3A_56 {
      %swap3A = arith.constant 0 : index
      %swap3A_423 = arith.constant 0 : index
      %swap3A_424 = arith.constant 0 : index
      %swap3A_425 = vector.load %arg8[%swap3A, %swap3A_423, %swap3A_424] : memref<8x192x256xf32, #tpu.memory_space<vmem>>, vector<1x192x256xf32>
      %swap3A_426 = vector.shape_cast %swap3A_425 : vector<1x192x256xf32> to vector<192x256xf32>
      %swap3A_427 = vector.shape_cast %slice3A : vector<192x256xf32> to vector<1x192x256xf32>
      tpu.vector_store %arg8[%swap3A, %swap3A_423, %swap3A_424], %swap3A_427 {strides = array<i32>} : memref<8x192x256xf32, #tpu.memory_space<vmem>>, vector<1x192x256xf32>,
    } else {
    }
    %gt3A = arith.constant 0 : i32
    %gt3A_57 = arith.cmpi sgt, %arg0, %gt3A : i32
    %convert_element_type3A_58 = arith.extui %gt3A_57 : i1 to i32
    %cond3A_59 = arith.constant 0 : i32
    %cond3A_60 = arith.cmpi ne, %convert_element_type3A_58, %cond3A_59 : i32
    scf.if %cond3A_60 {
      %get3A_423 = arith.constant 0 : index
      %get3A_424 = arith.constant 0 : index
      %get3A_425 = arith.constant 0 : index
      %get3A_426 = vector.load %arg8[%get3A_423, %get3A_424, %get3A_425] : memref<8x192x256xf32, #tpu.memory_space<vmem>>, vector<1x192x256xf32>
      %get3A_427 = vector.shape_cast %get3A_426 : vector<1x192x256xf32> to vector<192x256xf32>
      %add3A_428 = arith.addf %get3A_427, %slice3A : vector<192x256xf32>
      %swap3A = arith.constant 0 : index
      %swap3A_429 = arith.constant 0 : index
      %swap3A_430 = arith.constant 0 : index
      %swap3A_431 = vector.load %arg8[%swap3A, %swap3A_429, %swap3A_430] : memref<8x192x256xf32, #tpu.memory_space<vmem>>, vector<1x192x256xf32>
      %swap3A_432 = vector.shape_cast %swap3A_431 : vector<1x192x256xf32> to vector<192x256xf32>
      %swap3A_433 = vector.shape_cast %add3A_428 : vector<192x256xf32> to vector<1x192x256xf32>
      tpu.vector_store %arg8[%swap3A, %swap3A_429, %swap3A_430], %swap3A_433 {strides = array<i32>} : memref<8x192x256xf32, #tpu.memory_space<vmem>>, vector<1x192x256xf32>,
    } else {
    }
    %slice3A_61 = vector.extract_strided_slice %mul3A_51 {offsets = [0, 256], sizes = [192, 256], strides = [1, 1]} : vector<192x2048xf32> to vector<192x256xf32>
    %eq3A_62 = arith.constant 0 : i32
    %eq3A_63 = arith.cmpi eq, %arg0, %eq3A_62 : i32
    %convert_element_type3A_64 = arith.extui %eq3A_63 : i1 to i32
    %cond3A_65 = arith.constant 0 : i32
    %cond3A_66 = arith.cmpi ne, %convert_element_type3A_64, %cond3A_65 : i32
    scf.if %cond3A_66 {
      %swap3A = arith.constant 1 : index
      %swap3A_423 = arith.constant 0 : index
      %swap3A_424 = arith.constant 0 : index
      %swap3A_425 = vector.load %arg8[%swap3A, %swap3A_423, %swap3A_424] : memref<8x192x256xf32, #tpu.memory_space<vmem>>, vector<1x192x256xf32>
      %swap3A_426 = vector.shape_cast %swap3A_425 : vector<1x192x256xf32> to vector<192x256xf32>
      %swap3A_427 = vector.shape_cast %slice3A_61 : vector<192x256xf32> to vector<1x192x256xf32>
      tpu.vector_store %arg8[%swap3A, %swap3A_423, %swap3A_424], %swap3A_427 {strides = array<i32>} : memref<8x192x256xf32, #tpu.memory_space<vmem>>, vector<1x192x256xf32>,
    } else {
    }
    %gt3A_67 = arith.constant 0 : i32
    %gt3A_68 = arith.cmpi sgt, %arg0, %gt3A_67 : i32
    %convert_element_type3A_69 = arith.extui %gt3A_68 : i1 to i32
    %cond3A_70 = arith.constant 0 : i32
    %cond3A_71 = arith.cmpi ne, %convert_element_type3A_69, %cond3A_70 : i32
    scf.if %cond3A_71 {
      %get3A_423 = arith.constant 1 : index
      %get3A_424 = arith.constant 0 : index
      %get3A_425 = arith.constant 0 : index
      %get3A_426 = vector.load %arg8[%get3A_423, %get3A_424, %get3A_425] : memref<8x192x256xf32, #tpu.memory_space<vmem>>, vector<1x192x256xf32>
      %get3A_427 = vector.shape_cast %get3A_426 : vector<1x192x256xf32> to vector<192x256xf32>
      %add3A_428 = arith.addf %get3A_427, %slice3A_61 : vector<192x256xf32>
      %swap3A = arith.constant 1 : index
      %swap3A_429 = arith.constant 0 : index
      %swap3A_430 = arith.constant 0 : index
      %swap3A_431 = vector.load %arg8[%swap3A, %swap3A_429, %swap3A_430] : memref<8x192x256xf32, #tpu.memory_space<vmem>>, vector<1x192x256xf32>
      %swap3A_432 = vector.shape_cast %swap3A_431 : vector<1x192x256xf32> to vector<192x256xf32>
      %swap3A_433 = vector.shape_cast %add3A_428 : vector<192x256xf32> to vector<1x192x256xf32>
      tpu.vector_store %arg8[%swap3A, %swap3A_429, %swap3A_430], %swap3A_433 {strides = array<i32>} : memref<8x192x256xf32, #tpu.memory_space<vmem>>, vector<1x192x256xf32>,
    } else {
    }
    %slice3A_72 = vector.extract_strided_slice %mul3A_51 {offsets = [0, 512], sizes = [192, 256], strides = [1, 1]} : vector<192x2048xf32> to vector<192x256xf32>
    %eq3A_73 = arith.constant 0 : i32
    %eq3A_74 = arith.cmpi eq, %arg0, %eq3A_73 : i32
    %convert_element_type3A_75 = arith.extui %eq3A_74 : i1 to i32
    %cond3A_76 = arith.constant 0 : i32
    %cond3A_77 = arith.cmpi ne, %convert_element_type3A_75, %cond3A_76 : i32
    scf.if %cond3A_77 {
      %swap3A = arith.constant 2 : index
      %swap3A_423 = arith.constant 0 : index
      %swap3A_424 = arith.constant 0 : index
      %swap3A_425 = vector.load %arg8[%swap3A, %swap3A_423, %swap3A_424] : memref<8x192x256xf32, #tpu.memory_space<vmem>>, vector<1x192x256xf32>
      %swap3A_426 = vector.shape_cast %swap3A_425 : vector<1x192x256xf32> to vector<192x256xf32>
      %swap3A_427 = vector.shape_cast %slice3A_72 : vector<192x256xf32> to vector<1x192x256xf32>
      tpu.vector_store %arg8[%swap3A, %swap3A_423, %swap3A_424], %swap3A_427 {strides = array<i32>} : memref<8x192x256xf32, #tpu.memory_space<vmem>>, vector<1x192x256xf32>,
    } else {
    }
    %gt3A_78 = arith.constant 0 : i32
    %gt3A_79 = arith.cmpi sgt, %arg0, %gt3A_78 : i32
    %convert_element_type3A_80 = arith.extui %gt3A_79 : i1 to i32
    %cond3A_81 = arith.constant 0 : i32
    %cond3A_82 = arith.cmpi ne, %convert_element_type3A_80, %cond3A_81 : i32
    scf.if %cond3A_82 {
      %get3A_423 = arith.constant 2 : index
      %get3A_424 = arith.constant 0 : index
      %get3A_425 = arith.constant 0 : index
      %get3A_426 = vector.load %arg8[%get3A_423, %get3A_424, %get3A_425] : memref<8x192x256xf32, #tpu.memory_space<vmem>>, vector<1x192x256xf32>
      %get3A_427 = vector.shape_cast %get3A_426 : vector<1x192x256xf32> to vector<192x256xf32>
      %add3A_428 = arith.addf %get3A_427, %slice3A_72 : vector<192x256xf32>
      %swap3A = arith.constant 2 : index
      %swap3A_429 = arith.constant 0 : index
      %swap3A_430 = arith.constant 0 : index
      %swap3A_431 = vector.load %arg8[%swap3A, %swap3A_429, %swap3A_430] : memref<8x192x256xf32, #tpu.memory_space<vmem>>, vector<1x192x256xf32>
      %swap3A_432 = vector.shape_cast %swap3A_431 : vector<1x192x256xf32> to vector<192x256xf32>
      %swap3A_433 = vector.shape_cast %add3A_428 : vector<192x256xf32> to vector<1x192x256xf32>
      tpu.vector_store %arg8[%swap3A, %swap3A_429, %swap3A_430], %swap3A_433 {strides = array<i32>} : memref<8x192x256xf32, #tpu.memory_space<vmem>>, vector<1x192x256xf32>,
    } else {
    }
    %slice3A_83 = vector.extract_strided_slice %mul3A_51 {offsets = [0, 768], sizes = [192, 256], strides = [1, 1]} : vector<192x2048xf32> to vector<192x256xf32>
    %eq3A_84 = arith.constant 0 : i32
    %eq3A_85 = arith.cmpi eq, %arg0, %eq3A_84 : i32
    %convert_element_type3A_86 = arith.extui %eq3A_85 : i1 to i32
    %cond3A_87 = arith.constant 0 : i32
    %cond3A_88 = arith.cmpi ne, %convert_element_type3A_86, %cond3A_87 : i32
    scf.if %cond3A_88 {
      %swap3A = arith.constant 3 : index
      %swap3A_423 = arith.constant 0 : index
      %swap3A_424 = arith.constant 0 : index
      %swap3A_425 = vector.load %arg8[%swap3A, %swap3A_423, %swap3A_424] : memref<8x192x256xf32, #tpu.memory_space<vmem>>, vector<1x192x256xf32>
      %swap3A_426 = vector.shape_cast %swap3A_425 : vector<1x192x256xf32> to vector<192x256xf32>
      %swap3A_427 = vector.shape_cast %slice3A_83 : vector<192x256xf32> to vector<1x192x256xf32>
      tpu.vector_store %arg8[%swap3A, %swap3A_423, %swap3A_424], %swap3A_427 {strides = array<i32>} : memref<8x192x256xf32, #tpu.memory_space<vmem>>, vector<1x192x256xf32>,
    } else {
    }
    %gt3A_89 = arith.constant 0 : i32
    %gt3A_90 = arith.cmpi sgt, %arg0, %gt3A_89 : i32
    %convert_element_type3A_91 = arith.extui %gt3A_90 : i1 to i32
    %cond3A_92 = arith.constant 0 : i32
    %cond3A_93 = arith.cmpi ne, %convert_element_type3A_91, %cond3A_92 : i32
    scf.if %cond3A_93 {
      %get3A_423 = arith.constant 3 : index
      %get3A_424 = arith.constant 0 : index
      %get3A_425 = arith.constant 0 : index
      %get3A_426 = vector.load %arg8[%get3A_423, %get3A_424, %get3A_425] : memref<8x192x256xf32, #tpu.memory_space<vmem>>, vector<1x192x256xf32>
      %get3A_427 = vector.shape_cast %get3A_426 : vector<1x192x256xf32> to vector<192x256xf32>
      %add3A_428 = arith.addf %get3A_427, %slice3A_83 : vector<192x256xf32>
      %swap3A = arith.constant 3 : index
      %swap3A_429 = arith.constant 0 : index
      %swap3A_430 = arith.constant 0 : index
      %swap3A_431 = vector.load %arg8[%swap3A, %swap3A_429, %swap3A_430] : memref<8x192x256xf32, #tpu.memory_space<vmem>>, vector<1x192x256xf32>
      %swap3A_432 = vector.shape_cast %swap3A_431 : vector<1x192x256xf32> to vector<192x256xf32>
      %swap3A_433 = vector.shape_cast %add3A_428 : vector<192x256xf32> to vector<1x192x256xf32>
      tpu.vector_store %arg8[%swap3A, %swap3A_429, %swap3A_430], %swap3A_433 {strides = array<i32>} : memref<8x192x256xf32, #tpu.memory_space<vmem>>, vector<1x192x256xf32>,
    } else {
    }
    %slice3A_94 = vector.extract_strided_slice %mul3A_51 {offsets = [0, 1024], sizes = [192, 256], strides = [1, 1]} : vector<192x2048xf32> to vector<192x256xf32>
    %eq3A_95 = arith.constant 0 : i32
    %eq3A_96 = arith.cmpi eq, %arg0, %eq3A_95 : i32
    %convert_element_type3A_97 = arith.extui %eq3A_96 : i1 to i32
    %cond3A_98 = arith.constant 0 : i32
    %cond3A_99 = arith.cmpi ne, %convert_element_type3A_97, %cond3A_98 : i32
    scf.if %cond3A_99 {
      %swap3A = arith.constant 4 : index
      %swap3A_423 = arith.constant 0 : index
      %swap3A_424 = arith.constant 0 : index
      %swap3A_425 = vector.load %arg8[%swap3A, %swap3A_423, %swap3A_424] : memref<8x192x256xf32, #tpu.memory_space<vmem>>, vector<1x192x256xf32>
      %swap3A_426 = vector.shape_cast %swap3A_425 : vector<1x192x256xf32> to vector<192x256xf32>
      %swap3A_427 = vector.shape_cast %slice3A_94 : vector<192x256xf32> to vector<1x192x256xf32>
      tpu.vector_store %arg8[%swap3A, %swap3A_423, %swap3A_424], %swap3A_427 {strides = array<i32>} : memref<8x192x256xf32, #tpu.memory_space<vmem>>, vector<1x192x256xf32>,
    } else {
    }
    %gt3A_100 = arith.constant 0 : i32
    %gt3A_101 = arith.cmpi sgt, %arg0, %gt3A_100 : i32
    %convert_element_type3A_102 = arith.extui %gt3A_101 : i1 to i32
    %cond3A_103 = arith.constant 0 : i32
    %cond3A_104 = arith.cmpi ne, %convert_element_type3A_102, %cond3A_103 : i32
    scf.if %cond3A_104 {
      %get3A_423 = arith.constant 4 : index
      %get3A_424 = arith.constant 0 : index
      %get3A_425 = arith.constant 0 : index
      %get3A_426 = vector.load %arg8[%get3A_423, %get3A_424, %get3A_425] : memref<8x192x256xf32, #tpu.memory_space<vmem>>, vector<1x192x256xf32>
      %get3A_427 = vector.shape_cast %get3A_426 : vector<1x192x256xf32> to vector<192x256xf32>
      %add3A_428 = arith.addf %get3A_427, %slice3A_94 : vector<192x256xf32>
      %swap3A = arith.constant 4 : index
      %swap3A_429 = arith.constant 0 : index
      %swap3A_430 = arith.constant 0 : index
      %swap3A_431 = vector.load %arg8[%swap3A, %swap3A_429, %swap3A_430] : memref<8x192x256xf32, #tpu.memory_space<vmem>>, vector<1x192x256xf32>
      %swap3A_432 = vector.shape_cast %swap3A_431 : vector<1x192x256xf32> to vector<192x256xf32>
      %swap3A_433 = vector.shape_cast %add3A_428 : vector<192x256xf32> to vector<1x192x256xf32>
      tpu.vector_store %arg8[%swap3A, %swap3A_429, %swap3A_430], %swap3A_433 {strides = array<i32>} : memref<8x192x256xf32, #tpu.memory_space<vmem>>, vector<1x192x256xf32>,
    } else {
    }
    %slice3A_105 = vector.extract_strided_slice %mul3A_51 {offsets = [0, 1280], sizes = [192, 256], strides = [1, 1]} : vector<192x2048xf32> to vector<192x256xf32>
    %eq3A_106 = arith.constant 0 : i32
    %eq3A_107 = arith.cmpi eq, %arg0, %eq3A_106 : i32
    %convert_element_type3A_108 = arith.extui %eq3A_107 : i1 to i32
    %cond3A_109 = arith.constant 0 : i32
    %cond3A_110 = arith.cmpi ne, %convert_element_type3A_108, %cond3A_109 : i32
    scf.if %cond3A_110 {
      %swap3A = arith.constant 5 : index
      %swap3A_423 = arith.constant 0 : index
      %swap3A_424 = arith.constant 0 : index
      %swap3A_425 = vector.load %arg8[%swap3A, %swap3A_423, %swap3A_424] : memref<8x192x256xf32, #tpu.memory_space<vmem>>, vector<1x192x256xf32>
      %swap3A_426 = vector.shape_cast %swap3A_425 : vector<1x192x256xf32> to vector<192x256xf32>
      %swap3A_427 = vector.shape_cast %slice3A_105 : vector<192x256xf32> to vector<1x192x256xf32>
      tpu.vector_store %arg8[%swap3A, %swap3A_423, %swap3A_424], %swap3A_427 {strides = array<i32>} : memref<8x192x256xf32, #tpu.memory_space<vmem>>, vector<1x192x256xf32>,
    } else {
    }
    %gt3A_111 = arith.constant 0 : i32
    %gt3A_112 = arith.cmpi sgt, %arg0, %gt3A_111 : i32
    %convert_element_type3A_113 = arith.extui %gt3A_112 : i1 to i32
    %cond3A_114 = arith.constant 0 : i32
    %cond3A_115 = arith.cmpi ne, %convert_element_type3A_113, %cond3A_114 : i32
    scf.if %cond3A_115 {
      %get3A_423 = arith.constant 5 : index
      %get3A_424 = arith.constant 0 : index
      %get3A_425 = arith.constant 0 : index
      %get3A_426 = vector.load %arg8[%get3A_423, %get3A_424, %get3A_425] : memref<8x192x256xf32, #tpu.memory_space<vmem>>, vector<1x192x256xf32>
      %get3A_427 = vector.shape_cast %get3A_426 : vector<1x192x256xf32> to vector<192x256xf32>
      %add3A_428 = arith.addf %get3A_427, %slice3A_105 : vector<192x256xf32>
      %swap3A = arith.constant 5 : index
      %swap3A_429 = arith.constant 0 : index
      %swap3A_430 = arith.constant 0 : index
      %swap3A_431 = vector.load %arg8[%swap3A, %swap3A_429, %swap3A_430] : memref<8x192x256xf32, #tpu.memory_space<vmem>>, vector<1x192x256xf32>
      %swap3A_432 = vector.shape_cast %swap3A_431 : vector<1x192x256xf32> to vector<192x256xf32>
      %swap3A_433 = vector.shape_cast %add3A_428 : vector<192x256xf32> to vector<1x192x256xf32>
      tpu.vector_store %arg8[%swap3A, %swap3A_429, %swap3A_430], %swap3A_433 {strides = array<i32>} : memref<8x192x256xf32, #tpu.memory_space<vmem>>, vector<1x192x256xf32>,
    } else {
    }
    %slice3A_116 = vector.extract_strided_slice %mul3A_51 {offsets = [0, 1536], sizes = [192, 256], strides = [1, 1]} : vector<192x2048xf32> to vector<192x256xf32>
    %eq3A_117 = arith.constant 0 : i32
    %eq3A_118 = arith.cmpi eq, %arg0, %eq3A_117 : i32
    %convert_element_type3A_119 = arith.extui %eq3A_118 : i1 to i32
    %cond3A_120 = arith.constant 0 : i32
    %cond3A_121 = arith.cmpi ne, %convert_element_type3A_119, %cond3A_120 : i32
    scf.if %cond3A_121 {
      %swap3A = arith.constant 6 : index
      %swap3A_423 = arith.constant 0 : index
      %swap3A_424 = arith.constant 0 : index
      %swap3A_425 = vector.load %arg8[%swap3A, %swap3A_423, %swap3A_424] : memref<8x192x256xf32, #tpu.memory_space<vmem>>, vector<1x192x256xf32>
      %swap3A_426 = vector.shape_cast %swap3A_425 : vector<1x192x256xf32> to vector<192x256xf32>
      %swap3A_427 = vector.shape_cast %slice3A_116 : vector<192x256xf32> to vector<1x192x256xf32>
      tpu.vector_store %arg8[%swap3A, %swap3A_423, %swap3A_424], %swap3A_427 {strides = array<i32>} : memref<8x192x256xf32, #tpu.memory_space<vmem>>, vector<1x192x256xf32>,
    } else {
    }
    %gt3A_122 = arith.constant 0 : i32
    %gt3A_123 = arith.cmpi sgt, %arg0, %gt3A_122 : i32
    %convert_element_type3A_124 = arith.extui %gt3A_123 : i1 to i32
    %cond3A_125 = arith.constant 0 : i32
    %cond3A_126 = arith.cmpi ne, %convert_element_type3A_124, %cond3A_125 : i32
    scf.if %cond3A_126 {
      %get3A_423 = arith.constant 6 : index
      %get3A_424 = arith.constant 0 : index
      %get3A_425 = arith.constant 0 : index
      %get3A_426 = vector.load %arg8[%get3A_423, %get3A_424, %get3A_425] : memref<8x192x256xf32, #tpu.memory_space<vmem>>, vector<1x192x256xf32>
      %get3A_427 = vector.shape_cast %get3A_426 : vector<1x192x256xf32> to vector<192x256xf32>
      %add3A_428 = arith.addf %get3A_427, %slice3A_116 : vector<192x256xf32>
      %swap3A = arith.constant 6 : index
      %swap3A_429 = arith.constant 0 : index
      %swap3A_430 = arith.constant 0 : index
      %swap3A_431 = vector.load %arg8[%swap3A, %swap3A_429, %swap3A_430] : memref<8x192x256xf32, #tpu.memory_space<vmem>>, vector<1x192x256xf32>
      %swap3A_432 = vector.shape_cast %swap3A_431 : vector<1x192x256xf32> to vector<192x256xf32>
      %swap3A_433 = vector.shape_cast %add3A_428 : vector<192x256xf32> to vector<1x192x256xf32>
      tpu.vector_store %arg8[%swap3A, %swap3A_429, %swap3A_430], %swap3A_433 {strides = array<i32>} : memref<8x192x256xf32, #tpu.memory_space<vmem>>, vector<1x192x256xf32>,
    } else {
    }
    %slice3A_127 = vector.extract_strided_slice %mul3A_51 {offsets = [0, 1792], sizes = [192, 256], strides = [1, 1]} : vector<192x2048xf32> to vector<192x256xf32>
    %eq3A_128 = arith.constant 0 : i32
    %eq3A_129 = arith.cmpi eq, %arg0, %eq3A_128 : i32
    %convert_element_type3A_130 = arith.extui %eq3A_129 : i1 to i32
    %cond3A_131 = arith.constant 0 : i32
    %cond3A_132 = arith.cmpi ne, %convert_element_type3A_130, %cond3A_131 : i32
    scf.if %cond3A_132 {
      %swap3A = arith.constant 7 : index
      %swap3A_423 = arith.constant 0 : index
      %swap3A_424 = arith.constant 0 : index
      %swap3A_425 = vector.load %arg8[%swap3A, %swap3A_423, %swap3A_424] : memref<8x192x256xf32, #tpu.memory_space<vmem>>, vector<1x192x256xf32>
      %swap3A_426 = vector.shape_cast %swap3A_425 : vector<1x192x256xf32> to vector<192x256xf32>
      %swap3A_427 = vector.shape_cast %slice3A_127 : vector<192x256xf32> to vector<1x192x256xf32>
      tpu.vector_store %arg8[%swap3A, %swap3A_423, %swap3A_424], %swap3A_427 {strides = array<i32>} : memref<8x192x256xf32, #tpu.memory_space<vmem>>, vector<1x192x256xf32>,
    } else {
    }
    %gt3A_133 = arith.constant 0 : i32
    %gt3A_134 = arith.cmpi sgt, %arg0, %gt3A_133 : i32
    %convert_element_type3A_135 = arith.extui %gt3A_134 : i1 to i32
    %cond3A_136 = arith.constant 0 : i32
    %cond3A_137 = arith.cmpi ne, %convert_element_type3A_135, %cond3A_136 : i32
    scf.if %cond3A_137 {
      %get3A_423 = arith.constant 7 : index
      %get3A_424 = arith.constant 0 : index
      %get3A_425 = arith.constant 0 : index
      %get3A_426 = vector.load %arg8[%get3A_423, %get3A_424, %get3A_425] : memref<8x192x256xf32, #tpu.memory_space<vmem>>, vector<1x192x256xf32>
      %get3A_427 = vector.shape_cast %get3A_426 : vector<1x192x256xf32> to vector<192x256xf32>
      %add3A_428 = arith.addf %get3A_427, %slice3A_127 : vector<192x256xf32>
      %swap3A = arith.constant 7 : index
      %swap3A_429 = arith.constant 0 : index
      %swap3A_430 = arith.constant 0 : index
      %swap3A_431 = vector.load %arg8[%swap3A, %swap3A_429, %swap3A_430] : memref<8x192x256xf32, #tpu.memory_space<vmem>>, vector<1x192x256xf32>
      %swap3A_432 = vector.shape_cast %swap3A_431 : vector<1x192x256xf32> to vector<192x256xf32>
      %swap3A_433 = vector.shape_cast %add3A_428 : vector<192x256xf32> to vector<1x192x256xf32>
      tpu.vector_store %arg8[%swap3A, %swap3A_429, %swap3A_430], %swap3A_433 {strides = array<i32>} : memref<8x192x256xf32, #tpu.memory_space<vmem>>, vector<1x192x256xf32>,
    } else {
    }
    %get3A_138 = arith.index_cast %arg0 : i32 to index
    %get3A_139 = arith.constant 1 : index
    %get3A_140 = arith.constant 0 : index
    %get3A_141 = vector.load %arg13[%get3A_138, %get3A_139, %get3A_140] : memref<8x4x2048xf32, #tpu.memory_space<vmem>>, vector<1x1x2048xf32>
    %get3A_142 = vector.shape_cast %get3A_141 : vector<1x1x2048xf32> to vector<1x2048xf32>
    %mul3A_143 = vector.broadcast %get3A_142 : vector<1x2048xf32> to vector<192x2048xf32>
    %mul3A_144 = arith.mulf %mul3A_143, %add3A_44 : vector<192x2048xf32>
    %slice3A_145 = vector.extract_strided_slice %mul3A_144 {offsets = [0, 0], sizes = [192, 256], strides = [1, 1]} : vector<192x2048xf32> to vector<192x256xf32>
    %eq3A_146 = arith.constant 0 : i32
    %eq3A_147 = arith.cmpi eq, %arg0, %eq3A_146 : i32
    %convert_element_type3A_148 = arith.extui %eq3A_147 : i1 to i32
    %cond3A_149 = arith.constant 0 : i32
    %cond3A_150 = arith.cmpi ne, %convert_element_type3A_148, %cond3A_149 : i32
    scf.if %cond3A_150 {
      %swap3A = arith.constant 0 : index
      %swap3A_423 = arith.constant 0 : index
      %swap3A_424 = arith.constant 0 : index
      %swap3A_425 = vector.load %arg9[%swap3A, %swap3A_423, %swap3A_424] : memref<8x192x256xf32, #tpu.memory_space<vmem>>, vector<1x192x256xf32>
      %swap3A_426 = vector.shape_cast %swap3A_425 : vector<1x192x256xf32> to vector<192x256xf32>
      %swap3A_427 = vector.shape_cast %slice3A_145 : vector<192x256xf32> to vector<1x192x256xf32>
      tpu.vector_store %arg9[%swap3A, %swap3A_423, %swap3A_424], %swap3A_427 {strides = array<i32>} : memref<8x192x256xf32, #tpu.memory_space<vmem>>, vector<1x192x256xf32>,
    } else {
    }
    %gt3A_151 = arith.constant 0 : i32
    %gt3A_152 = arith.cmpi sgt, %arg0, %gt3A_151 : i32
    %convert_element_type3A_153 = arith.extui %gt3A_152 : i1 to i32
    %cond3A_154 = arith.constant 0 : i32
    %cond3A_155 = arith.cmpi ne, %convert_element_type3A_153, %cond3A_154 : i32
    scf.if %cond3A_155 {
      %get3A_423 = arith.constant 0 : index
      %get3A_424 = arith.constant 0 : index
      %get3A_425 = arith.constant 0 : index
      %get3A_426 = vector.load %arg9[%get3A_423, %get3A_424, %get3A_425] : memref<8x192x256xf32, #tpu.memory_space<vmem>>, vector<1x192x256xf32>
      %get3A_427 = vector.shape_cast %get3A_426 : vector<1x192x256xf32> to vector<192x256xf32>
      %add3A_428 = arith.addf %get3A_427, %slice3A_145 : vector<192x256xf32>
      %swap3A = arith.constant 0 : index
      %swap3A_429 = arith.constant 0 : index
      %swap3A_430 = arith.constant 0 : index
      %swap3A_431 = vector.load %arg9[%swap3A, %swap3A_429, %swap3A_430] : memref<8x192x256xf32, #tpu.memory_space<vmem>>, vector<1x192x256xf32>
      %swap3A_432 = vector.shape_cast %swap3A_431 : vector<1x192x256xf32> to vector<192x256xf32>
      %swap3A_433 = vector.shape_cast %add3A_428 : vector<192x256xf32> to vector<1x192x256xf32>
      tpu.vector_store %arg9[%swap3A, %swap3A_429, %swap3A_430], %swap3A_433 {strides = array<i32>} : memref<8x192x256xf32, #tpu.memory_space<vmem>>, vector<1x192x256xf32>,
    } else {
    }
    %slice3A_156 = vector.extract_strided_slice %mul3A_144 {offsets = [0, 256], sizes = [192, 256], strides = [1, 1]} : vector<192x2048xf32> to vector<192x256xf32>
    %eq3A_157 = arith.constant 0 : i32
    %eq3A_158 = arith.cmpi eq, %arg0, %eq3A_157 : i32
    %convert_element_type3A_159 = arith.extui %eq3A_158 : i1 to i32
    %cond3A_160 = arith.constant 0 : i32
    %cond3A_161 = arith.cmpi ne, %convert_element_type3A_159, %cond3A_160 : i32
    scf.if %cond3A_161 {
      %swap3A = arith.constant 1 : index
      %swap3A_423 = arith.constant 0 : index
      %swap3A_424 = arith.constant 0 : index
      %swap3A_425 = vector.load %arg9[%swap3A, %swap3A_423, %swap3A_424] : memref<8x192x256xf32, #tpu.memory_space<vmem>>, vector<1x192x256xf32>
      %swap3A_426 = vector.shape_cast %swap3A_425 : vector<1x192x256xf32> to vector<192x256xf32>
      %swap3A_427 = vector.shape_cast %slice3A_156 : vector<192x256xf32> to vector<1x192x256xf32>
      tpu.vector_store %arg9[%swap3A, %swap3A_423, %swap3A_424], %swap3A_427 {strides = array<i32>} : memref<8x192x256xf32, #tpu.memory_space<vmem>>, vector<1x192x256xf32>,
    } else {
    }
    %gt3A_162 = arith.constant 0 : i32
    %gt3A_163 = arith.cmpi sgt, %arg0, %gt3A_162 : i32
    %convert_element_type3A_164 = arith.extui %gt3A_163 : i1 to i32
    %cond3A_165 = arith.constant 0 : i32
    %cond3A_166 = arith.cmpi ne, %convert_element_type3A_164, %cond3A_165 : i32
    scf.if %cond3A_166 {
      %get3A_423 = arith.constant 1 : index
      %get3A_424 = arith.constant 0 : index
      %get3A_425 = arith.constant 0 : index
      %get3A_426 = vector.load %arg9[%get3A_423, %get3A_424, %get3A_425] : memref<8x192x256xf32, #tpu.memory_space<vmem>>, vector<1x192x256xf32>
      %get3A_427 = vector.shape_cast %get3A_426 : vector<1x192x256xf32> to vector<192x256xf32>
      %add3A_428 = arith.addf %get3A_427, %slice3A_156 : vector<192x256xf32>
      %swap3A = arith.constant 1 : index
      %swap3A_429 = arith.constant 0 : index
      %swap3A_430 = arith.constant 0 : index
      %swap3A_431 = vector.load %arg9[%swap3A, %swap3A_429, %swap3A_430] : memref<8x192x256xf32, #tpu.memory_space<vmem>>, vector<1x192x256xf32>
      %swap3A_432 = vector.shape_cast %swap3A_431 : vector<1x192x256xf32> to vector<192x256xf32>
      %swap3A_433 = vector.shape_cast %add3A_428 : vector<192x256xf32> to vector<1x192x256xf32>
      tpu.vector_store %arg9[%swap3A, %swap3A_429, %swap3A_430], %swap3A_433 {strides = array<i32>} : memref<8x192x256xf32, #tpu.memory_space<vmem>>, vector<1x192x256xf32>,
    } else {
    }
    %slice3A_167 = vector.extract_strided_slice %mul3A_144 {offsets = [0, 512], sizes = [192, 256], strides = [1, 1]} : vector<192x2048xf32> to vector<192x256xf32>
    %eq3A_168 = arith.constant 0 : i32
    %eq3A_169 = arith.cmpi eq, %arg0, %eq3A_168 : i32
    %convert_element_type3A_170 = arith.extui %eq3A_169 : i1 to i32
    %cond3A_171 = arith.constant 0 : i32
    %cond3A_172 = arith.cmpi ne, %convert_element_type3A_170, %cond3A_171 : i32
    scf.if %cond3A_172 {
      %swap3A = arith.constant 2 : index
      %swap3A_423 = arith.constant 0 : index
      %swap3A_424 = arith.constant 0 : index
      %swap3A_425 = vector.load %arg9[%swap3A, %swap3A_423, %swap3A_424] : memref<8x192x256xf32, #tpu.memory_space<vmem>>, vector<1x192x256xf32>
      %swap3A_426 = vector.shape_cast %swap3A_425 : vector<1x192x256xf32> to vector<192x256xf32>
      %swap3A_427 = vector.shape_cast %slice3A_167 : vector<192x256xf32> to vector<1x192x256xf32>
      tpu.vector_store %arg9[%swap3A, %swap3A_423, %swap3A_424], %swap3A_427 {strides = array<i32>} : memref<8x192x256xf32, #tpu.memory_space<vmem>>, vector<1x192x256xf32>,
    } else {
    }
    %gt3A_173 = arith.constant 0 : i32
    %gt3A_174 = arith.cmpi sgt, %arg0, %gt3A_173 : i32
    %convert_element_type3A_175 = arith.extui %gt3A_174 : i1 to i32
    %cond3A_176 = arith.constant 0 : i32
    %cond3A_177 = arith.cmpi ne, %convert_element_type3A_175, %cond3A_176 : i32
    scf.if %cond3A_177 {
      %get3A_423 = arith.constant 2 : index
      %get3A_424 = arith.constant 0 : index
      %get3A_425 = arith.constant 0 : index
      %get3A_426 = vector.load %arg9[%get3A_423, %get3A_424, %get3A_425] : memref<8x192x256xf32, #tpu.memory_space<vmem>>, vector<1x192x256xf32>
      %get3A_427 = vector.shape_cast %get3A_426 : vector<1x192x256xf32> to vector<192x256xf32>
      %add3A_428 = arith.addf %get3A_427, %slice3A_167 : vector<192x256xf32>
      %swap3A = arith.constant 2 : index
      %swap3A_429 = arith.constant 0 : index
      %swap3A_430 = arith.constant 0 : index
      %swap3A_431 = vector.load %arg9[%swap3A, %swap3A_429, %swap3A_430] : memref<8x192x256xf32, #tpu.memory_space<vmem>>, vector<1x192x256xf32>
      %swap3A_432 = vector.shape_cast %swap3A_431 : vector<1x192x256xf32> to vector<192x256xf32>
      %swap3A_433 = vector.shape_cast %add3A_428 : vector<192x256xf32> to vector<1x192x256xf32>
      tpu.vector_store %arg9[%swap3A, %swap3A_429, %swap3A_430], %swap3A_433 {strides = array<i32>} : memref<8x192x256xf32, #tpu.memory_space<vmem>>, vector<1x192x256xf32>,
    } else {
    }
    %slice3A_178 = vector.extract_strided_slice %mul3A_144 {offsets = [0, 768], sizes = [192, 256], strides = [1, 1]} : vector<192x2048xf32> to vector<192x256xf32>
    %eq3A_179 = arith.constant 0 : i32
    %eq3A_180 = arith.cmpi eq, %arg0, %eq3A_179 : i32
    %convert_element_type3A_181 = arith.extui %eq3A_180 : i1 to i32
    %cond3A_182 = arith.constant 0 : i32
    %cond3A_183 = arith.cmpi ne, %convert_element_type3A_181, %cond3A_182 : i32
    scf.if %cond3A_183 {
      %swap3A = arith.constant 3 : index
      %swap3A_423 = arith.constant 0 : index
      %swap3A_424 = arith.constant 0 : index
      %swap3A_425 = vector.load %arg9[%swap3A, %swap3A_423, %swap3A_424] : memref<8x192x256xf32, #tpu.memory_space<vmem>>, vector<1x192x256xf32>
      %swap3A_426 = vector.shape_cast %swap3A_425 : vector<1x192x256xf32> to vector<192x256xf32>
      %swap3A_427 = vector.shape_cast %slice3A_178 : vector<192x256xf32> to vector<1x192x256xf32>
      tpu.vector_store %arg9[%swap3A, %swap3A_423, %swap3A_424], %swap3A_427 {strides = array<i32>} : memref<8x192x256xf32, #tpu.memory_space<vmem>>, vector<1x192x256xf32>,
    } else {
    }
    %gt3A_184 = arith.constant 0 : i32
    %gt3A_185 = arith.cmpi sgt, %arg0, %gt3A_184 : i32
    %convert_element_type3A_186 = arith.extui %gt3A_185 : i1 to i32
    %cond3A_187 = arith.constant 0 : i32
    %cond3A_188 = arith.cmpi ne, %convert_element_type3A_186, %cond3A_187 : i32
    scf.if %cond3A_188 {
      %get3A_423 = arith.constant 3 : index
      %get3A_424 = arith.constant 0 : index
      %get3A_425 = arith.constant 0 : index
      %get3A_426 = vector.load %arg9[%get3A_423, %get3A_424, %get3A_425] : memref<8x192x256xf32, #tpu.memory_space<vmem>>, vector<1x192x256xf32>
      %get3A_427 = vector.shape_cast %get3A_426 : vector<1x192x256xf32> to vector<192x256xf32>
      %add3A_428 = arith.addf %get3A_427, %slice3A_178 : vector<192x256xf32>
      %swap3A = arith.constant 3 : index
      %swap3A_429 = arith.constant 0 : index
      %swap3A_430 = arith.constant 0 : index
      %swap3A_431 = vector.load %arg9[%swap3A, %swap3A_429, %swap3A_430] : memref<8x192x256xf32, #tpu.memory_space<vmem>>, vector<1x192x256xf32>
      %swap3A_432 = vector.shape_cast %swap3A_431 : vector<1x192x256xf32> to vector<192x256xf32>
      %swap3A_433 = vector.shape_cast %add3A_428 : vector<192x256xf32> to vector<1x192x256xf32>
      tpu.vector_store %arg9[%swap3A, %swap3A_429, %swap3A_430], %swap3A_433 {strides = array<i32>} : memref<8x192x256xf32, #tpu.memory_space<vmem>>, vector<1x192x256xf32>,
    } else {
    }
    %slice3A_189 = vector.extract_strided_slice %mul3A_144 {offsets = [0, 1024], sizes = [192, 256], strides = [1, 1]} : vector<192x2048xf32> to vector<192x256xf32>
    %eq3A_190 = arith.constant 0 : i32
    %eq3A_191 = arith.cmpi eq, %arg0, %eq3A_190 : i32
    %convert_element_type3A_192 = arith.extui %eq3A_191 : i1 to i32
    %cond3A_193 = arith.constant 0 : i32
    %cond3A_194 = arith.cmpi ne, %convert_element_type3A_192, %cond3A_193 : i32
    scf.if %cond3A_194 {
      %swap3A = arith.constant 4 : index
      %swap3A_423 = arith.constant 0 : index
      %swap3A_424 = arith.constant 0 : index
      %swap3A_425 = vector.load %arg9[%swap3A, %swap3A_423, %swap3A_424] : memref<8x192x256xf32, #tpu.memory_space<vmem>>, vector<1x192x256xf32>
      %swap3A_426 = vector.shape_cast %swap3A_425 : vector<1x192x256xf32> to vector<192x256xf32>
      %swap3A_427 = vector.shape_cast %slice3A_189 : vector<192x256xf32> to vector<1x192x256xf32>
      tpu.vector_store %arg9[%swap3A, %swap3A_423, %swap3A_424], %swap3A_427 {strides = array<i32>} : memref<8x192x256xf32, #tpu.memory_space<vmem>>, vector<1x192x256xf32>,
    } else {
    }
    %gt3A_195 = arith.constant 0 : i32
    %gt3A_196 = arith.cmpi sgt, %arg0, %gt3A_195 : i32
    %convert_element_type3A_197 = arith.extui %gt3A_196 : i1 to i32
    %cond3A_198 = arith.constant 0 : i32
    %cond3A_199 = arith.cmpi ne, %convert_element_type3A_197, %cond3A_198 : i32
    scf.if %cond3A_199 {
      %get3A_423 = arith.constant 4 : index
      %get3A_424 = arith.constant 0 : index
      %get3A_425 = arith.constant 0 : index
      %get3A_426 = vector.load %arg9[%get3A_423, %get3A_424, %get3A_425] : memref<8x192x256xf32, #tpu.memory_space<vmem>>, vector<1x192x256xf32>
      %get3A_427 = vector.shape_cast %get3A_426 : vector<1x192x256xf32> to vector<192x256xf32>
      %add3A_428 = arith.addf %get3A_427, %slice3A_189 : vector<192x256xf32>
      %swap3A = arith.constant 4 : index
      %swap3A_429 = arith.constant 0 : index
      %swap3A_430 = arith.constant 0 : index
      %swap3A_431 = vector.load %arg9[%swap3A, %swap3A_429, %swap3A_430] : memref<8x192x256xf32, #tpu.memory_space<vmem>>, vector<1x192x256xf32>
      %swap3A_432 = vector.shape_cast %swap3A_431 : vector<1x192x256xf32> to vector<192x256xf32>
      %swap3A_433 = vector.shape_cast %add3A_428 : vector<192x256xf32> to vector<1x192x256xf32>
      tpu.vector_store %arg9[%swap3A, %swap3A_429, %swap3A_430], %swap3A_433 {strides = array<i32>} : memref<8x192x256xf32, #tpu.memory_space<vmem>>, vector<1x192x256xf32>,
    } else {
    }
    %slice3A_200 = vector.extract_strided_slice %mul3A_144 {offsets = [0, 1280], sizes = [192, 256], strides = [1, 1]} : vector<192x2048xf32> to vector<192x256xf32>
    %eq3A_201 = arith.constant 0 : i32
    %eq3A_202 = arith.cmpi eq, %arg0, %eq3A_201 : i32
    %convert_element_type3A_203 = arith.extui %eq3A_202 : i1 to i32
    %cond3A_204 = arith.constant 0 : i32
    %cond3A_205 = arith.cmpi ne, %convert_element_type3A_203, %cond3A_204 : i32
    scf.if %cond3A_205 {
      %swap3A = arith.constant 5 : index
      %swap3A_423 = arith.constant 0 : index
      %swap3A_424 = arith.constant 0 : index
      %swap3A_425 = vector.load %arg9[%swap3A, %swap3A_423, %swap3A_424] : memref<8x192x256xf32, #tpu.memory_space<vmem>>, vector<1x192x256xf32>
      %swap3A_426 = vector.shape_cast %swap3A_425 : vector<1x192x256xf32> to vector<192x256xf32>
      %swap3A_427 = vector.shape_cast %slice3A_200 : vector<192x256xf32> to vector<1x192x256xf32>
      tpu.vector_store %arg9[%swap3A, %swap3A_423, %swap3A_424], %swap3A_427 {strides = array<i32>} : memref<8x192x256xf32, #tpu.memory_space<vmem>>, vector<1x192x256xf32>,
    } else {
    }
    %gt3A_206 = arith.constant 0 : i32
    %gt3A_207 = arith.cmpi sgt, %arg0, %gt3A_206 : i32
    %convert_element_type3A_208 = arith.extui %gt3A_207 : i1 to i32
    %cond3A_209 = arith.constant 0 : i32
    %cond3A_210 = arith.cmpi ne, %convert_element_type3A_208, %cond3A_209 : i32
    scf.if %cond3A_210 {
      %get3A_423 = arith.constant 5 : index
      %get3A_424 = arith.constant 0 : index
      %get3A_425 = arith.constant 0 : index
      %get3A_426 = vector.load %arg9[%get3A_423, %get3A_424, %get3A_425] : memref<8x192x256xf32, #tpu.memory_space<vmem>>, vector<1x192x256xf32>
      %get3A_427 = vector.shape_cast %get3A_426 : vector<1x192x256xf32> to vector<192x256xf32>
      %add3A_428 = arith.addf %get3A_427, %slice3A_200 : vector<192x256xf32>
      %swap3A = arith.constant 5 : index
      %swap3A_429 = arith.constant 0 : index
      %swap3A_430 = arith.constant 0 : index
      %swap3A_431 = vector.load %arg9[%swap3A, %swap3A_429, %swap3A_430] : memref<8x192x256xf32, #tpu.memory_space<vmem>>, vector<1x192x256xf32>
      %swap3A_432 = vector.shape_cast %swap3A_431 : vector<1x192x256xf32> to vector<192x256xf32>
      %swap3A_433 = vector.shape_cast %add3A_428 : vector<192x256xf32> to vector<1x192x256xf32>
      tpu.vector_store %arg9[%swap3A, %swap3A_429, %swap3A_430], %swap3A_433 {strides = array<i32>} : memref<8x192x256xf32, #tpu.memory_space<vmem>>, vector<1x192x256xf32>,
    } else {
    }
    %slice3A_211 = vector.extract_strided_slice %mul3A_144 {offsets = [0, 1536], sizes = [192, 256], strides = [1, 1]} : vector<192x2048xf32> to vector<192x256xf32>
    %eq3A_212 = arith.constant 0 : i32
    %eq3A_213 = arith.cmpi eq, %arg0, %eq3A_212 : i32
    %convert_element_type3A_214 = arith.extui %eq3A_213 : i1 to i32
    %cond3A_215 = arith.constant 0 : i32
    %cond3A_216 = arith.cmpi ne, %convert_element_type3A_214, %cond3A_215 : i32
    scf.if %cond3A_216 {
      %swap3A = arith.constant 6 : index
      %swap3A_423 = arith.constant 0 : index
      %swap3A_424 = arith.constant 0 : index
      %swap3A_425 = vector.load %arg9[%swap3A, %swap3A_423, %swap3A_424] : memref<8x192x256xf32, #tpu.memory_space<vmem>>, vector<1x192x256xf32>
      %swap3A_426 = vector.shape_cast %swap3A_425 : vector<1x192x256xf32> to vector<192x256xf32>
      %swap3A_427 = vector.shape_cast %slice3A_211 : vector<192x256xf32> to vector<1x192x256xf32>
      tpu.vector_store %arg9[%swap3A, %swap3A_423, %swap3A_424], %swap3A_427 {strides = array<i32>} : memref<8x192x256xf32, #tpu.memory_space<vmem>>, vector<1x192x256xf32>,
    } else {
    }
    %gt3A_217 = arith.constant 0 : i32
    %gt3A_218 = arith.cmpi sgt, %arg0, %gt3A_217 : i32
    %convert_element_type3A_219 = arith.extui %gt3A_218 : i1 to i32
    %cond3A_220 = arith.constant 0 : i32
    %cond3A_221 = arith.cmpi ne, %convert_element_type3A_219, %cond3A_220 : i32
    scf.if %cond3A_221 {
      %get3A_423 = arith.constant 6 : index
      %get3A_424 = arith.constant 0 : index
      %get3A_425 = arith.constant 0 : index
      %get3A_426 = vector.load %arg9[%get3A_423, %get3A_424, %get3A_425] : memref<8x192x256xf32, #tpu.memory_space<vmem>>, vector<1x192x256xf32>
      %get3A_427 = vector.shape_cast %get3A_426 : vector<1x192x256xf32> to vector<192x256xf32>
      %add3A_428 = arith.addf %get3A_427, %slice3A_211 : vector<192x256xf32>
      %swap3A = arith.constant 6 : index
      %swap3A_429 = arith.constant 0 : index
      %swap3A_430 = arith.constant 0 : index
      %swap3A_431 = vector.load %arg9[%swap3A, %swap3A_429, %swap3A_430] : memref<8x192x256xf32, #tpu.memory_space<vmem>>, vector<1x192x256xf32>
      %swap3A_432 = vector.shape_cast %swap3A_431 : vector<1x192x256xf32> to vector<192x256xf32>
      %swap3A_433 = vector.shape_cast %add3A_428 : vector<192x256xf32> to vector<1x192x256xf32>
      tpu.vector_store %arg9[%swap3A, %swap3A_429, %swap3A_430], %swap3A_433 {strides = array<i32>} : memref<8x192x256xf32, #tpu.memory_space<vmem>>, vector<1x192x256xf32>,
    } else {
    }
    %slice3A_222 = vector.extract_strided_slice %mul3A_144 {offsets = [0, 1792], sizes = [192, 256], strides = [1, 1]} : vector<192x2048xf32> to vector<192x256xf32>
    %eq3A_223 = arith.constant 0 : i32
    %eq3A_224 = arith.cmpi eq, %arg0, %eq3A_223 : i32
    %convert_element_type3A_225 = arith.extui %eq3A_224 : i1 to i32
    %cond3A_226 = arith.constant 0 : i32
    %cond3A_227 = arith.cmpi ne, %convert_element_type3A_225, %cond3A_226 : i32
    scf.if %cond3A_227 {
      %swap3A = arith.constant 7 : index
      %swap3A_423 = arith.constant 0 : index
      %swap3A_424 = arith.constant 0 : index
      %swap3A_425 = vector.load %arg9[%swap3A, %swap3A_423, %swap3A_424] : memref<8x192x256xf32, #tpu.memory_space<vmem>>, vector<1x192x256xf32>
      %swap3A_426 = vector.shape_cast %swap3A_425 : vector<1x192x256xf32> to vector<192x256xf32>
      %swap3A_427 = vector.shape_cast %slice3A_222 : vector<192x256xf32> to vector<1x192x256xf32>
      tpu.vector_store %arg9[%swap3A, %swap3A_423, %swap3A_424], %swap3A_427 {strides = array<i32>} : memref<8x192x256xf32, #tpu.memory_space<vmem>>, vector<1x192x256xf32>,
    } else {
    }
    %gt3A_228 = arith.constant 0 : i32
    %gt3A_229 = arith.cmpi sgt, %arg0, %gt3A_228 : i32
    %convert_element_type3A_230 = arith.extui %gt3A_229 : i1 to i32
    %cond3A_231 = arith.constant 0 : i32
    %cond3A_232 = arith.cmpi ne, %convert_element_type3A_230, %cond3A_231 : i32
    scf.if %cond3A_232 {
      %get3A_423 = arith.constant 7 : index
      %get3A_424 = arith.constant 0 : index
      %get3A_425 = arith.constant 0 : index
      %get3A_426 = vector.load %arg9[%get3A_423, %get3A_424, %get3A_425] : memref<8x192x256xf32, #tpu.memory_space<vmem>>, vector<1x192x256xf32>
      %get3A_427 = vector.shape_cast %get3A_426 : vector<1x192x256xf32> to vector<192x256xf32>
      %add3A_428 = arith.addf %get3A_427, %slice3A_222 : vector<192x256xf32>
      %swap3A = arith.constant 7 : index
      %swap3A_429 = arith.constant 0 : index
      %swap3A_430 = arith.constant 0 : index
      %swap3A_431 = vector.load %arg9[%swap3A, %swap3A_429, %swap3A_430] : memref<8x192x256xf32, #tpu.memory_space<vmem>>, vector<1x192x256xf32>
      %swap3A_432 = vector.shape_cast %swap3A_431 : vector<1x192x256xf32> to vector<192x256xf32>
      %swap3A_433 = vector.shape_cast %add3A_428 : vector<192x256xf32> to vector<1x192x256xf32>
      tpu.vector_store %arg9[%swap3A, %swap3A_429, %swap3A_430], %swap3A_433 {strides = array<i32>} : memref<8x192x256xf32, #tpu.memory_space<vmem>>, vector<1x192x256xf32>,
    } else {
    }
    %get3A_233 = arith.index_cast %arg0 : i32 to index
    %get3A_234 = arith.constant 2 : index
    %get3A_235 = arith.constant 0 : index
    %get3A_236 = vector.load %arg13[%get3A_233, %get3A_234, %get3A_235] : memref<8x4x2048xf32, #tpu.memory_space<vmem>>, vector<1x1x2048xf32>
    %get3A_237 = vector.shape_cast %get3A_236 : vector<1x1x2048xf32> to vector<1x2048xf32>
    %mul3A_238 = vector.broadcast %get3A_237 : vector<1x2048xf32> to vector<192x2048xf32>
    %mul3A_239 = arith.mulf %mul3A_238, %add3A_44 : vector<192x2048xf32>
    %slice3A_240 = vector.extract_strided_slice %mul3A_239 {offsets = [0, 0], sizes = [192, 256], strides = [1, 1]} : vector<192x2048xf32> to vector<192x256xf32>
    %eq3A_241 = arith.constant 0 : i32
    %eq3A_242 = arith.cmpi eq, %arg0, %eq3A_241 : i32
    %convert_element_type3A_243 = arith.extui %eq3A_242 : i1 to i32
    %cond3A_244 = arith.constant 0 : i32
    %cond3A_245 = arith.cmpi ne, %convert_element_type3A_243, %cond3A_244 : i32
    scf.if %cond3A_245 {
      %swap3A = arith.constant 0 : index
      %swap3A_423 = arith.constant 0 : index
      %swap3A_424 = arith.constant 0 : index
      %swap3A_425 = vector.load %arg10[%swap3A, %swap3A_423, %swap3A_424] : memref<8x192x256xf32, #tpu.memory_space<vmem>>, vector<1x192x256xf32>
      %swap3A_426 = vector.shape_cast %swap3A_425 : vector<1x192x256xf32> to vector<192x256xf32>
      %swap3A_427 = vector.shape_cast %slice3A_240 : vector<192x256xf32> to vector<1x192x256xf32>
      tpu.vector_store %arg10[%swap3A, %swap3A_423, %swap3A_424], %swap3A_427 {strides = array<i32>} : memref<8x192x256xf32, #tpu.memory_space<vmem>>, vector<1x192x256xf32>,
    } else {
    }
    %gt3A_246 = arith.constant 0 : i32
    %gt3A_247 = arith.cmpi sgt, %arg0, %gt3A_246 : i32
    %convert_element_type3A_248 = arith.extui %gt3A_247 : i1 to i32
    %cond3A_249 = arith.constant 0 : i32
    %cond3A_250 = arith.cmpi ne, %convert_element_type3A_248, %cond3A_249 : i32
    scf.if %cond3A_250 {
      %get3A_423 = arith.constant 0 : index
      %get3A_424 = arith.constant 0 : index
      %get3A_425 = arith.constant 0 : index
      %get3A_426 = vector.load %arg10[%get3A_423, %get3A_424, %get3A_425] : memref<8x192x256xf32, #tpu.memory_space<vmem>>, vector<1x192x256xf32>
      %get3A_427 = vector.shape_cast %get3A_426 : vector<1x192x256xf32> to vector<192x256xf32>
      %add3A_428 = arith.addf %get3A_427, %slice3A_240 : vector<192x256xf32>
      %swap3A = arith.constant 0 : index
      %swap3A_429 = arith.constant 0 : index
      %swap3A_430 = arith.constant 0 : index
      %swap3A_431 = vector.load %arg10[%swap3A, %swap3A_429, %swap3A_430] : memref<8x192x256xf32, #tpu.memory_space<vmem>>, vector<1x192x256xf32>
      %swap3A_432 = vector.shape_cast %swap3A_431 : vector<1x192x256xf32> to vector<192x256xf32>
      %swap3A_433 = vector.shape_cast %add3A_428 : vector<192x256xf32> to vector<1x192x256xf32>
      tpu.vector_store %arg10[%swap3A, %swap3A_429, %swap3A_430], %swap3A_433 {strides = array<i32>} : memref<8x192x256xf32, #tpu.memory_space<vmem>>, vector<1x192x256xf32>,
    } else {
    }
    %slice3A_251 = vector.extract_strided_slice %mul3A_239 {offsets = [0, 256], sizes = [192, 256], strides = [1, 1]} : vector<192x2048xf32> to vector<192x256xf32>
    %eq3A_252 = arith.constant 0 : i32
    %eq3A_253 = arith.cmpi eq, %arg0, %eq3A_252 : i32
    %convert_element_type3A_254 = arith.extui %eq3A_253 : i1 to i32
    %cond3A_255 = arith.constant 0 : i32
    %cond3A_256 = arith.cmpi ne, %convert_element_type3A_254, %cond3A_255 : i32
    scf.if %cond3A_256 {
      %swap3A = arith.constant 1 : index
      %swap3A_423 = arith.constant 0 : index
      %swap3A_424 = arith.constant 0 : index
      %swap3A_425 = vector.load %arg10[%swap3A, %swap3A_423, %swap3A_424] : memref<8x192x256xf32, #tpu.memory_space<vmem>>, vector<1x192x256xf32>
      %swap3A_426 = vector.shape_cast %swap3A_425 : vector<1x192x256xf32> to vector<192x256xf32>
      %swap3A_427 = vector.shape_cast %slice3A_251 : vector<192x256xf32> to vector<1x192x256xf32>
      tpu.vector_store %arg10[%swap3A, %swap3A_423, %swap3A_424], %swap3A_427 {strides = array<i32>} : memref<8x192x256xf32, #tpu.memory_space<vmem>>, vector<1x192x256xf32>,
    } else {
    }
    %gt3A_257 = arith.constant 0 : i32
    %gt3A_258 = arith.cmpi sgt, %arg0, %gt3A_257 : i32
    %convert_element_type3A_259 = arith.extui %gt3A_258 : i1 to i32
    %cond3A_260 = arith.constant 0 : i32
    %cond3A_261 = arith.cmpi ne, %convert_element_type3A_259, %cond3A_260 : i32
    scf.if %cond3A_261 {
      %get3A_423 = arith.constant 1 : index
      %get3A_424 = arith.constant 0 : index
      %get3A_425 = arith.constant 0 : index
      %get3A_426 = vector.load %arg10[%get3A_423, %get3A_424, %get3A_425] : memref<8x192x256xf32, #tpu.memory_space<vmem>>, vector<1x192x256xf32>
      %get3A_427 = vector.shape_cast %get3A_426 : vector<1x192x256xf32> to vector<192x256xf32>
      %add3A_428 = arith.addf %get3A_427, %slice3A_251 : vector<192x256xf32>
      %swap3A = arith.constant 1 : index
      %swap3A_429 = arith.constant 0 : index
      %swap3A_430 = arith.constant 0 : index
      %swap3A_431 = vector.load %arg10[%swap3A, %swap3A_429, %swap3A_430] : memref<8x192x256xf32, #tpu.memory_space<vmem>>, vector<1x192x256xf32>
      %swap3A_432 = vector.shape_cast %swap3A_431 : vector<1x192x256xf32> to vector<192x256xf32>
      %swap3A_433 = vector.shape_cast %add3A_428 : vector<192x256xf32> to vector<1x192x256xf32>
      tpu.vector_store %arg10[%swap3A, %swap3A_429, %swap3A_430], %swap3A_433 {strides = array<i32>} : memref<8x192x256xf32, #tpu.memory_space<vmem>>, vector<1x192x256xf32>,
    } else {
    }
    %slice3A_262 = vector.extract_strided_slice %mul3A_239 {offsets = [0, 512], sizes = [192, 256], strides = [1, 1]} : vector<192x2048xf32> to vector<192x256xf32>
    %eq3A_263 = arith.constant 0 : i32
    %eq3A_264 = arith.cmpi eq, %arg0, %eq3A_263 : i32
    %convert_element_type3A_265 = arith.extui %eq3A_264 : i1 to i32
    %cond3A_266 = arith.constant 0 : i32
    %cond3A_267 = arith.cmpi ne, %convert_element_type3A_265, %cond3A_266 : i32
    scf.if %cond3A_267 {
      %swap3A = arith.constant 2 : index
      %swap3A_423 = arith.constant 0 : index
      %swap3A_424 = arith.constant 0 : index
      %swap3A_425 = vector.load %arg10[%swap3A, %swap3A_423, %swap3A_424] : memref<8x192x256xf32, #tpu.memory_space<vmem>>, vector<1x192x256xf32>
      %swap3A_426 = vector.shape_cast %swap3A_425 : vector<1x192x256xf32> to vector<192x256xf32>
      %swap3A_427 = vector.shape_cast %slice3A_262 : vector<192x256xf32> to vector<1x192x256xf32>
      tpu.vector_store %arg10[%swap3A, %swap3A_423, %swap3A_424], %swap3A_427 {strides = array<i32>} : memref<8x192x256xf32, #tpu.memory_space<vmem>>, vector<1x192x256xf32>,
    } else {
    }
    %gt3A_268 = arith.constant 0 : i32
    %gt3A_269 = arith.cmpi sgt, %arg0, %gt3A_268 : i32
    %convert_element_type3A_270 = arith.extui %gt3A_269 : i1 to i32
    %cond3A_271 = arith.constant 0 : i32
    %cond3A_272 = arith.cmpi ne, %convert_element_type3A_270, %cond3A_271 : i32
    scf.if %cond3A_272 {
      %get3A_423 = arith.constant 2 : index
      %get3A_424 = arith.constant 0 : index
      %get3A_425 = arith.constant 0 : index
      %get3A_426 = vector.load %arg10[%get3A_423, %get3A_424, %get3A_425] : memref<8x192x256xf32, #tpu.memory_space<vmem>>, vector<1x192x256xf32>
      %get3A_427 = vector.shape_cast %get3A_426 : vector<1x192x256xf32> to vector<192x256xf32>
      %add3A_428 = arith.addf %get3A_427, %slice3A_262 : vector<192x256xf32>
      %swap3A = arith.constant 2 : index
      %swap3A_429 = arith.constant 0 : index
      %swap3A_430 = arith.constant 0 : index
      %swap3A_431 = vector.load %arg10[%swap3A, %swap3A_429, %swap3A_430] : memref<8x192x256xf32, #tpu.memory_space<vmem>>, vector<1x192x256xf32>
      %swap3A_432 = vector.shape_cast %swap3A_431 : vector<1x192x256xf32> to vector<192x256xf32>
      %swap3A_433 = vector.shape_cast %add3A_428 : vector<192x256xf32> to vector<1x192x256xf32>
      tpu.vector_store %arg10[%swap3A, %swap3A_429, %swap3A_430], %swap3A_433 {strides = array<i32>} : memref<8x192x256xf32, #tpu.memory_space<vmem>>, vector<1x192x256xf32>,
    } else {
    }
    %slice3A_273 = vector.extract_strided_slice %mul3A_239 {offsets = [0, 768], sizes = [192, 256], strides = [1, 1]} : vector<192x2048xf32> to vector<192x256xf32>
    %eq3A_274 = arith.constant 0 : i32
    %eq3A_275 = arith.cmpi eq, %arg0, %eq3A_274 : i32
    %convert_element_type3A_276 = arith.extui %eq3A_275 : i1 to i32
    %cond3A_277 = arith.constant 0 : i32
    %cond3A_278 = arith.cmpi ne, %convert_element_type3A_276, %cond3A_277 : i32
    scf.if %cond3A_278 {
      %swap3A = arith.constant 3 : index
      %swap3A_423 = arith.constant 0 : index
      %swap3A_424 = arith.constant 0 : index
      %swap3A_425 = vector.load %arg10[%swap3A, %swap3A_423, %swap3A_424] : memref<8x192x256xf32, #tpu.memory_space<vmem>>, vector<1x192x256xf32>
      %swap3A_426 = vector.shape_cast %swap3A_425 : vector<1x192x256xf32> to vector<192x256xf32>
      %swap3A_427 = vector.shape_cast %slice3A_273 : vector<192x256xf32> to vector<1x192x256xf32>
      tpu.vector_store %arg10[%swap3A, %swap3A_423, %swap3A_424], %swap3A_427 {strides = array<i32>} : memref<8x192x256xf32, #tpu.memory_space<vmem>>, vector<1x192x256xf32>,
    } else {
    }
    %gt3A_279 = arith.constant 0 : i32
    %gt3A_280 = arith.cmpi sgt, %arg0, %gt3A_279 : i32
    %convert_element_type3A_281 = arith.extui %gt3A_280 : i1 to i32
    %cond3A_282 = arith.constant 0 : i32
    %cond3A_283 = arith.cmpi ne, %convert_element_type3A_281, %cond3A_282 : i32
    scf.if %cond3A_283 {
      %get3A_423 = arith.constant 3 : index
      %get3A_424 = arith.constant 0 : index
      %get3A_425 = arith.constant 0 : index
      %get3A_426 = vector.load %arg10[%get3A_423, %get3A_424, %get3A_425] : memref<8x192x256xf32, #tpu.memory_space<vmem>>, vector<1x192x256xf32>
      %get3A_427 = vector.shape_cast %get3A_426 : vector<1x192x256xf32> to vector<192x256xf32>
      %add3A_428 = arith.addf %get3A_427, %slice3A_273 : vector<192x256xf32>
      %swap3A = arith.constant 3 : index
      %swap3A_429 = arith.constant 0 : index
      %swap3A_430 = arith.constant 0 : index
      %swap3A_431 = vector.load %arg10[%swap3A, %swap3A_429, %swap3A_430] : memref<8x192x256xf32, #tpu.memory_space<vmem>>, vector<1x192x256xf32>
      %swap3A_432 = vector.shape_cast %swap3A_431 : vector<1x192x256xf32> to vector<192x256xf32>
      %swap3A_433 = vector.shape_cast %add3A_428 : vector<192x256xf32> to vector<1x192x256xf32>
      tpu.vector_store %arg10[%swap3A, %swap3A_429, %swap3A_430], %swap3A_433 {strides = array<i32>} : memref<8x192x256xf32, #tpu.memory_space<vmem>>, vector<1x192x256xf32>,
    } else {
    }
    %slice3A_284 = vector.extract_strided_slice %mul3A_239 {offsets = [0, 1024], sizes = [192, 256], strides = [1, 1]} : vector<192x2048xf32> to vector<192x256xf32>
    %eq3A_285 = arith.constant 0 : i32
    %eq3A_286 = arith.cmpi eq, %arg0, %eq3A_285 : i32
    %convert_element_type3A_287 = arith.extui %eq3A_286 : i1 to i32
    %cond3A_288 = arith.constant 0 : i32
    %cond3A_289 = arith.cmpi ne, %convert_element_type3A_287, %cond3A_288 : i32
    scf.if %cond3A_289 {
      %swap3A = arith.constant 4 : index
      %swap3A_423 = arith.constant 0 : index
      %swap3A_424 = arith.constant 0 : index
      %swap3A_425 = vector.load %arg10[%swap3A, %swap3A_423, %swap3A_424] : memref<8x192x256xf32, #tpu.memory_space<vmem>>, vector<1x192x256xf32>
      %swap3A_426 = vector.shape_cast %swap3A_425 : vector<1x192x256xf32> to vector<192x256xf32>
      %swap3A_427 = vector.shape_cast %slice3A_284 : vector<192x256xf32> to vector<1x192x256xf32>
      tpu.vector_store %arg10[%swap3A, %swap3A_423, %swap3A_424], %swap3A_427 {strides = array<i32>} : memref<8x192x256xf32, #tpu.memory_space<vmem>>, vector<1x192x256xf32>,
    } else {
    }
    %gt3A_290 = arith.constant 0 : i32
    %gt3A_291 = arith.cmpi sgt, %arg0, %gt3A_290 : i32
    %convert_element_type3A_292 = arith.extui %gt3A_291 : i1 to i32
    %cond3A_293 = arith.constant 0 : i32
    %cond3A_294 = arith.cmpi ne, %convert_element_type3A_292, %cond3A_293 : i32
    scf.if %cond3A_294 {
      %get3A_423 = arith.constant 4 : index
      %get3A_424 = arith.constant 0 : index
      %get3A_425 = arith.constant 0 : index
      %get3A_426 = vector.load %arg10[%get3A_423, %get3A_424, %get3A_425] : memref<8x192x256xf32, #tpu.memory_space<vmem>>, vector<1x192x256xf32>
      %get3A_427 = vector.shape_cast %get3A_426 : vector<1x192x256xf32> to vector<192x256xf32>
      %add3A_428 = arith.addf %get3A_427, %slice3A_284 : vector<192x256xf32>
      %swap3A = arith.constant 4 : index
      %swap3A_429 = arith.constant 0 : index
      %swap3A_430 = arith.constant 0 : index
      %swap3A_431 = vector.load %arg10[%swap3A, %swap3A_429, %swap3A_430] : memref<8x192x256xf32, #tpu.memory_space<vmem>>, vector<1x192x256xf32>
      %swap3A_432 = vector.shape_cast %swap3A_431 : vector<1x192x256xf32> to vector<192x256xf32>
      %swap3A_433 = vector.shape_cast %add3A_428 : vector<192x256xf32> to vector<1x192x256xf32>
      tpu.vector_store %arg10[%swap3A, %swap3A_429, %swap3A_430], %swap3A_433 {strides = array<i32>} : memref<8x192x256xf32, #tpu.memory_space<vmem>>, vector<1x192x256xf32>,
    } else {
    }
    %slice3A_295 = vector.extract_strided_slice %mul3A_239 {offsets = [0, 1280], sizes = [192, 256], strides = [1, 1]} : vector<192x2048xf32> to vector<192x256xf32>
    %eq3A_296 = arith.constant 0 : i32
    %eq3A_297 = arith.cmpi eq, %arg0, %eq3A_296 : i32
    %convert_element_type3A_298 = arith.extui %eq3A_297 : i1 to i32
    %cond3A_299 = arith.constant 0 : i32
    %cond3A_300 = arith.cmpi ne, %convert_element_type3A_298, %cond3A_299 : i32
    scf.if %cond3A_300 {
      %swap3A = arith.constant 5 : index
      %swap3A_423 = arith.constant 0 : index
      %swap3A_424 = arith.constant 0 : index
      %swap3A_425 = vector.load %arg10[%swap3A, %swap3A_423, %swap3A_424] : memref<8x192x256xf32, #tpu.memory_space<vmem>>, vector<1x192x256xf32>
      %swap3A_426 = vector.shape_cast %swap3A_425 : vector<1x192x256xf32> to vector<192x256xf32>
      %swap3A_427 = vector.shape_cast %slice3A_295 : vector<192x256xf32> to vector<1x192x256xf32>
      tpu.vector_store %arg10[%swap3A, %swap3A_423, %swap3A_424], %swap3A_427 {strides = array<i32>} : memref<8x192x256xf32, #tpu.memory_space<vmem>>, vector<1x192x256xf32>,
    } else {
    }
    %gt3A_301 = arith.constant 0 : i32
    %gt3A_302 = arith.cmpi sgt, %arg0, %gt3A_301 : i32
    %convert_element_type3A_303 = arith.extui %gt3A_302 : i1 to i32
    %cond3A_304 = arith.constant 0 : i32
    %cond3A_305 = arith.cmpi ne, %convert_element_type3A_303, %cond3A_304 : i32
    scf.if %cond3A_305 {
      %get3A_423 = arith.constant 5 : index
      %get3A_424 = arith.constant 0 : index
      %get3A_425 = arith.constant 0 : index
      %get3A_426 = vector.load %arg10[%get3A_423, %get3A_424, %get3A_425] : memref<8x192x256xf32, #tpu.memory_space<vmem>>, vector<1x192x256xf32>
      %get3A_427 = vector.shape_cast %get3A_426 : vector<1x192x256xf32> to vector<192x256xf32>
      %add3A_428 = arith.addf %get3A_427, %slice3A_295 : vector<192x256xf32>
      %swap3A = arith.constant 5 : index
      %swap3A_429 = arith.constant 0 : index
      %swap3A_430 = arith.constant 0 : index
      %swap3A_431 = vector.load %arg10[%swap3A, %swap3A_429, %swap3A_430] : memref<8x192x256xf32, #tpu.memory_space<vmem>>, vector<1x192x256xf32>
      %swap3A_432 = vector.shape_cast %swap3A_431 : vector<1x192x256xf32> to vector<192x256xf32>
      %swap3A_433 = vector.shape_cast %add3A_428 : vector<192x256xf32> to vector<1x192x256xf32>
      tpu.vector_store %arg10[%swap3A, %swap3A_429, %swap3A_430], %swap3A_433 {strides = array<i32>} : memref<8x192x256xf32, #tpu.memory_space<vmem>>, vector<1x192x256xf32>,
    } else {
    }
    %slice3A_306 = vector.extract_strided_slice %mul3A_239 {offsets = [0, 1536], sizes = [192, 256], strides = [1, 1]} : vector<192x2048xf32> to vector<192x256xf32>
    %eq3A_307 = arith.constant 0 : i32
    %eq3A_308 = arith.cmpi eq, %arg0, %eq3A_307 : i32
    %convert_element_type3A_309 = arith.extui %eq3A_308 : i1 to i32
    %cond3A_310 = arith.constant 0 : i32
    %cond3A_311 = arith.cmpi ne, %convert_element_type3A_309, %cond3A_310 : i32
    scf.if %cond3A_311 {
      %swap3A = arith.constant 6 : index
      %swap3A_423 = arith.constant 0 : index
      %swap3A_424 = arith.constant 0 : index
      %swap3A_425 = vector.load %arg10[%swap3A, %swap3A_423, %swap3A_424] : memref<8x192x256xf32, #tpu.memory_space<vmem>>, vector<1x192x256xf32>
      %swap3A_426 = vector.shape_cast %swap3A_425 : vector<1x192x256xf32> to vector<192x256xf32>
      %swap3A_427 = vector.shape_cast %slice3A_306 : vector<192x256xf32> to vector<1x192x256xf32>
      tpu.vector_store %arg10[%swap3A, %swap3A_423, %swap3A_424], %swap3A_427 {strides = array<i32>} : memref<8x192x256xf32, #tpu.memory_space<vmem>>, vector<1x192x256xf32>,
    } else {
    }
    %gt3A_312 = arith.constant 0 : i32
    %gt3A_313 = arith.cmpi sgt, %arg0, %gt3A_312 : i32
    %convert_element_type3A_314 = arith.extui %gt3A_313 : i1 to i32
    %cond3A_315 = arith.constant 0 : i32
    %cond3A_316 = arith.cmpi ne, %convert_element_type3A_314, %cond3A_315 : i32
    scf.if %cond3A_316 {
      %get3A_423 = arith.constant 6 : index
      %get3A_424 = arith.constant 0 : index
      %get3A_425 = arith.constant 0 : index
      %get3A_426 = vector.load %arg10[%get3A_423, %get3A_424, %get3A_425] : memref<8x192x256xf32, #tpu.memory_space<vmem>>, vector<1x192x256xf32>
      %get3A_427 = vector.shape_cast %get3A_426 : vector<1x192x256xf32> to vector<192x256xf32>
      %add3A_428 = arith.addf %get3A_427, %slice3A_306 : vector<192x256xf32>
      %swap3A = arith.constant 6 : index
      %swap3A_429 = arith.constant 0 : index
      %swap3A_430 = arith.constant 0 : index
      %swap3A_431 = vector.load %arg10[%swap3A, %swap3A_429, %swap3A_430] : memref<8x192x256xf32, #tpu.memory_space<vmem>>, vector<1x192x256xf32>
      %swap3A_432 = vector.shape_cast %swap3A_431 : vector<1x192x256xf32> to vector<192x256xf32>
      %swap3A_433 = vector.shape_cast %add3A_428 : vector<192x256xf32> to vector<1x192x256xf32>
      tpu.vector_store %arg10[%swap3A, %swap3A_429, %swap3A_430], %swap3A_433 {strides = array<i32>} : memref<8x192x256xf32, #tpu.memory_space<vmem>>, vector<1x192x256xf32>,
    } else {
    }
    %slice3A_317 = vector.extract_strided_slice %mul3A_239 {offsets = [0, 1792], sizes = [192, 256], strides = [1, 1]} : vector<192x2048xf32> to vector<192x256xf32>
    %eq3A_318 = arith.constant 0 : i32
    %eq3A_319 = arith.cmpi eq, %arg0, %eq3A_318 : i32
    %convert_element_type3A_320 = arith.extui %eq3A_319 : i1 to i32
    %cond3A_321 = arith.constant 0 : i32
    %cond3A_322 = arith.cmpi ne, %convert_element_type3A_320, %cond3A_321 : i32
    scf.if %cond3A_322 {
      %swap3A = arith.constant 7 : index
      %swap3A_423 = arith.constant 0 : index
      %swap3A_424 = arith.constant 0 : index
      %swap3A_425 = vector.load %arg10[%swap3A, %swap3A_423, %swap3A_424] : memref<8x192x256xf32, #tpu.memory_space<vmem>>, vector<1x192x256xf32>
      %swap3A_426 = vector.shape_cast %swap3A_425 : vector<1x192x256xf32> to vector<192x256xf32>
      %swap3A_427 = vector.shape_cast %slice3A_317 : vector<192x256xf32> to vector<1x192x256xf32>
      tpu.vector_store %arg10[%swap3A, %swap3A_423, %swap3A_424], %swap3A_427 {strides = array<i32>} : memref<8x192x256xf32, #tpu.memory_space<vmem>>, vector<1x192x256xf32>,
    } else {
    }
    %gt3A_323 = arith.constant 0 : i32
    %gt3A_324 = arith.cmpi sgt, %arg0, %gt3A_323 : i32
    %convert_element_type3A_325 = arith.extui %gt3A_324 : i1 to i32
    %cond3A_326 = arith.constant 0 : i32
    %cond3A_327 = arith.cmpi ne, %convert_element_type3A_325, %cond3A_326 : i32
    scf.if %cond3A_327 {
      %get3A_423 = arith.constant 7 : index
      %get3A_424 = arith.constant 0 : index
      %get3A_425 = arith.constant 0 : index
      %get3A_426 = vector.load %arg10[%get3A_423, %get3A_424, %get3A_425] : memref<8x192x256xf32, #tpu.memory_space<vmem>>, vector<1x192x256xf32>
      %get3A_427 = vector.shape_cast %get3A_426 : vector<1x192x256xf32> to vector<192x256xf32>
      %add3A_428 = arith.addf %get3A_427, %slice3A_317 : vector<192x256xf32>
      %swap3A = arith.constant 7 : index
      %swap3A_429 = arith.constant 0 : index
      %swap3A_430 = arith.constant 0 : index
      %swap3A_431 = vector.load %arg10[%swap3A, %swap3A_429, %swap3A_430] : memref<8x192x256xf32, #tpu.memory_space<vmem>>, vector<1x192x256xf32>
      %swap3A_432 = vector.shape_cast %swap3A_431 : vector<1x192x256xf32> to vector<192x256xf32>
      %swap3A_433 = vector.shape_cast %add3A_428 : vector<192x256xf32> to vector<1x192x256xf32>
      tpu.vector_store %arg10[%swap3A, %swap3A_429, %swap3A_430], %swap3A_433 {strides = array<i32>} : memref<8x192x256xf32, #tpu.memory_space<vmem>>, vector<1x192x256xf32>,
    } else {
    }
    %get3A_328 = arith.index_cast %arg0 : i32 to index
    %get3A_329 = arith.constant 3 : index
    %get3A_330 = arith.constant 0 : index
    %get3A_331 = vector.load %arg13[%get3A_328, %get3A_329, %get3A_330] : memref<8x4x2048xf32, #tpu.memory_space<vmem>>, vector<1x1x2048xf32>
    %get3A_332 = vector.shape_cast %get3A_331 : vector<1x1x2048xf32> to vector<1x2048xf32>
    %mul3A_333 = vector.broadcast %get3A_332 : vector<1x2048xf32> to vector<192x2048xf32>
    %mul3A_334 = arith.mulf %mul3A_333, %add3A_44 : vector<192x2048xf32>
    %slice3A_335 = vector.extract_strided_slice %mul3A_334 {offsets = [0, 0], sizes = [192, 256], strides = [1, 1]} : vector<192x2048xf32> to vector<192x256xf32>
    %eq3A_336 = arith.constant 0 : i32
    %eq3A_337 = arith.cmpi eq, %arg0, %eq3A_336 : i32
    %convert_element_type3A_338 = arith.extui %eq3A_337 : i1 to i32
    %cond3A_339 = arith.constant 0 : i32
    %cond3A_340 = arith.cmpi ne, %convert_element_type3A_338, %cond3A_339 : i32
    scf.if %cond3A_340 {
      %swap3A = arith.constant 0 : index
      %swap3A_423 = arith.constant 0 : index
      %swap3A_424 = arith.constant 0 : index
      %swap3A_425 = vector.load %arg11[%swap3A, %swap3A_423, %swap3A_424] : memref<8x192x256xf32, #tpu.memory_space<vmem>>, vector<1x192x256xf32>
      %swap3A_426 = vector.shape_cast %swap3A_425 : vector<1x192x256xf32> to vector<192x256xf32>
      %swap3A_427 = vector.shape_cast %slice3A_335 : vector<192x256xf32> to vector<1x192x256xf32>
      tpu.vector_store %arg11[%swap3A, %swap3A_423, %swap3A_424], %swap3A_427 {strides = array<i32>} : memref<8x192x256xf32, #tpu.memory_space<vmem>>, vector<1x192x256xf32>,
    } else {
    }
    %gt3A_341 = arith.constant 0 : i32
    %gt3A_342 = arith.cmpi sgt, %arg0, %gt3A_341 : i32
    %convert_element_type3A_343 = arith.extui %gt3A_342 : i1 to i32
    %cond3A_344 = arith.constant 0 : i32
    %cond3A_345 = arith.cmpi ne, %convert_element_type3A_343, %cond3A_344 : i32
    scf.if %cond3A_345 {
      %get3A_423 = arith.constant 0 : index
      %get3A_424 = arith.constant 0 : index
      %get3A_425 = arith.constant 0 : index
      %get3A_426 = vector.load %arg11[%get3A_423, %get3A_424, %get3A_425] : memref<8x192x256xf32, #tpu.memory_space<vmem>>, vector<1x192x256xf32>
      %get3A_427 = vector.shape_cast %get3A_426 : vector<1x192x256xf32> to vector<192x256xf32>
      %add3A_428 = arith.addf %get3A_427, %slice3A_335 : vector<192x256xf32>
      %swap3A = arith.constant 0 : index
      %swap3A_429 = arith.constant 0 : index
      %swap3A_430 = arith.constant 0 : index
      %swap3A_431 = vector.load %arg11[%swap3A, %swap3A_429, %swap3A_430] : memref<8x192x256xf32, #tpu.memory_space<vmem>>, vector<1x192x256xf32>
      %swap3A_432 = vector.shape_cast %swap3A_431 : vector<1x192x256xf32> to vector<192x256xf32>
      %swap3A_433 = vector.shape_cast %add3A_428 : vector<192x256xf32> to vector<1x192x256xf32>
      tpu.vector_store %arg11[%swap3A, %swap3A_429, %swap3A_430], %swap3A_433 {strides = array<i32>} : memref<8x192x256xf32, #tpu.memory_space<vmem>>, vector<1x192x256xf32>,
    } else {
    }
    %slice3A_346 = vector.extract_strided_slice %mul3A_334 {offsets = [0, 256], sizes = [192, 256], strides = [1, 1]} : vector<192x2048xf32> to vector<192x256xf32>
    %eq3A_347 = arith.constant 0 : i32
    %eq3A_348 = arith.cmpi eq, %arg0, %eq3A_347 : i32
    %convert_element_type3A_349 = arith.extui %eq3A_348 : i1 to i32
    %cond3A_350 = arith.constant 0 : i32
    %cond3A_351 = arith.cmpi ne, %convert_element_type3A_349, %cond3A_350 : i32
    scf.if %cond3A_351 {
      %swap3A = arith.constant 1 : index
      %swap3A_423 = arith.constant 0 : index
      %swap3A_424 = arith.constant 0 : index
      %swap3A_425 = vector.load %arg11[%swap3A, %swap3A_423, %swap3A_424] : memref<8x192x256xf32, #tpu.memory_space<vmem>>, vector<1x192x256xf32>
      %swap3A_426 = vector.shape_cast %swap3A_425 : vector<1x192x256xf32> to vector<192x256xf32>
      %swap3A_427 = vector.shape_cast %slice3A_346 : vector<192x256xf32> to vector<1x192x256xf32>
      tpu.vector_store %arg11[%swap3A, %swap3A_423, %swap3A_424], %swap3A_427 {strides = array<i32>} : memref<8x192x256xf32, #tpu.memory_space<vmem>>, vector<1x192x256xf32>,
    } else {
    }
    %gt3A_352 = arith.constant 0 : i32
    %gt3A_353 = arith.cmpi sgt, %arg0, %gt3A_352 : i32
    %convert_element_type3A_354 = arith.extui %gt3A_353 : i1 to i32
    %cond3A_355 = arith.constant 0 : i32
    %cond3A_356 = arith.cmpi ne, %convert_element_type3A_354, %cond3A_355 : i32
    scf.if %cond3A_356 {
      %get3A_423 = arith.constant 1 : index
      %get3A_424 = arith.constant 0 : index
      %get3A_425 = arith.constant 0 : index
      %get3A_426 = vector.load %arg11[%get3A_423, %get3A_424, %get3A_425] : memref<8x192x256xf32, #tpu.memory_space<vmem>>, vector<1x192x256xf32>
      %get3A_427 = vector.shape_cast %get3A_426 : vector<1x192x256xf32> to vector<192x256xf32>
      %add3A_428 = arith.addf %get3A_427, %slice3A_346 : vector<192x256xf32>
      %swap3A = arith.constant 1 : index
      %swap3A_429 = arith.constant 0 : index
      %swap3A_430 = arith.constant 0 : index
      %swap3A_431 = vector.load %arg11[%swap3A, %swap3A_429, %swap3A_430] : memref<8x192x256xf32, #tpu.memory_space<vmem>>, vector<1x192x256xf32>
      %swap3A_432 = vector.shape_cast %swap3A_431 : vector<1x192x256xf32> to vector<192x256xf32>
      %swap3A_433 = vector.shape_cast %add3A_428 : vector<192x256xf32> to vector<1x192x256xf32>
      tpu.vector_store %arg11[%swap3A, %swap3A_429, %swap3A_430], %swap3A_433 {strides = array<i32>} : memref<8x192x256xf32, #tpu.memory_space<vmem>>, vector<1x192x256xf32>,
    } else {
    }
    %slice3A_357 = vector.extract_strided_slice %mul3A_334 {offsets = [0, 512], sizes = [192, 256], strides = [1, 1]} : vector<192x2048xf32> to vector<192x256xf32>
    %eq3A_358 = arith.constant 0 : i32
    %eq3A_359 = arith.cmpi eq, %arg0, %eq3A_358 : i32
    %convert_element_type3A_360 = arith.extui %eq3A_359 : i1 to i32
    %cond3A_361 = arith.constant 0 : i32
    %cond3A_362 = arith.cmpi ne, %convert_element_type3A_360, %cond3A_361 : i32
    scf.if %cond3A_362 {
      %swap3A = arith.constant 2 : index
      %swap3A_423 = arith.constant 0 : index
      %swap3A_424 = arith.constant 0 : index
      %swap3A_425 = vector.load %arg11[%swap3A, %swap3A_423, %swap3A_424] : memref<8x192x256xf32, #tpu.memory_space<vmem>>, vector<1x192x256xf32>
      %swap3A_426 = vector.shape_cast %swap3A_425 : vector<1x192x256xf32> to vector<192x256xf32>
      %swap3A_427 = vector.shape_cast %slice3A_357 : vector<192x256xf32> to vector<1x192x256xf32>
      tpu.vector_store %arg11[%swap3A, %swap3A_423, %swap3A_424], %swap3A_427 {strides = array<i32>} : memref<8x192x256xf32, #tpu.memory_space<vmem>>, vector<1x192x256xf32>,
    } else {
    }
    %gt3A_363 = arith.constant 0 : i32
    %gt3A_364 = arith.cmpi sgt, %arg0, %gt3A_363 : i32
    %convert_element_type3A_365 = arith.extui %gt3A_364 : i1 to i32
    %cond3A_366 = arith.constant 0 : i32
    %cond3A_367 = arith.cmpi ne, %convert_element_type3A_365, %cond3A_366 : i32
    scf.if %cond3A_367 {
      %get3A_423 = arith.constant 2 : index
      %get3A_424 = arith.constant 0 : index
      %get3A_425 = arith.constant 0 : index
      %get3A_426 = vector.load %arg11[%get3A_423, %get3A_424, %get3A_425] : memref<8x192x256xf32, #tpu.memory_space<vmem>>, vector<1x192x256xf32>
      %get3A_427 = vector.shape_cast %get3A_426 : vector<1x192x256xf32> to vector<192x256xf32>
      %add3A_428 = arith.addf %get3A_427, %slice3A_357 : vector<192x256xf32>
      %swap3A = arith.constant 2 : index
      %swap3A_429 = arith.constant 0 : index
      %swap3A_430 = arith.constant 0 : index
      %swap3A_431 = vector.load %arg11[%swap3A, %swap3A_429, %swap3A_430] : memref<8x192x256xf32, #tpu.memory_space<vmem>>, vector<1x192x256xf32>
      %swap3A_432 = vector.shape_cast %swap3A_431 : vector<1x192x256xf32> to vector<192x256xf32>
      %swap3A_433 = vector.shape_cast %add3A_428 : vector<192x256xf32> to vector<1x192x256xf32>
      tpu.vector_store %arg11[%swap3A, %swap3A_429, %swap3A_430], %swap3A_433 {strides = array<i32>} : memref<8x192x256xf32, #tpu.memory_space<vmem>>, vector<1x192x256xf32>,
    } else {
    }
    %slice3A_368 = vector.extract_strided_slice %mul3A_334 {offsets = [0, 768], sizes = [192, 256], strides = [1, 1]} : vector<192x2048xf32> to vector<192x256xf32>
    %eq3A_369 = arith.constant 0 : i32
    %eq3A_370 = arith.cmpi eq, %arg0, %eq3A_369 : i32
    %convert_element_type3A_371 = arith.extui %eq3A_370 : i1 to i32
    %cond3A_372 = arith.constant 0 : i32
    %cond3A_373 = arith.cmpi ne, %convert_element_type3A_371, %cond3A_372 : i32
    scf.if %cond3A_373 {
      %swap3A = arith.constant 3 : index
      %swap3A_423 = arith.constant 0 : index
      %swap3A_424 = arith.constant 0 : index
      %swap3A_425 = vector.load %arg11[%swap3A, %swap3A_423, %swap3A_424] : memref<8x192x256xf32, #tpu.memory_space<vmem>>, vector<1x192x256xf32>
      %swap3A_426 = vector.shape_cast %swap3A_425 : vector<1x192x256xf32> to vector<192x256xf32>
      %swap3A_427 = vector.shape_cast %slice3A_368 : vector<192x256xf32> to vector<1x192x256xf32>
      tpu.vector_store %arg11[%swap3A, %swap3A_423, %swap3A_424], %swap3A_427 {strides = array<i32>} : memref<8x192x256xf32, #tpu.memory_space<vmem>>, vector<1x192x256xf32>,
    } else {
    }
    %gt3A_374 = arith.constant 0 : i32
    %gt3A_375 = arith.cmpi sgt, %arg0, %gt3A_374 : i32
    %convert_element_type3A_376 = arith.extui %gt3A_375 : i1 to i32
    %cond3A_377 = arith.constant 0 : i32
    %cond3A_378 = arith.cmpi ne, %convert_element_type3A_376, %cond3A_377 : i32
    scf.if %cond3A_378 {
      %get3A_423 = arith.constant 3 : index
      %get3A_424 = arith.constant 0 : index
      %get3A_425 = arith.constant 0 : index
      %get3A_426 = vector.load %arg11[%get3A_423, %get3A_424, %get3A_425] : memref<8x192x256xf32, #tpu.memory_space<vmem>>, vector<1x192x256xf32>
      %get3A_427 = vector.shape_cast %get3A_426 : vector<1x192x256xf32> to vector<192x256xf32>
      %add3A_428 = arith.addf %get3A_427, %slice3A_368 : vector<192x256xf32>
      %swap3A = arith.constant 3 : index
      %swap3A_429 = arith.constant 0 : index
      %swap3A_430 = arith.constant 0 : index
      %swap3A_431 = vector.load %arg11[%swap3A, %swap3A_429, %swap3A_430] : memref<8x192x256xf32, #tpu.memory_space<vmem>>, vector<1x192x256xf32>
      %swap3A_432 = vector.shape_cast %swap3A_431 : vector<1x192x256xf32> to vector<192x256xf32>
      %swap3A_433 = vector.shape_cast %add3A_428 : vector<192x256xf32> to vector<1x192x256xf32>
      tpu.vector_store %arg11[%swap3A, %swap3A_429, %swap3A_430], %swap3A_433 {strides = array<i32>} : memref<8x192x256xf32, #tpu.memory_space<vmem>>, vector<1x192x256xf32>,
    } else {
    }
    %slice3A_379 = vector.extract_strided_slice %mul3A_334 {offsets = [0, 1024], sizes = [192, 256], strides = [1, 1]} : vector<192x2048xf32> to vector<192x256xf32>
    %eq3A_380 = arith.constant 0 : i32
    %eq3A_381 = arith.cmpi eq, %arg0, %eq3A_380 : i32
    %convert_element_type3A_382 = arith.extui %eq3A_381 : i1 to i32
    %cond3A_383 = arith.constant 0 : i32
    %cond3A_384 = arith.cmpi ne, %convert_element_type3A_382, %cond3A_383 : i32
    scf.if %cond3A_384 {
      %swap3A = arith.constant 4 : index
      %swap3A_423 = arith.constant 0 : index
      %swap3A_424 = arith.constant 0 : index
      %swap3A_425 = vector.load %arg11[%swap3A, %swap3A_423, %swap3A_424] : memref<8x192x256xf32, #tpu.memory_space<vmem>>, vector<1x192x256xf32>
      %swap3A_426 = vector.shape_cast %swap3A_425 : vector<1x192x256xf32> to vector<192x256xf32>
      %swap3A_427 = vector.shape_cast %slice3A_379 : vector<192x256xf32> to vector<1x192x256xf32>
      tpu.vector_store %arg11[%swap3A, %swap3A_423, %swap3A_424], %swap3A_427 {strides = array<i32>} : memref<8x192x256xf32, #tpu.memory_space<vmem>>, vector<1x192x256xf32>,
    } else {
    }
    %gt3A_385 = arith.constant 0 : i32
    %gt3A_386 = arith.cmpi sgt, %arg0, %gt3A_385 : i32
    %convert_element_type3A_387 = arith.extui %gt3A_386 : i1 to i32
    %cond3A_388 = arith.constant 0 : i32
    %cond3A_389 = arith.cmpi ne, %convert_element_type3A_387, %cond3A_388 : i32
    scf.if %cond3A_389 {
      %get3A_423 = arith.constant 4 : index
      %get3A_424 = arith.constant 0 : index
      %get3A_425 = arith.constant 0 : index
      %get3A_426 = vector.load %arg11[%get3A_423, %get3A_424, %get3A_425] : memref<8x192x256xf32, #tpu.memory_space<vmem>>, vector<1x192x256xf32>
      %get3A_427 = vector.shape_cast %get3A_426 : vector<1x192x256xf32> to vector<192x256xf32>
      %add3A_428 = arith.addf %get3A_427, %slice3A_379 : vector<192x256xf32>
      %swap3A = arith.constant 4 : index
      %swap3A_429 = arith.constant 0 : index
      %swap3A_430 = arith.constant 0 : index
      %swap3A_431 = vector.load %arg11[%swap3A, %swap3A_429, %swap3A_430] : memref<8x192x256xf32, #tpu.memory_space<vmem>>, vector<1x192x256xf32>
      %swap3A_432 = vector.shape_cast %swap3A_431 : vector<1x192x256xf32> to vector<192x256xf32>
      %swap3A_433 = vector.shape_cast %add3A_428 : vector<192x256xf32> to vector<1x192x256xf32>
      tpu.vector_store %arg11[%swap3A, %swap3A_429, %swap3A_430], %swap3A_433 {strides = array<i32>} : memref<8x192x256xf32, #tpu.memory_space<vmem>>, vector<1x192x256xf32>,
    } else {
    }
    %slice3A_390 = vector.extract_strided_slice %mul3A_334 {offsets = [0, 1280], sizes = [192, 256], strides = [1, 1]} : vector<192x2048xf32> to vector<192x256xf32>
    %eq3A_391 = arith.constant 0 : i32
    %eq3A_392 = arith.cmpi eq, %arg0, %eq3A_391 : i32
    %convert_element_type3A_393 = arith.extui %eq3A_392 : i1 to i32
    %cond3A_394 = arith.constant 0 : i32
    %cond3A_395 = arith.cmpi ne, %convert_element_type3A_393, %cond3A_394 : i32
    scf.if %cond3A_395 {
      %swap3A = arith.constant 5 : index
      %swap3A_423 = arith.constant 0 : index
      %swap3A_424 = arith.constant 0 : index
      %swap3A_425 = vector.load %arg11[%swap3A, %swap3A_423, %swap3A_424] : memref<8x192x256xf32, #tpu.memory_space<vmem>>, vector<1x192x256xf32>
      %swap3A_426 = vector.shape_cast %swap3A_425 : vector<1x192x256xf32> to vector<192x256xf32>
      %swap3A_427 = vector.shape_cast %slice3A_390 : vector<192x256xf32> to vector<1x192x256xf32>
      tpu.vector_store %arg11[%swap3A, %swap3A_423, %swap3A_424], %swap3A_427 {strides = array<i32>} : memref<8x192x256xf32, #tpu.memory_space<vmem>>, vector<1x192x256xf32>,
    } else {
    }
    %gt3A_396 = arith.constant 0 : i32
    %gt3A_397 = arith.cmpi sgt, %arg0, %gt3A_396 : i32
    %convert_element_type3A_398 = arith.extui %gt3A_397 : i1 to i32
    %cond3A_399 = arith.constant 0 : i32
    %cond3A_400 = arith.cmpi ne, %convert_element_type3A_398, %cond3A_399 : i32
    scf.if %cond3A_400 {
      %get3A_423 = arith.constant 5 : index
      %get3A_424 = arith.constant 0 : index
      %get3A_425 = arith.constant 0 : index
      %get3A_426 = vector.load %arg11[%get3A_423, %get3A_424, %get3A_425] : memref<8x192x256xf32, #tpu.memory_space<vmem>>, vector<1x192x256xf32>
      %get3A_427 = vector.shape_cast %get3A_426 : vector<1x192x256xf32> to vector<192x256xf32>
      %add3A_428 = arith.addf %get3A_427, %slice3A_390 : vector<192x256xf32>
      %swap3A = arith.constant 5 : index
      %swap3A_429 = arith.constant 0 : index
      %swap3A_430 = arith.constant 0 : index
      %swap3A_431 = vector.load %arg11[%swap3A, %swap3A_429, %swap3A_430] : memref<8x192x256xf32, #tpu.memory_space<vmem>>, vector<1x192x256xf32>
      %swap3A_432 = vector.shape_cast %swap3A_431 : vector<1x192x256xf32> to vector<192x256xf32>
      %swap3A_433 = vector.shape_cast %add3A_428 : vector<192x256xf32> to vector<1x192x256xf32>
      tpu.vector_store %arg11[%swap3A, %swap3A_429, %swap3A_430], %swap3A_433 {strides = array<i32>} : memref<8x192x256xf32, #tpu.memory_space<vmem>>, vector<1x192x256xf32>,
    } else {
    }
    %slice3A_401 = vector.extract_strided_slice %mul3A_334 {offsets = [0, 1536], sizes = [192, 256], strides = [1, 1]} : vector<192x2048xf32> to vector<192x256xf32>
    %eq3A_402 = arith.constant 0 : i32
    %eq3A_403 = arith.cmpi eq, %arg0, %eq3A_402 : i32
    %convert_element_type3A_404 = arith.extui %eq3A_403 : i1 to i32
    %cond3A_405 = arith.constant 0 : i32
    %cond3A_406 = arith.cmpi ne, %convert_element_type3A_404, %cond3A_405 : i32
    scf.if %cond3A_406 {
      %swap3A = arith.constant 6 : index
      %swap3A_423 = arith.constant 0 : index
      %swap3A_424 = arith.constant 0 : index
      %swap3A_425 = vector.load %arg11[%swap3A, %swap3A_423, %swap3A_424] : memref<8x192x256xf32, #tpu.memory_space<vmem>>, vector<1x192x256xf32>
      %swap3A_426 = vector.shape_cast %swap3A_425 : vector<1x192x256xf32> to vector<192x256xf32>
      %swap3A_427 = vector.shape_cast %slice3A_401 : vector<192x256xf32> to vector<1x192x256xf32>
      tpu.vector_store %arg11[%swap3A, %swap3A_423, %swap3A_424], %swap3A_427 {strides = array<i32>} : memref<8x192x256xf32, #tpu.memory_space<vmem>>, vector<1x192x256xf32>,
    } else {
    }
    %gt3A_407 = arith.constant 0 : i32
    %gt3A_408 = arith.cmpi sgt, %arg0, %gt3A_407 : i32
    %convert_element_type3A_409 = arith.extui %gt3A_408 : i1 to i32
    %cond3A_410 = arith.constant 0 : i32
    %cond3A_411 = arith.cmpi ne, %convert_element_type3A_409, %cond3A_410 : i32
    scf.if %cond3A_411 {
      %get3A_423 = arith.constant 6 : index
      %get3A_424 = arith.constant 0 : index
      %get3A_425 = arith.constant 0 : index
      %get3A_426 = vector.load %arg11[%get3A_423, %get3A_424, %get3A_425] : memref<8x192x256xf32, #tpu.memory_space<vmem>>, vector<1x192x256xf32>
      %get3A_427 = vector.shape_cast %get3A_426 : vector<1x192x256xf32> to vector<192x256xf32>
      %add3A_428 = arith.addf %get3A_427, %slice3A_401 : vector<192x256xf32>
      %swap3A = arith.constant 6 : index
      %swap3A_429 = arith.constant 0 : index
      %swap3A_430 = arith.constant 0 : index
      %swap3A_431 = vector.load %arg11[%swap3A, %swap3A_429, %swap3A_430] : memref<8x192x256xf32, #tpu.memory_space<vmem>>, vector<1x192x256xf32>
      %swap3A_432 = vector.shape_cast %swap3A_431 : vector<1x192x256xf32> to vector<192x256xf32>
      %swap3A_433 = vector.shape_cast %add3A_428 : vector<192x256xf32> to vector<1x192x256xf32>
      tpu.vector_store %arg11[%swap3A, %swap3A_429, %swap3A_430], %swap3A_433 {strides = array<i32>} : memref<8x192x256xf32, #tpu.memory_space<vmem>>, vector<1x192x256xf32>,
    } else {
    }
    %slice3A_412 = vector.extract_strided_slice %mul3A_334 {offsets = [0, 1792], sizes = [192, 256], strides = [1, 1]} : vector<192x2048xf32> to vector<192x256xf32>
    %eq3A_413 = arith.constant 0 : i32
    %eq3A_414 = arith.cmpi eq, %arg0, %eq3A_413 : i32
    %convert_element_type3A_415 = arith.extui %eq3A_414 : i1 to i32
    %cond3A_416 = arith.constant 0 : i32
    %cond3A_417 = arith.cmpi ne, %convert_element_type3A_415, %cond3A_416 : i32
    scf.if %cond3A_417 {
      %swap3A = arith.constant 7 : index
      %swap3A_423 = arith.constant 0 : index
      %swap3A_424 = arith.constant 0 : index
      %swap3A_425 = vector.load %arg11[%swap3A, %swap3A_423, %swap3A_424] : memref<8x192x256xf32, #tpu.memory_space<vmem>>, vector<1x192x256xf32>
      %swap3A_426 = vector.shape_cast %swap3A_425 : vector<1x192x256xf32> to vector<192x256xf32>
      %swap3A_427 = vector.shape_cast %slice3A_412 : vector<192x256xf32> to vector<1x192x256xf32>
      tpu.vector_store %arg11[%swap3A, %swap3A_423, %swap3A_424], %swap3A_427 {strides = array<i32>} : memref<8x192x256xf32, #tpu.memory_space<vmem>>, vector<1x192x256xf32>,
    } else {
    }
    %gt3A_418 = arith.constant 0 : i32
    %gt3A_419 = arith.cmpi sgt, %arg0, %gt3A_418 : i32
    %convert_element_type3A_420 = arith.extui %gt3A_419 : i1 to i32
    %cond3A_421 = arith.constant 0 : i32
    %cond3A_422 = arith.cmpi ne, %convert_element_type3A_420, %cond3A_421 : i32
    scf.if %cond3A_422 {
      %get3A_423 = arith.constant 7 : index
      %get3A_424 = arith.constant 0 : index
      %get3A_425 = arith.constant 0 : index
      %get3A_426 = vector.load %arg11[%get3A_423, %get3A_424, %get3A_425] : memref<8x192x256xf32, #tpu.memory_space<vmem>>, vector<1x192x256xf32>
      %get3A_427 = vector.shape_cast %get3A_426 : vector<1x192x256xf32> to vector<192x256xf32>
      %add3A_428 = arith.addf %get3A_427, %slice3A_412 : vector<192x256xf32>
      %swap3A = arith.constant 7 : index
      %swap3A_429 = arith.constant 0 : index
      %swap3A_430 = arith.constant 0 : index
      %swap3A_431 = vector.load %arg11[%swap3A, %swap3A_429, %swap3A_430] : memref<8x192x256xf32, #tpu.memory_space<vmem>>, vector<1x192x256xf32>
      %swap3A_432 = vector.shape_cast %swap3A_431 : vector<1x192x256xf32> to vector<192x256xf32>
      %swap3A_433 = vector.shape_cast %add3A_428 : vector<192x256xf32> to vector<1x192x256xf32>
      tpu.vector_store %arg11[%swap3A, %swap3A_429, %swap3A_430], %swap3A_433 {strides = array<i32>} : memref<8x192x256xf32, #tpu.memory_space<vmem>>, vector<1x192x256xf32>,
    } else {
    }
    return
  }
  func.func @transform_0(%arg0: i32) -> (i32, i32) {
    %c0_i32 = arith.constant 0 : i32
    %c0_i32_0 = arith.constant 0 : i32
    %c0_i32_1 = arith.constant 0 : i32
    return %c0_i32, %c0_i32_0 : i32, i32
  }
  func.func @transform_1(%arg0: i32) -> (i32, i32, i32) {
    %c0_i32 = arith.constant 0 : i32
    %c0_i32_0 = arith.constant 0 : i32
    %c0_i32_1 = arith.constant 0 : i32
    %c0_i32_2 = arith.constant 0 : i32
    return %c0_i32, %c0_i32_0, %c0_i32_1 : i32, i32, i32
  }
  func.func @transform_2(%arg0: i32) -> (i32, i32, i32) {
    %c0_i32 = arith.constant 0 : i32
    %c0_i32_0 = arith.constant 0 : i32
    %c0_i32_1 = arith.constant 0 : i32
    return %arg0, %c0_i32, %c0_i32_0 : i32, i32, i32
  }
  func.func @transform_3(%arg0: i32) -> (i32, i32, i32) {
    %c0_i32 = arith.constant 0 : i32
    %c0_i32_0 = arith.constant 0 : i32
    %c0_i32_1 = arith.constant 0 : i32
    return %arg0, %c0_i32, %c0_i32_0 : i32, i32, i32
  }
  func.func @transform_4(%arg0: i32) -> (i32, i32, i32) {
    %c0_i32 = arith.constant 0 : i32
    %c0_i32_0 = arith.constant 0 : i32
    %c0_i32_1 = arith.constant 0 : i32
    return %arg0, %c0_i32, %c0_i32_0 : i32, i32, i32
  }
  func.func @transform_5(%arg0: i32) -> (i32, i32, i32) {
    %c0_i32 = arith.constant 0 : i32
    %c0_i32_0 = arith.constant 0 : i32
    %c0_i32_1 = arith.constant 0 : i32
    return %arg0, %c0_i32, %c0_i32_0 : i32, i32, i32
  }
  func.func @transform_6(%arg0: i32) -> (i32, i32, i32) {
    %c0_i32 = arith.constant 0 : i32
    %c0_i32_0 = arith.constant 0 : i32
    %c0_i32_1 = arith.constant 0 : i32
    %c0_i32_2 = arith.constant 0 : i32
    return %c0_i32, %c0_i32_0, %c0_i32_1 : i32, i32, i32
  }
  func.func @transform_7(%arg0: i32) -> (i32, i32, i32) {
    %c0_i32 = arith.constant 0 : i32
    %c0_i32_0 = arith.constant 0 : i32
    %c0_i32_1 = arith.constant 0 : i32
    %c0_i32_2 = arith.constant 0 : i32
    return %c0_i32, %c0_i32_0, %c0_i32_1 : i32, i32, i32
  }
  func.func @transform_8(%arg0: i32) -> (i32, i32, i32) {
    %c0_i32 = arith.constant 0 : i32
    %c0_i32_0 = arith.constant 0 : i32
    %c0_i32_1 = arith.constant 0 : i32
    %c0_i32_2 = arith.constant 0 : i32
    return %c0_i32, %c0_i32_0, %c0_i32_1 : i32, i32, i32
  }
  func.func @transform_9(%arg0: i32) -> (i32, i32, i32) {
    %c0_i32 = arith.constant 0 : i32
    %c0_i32_0 = arith.constant 0 : i32
    %c0_i32_1 = arith.constant 0 : i32
    %c0_i32_2 = arith.constant 0 : i32
    return %c0_i32, %c0_i32_0, %c0_i32_1 : i32, i32, i32
  }
  func.func @transform_10(%arg0: i32) -> (i32, i32, i32) {
    %c0_i32 = arith.constant 0 : i32
    %c0_i32_0 = arith.constant 0 : i32
    %c0_i32_1 = arith.constant 0 : i32
    %c0_i32_2 = arith.constant 0 : i32
    return %c0_i32, %c0_i32_0, %c0_i32_1 : i32, i32, i32
  }
}

</mosaic_0001>

<sc_bundles>
// kernel: _moe.5.cloned.1.call-start
scs
__scs_entry_jumppad:
0x0: {  	(pc) =	sbr.rel $0x88, $3  }
0x1: {  	(tag) =	ssettag $0x0;
	lr =	simm.s32 $0x1  }
0x2: {  	[smem:$0x3F9B] =	sst lr;
	_ =	strace $0xD0000000  }
0x3: {  	_ = 	snop  }
0x4: {  	_ = 	snop  }
0x5: {  	_ = 	snop  }
0x6: {  	_ = 	snop  }
0x7: {  	_ = 	snop  }
__scs_overlays_trampoline_lowered:
0x8: {  	[smem:$0x3FAA] =	sst s0  }
0x9: {  	[smem:$0x3FAB] =	sst s1  }
0xa: {  	[smem:$0x3FAC] =	sst s2  }
0xb: {  	[smem:$0x3FAD] =	sst s3  }
0xc: {  	[smem:$0x3FAE] =	sst s4  }
0xd: {  	[smem:$0x3FAF] =	sst s5  }
0xe: {  	[smem:$0x3FB0] =	sst s6  }
0xf: {  	[smem:$0x3FB1] =	sst s7  }
0x10: {  	[smem:$0x3FB2] =	sst s8  }
0x11: {  	[smem:$0x3FB3] =	sst s9;
	s0 =	simm.s32 @!p0 $0x0  }
0x12: {  	s1 =	sld [smem:$0x3F99];
	s0 =	simm.s32 @p0 $0x1  }
0x13: {  	[smem:$0x3FB4] =	sst s0;
	s0 =	simm.s32 @!p1 $0x0  }
0x14: {  	s2 =	sld [smem:$0x3F98];
	s0 =	simm.s32 @p1 $0x1  }
0x15: {  	[smem:$0x3FB5] =	sst s0;
	s0 =	simm.s32 @!p2 $0x0  }
0x16: {  	s3 =	sld [smem:$0x3FDB];
	s0 =	simm.s32 @p2 $0x1  }
0x17: {  	s4 =	simm.s32 $0x1BF5;
	[smem:$0x3FB7] =	sst s0  }
0x18: {  	s0 =	sld [smem:$0x3F9A];
	_ =	swait.ge [sflag:s4], $0x0  }
0x19: {  	s7 =	sld [smem:$0x3F9B]  }
0x1a: {  	s8 =	sadd.s32 $0xFFFFE003, lr  }
0x1b: {  	s9 =	sadd.s32 $0xFFFFFEF7, lr;
	s5 =	simm.s32 $0xFFFFFFFF;
	p2 =	slt.u32 s8, $0xFFFFF086  }
0x1c: {  	p1 =	slt.u32 s9, $0xF7A;
	s5 =	simm.s32 @!p2 $0x0  }
0x1d: {  	s5 =	simm.s32 @p1 $0x1;
	p0 =	seq.s32 s7, s2  }
0x1e: {  	s7 =	smul.u32 @!p0 $0xF7A, s2;
	p2 =	seq.s32 @!p0 s5, $0x0  }
0x1f: {  	s9 =	smul.u32 $0xF7A, s1;
	s8 =	simm.s32 @!p0 $0x1BF5;
	p2 =	por !p2, p0  }
0x20: {  	[sflag:s8] =	ssyncset.s32 @!p0 $0xFFFFF086;
	s6 =	sadd.s32 @!p0 s3, s7;
	s7 =	simm.s32 @!p0 $0x108  }
0x21: {  	s3 =	sadd.s32 s3, s9;
	s6 =	sadd.s32 @!p0 $0x88, s6;
	s7 =	simm.s32 @p2 $0x1082  }
0x22: {  	[simem:s7], [sflag:s8] =	dma.local @!p0 [hbm:s6], $0xF7A  }
0x23: {  	s9 =	sor.u32 $0xD0000000, s2;
	s6 =	simm.s32 $0x108;
	_ =	swait.ge @!p0 [sflag:s8], $0x0  }
0x24: {  	s3 =	sadd.s32 $0x88, s3;
	s6 =	simm.s32 @!p1 $0x1082;
	[sflag:s4] =	ssyncset.s32 $0xFFFFF086  }
0x25: {  	[simem:s6], [sflag:s4] =	dma.local [hbm:s3], $0xF7A  }
0x26: {  	[smem:$0x3F9B] =	sst s1;
	(tag) =	ssettag s2;
	_ =	strace s9  }
0x27: {  	s1 =	sld [smem:$0x3FAB]  }
0x28: {  	s2 =	sld [smem:$0x3FAC]  }
0x29: {  	s4 =	sld [smem:$0x3FAE]  }
0x2a: {  	p0 =	seq.s32 s5, $0x0;
	s5 =	sld [smem:$0x3FAF]  }
0x2b: {  	s6 =	sld [smem:$0x3FB0]  }
0x2c: {  	s7 =	sld [smem:$0x3FB1]  }
0x2d: {  	s3 =	simm.s32 $0x108;
	s8 =	sld [smem:$0x3FB2]  }
0x2e: {  	s3 =	simm.s32 @!p0 $0x1082;
	s9 =	sld [smem:$0x3FB3]  }
0x2f: {  	lr =	sadd.s32 s0, s3;
	s0 =	sld [smem:$0x3FAA]  }
0x30: {  	s3 =	sld [smem:$0x3FAD]  }
0x31: {  	[smem:$0x3FB6] =	sst s10  }
0x32: {  	s10 =	sld [smem:$0x3FB4];
	_ =	sdelay $0x3  }
0x33: {  	p0 =	seq.s32 s10, $0x1;
	s10 =	sld [smem:$0x3FB6];
	_ =	sdelay $0x3  }
0x34: {  	[smem:$0x3FB6] =	sst s10  }
0x35: {  	s10 =	sld [smem:$0x3FB5];
	_ =	sdelay $0x3  }
0x36: {  	p1 =	seq.s32 s10, $0x1;
	s10 =	sld [smem:$0x3FB6];
	_ =	sdelay $0x3  }
0x37: {  	[smem:$0x3FB6] =	sst s10  }
0x38: {  	s10 =	sld [smem:$0x3FB7]  }
0x39: {  	_ = 	snop;
	(pc) =	sbr.ind lr, $3  }
0x3a: {  	_ = 	snop  }
0x3b: {  	_ = 	snop  }
0x3c: {  	p2 =	seq.s32 s10, $0x1;
	s10 =	sld [smem:$0x3FB6]  }
0x3d: {  	_ =	shalt  }
0x3e: {  	_ =	shalt  }
0x3f: {  	_ =	shalt  }
0x40: {  	_ =	shalt  }
0x41: {  	_ =	shalt  }
0x42: {  	_ =	shalt  }
0x43: {  	_ =	shalt  }
0x44: {  	_ =	shalt  }
0x45: {  	_ =	shalt  }
0x46: {  	_ =	shalt  }
0x47: {  	_ =	shalt  }
0x48: {  	_ =	shalt  }
0x49: {  	_ =	shalt  }
0x4a: {  	_ =	shalt  }
0x4b: {  	_ =	shalt  }
0x4c: {  	_ =	shalt  }
0x4d: {  	_ =	shalt  }
0x4e: {  	_ =	shalt  }
0x4f: {  	_ =	shalt  }
0x50: {  	_ =	shalt  }
0x51: {  	_ =	shalt  }
0x52: {  	_ =	shalt  }
0x53: {  	_ =	shalt  }
0x54: {  	_ =	shalt  }
0x55: {  	_ =	shalt  }
0x56: {  	_ =	shalt  }
0x57: {  	_ =	shalt  }
0x58: {  	_ =	shalt  }
0x59: {  	_ =	shalt  }
0x5a: {  	_ =	shalt  }
0x5b: {  	_ =	shalt  }
0x5c: {  	_ =	shalt  }
0x5d: {  	_ =	shalt  }
0x5e: {  	_ =	shalt  }
0x5f: {  	_ =	shalt  }
0x60: {  	_ =	shalt  }
0x61: {  	_ =	shalt  }
0x62: {  	_ =	shalt  }
0x63: {  	_ =	shalt  }
0x64: {  	_ =	shalt  }
0x65: {  	_ =	shalt  }
0x66: {  	_ =	shalt  }
0x67: {  	_ =	shalt  }
0x68: {  	_ =	shalt  }
0x69: {  	_ =	shalt  }
0x6a: {  	_ =	shalt  }
0x6b: {  	_ =	shalt  }
0x6c: {  	_ =	shalt  }
0x6d: {  	_ =	shalt  }
0x6e: {  	_ =	shalt  }
0x6f: {  	_ =	shalt  }
0x70: {  	_ =	shalt  }
0x71: {  	_ =	shalt  }
0x72: {  	_ =	shalt  }
0x73: {  	_ =	shalt  }
0x74: {  	_ =	shalt  }
0x75: {  	_ =	shalt  }
0x76: {  	_ =	shalt  }
0x77: {  	_ =	shalt  }
0x78: {  	_ =	shalt  }
0x79: {  	_ =	shalt  }
0x7a: {  	_ =	shalt  }
0x7b: {  	_ =	shalt  }
0x7c: {  	_ =	shalt  }
0x7d: {  	_ =	shalt  }
0x7e: {  	_ =	shalt  }
0x7f: {  	_ =	shalt  }
0x80: {  	_ =	shalt  }
0x81: {  	_ =	shalt  }
0x82: {  	_ =	shalt  }
0x83: {  	_ =	shalt  }
0x84: {  	_ =	shalt  }
0x85: {  	_ =	shalt  }
0x86: {  	_ =	shalt  }
0x87: {  	_ =	shalt  }
.Lfunc_end0:
.L_simem_size_0:
called_computation_lowered:
.L_overlay_start_0:
0x88: {  	s2 =	sld [smem:$0x3FD9]  }
0x89: {  	s3 =	sld [smem:$0x3FFE];
	_ =	sdelay $0x1  }
0x8a: {  	s1 =	srdreg.scid  }
0x8b: {  	s0 =	sand.u32 $0x1, s1  }
0x8c: {  	s15 =	sshll.u32 s0, $0xA;
	s2 =	sadd.s32 s3, s2  }
0x8d: {  	s2 =	sadd.s32 s2, s15  }
0x8e: {  	[smem:$0x3FC2] =	sst s2  }
0x8f: {  	_ = 	snop  }
0x90: {  	s2 =	sld [smem:$0x3FD0];
	_ =	sdelay $0x2  }
0x91: {  	s16 =	simm.s32 $0xA;
	s4 =	simm.s32 $0x10  }
0x92: {  	[smem:s4], [sflag:s16] =	dma.local [hbm:s2], $0x1  }
0x93: {  	_ =	swait.eq [sflag:s16], $0x1  }
0x94: {  	s17 =	sld [smem:$0x12];
	[sflag:s16] =	ssyncset.done $0x0  }
0x95: {  	s18 =	sld [smem:$0x13];
	[sflag:s16] =	ssyncadd.s32 $0xFFFFFFFF  }
0x96: {  	s19 =	sld [smem:$0x14];
	(tm) =	ssettm $0x1  }
0x97: {  	s5 =	sld [smem:$0x3FFB];
	_ =	sdelay $0x3  }
0x98: {  	_ =	strace s5  }
0x99: {  	s5 =	sld [smem:$0x3FFC];
	_ =	sdelay $0x3  }
0x9a: {  	_ =	strace s5  }
0x9b: {  	s5 =	sld [smem:$0x3FFD];
	_ =	sdelay $0x3  }
0x9c: {  	_ =	strace s5  }
0x9d: {  	_ =	strace $0x8FFFFFFF  }
0x9e: {  	s20 =	sld [smem:$0x3FDB];
	_ =	sdelay $0x1  }
0x9f: {  	s6 =	simm.s32 $_scs_section_size  }
0xa0: {  	s7 =	simm.s32 $_size__tile_overlayer_lowered;
	s8 =	simm.s32 $_tile_overlayer_lowered  }
0xa1: {  	s23 =	simm.s32 $0x1BFF;
	s22 =	sshll.u32 s8, $0x1;
	s5 =	sadd.s32 s6, s20  }
0xa2: {  	s9 =	simm.s32 $0x0;
	s21 =	sshll.u32 s7, $0x1;
	s7 =	sadd.s32 s22, s5  }
0xa3: {  	[timem:s9], [sflag:s23] =	dma.local [hbm:s7], s21  }
0xa4: {  	_ =	swait.ge [sflag:s23], s21  }
0xa5: {  	s6 =	ssub.s32 $0x0, s21;
	[sflag:s23] =	ssyncset.done $0x0  }
0xa6: {  	[sflag:s23] =	ssyncadd.s32 s6;
	_ =	sdelay $0x1  }
0xa7: {  	s24 =	simm.s32 $0x1B8B  }
0xa8: {  	_ =	swait.ge [sflag:s24], $0x1  }
0xa9: {  	[sflag:s24] =	ssyncset.done $0x0  }
0xaa: {  	s25 =	simm.s32 $0x1B8E;
	[sflag:s24] =	ssyncadd.s32 $0xFFFFFFFF  }
0xab: {  	s26 =	simm.s32 $execute0_lowered;
	[smem:$0x3FD2] =	sst s25  }
0xac: {  	s6 =	sshll.u32 s26, $0x1;
	_ =	strace $0x80000046;
	[dreg:$0x1] =	wrdreg $0xFFFFFFFF  }
0xad: {  	s28 =	simm.s32 $_size_execute0_lowered;
	s5 =	sadd.s32 s5, s6;
	[dreg:$0x0] =	wrdreg $0x0  }
0xae: {  	s6 =	sshll.u32 s28, $0x1;
	[dreg:$0x2] =	wrdreg s5  }
0xaf: {  	[dreg:$0x3] =	wrdreg s6  }
0xb0: {  	[dreg:$0x4] =	wrdreg $0xC0  }
0xb1: {  	_ =	task [dreg:s9], $0x5FFFF  }
0xb2: {  	[dreg:$0x1] =	wrdreg $0xFFFFFFFF  }
0xb3: {  	[dreg:$0x0] =	wrdreg $0x60  }
0xb4: {  	[dreg:$0x2] =	wrdreg s18  }
0xb5: {  	[dreg:$0x3] =	wrdreg s17  }
0xb6: {  	[dreg:$0x4] =	wrdreg s19  }
0xb7: {  	[dreg:$0x5] =	wrdreg $0x9  }
0xb8: {  	_ =	task.clear_ibuf [dreg:s9], $0x6FFFF;
	_ =	strace $0x90000046  }
0xb9: {  	s29 =	simm.s32 $0x9;
	_ =	strace $0x80000048  }
0xba: {  	_ =	swait.ge [sflag:s29], $0x1  }
0xbb: {  	[sflag:s29] =	ssyncadd.s32 $0xFFFFFFFF  }
0xbc: {  	_ =	strace $0x90000048  }
0xbd: {  	_ =	sfence  }
0xbe: {  	s30 =	sld [smem:$0x0];
	_ =	sdelay $0x2  }
0xbf: {  	s31 =	sshll.u32 s1, $0xD;
	s1 =	sshrl.u32 s1, $0x2  }
0xc0: {  	s3 =	sand.u32 $0x4000, s31;
	s1 =	sadd.s32 s1, s30  }
0xc1: {  	s0 =	sor.u32 s3, s0;
	s1 =	sshll.u32 s1, $0x11  }
0xc2: {  	s0 =	sor.u32 s1, s0  }
0xc3: {  	s0 =	sadd.s32 $0x8F2B, s0  }
0xc4: {  	[sflag:s0] =	ssyncadd.remote.s32 $0x1  }
0xc5: {  	_ =	sfence.sel $0xFFFF  }
0xc6: {  	[dreg:$0x0] =	wrdreg $0xFFFFFFFF;
	(pc) =	sbr.abs _section_cstart, $3  }
0xc7: {  	[dreg:$0x1] =	wrdreg $0xFFFFFFFF  }
0xc8: {  	_ =	task.clear_ibuf [dreg:s9], $0x2FFFF;
	_ =	strace $0x9FFFFFFF  }
0xc9: {  	(tm) =	ssettm $0x7FFFFFFF  }
tec
execute0_lowered:
.L_overlay_start_1:
0x0: {  	(tag) =	ssettag $0x1  }
0x1: {  	s0 =	srdreg.scid  }
0x2: {  	s5 =	sand.u32 $0x1, s0;
	s0 =	stileid.u32  }
0x3: {  	s6 =	sor.u32 s0, s5  }
0x4: {  	p0 =	sne.s32 s6, $0x0  }
.Ltmp0:
0x5: {  	_ = 	snop;
	(pc) =	sbr.rel @p0 .LBB2_3-.Ltmp0, $4  }
0x6: {  	s1 =	rddreg [dreg:$0x0]  }
0x7: {  	s3 =	rddreg [dreg:$0x1]  }
0x8: {  	s4 =	rddreg [dreg:$0x2]  }
0x9: {  	s2 =	rddreg [dreg:$0x3];
	_ =	strace $0x80000047  }
0xa: {  	s5 =	ssub.s32 $0x2, s5  }
0xb: {  	s7 =	simm.s32 $0x1;
	s8 =	simm.s32 $0x1000;
	s6 =	sshrl.u32 s5, $0x1  }
0xc: {  	vm0 =	vmmov $0xff;
	v57 =	vlaneseq.u32;
	s9 =	simm.s32 $0x2000;
	s5 =	ssub.s32 s5, s6;
	s6 =	simm.s32 $0x0  }
.LBB2_2:
0xd: {  	[tilespmem:s6], [sflag:$0x1] =	stream.linear.gather [hbm4b:s1+s6], $0x1000, $0x38;
	[tilespmem:$0x2080] =	vst v63  }
0xe: {  	_ =	swait.ge [sflag:s7], $0x1000  }
0xf: {  	[sflag:s7] =	ssyncset.done $0x0  }
0x10: {  	[sflag:s7] =	ssyncadd.s32 $0xFFFFF000  }
0x11: {  	v1 =	vld [tilespmem:$0x0];
	_ =	sdelay $0x4  }
0x12: {  	v1 =	vnsel vm0, $0xFF61B1E6, v1  }
0x13: {  	(xrf1) =	vsort.dscd.msk.f32 $0xffff, v1, v57;
	_ =	sdelay $0xd  }
0x14: {  	v2, _, _ =	vpop (xrf1)  }
0x15: {  	v2 =	vbroadcast v2, $0x0;
	_ =	sdelay $0x1  }
0x16: {  	v1 =	vsub.f32 v1, v2;
	_ =	sdelay $0x1  }
0x17: {  	v1 =	vmul.f32 $1.442695020e+00, v1;
	_ =	sdelay $0x1  }
0x18: {  	(erf) = vpow2.f32 v1;
	_ =	sdelay $0x8  }
0x19: {  	v1 =	vpop (erf)  }
0x1a: {  	v1 =	vnsel vm0, $0x0, v1  }
0x1b: {  	(xrf2) =	vadd.scan.msk.f32 $0xffff, v1;
	_ =	sdelay $0x9  }
0x1c: {  	v50, _, _ =	vpop (xrf2)  }
0x1d: {  	v2 =	vbroadcast v50, $0xF;
	_ =	sdelay $0x1  }
0x1e: {  	(erf) = vrcp.f32 v2;
	_ =	sdelay $0x8  }
0x1f: {  	v2 =	vpop (erf)  }
0x20: {  	v1 =	vmul.f32 v2, v1;
	_ =	sdelay $0x1  }
0x21: {  	v2 =	vnsel vm0, $0xBF800000, v1  }
0x22: {  	(xrf1) =	vsort.dscd.msk.f32 $0xffff, v2, v57;
	_ =	sdelay $0x8  }
0x23: {  	v51 =	vld [tilespmem:$0x80];
	_ =	sdelay $0x4  }
0x24: {  	v2 =	vnsel vm0, $0xFF61B1E6, v51;
	v3, v4, _ =	vpop (xrf1)  }
0x25: {  	(xrf1) =	vsort.dscd.msk.f32 $0xffff, v2, v57;
	v5 =	vbroadcast v3, $0x0;
	_ =	sdelay $0x1  }
0x26: {  	v3 =	vsub.f32 v3, v5;
	_ =	sdelay $0x1  }
0x27: {  	v3 =	vmul.f32 $1.442695020e+00, v3;
	_ =	sdelay $0x1  }
0x28: {  	(erf) = vpow2.f32 v3;
	_ =	sdelay $0x7  }
0x29: {  	v52, _, _ =	vpop (xrf1)  }
0x2a: {  	v3 =	vbroadcast v52, $0x0;
	v53 =	vpop (erf)  }
0x2b: {  	v5 =	vbroadcast v53, $0x1  }
0x2c: {  	v2 =	vsub.f32 v2, v3  }
0x2d: {  	v54 =	vadd.f32 $1.000000000e+00, v5  }
0x2e: {  	v2 =	vmul.f32 $1.442695020e+00, v2  }
0x2f: {  	(erf) = vrcp.f32 v54  }
0x30: {  	(erf) = vpow2.f32 v2;
	_ =	sdelay $0x7  }
0x31: {  	v6 =	vpop (erf)  }
0x32: {  	v2 =	vpop (erf)  }
0x33: {  	v2 =	vnsel vm0, $0x0, v2  }
0x34: {  	(xrf2) =	vadd.scan.msk.f32 $0xffff, v2;
	_ =	sdelay $0x9  }
0x35: {  	v55, _, _ =	vpop (xrf2)  }
0x36: {  	v3 =	vbroadcast v55, $0xF;
	_ =	sdelay $0x1  }
0x37: {  	(erf) = vrcp.f32 v3;
	_ =	sdelay $0x8  }
0x38: {  	v3 =	vpop (erf)  }
0x39: {  	v2 =	vmul.f32 v3, v2;
	_ =	sdelay $0x1  }
0x3a: {  	v3 =	vnsel vm0, $0xBF800000, v2  }
0x3b: {  	(xrf1) =	vsort.dscd.msk.f32 $0xffff, v3, v57;
	_ =	sdelay $0x8  }
0x3c: {  	v56 =	vld [tilespmem:$0x100];
	_ =	sdelay $0x4  }
0x3d: {  	v3 =	vnsel vm0, $0xFF61B1E6, v56;
	v7, v8, _ =	vpop (xrf1)  }
0x3e: {  	(xrf1) =	vsort.dscd.msk.f32 $0xffff, v3, v57;
	v9 =	vbroadcast v7, $0x0;
	_ =	sdelay $0x1  }
0x3f: {  	v7 =	vsub.f32 v7, v9;
	_ =	sdelay $0x1  }
0x40: {  	v7 =	vmul.f32 $1.442695020e+00, v7;
	_ =	sdelay $0x1  }
0x41: {  	(erf) = vpow2.f32 v7;
	_ =	sdelay $0x7  }
0x42: {  	v58, _, _ =	vpop (xrf1)  }
0x43: {  	v7 =	vbroadcast v58, $0x0;
	v59 =	vpop (erf)  }
0x44: {  	v9 =	vbroadcast v59, $0x1  }
0x45: {  	v3 =	vsub.f32 v3, v7  }
0x46: {  	v60 =	vadd.f32 $1.000000000e+00, v9  }
0x47: {  	v3 =	vmul.f32 $1.442695020e+00, v3  }
0x48: {  	(erf) = vrcp.f32 v60  }
0x49: {  	(erf) = vpow2.f32 v3;
	_ =	sdelay $0x7  }
0x4a: {  	v7 =	vpop (erf)  }
0x4b: {  	v3 =	vpop (erf)  }
0x4c: {  	v3 =	vnsel vm0, $0x0, v3  }
0x4d: {  	(xrf2) =	vadd.scan.msk.f32 $0xffff, v3;
	_ =	sdelay $0x9  }
0x4e: {  	v10, _, _ =	vpop (xrf2)  }
0x4f: {  	v10 =	vbroadcast v10, $0xF;
	_ =	sdelay $0x1  }
0x50: {  	(erf) = vrcp.f32 v10;
	_ =	sdelay $0x8  }
0x51: {  	v10 =	vpop (erf)  }
0x52: {  	v3 =	vmul.f32 v10, v3;
	_ =	sdelay $0x1  }
0x53: {  	v10 =	vnsel vm0, $0xBF800000, v3  }
0x54: {  	(xrf1) =	vsort.dscd.msk.f32 $0xffff, v10, v57;
	_ =	sdelay $0x7  }
0x55: {  	v61 =	vbroadcast v4, $0x0;
	v4 =	vbroadcast v4, $0x1  }
0x56: {  	v15 =	vld [tilespmem:$0x180];
	v5 =	vmul.f32 v6, v5;
	v62 =	vbroadcast v8, $0x1  }
0x57: {  	vm2 =	veq.s32 v4, v57;
	v8 =	vbroadcast v8, $0x0;
	v63 =	vmul.f32 v7, v9  }
0x58: {  	vm1 =	veq.s32 v61, v57;
	v5 =	vnsel vm2, $0x0, v5;
	vm2 =	veq.s32 v62, v57  }
0x59: {  	v5 =	vsel vm1, v6, v5;
	vm1 =	veq.s32 v8, v57;
	v4 =	vnsel vm2, $0x0, v63  }
0x5a: {  	v4 =	vsel vm1, v7, v4  }
0x5b: {  	[tilespmem:$0x1080] =	vst v4;
	v4 =	vnsel vm0, $0xFF61B1E6, v15;
	v11, v0, _ =	vpop (xrf1)  }
0x5c: {  	(xrf1) =	vsort.dscd.msk.f32 $0xffff, v4, v57;
	v12 =	vbroadcast v11, $0x0;
	_ =	sdelay $0x1  }
0x5d: {  	v13 =	vsub.f32 v11, v12;
	_ =	sdelay $0x1  }
0x5e: {  	v14 =	vmul.f32 $1.442695020e+00, v13;
	_ =	sdelay $0x1  }
0x5f: {  	(erf) = vpow2.f32 v14;
	_ =	sdelay $0x7  }
0x60: {  	v16, _, _ =	vpop (xrf1)  }
0x61: {  	[tilespmem:$0x1000] =	vst v5;
	v5 =	vbroadcast v16, $0x0;
	v17 =	vpop (erf)  }
0x62: {  	v13 =	vbroadcast v17, $0x1  }
0x63: {  	v4 =	vsub.f32 v4, v5  }
0x64: {  	v18 =	vadd.f32 $1.000000000e+00, v13  }
0x65: {  	v4 =	vmul.f32 $1.442695020e+00, v4  }
0x66: {  	(erf) = vrcp.f32 v18  }
0x67: {  	(erf) = vpow2.f32 v4;
	_ =	sdelay $0x7  }
0x68: {  	v12 =	vpop (erf)  }
0x69: {  	v4 =	vpop (erf)  }
0x6a: {  	v4 =	vnsel vm0, $0x0, v4  }
0x6b: {  	(xrf2) =	vadd.scan.msk.f32 $0xffff, v4;
	_ =	sdelay $0x9  }
0x6c: {  	v19, _, _ =	vpop (xrf2)  }
0x6d: {  	v5 =	vbroadcast v19, $0xF;
	_ =	sdelay $0x1  }
0x6e: {  	(erf) = vrcp.f32 v5;
	_ =	sdelay $0x8  }
0x6f: {  	v5 =	vpop (erf)  }
0x70: {  	v4 =	vmul.f32 v5, v4;
	_ =	sdelay $0x1  }
0x71: {  	v5 =	vnsel vm0, $0xBF800000, v4  }
0x72: {  	(xrf1) =	vsort.dscd.msk.f32 $0xffff, v5, v57;
	_ =	sdelay $0x8  }
0x73: {  	v20 =	vld [tilespmem:$0x200];
	_ =	sdelay $0x4  }
0x74: {  	v5 =	vnsel vm0, $0xFF61B1E6, v20;
	v21, v16, _ =	vpop (xrf1)  }
0x75: {  	(xrf1) =	vsort.dscd.msk.f32 $0xffff, v5, v57;
	v22 =	vbroadcast v21, $0x0;
	_ =	sdelay $0x1  }
0x76: {  	v6 =	vsub.f32 v21, v22;
	_ =	sdelay $0x1  }
0x77: {  	v6 =	vmul.f32 $1.442695020e+00, v6;
	_ =	sdelay $0x1  }
0x78: {  	(erf) = vpow2.f32 v6;
	_ =	sdelay $0x7  }
0x79: {  	v23, _, _ =	vpop (xrf1)  }
0x7a: {  	v6 =	vbroadcast v23, $0x0;
	v24 =	vpop (erf)  }
0x7b: {  	v18 =	vbroadcast v24, $0x1  }
0x7c: {  	v5 =	vsub.f32 v5, v6  }
0x7d: {  	v25 =	vadd.f32 $1.000000000e+00, v18  }
0x7e: {  	v5 =	vmul.f32 $1.442695020e+00, v5  }
0x7f: {  	(erf) = vrcp.f32 v25  }
0x80: {  	(erf) = vpow2.f32 v5;
	_ =	sdelay $0x7  }
0x81: {  	v14 =	vpop (erf)  }
0x82: {  	v5 =	vpop (erf)  }
0x83: {  	v5 =	vnsel vm0, $0x0, v5  }
0x84: {  	(xrf2) =	vadd.scan.msk.f32 $0xffff, v5;
	_ =	sdelay $0x9  }
0x85: {  	v26, _, _ =	vpop (xrf2)  }
0x86: {  	v6 =	vbroadcast v26, $0xF;
	_ =	sdelay $0x1  }
0x87: {  	(erf) = vrcp.f32 v6;
	_ =	sdelay $0x8  }
0x88: {  	v6 =	vpop (erf)  }
0x89: {  	v5 =	vmul.f32 v6, v5;
	_ =	sdelay $0x1  }
0x8a: {  	v6 =	vnsel vm0, $0xBF800000, v5  }
0x8b: {  	(xrf1) =	vsort.dscd.msk.f32 $0xffff, v6, v57;
	_ =	sdelay $0x8  }
0x8c: {  	v27 =	vld [tilespmem:$0x280];
	_ =	sdelay $0x4  }
0x8d: {  	v6 =	vnsel vm0, $0xFF61B1E6, v27;
	v28, v19, _ =	vpop (xrf1)  }
0x8e: {  	(xrf1) =	vsort.dscd.msk.f32 $0xffff, v6, v57;
	v29 =	vbroadcast v28, $0x0;
	_ =	sdelay $0x1  }
0x8f: {  	v7 =	vsub.f32 v28, v29;
	_ =	sdelay $0x1  }
0x90: {  	v7 =	vmul.f32 $1.442695020e+00, v7;
	_ =	sdelay $0x1  }
0x91: {  	(erf) = vpow2.f32 v7;
	_ =	sdelay $0x7  }
0x92: {  	v30, _, _ =	vpop (xrf1)  }
0x93: {  	v7 =	vbroadcast v30, $0x0;
	v31 =	vpop (erf)  }
0x94: {  	v8 =	vbroadcast v31, $0x1  }
0x95: {  	v6 =	vsub.f32 v6, v7  }
0x96: {  	v32 =	vadd.f32 $1.000000000e+00, v8  }
0x97: {  	v6 =	vmul.f32 $1.442695020e+00, v6  }
0x98: {  	(erf) = vrcp.f32 v32  }
0x99: {  	(erf) = vpow2.f32 v6;
	_ =	sdelay $0x7  }
0x9a: {  	v48 =	vpop (erf)  }
0x9b: {  	v6 =	vpop (erf)  }
0x9c: {  	v6 =	vnsel vm0, $0x0, v6  }
0x9d: {  	(xrf2) =	vadd.scan.msk.f32 $0xffff, v6;
	_ =	sdelay $0x9  }
0x9e: {  	v33, _, _ =	vpop (xrf2)  }
0x9f: {  	v7 =	vbroadcast v33, $0xF;
	_ =	sdelay $0x1  }
0xa0: {  	(erf) = vrcp.f32 v7;
	_ =	sdelay $0x8  }
0xa1: {  	v7 =	vpop (erf)  }
0xa2: {  	v6 =	vmul.f32 v7, v6;
	_ =	sdelay $0x1  }
0xa3: {  	v7 =	vnsel vm0, $0xBF800000, v6  }
0xa4: {  	(xrf1) =	vsort.dscd.msk.f32 $0xffff, v7, v57;
	_ =	sdelay $0x8  }
0xa5: {  	v34 =	vld [tilespmem:$0x300];
	_ =	sdelay $0x4  }
0xa6: {  	v7 =	vnsel vm0, $0xFF61B1E6, v34;
	v36, v35, _ =	vpop (xrf1)  }
0xa7: {  	(xrf1) =	vsort.dscd.msk.f32 $0xffff, v7, v57;
	v37 =	vbroadcast v36, $0x0;
	_ =	sdelay $0x1  }
0xa8: {  	[tilespmem:$0x1FD30] =	vst v8;
	v8 =	vsub.f32 v36, v37;
	_ =	sdelay $0x1  }
0xa9: {  	v8 =	vmul.f32 $1.442695020e+00, v8;
	_ =	sdelay $0x1  }
0xaa: {  	(erf) = vpow2.f32 v8;
	_ =	sdelay $0x7  }
0xab: {  	v38, _, _ =	vpop (xrf1)  }
0xac: {  	v8 =	vbroadcast v38, $0x0;
	v39 =	vpop (erf)  }
0xad: {  	v9 =	vbroadcast v39, $0x1  }
0xae: {  	v7 =	vsub.f32 v7, v8  }
0xaf: {  	v40 =	vadd.f32 $1.000000000e+00, v9  }
0xb0: {  	v7 =	vmul.f32 $1.442695020e+00, v7  }
0xb1: {  	(erf) = vrcp.f32 v40  }
0xb2: {  	(erf) = vpow2.f32 v7;
	_ =	sdelay $0x7  }
0xb3: {  	v41 =	vpop (erf)  }
0xb4: {  	v42 =	vpop (erf)  }
0xb5: {  	v7 =	vnsel vm0, $0x0, v42  }
0xb6: {  	(xrf2) =	vadd.scan.msk.f32 $0xffff, v7;
	_ =	sdelay $0x9  }
0xb7: {  	v43, _, _ =	vpop (xrf2)  }
0xb8: {  	v8 =	vbroadcast v43, $0xF;
	_ =	sdelay $0x1  }
0xb9: {  	(erf) = vrcp.f32 v8;
	_ =	sdelay $0x8  }
0xba: {  	v8 =	vpop (erf)  }
0xbb: {  	v7 =	vmul.f32 v8, v7;
	_ =	sdelay $0x1  }
0xbc: {  	v8 =	vnsel vm0, $0xBF800000, v7  }
0xbd: {  	(xrf1) =	vsort.dscd.msk.f32 $0xffff, v8, v57;
	_ =	sdelay $0x8  }
0xbe: {  	v44 =	vld [tilespmem:$0x380];
	_ =	sdelay $0x4  }
0xbf: {  	v8 =	vnsel vm0, $0xFF61B1E6, v44;
	v46, v45, _ =	vpop (xrf1)  }
0xc0: {  	(xrf1) =	vsort.dscd.msk.f32 $0xffff, v8, v57;
	v47 =	vbroadcast v46, $0x0;
	_ =	sdelay $0x1  }
0xc1: {  	[tilespmem:$0x1FD60] =	vst v9;
	v9 =	vsub.f32 v46, v47;
	_ =	sdelay $0x1  }
0xc2: {  	v9 =	vmul.f32 $1.442695020e+00, v9;
	_ =	sdelay $0x1  }
0xc3: {  	(erf) = vpow2.f32 v9;
	_ =	sdelay $0x7  }
0xc4: {  	v49, _, _ =	vpop (xrf1)  }
0xc5: {  	v9 =	vbroadcast v49, $0x0;
	v50 =	vpop (erf)  }
0xc6: {  	v10 =	vbroadcast v50, $0x1  }
0xc7: {  	v8 =	vsub.f32 v8, v9  }
0xc8: {  	v51 =	vadd.f32 $1.000000000e+00, v10  }
0xc9: {  	v8 =	vmul.f32 $1.442695020e+00, v8  }
0xca: {  	(erf) = vrcp.f32 v51  }
0xcb: {  	(erf) = vpow2.f32 v8;
	_ =	sdelay $0x7  }
0xcc: {  	v52 =	vpop (erf)  }
0xcd: {  	v53 =	vpop (erf)  }
0xce: {  	v8 =	vnsel vm0, $0x0, v53  }
0xcf: {  	(xrf2) =	vadd.scan.msk.f32 $0xffff, v8;
	_ =	sdelay $0x9  }
0xd0: {  	v54, _, _ =	vpop (xrf2)  }
0xd1: {  	v9 =	vbroadcast v54, $0xF;
	_ =	sdelay $0x1  }
0xd2: {  	(erf) = vrcp.f32 v9;
	_ =	sdelay $0x8  }
0xd3: {  	v9 =	vpop (erf)  }
0xd4: {  	v8 =	vmul.f32 v9, v8;
	_ =	sdelay $0x1  }
0xd5: {  	v9 =	vnsel vm0, $0xBF800000, v8  }
0xd6: {  	(xrf1) =	vsort.dscd.msk.f32 $0xffff, v9, v57  }
0xd7: {  	v1 =	vadd.f32 $0.0e+00, v1;
	_ =	sdelay $0x1  }
0xd8: {  	v1 =	vadd.f32 v2, v1;
	_ =	sdelay $0x1  }
0xd9: {  	v1 =	vadd.f32 v3, v1;
	_ =	sdelay $0x1  }
0xda: {  	v1 =	vadd.f32 v4, v1;
	_ =	sdelay $0x1  }
0xdb: {  	v55 =	vld [tilespmem:$0x400];
	v1 =	vadd.f32 v5, v1;
	_ =	sdelay $0x1  }
0xdc: {  	v1 =	vadd.f32 v6, v1;
	_ =	sdelay $0x1  }
0xdd: {  	v1 =	vadd.f32 v7, v1  }
0xde: {  	v2 =	vnsel vm0, $0xFF61B1E6, v55;
	v56, v58, _ =	vpop (xrf1)  }
0xdf: {  	v1 =	vadd.f32 v8, v1;
	(xrf1) =	vsort.dscd.msk.f32 $0xffff, v2, v57;
	v59 =	vbroadcast v56, $0x0;
	_ =	sdelay $0x1  }
0xe0: {  	(xrf2) =	vadd.scan.msk.f32 $0xffff, v1;
	v3 =	vsub.f32 v56, v59;
	_ =	sdelay $0x1  }
0xe1: {  	v3 =	vmul.f32 $1.442695020e+00, v3;
	_ =	sdelay $0x1  }
0xe2: {  	(erf) = vpow2.f32 v3;
	_ =	sdelay $0x5  }
0xe3: {  	v60, _, _ =	vpop (xrf2)  }
0xe4: {  	[tilespmem:$0x1FD40] =	vst v35;
	v3 =	vmul.f32 $1.250000000e-01, v60  }
0xe5: {  	[tilespmem:$0x1FD50] =	vst v41;
	v63, _, _ =	vpop (xrf1)  }
0xe6: {  	[tilespmem:$0x1FD70] =	vst v45;
	v62 =	vmul.f32 v3, v3;
	v61 =	vpop (erf)  }
0xe7: {  	[tilespmem:$0x1FD90] =	vst v10;
	v10 =	vbroadcast v63, $0x0;
	v9 =	vbroadcast v61, $0x1  }
0xe8: {  	[tilespmem:$0x1FD80] =	vst v52;
	v5 =	vadd.f32 $1.000000010e-10, v62  }
0xe9: {  	[tilespmem:$0x1FDA0] =	vst v58;
	v2 =	vsub.f32 v2, v10;
	v11 =	vadd.f32 $1.000000000e+00, v9  }
0xea: {  	v15 =	vbroadcast v5, $0xF;
	[tilespmem:$0x1FDC0] =	vst v9  }
0xeb: {  	v2 =	vmul.f32 $1.442695020e+00, v2;
	(erf) = vrcp.f32 v11  }
0xec: {  	(erf) = vrcp.f32 v15  }
0xed: {  	(erf) = vpow2.f32 v2;
	_ =	sdelay $0x2  }
0xee: {  	v17 =	vbroadcast v3, $0xF;
	_ =	sdelay $0x1  }
0xef: {  	v1 =	vsub.f32 v1, v17;
	_ =	sdelay $0x1  }
0xf0: {  	v1 =	vnsel vm0, $0x0, v1;
	v20 =	vpop (erf)  }
0xf1: {  	v1 =	vmul.f32 v1, v1;
	v21 =	vpop (erf)  }
0xf2: {  	v22 =	vpop (erf)  }
0xf3: {  	(xrf2) =	vadd.scan.msk.f32 $0xffff, v1;
	v23 =	vnsel vm0, $0x0, v22  }
0xf4: {  	(xrf2) =	vadd.scan.msk.f32 $0xffff, v23;
	_ =	sdelay $0x8  }
0xf5: {  	v24, _, _ =	vpop (xrf2)  }
0xf6: {  	v25, _, _ =	vpop (xrf2)  }
0xf7: {  	v2 =	vbroadcast v25, $0xF;
	_ =	sdelay $0x1  }
0xf8: {  	(erf) = vrcp.f32 v2;
	_ =	sdelay $0x8  }
0xf9: {  	v2 =	vpop (erf)  }
0xfa: {  	v1 =	vmul.f32 v2, v23;
	_ =	sdelay $0x1  }
0xfb: {  	v2 =	vnsel vm0, $0xBF800000, v1  }
0xfc: {  	(xrf1) =	vsort.dscd.msk.f32 $0xffff, v2, v57;
	_ =	sdelay $0x8  }
0xfd: {  	v26 =	vld [tilespmem:$0x480];
	_ =	sdelay $0x4  }
0xfe: {  	v2 =	vnsel vm0, $0xFF61B1E6, v26;
	v28, v27, _ =	vpop (xrf1)  }
0xff: {  	(xrf1) =	vsort.dscd.msk.f32 $0xffff, v2, v57;
	v29 =	vbroadcast v28, $0x0;
	_ =	sdelay $0x1  }
0x100: {  	v3 =	vsub.f32 v28, v29;
	_ =	sdelay $0x1  }
0x101: {  	v3 =	vmul.f32 $1.442695020e+00, v3;
	_ =	sdelay $0x1  }
0x102: {  	(erf) = vpow2.f32 v3;
	_ =	sdelay $0x7  }
0x103: {  	v30, _, _ =	vpop (xrf1)  }
0x104: {  	v3 =	vbroadcast v30, $0x0;
	v31 =	vpop (erf)  }
0x105: {  	v4 =	vbroadcast v31, $0x1  }
0x106: {  	v2 =	vsub.f32 v2, v3  }
0x107: {  	v32 =	vadd.f32 $1.000000000e+00, v4  }
0x108: {  	v2 =	vmul.f32 $1.442695020e+00, v2  }
0x109: {  	(erf) = vrcp.f32 v32  }
0x10a: {  	(erf) = vpow2.f32 v2;
	_ =	sdelay $0x7  }
0x10b: {  	v33 =	vpop (erf)  }
0x10c: {  	v34 =	vpop (erf)  }
0x10d: {  	v2 =	vnsel vm0, $0x0, v34  }
0x10e: {  	(xrf2) =	vadd.scan.msk.f32 $0xffff, v2;
	_ =	sdelay $0x9  }
0x10f: {  	v35, _, _ =	vpop (xrf2)  }
0x110: {  	v3 =	vbroadcast v35, $0xF;
	_ =	sdelay $0x1  }
0x111: {  	(erf) = vrcp.f32 v3;
	_ =	sdelay $0x8  }
0x112: {  	v3 =	vpop (erf)  }
0x113: {  	v2 =	vmul.f32 v3, v2;
	_ =	sdelay $0x1  }
0x114: {  	v3 =	vnsel vm0, $0xBF800000, v2  }
0x115: {  	(xrf1) =	vsort.dscd.msk.f32 $0xffff, v3, v57;
	_ =	sdelay $0x8  }
0x116: {  	v36 =	vld [tilespmem:$0x500];
	_ =	sdelay $0x4  }
0x117: {  	v3 =	vnsel vm0, $0xFF61B1E6, v36;
	v38, v37, _ =	vpop (xrf1)  }
0x118: {  	(xrf1) =	vsort.dscd.msk.f32 $0xffff, v3, v57;
	v39 =	vbroadcast v38, $0x0;
	_ =	sdelay $0x1  }
0x119: {  	[tilespmem:$0x1FE10] =	vst v4;
	v4 =	vsub.f32 v38, v39;
	_ =	sdelay $0x1  }
0x11a: {  	v4 =	vmul.f32 $1.442695020e+00, v4;
	_ =	sdelay $0x1  }
0x11b: {  	(erf) = vpow2.f32 v4;
	_ =	sdelay $0x7  }
0x11c: {  	v40, _, _ =	vpop (xrf1)  }
0x11d: {  	v4 =	vbroadcast v40, $0x0;
	v41 =	vpop (erf)  }
0x11e: {  	v5 =	vbroadcast v41, $0x1  }
0x11f: {  	v3 =	vsub.f32 v3, v4  }
0x120: {  	v42 =	vadd.f32 $1.000000000e+00, v5  }
0x121: {  	v3 =	vmul.f32 $1.442695020e+00, v3  }
0x122: {  	(erf) = vrcp.f32 v42  }
0x123: {  	(erf) = vpow2.f32 v3;
	_ =	sdelay $0x7  }
0x124: {  	v49 =	vpop (erf)  }
0x125: {  	v3 =	vpop (erf)  }
0x126: {  	v3 =	vnsel vm0, $0x0, v3  }
0x127: {  	(xrf2) =	vadd.scan.msk.f32 $0xffff, v3;
	_ =	sdelay $0x9  }
0x128: {  	v43, _, _ =	vpop (xrf2)  }
0x129: {  	v4 =	vbroadcast v43, $0xF;
	_ =	sdelay $0x1  }
0x12a: {  	(erf) = vrcp.f32 v4;
	_ =	sdelay $0x8  }
0x12b: {  	v4 =	vpop (erf)  }
0x12c: {  	v3 =	vmul.f32 v4, v3;
	_ =	sdelay $0x1  }
0x12d: {  	v4 =	vnsel vm0, $0xBF800000, v3  }
0x12e: {  	(xrf1) =	vsort.dscd.msk.f32 $0xffff, v4, v57;
	_ =	sdelay $0x8  }
0x12f: {  	v44 =	vld [tilespmem:$0x580];
	_ =	sdelay $0x4  }
0x130: {  	v4 =	vnsel vm0, $0xFF61B1E6, v44;
	v46, v45, _ =	vpop (xrf1)  }
0x131: {  	(xrf1) =	vsort.dscd.msk.f32 $0xffff, v4, v57;
	v47 =	vbroadcast v46, $0x0;
	_ =	sdelay $0x1  }
0x132: {  	[tilespmem:$0x1FE30] =	vst v5;
	v5 =	vsub.f32 v46, v47;
	_ =	sdelay $0x1  }
0x133: {  	v5 =	vmul.f32 $1.442695020e+00, v5;
	_ =	sdelay $0x1  }
0x134: {  	(erf) = vpow2.f32 v5;
	_ =	sdelay $0x7  }
0x135: {  	v50, _, _ =	vpop (xrf1)  }
0x136: {  	v5 =	vbroadcast v50, $0x0;
	v51 =	vpop (erf)  }
0x137: {  	v6 =	vbroadcast v51, $0x1  }
0x138: {  	v4 =	vsub.f32 v4, v5  }
0x139: {  	v52 =	vadd.f32 $1.000000000e+00, v6  }
0x13a: {  	v4 =	vmul.f32 $1.442695020e+00, v4  }
0x13b: {  	(erf) = vrcp.f32 v52  }
0x13c: {  	(erf) = vpow2.f32 v4;
	_ =	sdelay $0x7  }
0x13d: {  	v53 =	vpop (erf)  }
0x13e: {  	v54 =	vpop (erf)  }
0x13f: {  	v4 =	vnsel vm0, $0x0, v54  }
0x140: {  	(xrf2) =	vadd.scan.msk.f32 $0xffff, v4;
	_ =	sdelay $0x9  }
0x141: {  	v55, _, _ =	vpop (xrf2)  }
0x142: {  	v5 =	vbroadcast v55, $0xF;
	_ =	sdelay $0x1  }
0x143: {  	(erf) = vrcp.f32 v5;
	_ =	sdelay $0x8  }
0x144: {  	v5 =	vpop (erf)  }
0x145: {  	v4 =	vmul.f32 v5, v4;
	_ =	sdelay $0x1  }
0x146: {  	v5 =	vnsel vm0, $0xBF800000, v4  }
0x147: {  	(xrf1) =	vsort.dscd.msk.f32 $0xffff, v5, v57;
	_ =	sdelay $0x8  }
0x148: {  	v56 =	vld [tilespmem:$0x600];
	_ =	sdelay $0x4  }
0x149: {  	v5 =	vnsel vm0, $0xFF61B1E6, v56;
	v59, v58, _ =	vpop (xrf1)  }
0x14a: {  	(xrf1) =	vsort.dscd.msk.f32 $0xffff, v5, v57;
	v60 =	vbroadcast v59, $0x0;
	_ =	sdelay $0x1  }
0x14b: {  	[tilespmem:$0x1FE70] =	vst v6;
	v6 =	vsub.f32 v59, v60;
	_ =	sdelay $0x1  }
0x14c: {  	v6 =	vmul.f32 $1.442695020e+00, v6;
	_ =	sdelay $0x1  }
0x14d: {  	(erf) = vpow2.f32 v6;
	_ =	sdelay $0x7  }
0x14e: {  	v61, _, _ =	vpop (xrf1)  }
0x14f: {  	v6 =	vbroadcast v61, $0x0;
	v62 =	vpop (erf)  }
0x150: {  	v7 =	vbroadcast v62, $0x1  }
0x151: {  	v5 =	vsub.f32 v5, v6  }
0x152: {  	v63 =	vadd.f32 $1.000000000e+00, v7  }
0x153: {  	v5 =	vmul.f32 $1.442695020e+00, v5  }
0x154: {  	(erf) = vrcp.f32 v63  }
0x155: {  	(erf) = vpow2.f32 v5;
	_ =	sdelay $0x7  }
0x156: {  	v9 =	vpop (erf)  }
0x157: {  	v10 =	vpop (erf)  }
0x158: {  	v5 =	vnsel vm0, $0x0, v10  }
0x159: {  	(xrf2) =	vadd.scan.msk.f32 $0xffff, v5;
	_ =	sdelay $0x9  }
0x15a: {  	v11, _, _ =	vpop (xrf2)  }
0x15b: {  	v6 =	vbroadcast v11, $0xF;
	_ =	sdelay $0x1  }
0x15c: {  	(erf) = vrcp.f32 v6;
	_ =	sdelay $0x8  }
0x15d: {  	v6 =	vpop (erf)  }
0x15e: {  	v5 =	vmul.f32 v6, v5;
	_ =	sdelay $0x1  }
0x15f: {  	v6 =	vnsel vm0, $0xBF800000, v5  }
0x160: {  	(xrf1) =	vsort.dscd.msk.f32 $0xffff, v6, v57;
	_ =	sdelay $0x8  }
0x161: {  	v15 =	vld [tilespmem:$0x680];
	_ =	sdelay $0x4  }
0x162: {  	[tilespmem:$0x1FDB0] =	vst v20;
	v6 =	vnsel vm0, $0xFF61B1E6, v15;
	v20, v17, _ =	vpop (xrf1)  }
0x163: {  	[tilespmem:$0x1FDF0] =	vst v21;
	(xrf1) =	vsort.dscd.msk.f32 $0xffff, v6, v57;
	v21 =	vbroadcast v20, $0x0;
	_ =	sdelay $0x1  }
0x164: {  	[tilespmem:$0x1FE90] =	vst v7;
	v7 =	vsub.f32 v20, v21;
	_ =	sdelay $0x1  }
0x165: {  	v7 =	vmul.f32 $1.442695020e+00, v7;
	_ =	sdelay $0x1  }
0x166: {  	(erf) = vpow2.f32 v7;
	_ =	sdelay $0x7  }
0x167: {  	v22, _, _ =	vpop (xrf1)  }
0x168: {  	v7 =	vbroadcast v22, $0x0;
	v23 =	vpop (erf)  }
0x169: {  	v8 =	vbroadcast v23, $0x1  }
0x16a: {  	v6 =	vsub.f32 v6, v7  }
0x16b: {  	[tilespmem:$0x1FDD0] =	vst v24;
	v24 =	vadd.f32 $1.000000000e+00, v8  }
0x16c: {  	v6 =	vmul.f32 $1.442695020e+00, v6  }
0x16d: {  	(erf) = vrcp.f32 v24  }
0x16e: {  	(erf) = vpow2.f32 v6;
	_ =	sdelay $0x7  }
0x16f: {  	v56 =	vpop (erf)  }
0x170: {  	v6 =	vpop (erf)  }
0x171: {  	v6 =	vnsel vm0, $0x0, v6  }
0x172: {  	(xrf2) =	vadd.scan.msk.f32 $0xffff, v6;
	_ =	sdelay $0x9  }
0x173: {  	v25, _, _ =	vpop (xrf2)  }
0x174: {  	v7 =	vbroadcast v25, $0xF;
	_ =	sdelay $0x1  }
0x175: {  	(erf) = vrcp.f32 v7;
	_ =	sdelay $0x8  }
0x176: {  	v7 =	vpop (erf)  }
0x177: {  	v6 =	vmul.f32 v7, v6;
	_ =	sdelay $0x1  }
0x178: {  	v7 =	vnsel vm0, $0xBF800000, v6  }
0x179: {  	(xrf1) =	vsort.dscd.msk.f32 $0xffff, v7, v57;
	_ =	sdelay $0x8  }
0x17a: {  	v26 =	vld [tilespmem:$0x700];
	_ =	sdelay $0x4  }
0x17b: {  	[tilespmem:$0x1FDE0] =	vst v27;
	v7 =	vnsel vm0, $0xFF61B1E6, v26;
	v28, v27, _ =	vpop (xrf1)  }
0x17c: {  	(xrf1) =	vsort.dscd.msk.f32 $0xffff, v7, v57;
	v29 =	vbroadcast v28, $0x0;
	_ =	sdelay $0x1  }
0x17d: {  	[tilespmem:$0x1FEB0] =	vst v8;
	v8 =	vsub.f32 v28, v29;
	_ =	sdelay $0x1  }
0x17e: {  	v8 =	vmul.f32 $1.442695020e+00, v8;
	_ =	sdelay $0x1  }
0x17f: {  	(erf) = vpow2.f32 v8;
	_ =	sdelay $0x7  }
0x180: {  	v30, _, _ =	vpop (xrf1)  }
0x181: {  	v8 =	vbroadcast v30, $0x0;
	v31 =	vpop (erf)  }
0x182: {  	[tilespmem:$0x1FE80] =	vst v9;
	v9 =	vbroadcast v31, $0x1  }
0x183: {  	v7 =	vsub.f32 v7, v8  }
0x184: {  	v32 =	vadd.f32 $1.000000000e+00, v9  }
0x185: {  	v7 =	vmul.f32 $1.442695020e+00, v7  }
0x186: {  	(erf) = vrcp.f32 v32  }
0x187: {  	(erf) = vpow2.f32 v7;
	_ =	sdelay $0x7  }
0x188: {  	[tilespmem:$0x1FE00] =	vst v33;
	v33 =	vpop (erf)  }
0x189: {  	v34 =	vpop (erf)  }
0x18a: {  	v7 =	vnsel vm0, $0x0, v34  }
0x18b: {  	(xrf2) =	vadd.scan.msk.f32 $0xffff, v7;
	_ =	sdelay $0x9  }
0x18c: {  	v35, _, _ =	vpop (xrf2)  }
0x18d: {  	v8 =	vbroadcast v35, $0xF;
	_ =	sdelay $0x1  }
0x18e: {  	(erf) = vrcp.f32 v8;
	_ =	sdelay $0x8  }
0x18f: {  	v8 =	vpop (erf)  }
0x190: {  	v7 =	vmul.f32 v8, v7;
	_ =	sdelay $0x1  }
0x191: {  	v8 =	vnsel vm0, $0xBF800000, v7  }
0x192: {  	(xrf1) =	vsort.dscd.msk.f32 $0xffff, v8, v57;
	_ =	sdelay $0x8  }
0x193: {  	v36 =	vld [tilespmem:$0x780];
	_ =	sdelay $0x4  }
0x194: {  	[tilespmem:$0x1FE20] =	vst v37;
	v8 =	vnsel vm0, $0xFF61B1E6, v36;
	v38, v37, _ =	vpop (xrf1)  }
0x195: {  	(xrf1) =	vsort.dscd.msk.f32 $0xffff, v8, v57;
	v39 =	vbroadcast v38, $0x0;
	_ =	sdelay $0x1  }
0x196: {  	[tilespmem:$0x1FEE0] =	vst v9;
	v9 =	vsub.f32 v38, v39;
	_ =	sdelay $0x1  }
0x197: {  	v9 =	vmul.f32 $1.442695020e+00, v9;
	_ =	sdelay $0x1  }
0x198: {  	(erf) = vpow2.f32 v9;
	_ =	sdelay $0x7  }
0x199: {  	v40, _, _ =	vpop (xrf1)  }
0x19a: {  	v9 =	vbroadcast v40, $0x0;
	v41 =	vpop (erf)  }
0x19b: {  	v10 =	vbroadcast v41, $0x1  }
0x19c: {  	v8 =	vsub.f32 v8, v9  }
0x19d: {  	v42 =	vadd.f32 $1.000000000e+00, v10  }
0x19e: {  	v8 =	vmul.f32 $1.442695020e+00, v8  }
0x19f: {  	(erf) = vrcp.f32 v42  }
0x1a0: {  	(erf) = vpow2.f32 v8;
	_ =	sdelay $0x7  }
0x1a1: {  	v43 =	vpop (erf)  }
0x1a2: {  	v44 =	vpop (erf)  }
0x1a3: {  	v8 =	vnsel vm0, $0x0, v44  }
0x1a4: {  	(xrf2) =	vadd.scan.msk.f32 $0xffff, v8;
	_ =	sdelay $0x9  }
0x1a5: {  	[tilespmem:$0x1FE40] =	vst v45;
	v45, _, _ =	vpop (xrf2)  }
0x1a6: {  	v9 =	vbroadcast v45, $0xF;
	_ =	sdelay $0x1  }
0x1a7: {  	(erf) = vrcp.f32 v9;
	_ =	sdelay $0x8  }
0x1a8: {  	v9 =	vpop (erf)  }
0x1a9: {  	v8 =	vmul.f32 v9, v8;
	_ =	sdelay $0x1  }
0x1aa: {  	v9 =	vnsel vm0, $0xBF800000, v8  }
0x1ab: {  	(xrf1) =	vsort.dscd.msk.f32 $0xffff, v9, v57  }
0x1ac: {  	v1 =	vadd.f32 $0.0e+00, v1;
	_ =	sdelay $0x1  }
0x1ad: {  	v1 =	vadd.f32 v2, v1;
	_ =	sdelay $0x1  }
0x1ae: {  	v1 =	vadd.f32 v3, v1;
	_ =	sdelay $0x1  }
0x1af: {  	v1 =	vadd.f32 v4, v1;
	_ =	sdelay $0x1  }
0x1b0: {  	v46 =	vld [tilespmem:$0x800];
	v1 =	vadd.f32 v5, v1;
	_ =	sdelay $0x1  }
0x1b1: {  	v1 =	vadd.f32 v6, v1;
	_ =	sdelay $0x1  }
0x1b2: {  	v1 =	vadd.f32 v7, v1  }
0x1b3: {  	v2 =	vnsel vm0, $0xFF61B1E6, v46;
	v47, v50, _ =	vpop (xrf1)  }
0x1b4: {  	v1 =	vadd.f32 v8, v1;
	(xrf1) =	vsort.dscd.msk.f32 $0xffff, v2, v57;
	v51 =	vbroadcast v47, $0x0;
	_ =	sdelay $0x1  }
0x1b5: {  	(xrf2) =	vadd.scan.msk.f32 $0xffff, v1;
	v3 =	vsub.f32 v47, v51;
	_ =	sdelay $0x1  }
0x1b6: {  	v3 =	vmul.f32 $1.442695020e+00, v3;
	_ =	sdelay $0x1  }
0x1b7: {  	(erf) = vpow2.f32 v3;
	_ =	sdelay $0x5  }
0x1b8: {  	v52, _, _ =	vpop (xrf2)  }
0x1b9: {  	v3 =	vmul.f32 $1.250000000e-01, v52  }
0x1ba: {  	v55, _, _ =	vpop (xrf1)  }
0x1bb: {  	[tilespmem:$0x1FE60] =	vst v53;
	v54 =	vmul.f32 v3, v3;
	v53 =	vpop (erf)  }
0x1bc: {  	[tilespmem:$0x1FE50] =	vst v58;
	v59 =	vbroadcast v55, $0x0;
	v58 =	vbroadcast v53, $0x1  }
0x1bd: {  	v5 =	vadd.f32 $1.000000010e-10, v54  }
0x1be: {  	v2 =	vsub.f32 v2, v59;
	v60 =	vadd.f32 $1.000000000e+00, v58  }
0x1bf: {  	v61 =	vbroadcast v5, $0xF  }
0x1c0: {  	v2 =	vmul.f32 $1.442695020e+00, v2;
	(erf) = vrcp.f32 v60  }
0x1c1: {  	(erf) = vrcp.f32 v61  }
0x1c2: {  	(erf) = vpow2.f32 v2;
	_ =	sdelay $0x2  }
0x1c3: {  	v62 =	vbroadcast v3, $0xF;
	_ =	sdelay $0x1  }
0x1c4: {  	v1 =	vsub.f32 v1, v62;
	_ =	sdelay $0x1  }
0x1c5: {  	v1 =	vnsel vm0, $0x0, v1;
	v63 =	vpop (erf)  }
0x1c6: {  	v1 =	vmul.f32 v1, v1;
	v4 =	vpop (erf)  }
0x1c7: {  	v5 =	vpop (erf)  }
0x1c8: {  	(xrf2) =	vadd.scan.msk.f32 $0xffff, v1;
	v6 =	vnsel vm0, $0x0, v5  }
0x1c9: {  	(xrf2) =	vadd.scan.msk.f32 $0xffff, v6;
	_ =	sdelay $0x8  }
0x1ca: {  	v7, _, _ =	vpop (xrf2)  }
0x1cb: {  	v8, _, _ =	vpop (xrf2)  }
0x1cc: {  	v2 =	vbroadcast v8, $0xF;
	_ =	sdelay $0x1  }
0x1cd: {  	(erf) = vrcp.f32 v2;
	_ =	sdelay $0x8  }
0x1ce: {  	v2 =	vpop (erf)  }
0x1cf: {  	v1 =	vmul.f32 v2, v6;
	_ =	sdelay $0x1  }
0x1d0: {  	v2 =	vnsel vm0, $0xBF800000, v1  }
0x1d1: {  	(xrf1) =	vsort.dscd.msk.f32 $0xffff, v2, v57;
	_ =	sdelay $0x8  }
0x1d2: {  	v9 =	vld [tilespmem:$0x880];
	_ =	sdelay $0x4  }
0x1d3: {  	[tilespmem:$0x1FF20] =	vst v10;
	v2 =	vnsel vm0, $0xFF61B1E6, v9;
	v11, v10, _ =	vpop (xrf1)  }
0x1d4: {  	(xrf1) =	vsort.dscd.msk.f32 $0xffff, v2, v57;
	v15 =	vbroadcast v11, $0x0;
	_ =	sdelay $0x1  }
0x1d5: {  	v3 =	vsub.f32 v11, v15;
	_ =	sdelay $0x1  }
0x1d6: {  	v3 =	vmul.f32 $1.442695020e+00, v3;
	_ =	sdelay $0x1  }
0x1d7: {  	(erf) = vpow2.f32 v3;
	_ =	sdelay $0x7  }
0x1d8: {  	[tilespmem:$0x1FEA0] =	vst v17;
	v17, _, _ =	vpop (xrf1)  }
0x1d9: {  	v3 =	vbroadcast v17, $0x0;
	v20 =	vpop (erf)  }
0x1da: {  	[tilespmem:$0x1FFC0] =	vst v4;
	v4 =	vbroadcast v20, $0x1  }
0x1db: {  	v2 =	vsub.f32 v2, v3  }
0x1dc: {  	v21 =	vadd.f32 $1.000000000e+00, v4  }
0x1dd: {  	v2 =	vmul.f32 $1.442695020e+00, v2  }
0x1de: {  	(erf) = vrcp.f32 v21  }
0x1df: {  	(erf) = vpow2.f32 v2;
	_ =	sdelay $0x7  }
0x1e0: {  	v22 =	vpop (erf)  }
0x1e1: {  	v23 =	vpop (erf)  }
0x1e2: {  	v2 =	vnsel vm0, $0x0, v23  }
0x1e3: {  	(xrf2) =	vadd.scan.msk.f32 $0xffff, v2;
	_ =	sdelay $0x9  }
0x1e4: {  	v24, _, _ =	vpop (xrf2)  }
0x1e5: {  	v3 =	vbroadcast v24, $0xF;
	_ =	sdelay $0x1  }
0x1e6: {  	(erf) = vrcp.f32 v3;
	_ =	sdelay $0x8  }
0x1e7: {  	v3 =	vpop (erf)  }
0x1e8: {  	v2 =	vmul.f32 v3, v2;
	_ =	sdelay $0x1  }
0x1e9: {  	v3 =	vnsel vm0, $0xBF800000, v2  }
0x1ea: {  	(xrf1) =	vsort.dscd.msk.f32 $0xffff, v3, v57;
	_ =	sdelay $0x8  }
0x1eb: {  	v25 =	vld [tilespmem:$0x900];
	_ =	sdelay $0x4  }
0x1ec: {  	[tilespmem:$0x1FEC0] =	vst v27;
	v3 =	vnsel vm0, $0xFF61B1E6, v25;
	v27, v26, _ =	vpop (xrf1)  }
0x1ed: {  	(xrf1) =	vsort.dscd.msk.f32 $0xffff, v3, v57;
	v28 =	vbroadcast v27, $0x0;
	_ =	sdelay $0x1  }
0x1ee: {  	[tilespmem:$0x1FF70] =	vst v4;
	v4 =	vsub.f32 v27, v28;
	_ =	sdelay $0x1  }
0x1ef: {  	v4 =	vmul.f32 $1.442695020e+00, v4;
	_ =	sdelay $0x1  }
0x1f0: {  	(erf) = vpow2.f32 v4;
	_ =	sdelay $0x7  }
0x1f1: {  	v29, _, _ =	vpop (xrf1)  }
0x1f2: {  	v4 =	vbroadcast v29, $0x0;
	v30 =	vpop (erf)  }
0x1f3: {  	v5 =	vbroadcast v30, $0x1  }
0x1f4: {  	v3 =	vsub.f32 v3, v4  }
0x1f5: {  	v31 =	vadd.f32 $1.000000000e+00, v5  }
0x1f6: {  	v3 =	vmul.f32 $1.442695020e+00, v3  }
0x1f7: {  	(erf) = vrcp.f32 v31  }
0x1f8: {  	(erf) = vpow2.f32 v3;
	_ =	sdelay $0x7  }
0x1f9: {  	v32 =	vpop (erf)  }
0x1fa: {  	[tilespmem:$0x1FED0] =	vst v33;
	v33 =	vpop (erf)  }
0x1fb: {  	v3 =	vnsel vm0, $0x0, v33  }
0x1fc: {  	(xrf2) =	vadd.scan.msk.f32 $0xffff, v3;
	_ =	sdelay $0x9  }
0x1fd: {  	v34, _, _ =	vpop (xrf2)  }
0x1fe: {  	v4 =	vbroadcast v34, $0xF;
	_ =	sdelay $0x1  }
0x1ff: {  	(erf) = vrcp.f32 v4;
	_ =	sdelay $0x8  }
0x200: {  	v4 =	vpop (erf)  }
0x201: {  	v3 =	vmul.f32 v4, v3;
	_ =	sdelay $0x1  }
0x202: {  	v4 =	vnsel vm0, $0xBF800000, v3  }
0x203: {  	(xrf1) =	vsort.dscd.msk.f32 $0xffff, v4, v57;
	_ =	sdelay $0x8  }
0x204: {  	v35 =	vld [tilespmem:$0x980];
	_ =	sdelay $0x4  }
0x205: {  	[tilespmem:$0x1FEF0] =	vst v37;
	v4 =	vnsel vm0, $0xFF61B1E6, v35;
	v37, v36, _ =	vpop (xrf1)  }
0x206: {  	(xrf1) =	vsort.dscd.msk.f32 $0xffff, v4, v57;
	v38 =	vbroadcast v37, $0x0;
	_ =	sdelay $0x1  }
0x207: {  	[tilespmem:$0x1FFB0] =	vst v5;
	v5 =	vsub.f32 v37, v38;
	_ =	sdelay $0x1  }
0x208: {  	v5 =	vmul.f32 $1.442695020e+00, v5;
	_ =	sdelay $0x1  }
0x209: {  	(erf) = vpow2.f32 v5;
	_ =	sdelay $0x7  }
0x20a: {  	v39, _, _ =	vpop (xrf1)  }
0x20b: {  	v5 =	vbroadcast v39, $0x0;
	v40 =	vpop (erf)  }
0x20c: {  	v55 =	vbroadcast v40, $0x1  }
0x20d: {  	v4 =	vsub.f32 v4, v5  }
0x20e: {  	v41 =	vadd.f32 $1.000000000e+00, v55  }
0x20f: {  	v4 =	vmul.f32 $1.442695020e+00, v4  }
0x210: {  	(erf) = vrcp.f32 v41  }
0x211: {  	(erf) = vpow2.f32 v4;
	_ =	sdelay $0x7  }
0x212: {  	v54 =	vpop (erf)  }
0x213: {  	v4 =	vpop (erf)  }
0x214: {  	v4 =	vnsel vm0, $0x0, v4  }
0x215: {  	(xrf2) =	vadd.scan.msk.f32 $0xffff, v4;
	_ =	sdelay $0x9  }
0x216: {  	v42, _, _ =	vpop (xrf2)  }
0x217: {  	v5 =	vbroadcast v42, $0xF;
	_ =	sdelay $0x1  }
0x218: {  	(erf) = vrcp.f32 v5;
	_ =	sdelay $0x8  }
0x219: {  	v5 =	vpop (erf)  }
0x21a: {  	v4 =	vmul.f32 v5, v4;
	_ =	sdelay $0x1  }
0x21b: {  	v5 =	vnsel vm0, $0xBF800000, v4  }
0x21c: {  	(xrf1) =	vsort.dscd.msk.f32 $0xffff, v5, v57;
	_ =	sdelay $0x8  }
0x21d: {  	[tilespmem:$0x1FF10] =	vst v43;
	v43 =	vld [tilespmem:$0xA00];
	_ =	sdelay $0x4  }
0x21e: {  	v5 =	vnsel vm0, $0xFF61B1E6, v43;
	v44, v52, _ =	vpop (xrf1)  }
0x21f: {  	(xrf1) =	vsort.dscd.msk.f32 $0xffff, v5, v57;
	v45 =	vbroadcast v44, $0x0;
	_ =	sdelay $0x1  }
0x220: {  	v6 =	vsub.f32 v44, v45;
	_ =	sdelay $0x1  }
0x221: {  	v6 =	vmul.f32 $1.442695020e+00, v6;
	_ =	sdelay $0x1  }
0x222: {  	(erf) = vpow2.f32 v6;
	_ =	sdelay $0x7  }
0x223: {  	v46, _, _ =	vpop (xrf1)  }
0x224: {  	v6 =	vbroadcast v46, $0x0;
	v47 =	vpop (erf)  }
0x225: {  	[tilespmem:$0x1FF40] =	vst v58;
	v58 =	vbroadcast v47, $0x1  }
0x226: {  	v5 =	vsub.f32 v5, v6  }
0x227: {  	[tilespmem:$0x1FF00] =	vst v50;
	v50 =	vadd.f32 $1.000000000e+00, v58  }
0x228: {  	v5 =	vmul.f32 $1.442695020e+00, v5  }
0x229: {  	(erf) = vrcp.f32 v50  }
0x22a: {  	(erf) = vpow2.f32 v5;
	_ =	sdelay $0x7  }
0x22b: {  	v53 =	vpop (erf)  }
0x22c: {  	v5 =	vpop (erf)  }
0x22d: {  	v5 =	vnsel vm0, $0x0, v5  }
0x22e: {  	(xrf2) =	vadd.scan.msk.f32 $0xffff, v5;
	_ =	sdelay $0x9  }
0x22f: {  	v51, _, _ =	vpop (xrf2)  }
0x230: {  	v6 =	vbroadcast v51, $0xF;
	_ =	sdelay $0x1  }
0x231: {  	(erf) = vrcp.f32 v6;
	_ =	sdelay $0x8  }
0x232: {  	v6 =	vpop (erf)  }
0x233: {  	v5 =	vmul.f32 v6, v5;
	_ =	sdelay $0x1  }
0x234: {  	v6 =	vnsel vm0, $0xBF800000, v5  }
0x235: {  	(xrf1) =	vsort.dscd.msk.f32 $0xffff, v6, v57;
	_ =	sdelay $0x8  }
0x236: {  	v59 =	vld [tilespmem:$0xA80];
	_ =	sdelay $0x4  }
0x237: {  	v6 =	vnsel vm0, $0xFF61B1E6, v59;
	v60, v59, _ =	vpop (xrf1)  }
0x238: {  	(xrf1) =	vsort.dscd.msk.f32 $0xffff, v6, v57;
	v61 =	vbroadcast v60, $0x0;
	_ =	sdelay $0x1  }
0x239: {  	[tilespmem:$0x1FF80] =	vst v7;
	v7 =	vsub.f32 v60, v61;
	_ =	sdelay $0x1  }
0x23a: {  	v7 =	vmul.f32 $1.442695020e+00, v7;
	_ =	sdelay $0x1  }
0x23b: {  	(erf) = vpow2.f32 v7;
	_ =	sdelay $0x7  }
0x23c: {  	v62, _, _ =	vpop (xrf1)  }
0x23d: {  	[tilespmem:$0x1FF30] =	vst v63;
	v7 =	vbroadcast v62, $0x0;
	v63 =	vpop (erf)  }
0x23e: {  	v61 =	vbroadcast v63, $0x1  }
0x23f: {  	v6 =	vsub.f32 v6, v7  }
0x240: {  	v15 =	vadd.f32 $1.000000000e+00, v61  }
0x241: {  	v6 =	vmul.f32 $1.442695020e+00, v6  }
0x242: {  	(erf) = vrcp.f32 v15  }
0x243: {  	(erf) = vpow2.f32 v6;
	_ =	sdelay $0x7  }
0x244: {  	v60 =	vpop (erf)  }
0x245: {  	v6 =	vpop (erf)  }
0x246: {  	v6 =	vnsel vm0, $0x0, v6  }
0x247: {  	(xrf2) =	vadd.scan.msk.f32 $0xffff, v6;
	_ =	sdelay $0x9  }
0x248: {  	v17, _, _ =	vpop (xrf2)  }
0x249: {  	v7 =	vbroadcast v17, $0xF;
	_ =	sdelay $0x1  }
0x24a: {  	(erf) = vrcp.f32 v7;
	_ =	sdelay $0x8  }
0x24b: {  	v7 =	vpop (erf)  }
0x24c: {  	v6 =	vmul.f32 v7, v6;
	_ =	sdelay $0x1  }
0x24d: {  	v7 =	vnsel vm0, $0xBF800000, v6  }
0x24e: {  	(xrf1) =	vsort.dscd.msk.f32 $0xffff, v7, v57;
	_ =	sdelay $0x8  }
0x24f: {  	v20 =	vld [tilespmem:$0xB00];
	_ =	sdelay $0x4  }
0x250: {  	v7 =	vnsel vm0, $0xFF61B1E6, v20;
	v21, v62, _ =	vpop (xrf1)  }
0x251: {  	[tilespmem:$0x1FF60] =	vst v22;
	(xrf1) =	vsort.dscd.msk.f32 $0xffff, v7, v57;
	v22 =	vbroadcast v21, $0x0;
	_ =	sdelay $0x1  }
0x252: {  	v8 =	vsub.f32 v21, v22;
	_ =	sdelay $0x1  }
0x253: {  	v8 =	vmul.f32 $1.442695020e+00, v8;
	_ =	sdelay $0x1  }
0x254: {  	(erf) = vpow2.f32 v8;
	_ =	sdelay $0x7  }
0x255: {  	v23, _, _ =	vpop (xrf1)  }
0x256: {  	v8 =	vbroadcast v23, $0x0;
	v24 =	vpop (erf)  }
0x257: {  	v51 =	vbroadcast v24, $0x1  }
0x258: {  	v7 =	vsub.f32 v7, v8  }
0x259: {  	v25 =	vadd.f32 $1.000000000e+00, v51  }
0x25a: {  	v7 =	vmul.f32 $1.442695020e+00, v7  }
0x25b: {  	(erf) = vrcp.f32 v25  }
0x25c: {  	(erf) = vpow2.f32 v7;
	_ =	sdelay $0x7  }
0x25d: {  	v63 =	vpop (erf)  }
0x25e: {  	v7 =	vpop (erf)  }
0x25f: {  	v7 =	vnsel vm0, $0x0, v7  }
0x260: {  	(xrf2) =	vadd.scan.msk.f32 $0xffff, v7;
	_ =	sdelay $0x9  }
0x261: {  	[tilespmem:$0x1FF90] =	vst v26;
	v26, _, _ =	vpop (xrf2)  }
0x262: {  	v8 =	vbroadcast v26, $0xF;
	_ =	sdelay $0x1  }
0x263: {  	(erf) = vrcp.f32 v8;
	_ =	sdelay $0x8  }
0x264: {  	v8 =	vpop (erf)  }
0x265: {  	v7 =	vmul.f32 v8, v7;
	_ =	sdelay $0x1  }
0x266: {  	v8 =	vnsel vm0, $0xBF800000, v7  }
0x267: {  	(xrf1) =	vsort.dscd.msk.f32 $0xffff, v8, v57;
	_ =	sdelay $0x8  }
0x268: {  	v27 =	vld [tilespmem:$0xB80];
	_ =	sdelay $0x4  }
0x269: {  	v8 =	vnsel vm0, $0xFF61B1E6, v27;
	v28, v47, _ =	vpop (xrf1)  }
0x26a: {  	(xrf1) =	vsort.dscd.msk.f32 $0xffff, v8, v57;
	v29 =	vbroadcast v28, $0x0;
	_ =	sdelay $0x1  }
0x26b: {  	v9 =	vsub.f32 v28, v29;
	_ =	sdelay $0x1  }
0x26c: {  	v9 =	vmul.f32 $1.442695020e+00, v9;
	_ =	sdelay $0x1  }
0x26d: {  	(erf) = vpow2.f32 v9;
	_ =	sdelay $0x7  }
0x26e: {  	v30, _, _ =	vpop (xrf1)  }
0x26f: {  	v9 =	vbroadcast v30, $0x0;
	v31 =	vpop (erf)  }
0x270: {  	v46 =	vbroadcast v31, $0x1  }
0x271: {  	v8 =	vsub.f32 v8, v9  }
0x272: {  	[tilespmem:$0x1FFA0] =	vst v32;
	v32 =	vadd.f32 $1.000000000e+00, v46  }
0x273: {  	v8 =	vmul.f32 $1.442695020e+00, v8  }
0x274: {  	(erf) = vrcp.f32 v32  }
0x275: {  	(erf) = vpow2.f32 v8;
	_ =	sdelay $0x7  }
0x276: {  	v50 =	vpop (erf)  }
0x277: {  	v8 =	vpop (erf)  }
0x278: {  	v8 =	vnsel vm0, $0x0, v8  }
0x279: {  	(xrf2) =	vadd.scan.msk.f32 $0xffff, v8;
	_ =	sdelay $0x9  }
0x27a: {  	v33, _, _ =	vpop (xrf2)  }
0x27b: {  	v9 =	vbroadcast v33, $0xF;
	_ =	sdelay $0x1  }
0x27c: {  	(erf) = vrcp.f32 v9;
	_ =	sdelay $0x8  }
0x27d: {  	v9 =	vpop (erf)  }
0x27e: {  	v8 =	vmul.f32 v9, v8;
	_ =	sdelay $0x1  }
0x27f: {  	v9 =	vnsel vm0, $0xBF800000, v8  }
0x280: {  	(xrf1) =	vsort.dscd.msk.f32 $0xffff, v9, v57  }
0x281: {  	v1 =	vadd.f32 $0.0e+00, v1;
	_ =	sdelay $0x1  }
0x282: {  	v1 =	vadd.f32 v2, v1;
	_ =	sdelay $0x1  }
0x283: {  	v1 =	vadd.f32 v3, v1;
	_ =	sdelay $0x1  }
0x284: {  	v1 =	vadd.f32 v4, v1;
	_ =	sdelay $0x1  }
0x285: {  	v34 =	vld [tilespmem:$0xC00];
	v1 =	vadd.f32 v5, v1;
	_ =	sdelay $0x1  }
0x286: {  	v1 =	vadd.f32 v6, v1;
	_ =	sdelay $0x1  }
0x287: {  	v1 =	vadd.f32 v7, v1  }
0x288: {  	v2 =	vnsel vm0, $0xFF61B1E6, v34;
	v35, v45, _ =	vpop (xrf1)  }
0x289: {  	[tilespmem:$0x1FFD0] =	vst v36;
	v1 =	vadd.f32 v8, v1;
	(xrf1) =	vsort.dscd.msk.f32 $0xffff, v2, v57;
	v36 =	vbroadcast v35, $0x0;
	_ =	sdelay $0x1  }
0x28a: {  	(xrf2) =	vadd.scan.msk.f32 $0xffff, v1;
	v3 =	vsub.f32 v35, v36;
	_ =	sdelay $0x1  }
0x28b: {  	v3 =	vmul.f32 $1.442695020e+00, v3;
	_ =	sdelay $0x1  }
0x28c: {  	(erf) = vpow2.f32 v3;
	_ =	sdelay $0x5  }
0x28d: {  	v37, _, _ =	vpop (xrf2)  }
0x28e: {  	v3 =	vmul.f32 $1.250000000e-01, v37  }
0x28f: {  	v40, _, _ =	vpop (xrf1)  }
0x290: {  	v39 =	vmul.f32 v3, v3;
	v38 =	vpop (erf)  }
0x291: {  	v41 =	vbroadcast v40, $0x0;
	v44 =	vbroadcast v38, $0x1  }
0x292: {  	v5 =	vadd.f32 $1.000000010e-10, v39  }
0x293: {  	v2 =	vsub.f32 v2, v41;
	v42 =	vadd.f32 $1.000000000e+00, v44  }
0x294: {  	v5 =	vbroadcast v5, $0xF  }
0x295: {  	v2 =	vmul.f32 $1.442695020e+00, v2;
	(erf) = vrcp.f32 v42  }
0x296: {  	(erf) = vrcp.f32 v5  }
0x297: {  	(erf) = vpow2.f32 v2;
	_ =	sdelay $0x2  }
0x298: {  	v43 =	vbroadcast v3, $0xF;
	_ =	sdelay $0x1  }
0x299: {  	v1 =	vsub.f32 v1, v43;
	_ =	sdelay $0x1  }
0x29a: {  	v1 =	vnsel vm0, $0x0, v1;
	v43 =	vpop (erf)  }
0x29b: {  	v1 =	vmul.f32 v1, v1;
	v4 =	vpop (erf)  }
0x29c: {  	v5 =	vpop (erf)  }
0x29d: {  	(xrf2) =	vadd.scan.msk.f32 $0xffff, v1;
	v6 =	vnsel vm0, $0x0, v5  }
0x29e: {  	(xrf2) =	vadd.scan.msk.f32 $0xffff, v6;
	_ =	sdelay $0x8  }
0x29f: {  	v7, _, _ =	vpop (xrf2)  }
0x2a0: {  	v8, _, _ =	vpop (xrf2)  }
0x2a1: {  	v2 =	vbroadcast v8, $0xF;
	_ =	sdelay $0x1  }
0x2a2: {  	(erf) = vrcp.f32 v2;
	_ =	sdelay $0x8  }
0x2a3: {  	v2 =	vpop (erf)  }
0x2a4: {  	v17 =	vmul.f32 v2, v6;
	_ =	sdelay $0x1  }
0x2a5: {  	v1 =	vnsel vm0, $0xBF800000, v17  }
0x2a6: {  	(xrf1) =	vsort.dscd.msk.f32 $0xffff, v1, v57;
	_ =	sdelay $0x8  }
0x2a7: {  	v9 =	vld [tilespmem:$0xC80];
	_ =	sdelay $0x4  }
0x2a8: {  	[tilespmem:$0x1FF50] =	vst v10;
	v1 =	vnsel vm0, $0xFF61B1E6, v9;
	v10, v42, _ =	vpop (xrf1)  }
0x2a9: {  	(xrf1) =	vsort.dscd.msk.f32 $0xffff, v1, v57;
	v11 =	vbroadcast v10, $0x0;
	_ =	sdelay $0x1  }
0x2aa: {  	v2 =	vsub.f32 v10, v11;
	_ =	sdelay $0x1  }
0x2ab: {  	v2 =	vmul.f32 $1.442695020e+00, v2;
	_ =	sdelay $0x1  }
0x2ac: {  	(erf) = vpow2.f32 v2;
	_ =	sdelay $0x7  }
0x2ad: {  	v15, _, _ =	vpop (xrf1)  }
0x2ae: {  	v2 =	vbroadcast v15, $0x0;
	v20 =	vpop (erf)  }
0x2af: {  	v40 =	vbroadcast v20, $0x1  }
0x2b0: {  	v1 =	vsub.f32 v1, v2  }
0x2b1: {  	v21 =	vadd.f32 $1.000000000e+00, v40  }
0x2b2: {  	v1 =	vmul.f32 $1.442695020e+00, v1  }
0x2b3: {  	(erf) = vrcp.f32 v21  }
0x2b4: {  	(erf) = vpow2.f32 v1;
	_ =	sdelay $0x7  }
0x2b5: {  	v41 =	vpop (erf)  }
0x2b6: {  	v1 =	vpop (erf)  }
0x2b7: {  	v1 =	vnsel vm0, $0x0, v1  }
0x2b8: {  	(xrf2) =	vadd.scan.msk.f32 $0xffff, v1;
	_ =	sdelay $0x9  }
0x2b9: {  	v22, _, _ =	vpop (xrf2)  }
0x2ba: {  	v2 =	vbroadcast v22, $0xF;
	_ =	sdelay $0x1  }
0x2bb: {  	(erf) = vrcp.f32 v2;
	_ =	sdelay $0x8  }
0x2bc: {  	v2 =	vpop (erf)  }
0x2bd: {  	v20 =	vmul.f32 v2, v1;
	_ =	sdelay $0x1  }
0x2be: {  	v1 =	vnsel vm0, $0xBF800000, v20  }
0x2bf: {  	(xrf1) =	vsort.dscd.msk.f32 $0xffff, v1, v57;
	_ =	sdelay $0x8  }
0x2c0: {  	v23 =	vld [tilespmem:$0xD00];
	_ =	sdelay $0x4  }
0x2c1: {  	v1 =	vnsel vm0, $0xFF61B1E6, v23;
	v24, v38, _ =	vpop (xrf1)  }
0x2c2: {  	(xrf1) =	vsort.dscd.msk.f32 $0xffff, v1, v57;
	v25 =	vbroadcast v24, $0x0;
	_ =	sdelay $0x1  }
0x2c3: {  	v2 =	vsub.f32 v24, v25;
	_ =	sdelay $0x1  }
0x2c4: {  	v2 =	vmul.f32 $1.442695020e+00, v2;
	_ =	sdelay $0x1  }
0x2c5: {  	(erf) = vpow2.f32 v2;
	_ =	sdelay $0x7  }
0x2c6: {  	v26, _, _ =	vpop (xrf1)  }
0x2c7: {  	v2 =	vbroadcast v26, $0x0;
	v27 =	vpop (erf)  }
0x2c8: {  	v37 =	vbroadcast v27, $0x1  }
0x2c9: {  	v1 =	vsub.f32 v1, v2  }
0x2ca: {  	v28 =	vadd.f32 $1.000000000e+00, v37  }
0x2cb: {  	v1 =	vmul.f32 $1.442695020e+00, v1  }
0x2cc: {  	(erf) = vrcp.f32 v28  }
0x2cd: {  	(erf) = vpow2.f32 v1;
	_ =	sdelay $0x7  }
0x2ce: {  	v39 =	vpop (erf)  }
0x2cf: {  	v1 =	vpop (erf)  }
0x2d0: {  	v1 =	vnsel vm0, $0x0, v1  }
0x2d1: {  	(xrf2) =	vadd.scan.msk.f32 $0xffff, v1;
	_ =	sdelay $0x9  }
0x2d2: {  	v29, _, _ =	vpop (xrf2)  }
0x2d3: {  	v2 =	vbroadcast v29, $0xF;
	_ =	sdelay $0x1  }
0x2d4: {  	(erf) = vrcp.f32 v2;
	_ =	sdelay $0x8  }
0x2d5: {  	v2 =	vpop (erf)  }
0x2d6: {  	v15 =	vmul.f32 v2, v1;
	_ =	sdelay $0x1  }
0x2d7: {  	v1 =	vnsel vm0, $0xBF800000, v15  }
0x2d8: {  	(xrf1) =	vsort.dscd.msk.f32 $0xffff, v1, v57;
	_ =	sdelay $0x8  }
0x2d9: {  	v30 =	vld [tilespmem:$0xD80];
	_ =	sdelay $0x4  }
0x2da: {  	v1 =	vnsel vm0, $0xFF61B1E6, v30;
	v31, v35, _ =	vpop (xrf1)  }
0x2db: {  	(xrf1) =	vsort.dscd.msk.f32 $0xffff, v1, v57;
	v33 =	vbroadcast v31, $0x0;
	_ =	sdelay $0x1  }
0x2dc: {  	v2 =	vsub.f32 v31, v33;
	_ =	sdelay $0x1  }
0x2dd: {  	v2 =	vmul.f32 $1.442695020e+00, v2;
	_ =	sdelay $0x1  }
0x2de: {  	(erf) = vpow2.f32 v2;
	_ =	sdelay $0x7  }
0x2df: {  	v34, _, _ =	vpop (xrf1)  }
0x2e0: {  	v2 =	vbroadcast v34, $0x0;
	v36 =	vpop (erf)  }
0x2e1: {  	v34 =	vbroadcast v36, $0x1  }
0x2e2: {  	v1 =	vsub.f32 v1, v2  }
0x2e3: {  	v6 =	vadd.f32 $1.000000000e+00, v34  }
0x2e4: {  	v1 =	vmul.f32 $1.442695020e+00, v1  }
0x2e5: {  	(erf) = vrcp.f32 v6  }
0x2e6: {  	(erf) = vpow2.f32 v1;
	_ =	sdelay $0x7  }
0x2e7: {  	v36 =	vpop (erf)  }
0x2e8: {  	v1 =	vpop (erf)  }
0x2e9: {  	v1 =	vnsel vm0, $0x0, v1  }
0x2ea: {  	(xrf2) =	vadd.scan.msk.f32 $0xffff, v1;
	_ =	sdelay $0x9  }
0x2eb: {  	[tilespmem:$0x1FFE0] =	vst v7;
	v7, _, _ =	vpop (xrf2)  }
0x2ec: {  	v2 =	vbroadcast v7, $0xF;
	_ =	sdelay $0x1  }
0x2ed: {  	(erf) = vrcp.f32 v2;
	_ =	sdelay $0x8  }
0x2ee: {  	v2 =	vpop (erf)  }
0x2ef: {  	v11 =	vmul.f32 v2, v1;
	_ =	sdelay $0x1  }
0x2f0: {  	v1 =	vnsel vm0, $0xBF800000, v11  }
0x2f1: {  	(xrf1) =	vsort.dscd.msk.f32 $0xffff, v1, v57;
	_ =	sdelay $0x8  }
0x2f2: {  	v8 =	vld [tilespmem:$0xE00];
	_ =	sdelay $0x4  }
0x2f3: {  	v1 =	vnsel vm0, $0xFF61B1E6, v8;
	v9, v33, _ =	vpop (xrf1)  }
0x2f4: {  	(xrf1) =	vsort.dscd.msk.f32 $0xffff, v1, v57;
	v10 =	vbroadcast v9, $0x0;
	_ =	sdelay $0x1  }
0x2f5: {  	v2 =	vsub.f32 v9, v10;
	_ =	sdelay $0x1  }
0x2f6: {  	v2 =	vmul.f32 $1.442695020e+00, v2;
	_ =	sdelay $0x1  }
0x2f7: {  	(erf) = vpow2.f32 v2;
	_ =	sdelay $0x7  }
0x2f8: {  	v21, _, _ =	vpop (xrf1)  }
0x2f9: {  	v2 =	vbroadcast v21, $0x0;
	v22 =	vpop (erf)  }
0x2fa: {  	v31 =	vbroadcast v22, $0x1  }
0x2fb: {  	v1 =	vsub.f32 v1, v2  }
0x2fc: {  	v23 =	vadd.f32 $1.000000000e+00, v31  }
0x2fd: {  	v1 =	vmul.f32 $1.442695020e+00, v1  }
0x2fe: {  	(erf) = vrcp.f32 v23  }
0x2ff: {  	(erf) = vpow2.f32 v1;
	_ =	sdelay $0x7  }
0x300: {  	v32 =	vpop (erf)  }
0x301: {  	v1 =	vpop (erf)  }
0x302: {  	v1 =	vnsel vm0, $0x0, v1  }
0x303: {  	(xrf2) =	vadd.scan.msk.f32 $0xffff, v1;
	_ =	sdelay $0x9  }
0x304: {  	v24, _, _ =	vpop (xrf2)  }
0x305: {  	v2 =	vbroadcast v24, $0xF;
	_ =	sdelay $0x1  }
0x306: {  	(erf) = vrcp.f32 v2;
	_ =	sdelay $0x8  }
0x307: {  	v2 =	vpop (erf)  }
0x308: {  	v9 =	vmul.f32 v2, v1;
	_ =	sdelay $0x1  }
0x309: {  	v1 =	vnsel vm0, $0xBF800000, v9  }
0x30a: {  	(xrf1) =	vsort.dscd.msk.f32 $0xffff, v1, v57;
	_ =	sdelay $0x8  }
0x30b: {  	v25 =	vld [tilespmem:$0xE80];
	_ =	sdelay $0x4  }
0x30c: {  	v1 =	vnsel vm0, $0xFF61B1E6, v25;
	v26, v29, _ =	vpop (xrf1)  }
0x30d: {  	(xrf1) =	vsort.dscd.msk.f32 $0xffff, v1, v57;
	v27 =	vbroadcast v26, $0x0;
	_ =	sdelay $0x1  }
0x30e: {  	v2 =	vsub.f32 v26, v27;
	_ =	sdelay $0x1  }
0x30f: {  	v2 =	vmul.f32 $1.442695020e+00, v2;
	_ =	sdelay $0x1  }
0x310: {  	(erf) = vpow2.f32 v2;
	_ =	sdelay $0x7  }
0x311: {  	v28, _, _ =	vpop (xrf1)  }
0x312: {  	v2 =	vbroadcast v28, $0x0;
	v30 =	vpop (erf)  }
0x313: {  	v28 =	vbroadcast v30, $0x1  }
0x314: {  	v1 =	vsub.f32 v1, v2  }
0x315: {  	v8 =	vadd.f32 $1.000000000e+00, v28  }
0x316: {  	v1 =	vmul.f32 $1.442695020e+00, v1  }
0x317: {  	(erf) = vrcp.f32 v8  }
0x318: {  	(erf) = vpow2.f32 v1;
	_ =	sdelay $0x7  }
0x319: {  	v30 =	vpop (erf)  }
0x31a: {  	v1 =	vpop (erf)  }
0x31b: {  	v1 =	vnsel vm0, $0x0, v1  }
0x31c: {  	(xrf2) =	vadd.scan.msk.f32 $0xffff, v1;
	_ =	sdelay $0x9  }
0x31d: {  	v10, _, _ =	vpop (xrf2)  }
0x31e: {  	v2 =	vbroadcast v10, $0xF;
	_ =	sdelay $0x1  }
0x31f: {  	(erf) = vrcp.f32 v2;
	_ =	sdelay $0x8  }
0x320: {  	v2 =	vpop (erf)  }
0x321: {  	v5 =	vmul.f32 v2, v1;
	_ =	sdelay $0x1  }
0x322: {  	v1 =	vnsel vm0, $0xBF800000, v5  }
0x323: {  	(xrf1) =	vsort.dscd.msk.f32 $0xffff, v1, v57;
	_ =	sdelay $0x8  }
0x324: {  	v21 =	vld [tilespmem:$0xF00];
	_ =	sdelay $0x4  }
0x325: {  	v1 =	vnsel vm0, $0xFF61B1E6, v21;
	v22, v27, _ =	vpop (xrf1)  }
0x326: {  	(xrf1) =	vsort.dscd.msk.f32 $0xffff, v1, v57;
	v23 =	vbroadcast v22, $0x0;
	_ =	sdelay $0x1  }
0x327: {  	[tilespmem:$0x1FFF0] =	vst v4;
	v4 =	vsub.f32 v22, v23;
	_ =	sdelay $0x1  }
0x328: {  	v4 =	vmul.f32 $1.442695020e+00, v4;
	_ =	sdelay $0x1  }
0x329: {  	(erf) = vpow2.f32 v4;
	_ =	sdelay $0x7  }
0x32a: {  	v24, _, _ =	vpop (xrf1)  }
0x32b: {  	v4 =	vbroadcast v24, $0x0;
	v25 =	vpop (erf)  }
0x32c: {  	v25 =	vbroadcast v25, $0x1  }
0x32d: {  	v1 =	vsub.f32 v1, v4  }
0x32e: {  	v26 =	vadd.f32 $1.000000000e+00, v25  }
0x32f: {  	v1 =	vmul.f32 $1.442695020e+00, v1  }
0x330: {  	(erf) = vrcp.f32 v26  }
0x331: {  	(erf) = vpow2.f32 v1;
	_ =	sdelay $0x7  }
0x332: {  	v26 =	vpop (erf)  }
0x333: {  	v1 =	vpop (erf)  }
0x334: {  	v1 =	vnsel vm0, $0x0, v1  }
0x335: {  	(xrf2) =	vadd.scan.msk.f32 $0xffff, v1;
	_ =	sdelay $0x9  }
0x336: {  	v8, _, _ =	vpop (xrf2)  }
0x337: {  	v4 =	vbroadcast v8, $0xF;
	_ =	sdelay $0x1  }
0x338: {  	(erf) = vrcp.f32 v4;
	_ =	sdelay $0x8  }
0x339: {  	v4 =	vpop (erf)  }
0x33a: {  	v3 =	vmul.f32 v4, v1;
	_ =	sdelay $0x1  }
0x33b: {  	v4 =	vnsel vm0, $0xBF800000, v3  }
0x33c: {  	(xrf1) =	vsort.dscd.msk.f32 $0xffff, v4, v57;
	_ =	sdelay $0x8  }
0x33d: {  	v10 =	vld [tilespmem:$0xF80];
	_ =	sdelay $0x4  }
0x33e: {  	v4 =	vnsel vm0, $0xFF61B1E6, v10;
	v21, v24, _ =	vpop (xrf1)  }
0x33f: {  	(xrf1) =	vsort.dscd.msk.f32 $0xffff, v4, v57;
	v22 =	vbroadcast v21, $0x0;
	_ =	sdelay $0x1  }
0x340: {  	v6 =	vsub.f32 v21, v22;
	_ =	sdelay $0x1  }
0x341: {  	v6 =	vmul.f32 $1.442695020e+00, v6;
	_ =	sdelay $0x1  }
0x342: {  	(erf) = vpow2.f32 v6;
	_ =	sdelay $0x7  }
0x343: {  	v23, _, _ =	vpop (xrf1)  }
0x344: {  	v6 =	vbroadcast v23, $0x0;
	v1 =	vpop (erf)  }
0x345: {  	v23 =	vbroadcast v1, $0x1  }
0x346: {  	v4 =	vsub.f32 v4, v6  }
0x347: {  	v10 =	vbroadcast v0, $0x1;
	v22 =	vbroadcast v0, $0x0;
	v2 =	vadd.f32 $1.000000000e+00, v23  }
0x348: {  	v21 =	vmul.f32 v12, v13;
	v4 =	vmul.f32 $1.442695020e+00, v4  }
0x349: {  	vm1 =	veq.s32 v10, v57;
	vm2 =	veq.s32 v22, v57;
	(erf) = vrcp.f32 v2  }
0x34a: {  	v6 =	vnsel vm1, $0x0, v21;
	v1 =	vbroadcast v16, $0x1;
	(erf) = vpow2.f32 v4  }
0x34b: {  	v0 =	vbroadcast v16, $0x0;
	v16 =	vld [tilespmem:$0x1FD30];
	v21 =	vsel vm2, v12, v6;
	v12 =	vbroadcast v19, $0x1  }
0x34c: {  	vm2 =	veq.s32 v1, v57;
	v1 =	vld [tilespmem:$0x1FD50]  }
0x34d: {  	vm4 =	veq.s32 v12, v57;
	v12 =	vld [tilespmem:$0x1FD60]  }
0x34e: {  	v2 =	vbroadcast v19, $0x0;
	v19 =	vld [tilespmem:$0x1FD40];
	_ =	sdelay $0x1  }
0x34f: {  	v6 =	vmul.f32 v14, v18  }
0x350: {  	v18 =	vmul.f32 v48, v16  }
0x351: {  	vm1 =	veq.s32 v0, v57;
	v6 =	vnsel vm2, $0x0, v6;
	vm3 =	veq.s32 v2, v57;
	v22 =	vpop (erf)  }
0x352: {  	v4 =	vnsel vm4, $0x0, v18;
	v8 =	vmul.f32 v1, v12;
	v7 =	vbroadcast v19, $0x1;
	v13 =	vpop (erf)  }
0x353: {  	v2 =	vnsel vm0, $0x0, v13;
	v13 =	vbroadcast v19, $0x0;
	v19 =	vsel vm3, v48, v4;
	v48 =	vld [tilespmem:$0x1FD70]  }
0x354: {  	v16 =	vsel vm1, v14, v6;
	v14 =	vld [tilespmem:$0x1FDA0];
	vm1 =	veq.s32 v7, v57  }
0x355: {  	v12 =	vld [tilespmem:$0x1FD90];
	v18 =	vnsel vm1, $0x0, v8;
	vm2 =	veq.s32 v13, v57  }
0x356: {  	v18 =	vsel vm2, v1, v18;
	v1 =	vld [tilespmem:$0x1FD80];
	_ =	sdelay $0x1  }
0x357: {  	v13 =	vbroadcast v48, $0x1  }
0x358: {  	v0 =	vld [tilespmem:$0x1FDB0]  }
0x359: {  	v10 =	vbroadcast v48, $0x0;
	v48 =	vbroadcast v14, $0x0;
	vm2 =	veq.s32 v13, v57;
	v13 =	vld [tilespmem:$0x1FDC0]  }
0x35a: {  	v4 =	vmul.f32 v1, v12;
	v12 =	vbroadcast v14, $0x1;
	v14 =	vld [tilespmem:$0x1FDD0];
	_ =	sdelay $0x4  }
0x35b: {  	vm1 =	veq.s32 v10, v57;
	v7 =	vmul.f32 v0, v13;
	v10 =	vmul.f32 $1.250000000e-01, v14  }
0x35c: {  	vm13 =	veq.s32 v12, v57  }
0x35d: {  	v6 =	vnsel vm13, $0x0, v7;
	v7 =	vbroadcast v10, $0xF;
	v10 =	vld [tilespmem:$0x1FDE0];
	_ =	sdelay $0x1  }
0x35e: {  	v4 =	vnsel vm2, $0x0, v4;
	v12 =	vld [tilespmem:$0x1FE10]  }
0x35f: {  	v13 =	vsel vm1, v1, v4;
	v1 =	vld [tilespmem:$0x1FE00]  }
0x360: {  	(xrf2) =	vadd.scan.msk.f32 $0xffff, v2  }
0x361: {  	vm3 =	veq.s32 v48, v57;
	v48 =	vbroadcast v10, $0x0;
	v4 =	vbroadcast v10, $0x1;
	v10 =	vld [tilespmem:$0x1FDF0];
	_ =	sdelay $0x2  }
0x362: {  	vm1 =	veq.s32 v48, v57;
	v48 =	vmul.f32 v1, v12  }
0x363: {  	vm2 =	veq.s32 v4, v57  }
0x364: {  	v14 =	vsel vm3, v0, v6;
	v6 =	vmul.f32 v7, v10;
	v7 =	vnsel vm2, $0x0, v48;
	v48 =	vld [tilespmem:$0x1FE30]  }
0x365: {  	v12 =	vld [tilespmem:$0x1FE20];
	_ =	sdelay $0x2  }
0x366: {  	v0, _, _ =	vpop (xrf2)  }
0x367: {  	v4 =	vbroadcast v0, $0xF;
	v0 =	vmul.f32 v49, v48;
	v48 =	vld [tilespmem:$0x1FE40]  }
0x368: {  	v8 =	vbroadcast v12, $0x1  }
0x369: {  	v10 =	vbroadcast v12, $0x0  }
0x36a: {  	v12 =	vsel vm1, v1, v7;
	vm1 =	veq.s32 v8, v57  }
0x36b: {  	(erf) = vrcp.f32 v4;
	vm2 =	veq.s32 v10, v57;
	v0 =	vnsel vm1, $0x0, v0  }
0x36c: {  	v10 =	vsel vm2, v49, v0;
	v4 =	vbroadcast v48, $0x0;
	v0 =	vbroadcast v48, $0x1;
	v48 =	vld [tilespmem:$0x1FE50];
	_ =	sdelay $0x3  }
0x36d: {  	v8 =	vld [tilespmem:$0x1FE60]  }
0x36e: {  	v49 =	vld [tilespmem:$0x1FE80];
	v7 =	vbroadcast v48, $0x0  }
0x36f: {  	vm1 =	veq.s32 v4, v57;
	v4 =	vld [tilespmem:$0x1FE70]  }
0x370: {  	v48 =	vbroadcast v48, $0x1;
	vm3 =	veq.s32 v7, v57;
	v7 =	vld [tilespmem:$0x1FE90]  }
0x371: {  	v1 =	vld [tilespmem:$0x1FEA0]  }
0x372: {  	vm14 =	veq.s32 v48, v57;
	v48 =	vld [tilespmem:$0x1FEB0];
	_ =	sdelay $0x1  }
0x373: {  	v4 =	vmul.f32 v8, v4  }
0x374: {  	vm2 =	veq.s32 v0, v57;
	v0 =	vmul.f32 v49, v7  }
0x375: {  	v4 =	vnsel vm2, $0x0, v4;
	v7 =	vbroadcast v1, $0x1  }
0x376: {  	v48 =	vmul.f32 v56, v48;
	v1 =	vbroadcast v1, $0x0;
	v0 =	vnsel vm14, $0x0, v0  }
0x377: {  	v4 =	vsel vm1, v8, v4;
	vm1 =	veq.s32 v7, v57;
	v8 =	vsel vm3, v49, v0;
	v0 =	vld [tilespmem:$0x1FEC0]  }
0x378: {  	vm2 =	veq.s32 v1, v57;
	v7 =	vnsel vm1, $0x0, v48;
	v49 =	vld [tilespmem:$0x1FED0]  }
0x379: {  	v7 =	vsel vm2, v56, v7;
	v56 =	vld [tilespmem:$0x1FEE0];
	_ =	sdelay $0x4  }
0x37a: {  	v48 =	vbroadcast v0, $0x1;
	v1 =	vmul.f32 v49, v56;
	v56 =	vld [tilespmem:$0x1FEF0]  }
0x37b: {  	v0 =	vbroadcast v0, $0x0  }
0x37c: {  	vm1 =	veq.s32 v48, v57  }
0x37d: {  	v48 =	vadd.f32 $0.0e+00, v17;
	vm2 =	veq.s32 v0, v57;
	v0 =	vnsel vm1, $0x0, v1  }
0x37e: {  	v0 =	vsel vm2, v49, v0  }
0x37f: {  	v48 =	vadd.f32 v20, v48;
	v49 =	vpop (erf);
	v20 =	vld [tilespmem:$0x1FF00];
	v17 =	vbroadcast v56, $0x0;
	v56 =	vbroadcast v56, $0x1  }
0x380: {  	v1 =	vmul.f32 v49, v2;
	v49 =	vld [tilespmem:$0x1FF10]  }
0x381: {  	vm2 =	veq.s32 v56, v57;
	v56 =	vld [tilespmem:$0x1FF20];
	_ =	sdelay $0x3  }
0x382: {  	v15 =	vadd.f32 v15, v48;
	v48 =	vld [tilespmem:$0x1FF40];
	v2 =	vbroadcast v20, $0x0;
	v20 =	vbroadcast v20, $0x1  }
0x383: {  	vm1 =	veq.s32 v17, v57;
	v17 =	vmul.f32 v49, v56;
	v56 =	vld [tilespmem:$0x1FF30]  }
0x384: {  	vm15 =	veq.s32 v20, v57;
	v20 =	vld [tilespmem:$0x1FF50];
	_ =	sdelay $0x3  }
0x385: {  	vm3 =	veq.s32 v2, v57;
	v2 =	vmul.f32 v56, v48;
	v48 =	vnsel vm0, $0xBF800000, v1  }
0x386: {  	v11 =	vadd.f32 v11, v15;
	v15 =	vnsel vm2, $0x0, v17;
	(xrf1) =	vsort.dscd.msk.f32 $0xffff, v48, v57;
	v48 =	vbroadcast v20, $0x0  }
0x387: {  	v15 =	vsel vm1, v49, v15;
	v49 =	vld [tilespmem:$0x1FF60]  }
0x388: {  	vm1 =	veq.s32 v48, v57;
	v48 =	vld [tilespmem:$0x1FF70];
	_ =	sdelay $0x1  }
0x389: {  	v2 =	vnsel vm15, $0x0, v2  }
0x38a: {  	v2 =	vsel vm3, v56, v2;
	v56 =	vld [tilespmem:$0x1FF80];
	_ =	sdelay $0x1  }
0x38b: {  	v9 =	vadd.f32 v9, v11;
	v20 =	vbroadcast v20, $0x1;
	v11 =	vmul.f32 v49, v48;
	v48 =	vld [tilespmem:$0x1FF90];
	_ =	sdelay $0x1  }
0x38c: {  	vm2 =	veq.s32 v20, v57;
	v20 =	vld [tilespmem:$0x1FFB0]  }
0x38d: {  	v5 =	vadd.f32 v5, v9;
	v9 =	vmul.f32 $1.250000000e-01, v56;
	v56 =	vld [tilespmem:$0x1FFA0];
	_ =	sdelay $0x1  }
0x38e: {  	v17 =	vbroadcast v48, $0x1;
	v48 =	vbroadcast v48, $0x0;
	_ =	sdelay $0x1  }
0x38f: {  	v11 =	vnsel vm2, $0x0, v11;
	vm2 =	veq.s32 v48, v57;
	v48 =	vld [tilespmem:$0x1FFD0]  }
0x390: {  	v20 =	vmul.f32 v56, v20  }
0x391: {  	v11 =	vsel vm1, v49, v11;
	vm1 =	veq.s32 v17, v57  }
0x392: {  	v17 =	vnsel vm1, $0x0, v20;
	v20 =	vld [tilespmem:$0x1FFC0]  }
0x393: {  	v55 =	vmul.f32 v54, v55;
	v3 =	vadd.f32 v3, v5  }
0x394: {  	v46 =	vmul.f32 v50, v46;
	v49 =	vbroadcast v48, $0x1  }
0x395: {  	[tilespmem:$0x1280] =	vst v18;
	v18 =	vmul.f32 v39, v37;
	v3 =	vadd.f32 v1, v3;
	v9 =	vbroadcast v9, $0xF  }
0x396: {  	v5 =	vsel vm2, v56, v17;
	v17 =	vbroadcast v52, $0x0;
	vm1 =	veq.s32 v49, v57  }
0x397: {  	v9 =	vmul.f32 v9, v20;
	v20 =	vbroadcast v48, $0x0;
	v1 =	vnsel vm1, $0x0, v55  }
0x398: {  	(xrf2) =	vadd.scan.msk.f32 $0xffff, v3;
	v56 =	vmul.f32 v53, v58;
	v48 =	vbroadcast v52, $0x1  }
0x399: {  	vm2 =	veq.s32 v20, v57;
	vm1 =	veq.s32 v17, v57;
	v17 =	vmul.f32 v60, v61  }
0x39a: {  	v61 =	vbroadcast v59, $0x1;
	v52 =	vsel vm2, v54, v1;
	vm2 =	veq.s32 v48, v57  }
0x39b: {  	v37 =	vbroadcast v35, $0x0;
	v6 =	vadd.f32 $0.0e+00, v6;
	v58 =	vnsel vm2, $0x0, v56;
	v55, v1, _ =	vpop (xrf1)  }
0x39c: {  	v48 =	vsel vm1, v53, v58;
	vm1 =	veq.s32 v61, v57;
	v61 =	vbroadcast v55, $0x0  }
0x39d: {  	v49 =	vbroadcast v45, $0x0;
	v6 =	vadd.f32 v9, v6;
	v53 =	vbroadcast v59, $0x0  }
0x39e: {  	v58 =	vbroadcast v62, $0x1;
	v59 =	vmul.f32 v63, v51;
	v51 =	vsub.f32 v55, v61  }
0x39f: {  	v56 =	vbroadcast v42, $0x1;
	[tilespmem:$0x1900] =	vst v52;
	v52 =	vbroadcast v24, $0x0;
	v17 =	vnsel vm1, $0x0, v17  }
0x3a0: {  	vm2 =	veq.s32 v58, v57;
	v58 =	vbroadcast v62, $0x0;
	v51 =	vmul.f32 $1.442695020e+00, v51  }
0x3a1: {  	v20 =	vnsel vm2, $0x0, v59;
	v59 =	vbroadcast v47, $0x0;
	v47 =	vbroadcast v47, $0x1  }
0x3a2: {  	[tilespmem:$0x1980] =	vst v48;
	v48 =	vbroadcast v27, $0x1;
	v62, _, _ =	vpop (xrf2);
	vm2 =	veq.s32 v58, v57;
	(erf) = vpow2.f32 v51  }
0x3a3: {  	v20 =	vsel vm2, v63, v20;
	vm2 =	veq.s32 v47, v57;
	v47 =	vmul.f32 $1.250000000e-01, v62  }
0x3a4: {  	vm1 =	veq.s32 v53, v57;
	v55 =	vbroadcast v42, $0x0;
	v58 =	vmul.f32 v41, v40  }
0x3a5: {  	[tilespmem:$0x1100] =	vst v21;
	v17 =	vsel vm1, v60, v17;
	v40 =	vmul.f32 v36, v34;
	v53 =	vbroadcast v47, $0xF  }
0x3a6: {  	[tilespmem:$0x1180] =	vst v16;
	v61 =	vld [tilespmem:$0x1FFE0];
	v42 =	vmul.f32 v32, v31;
	vm1 =	veq.s32 v59, v57;
	v59 =	vbroadcast v38, $0x0  }
0x3a7: {  	[tilespmem:$0x1200] =	vst v19;
	v63 =	vnsel vm2, $0x0, v46;
	v46 =	vmul.f32 v30, v28;
	v3 =	vsub.f32 v3, v53  }
0x3a8: {  	[tilespmem:$0x1300] =	vst v13;
	v16 =	vsel vm1, v50, v63;
	v50 =	vbroadcast v45, $0x1;
	v63 =	vmul.f32 v47, v47  }
0x3a9: {  	[tilespmem:$0x1380] =	vst v14;
	v45 =	vbroadcast v29, $0x1;
	v47 =	vbroadcast v27, $0x0;
	v3 =	vnsel vm0, $0x0, v3  }
0x3aa: {  	[tilespmem:$0x1400] =	vst v12;
	vm1 =	veq.s32 v49, v57;
	v51 =	vmul.f32 v43, v44;
	v3 =	vmul.f32 v3, v3  }
0x3ab: {  	[tilespmem:$0x1480] =	vst v10;
	v44 =	vbroadcast v29, $0x0;
	v21 =	vmul.f32 $1.250000000e-01, v61;
	vm2 =	veq.s32 v50, v57;
	v62 =	vpop (erf)  }
0x3ac: {  	v54 =	vld [tilespmem:$0x1FFF0];
	v61 =	vbroadcast v38, $0x1;
	v19 =	vadd.f32 $1.000000010e-10, v63;
	(xrf2) =	vadd.scan.msk.f32 $0xffff, v3;
	v12 =	vbroadcast v62, $0x1  }
0x3ad: {  	[tilespmem:$0x1500] =	vst v4;
	v9 =	vnsel vm2, $0x0, v51;
	vm2 =	veq.s32 v56, v57;
	v21 =	vbroadcast v21, $0xF  }
0x3ae: {  	[tilespmem:$0x1580] =	vst v8;
	v9 =	vsel vm1, v43, v9;
	vm1 =	veq.s32 v55, v57;
	v38 =	vadd.f32 $1.000000000e+00, v12  }
0x3af: {  	[tilespmem:$0x1600] =	vst v7;
	v60 =	vnsel vm2, $0x0, v58;
	vm2 =	veq.s32 v61, v57;
	v4 =	vbroadcast v19, $0xF  }
0x3b0: {  	[tilespmem:$0x1680] =	vst v0;
	v8 =	vsel vm1, v41, v60;
	vm1 =	veq.s32 v59, v57;
	(erf) = vrcp.f32 v38  }
0x3b1: {  	[tilespmem:$0x1700] =	vst v15;
	v13 =	vmul.f32 v21, v54;
	v21 =	vnsel vm2, $0x0, v18;
	(erf) = vrcp.f32 v4  }
0x3b2: {  	[tilespmem:$0x1780] =	vst v2;
	v50 =	vmul.f32 v26, v25;
	v0 =	vsel vm1, v39, v21;
	v39 =	vbroadcast v35, $0x1  }
0x3b3: {  	[tilespmem:$0x1800] =	vst v11;
	v43 =	vbroadcast v33, $0x0;
	v55 =	vbroadcast v24, $0x1  }
0x3b4: {  	[tilespmem:$0x1880] =	vst v5;
	v41 =	vbroadcast v33, $0x1;
	v59 =	vbroadcast v1, $0x1;
	vm2 =	veq.s32 v39, v57  }
0x3b5: {  	[tilespmem:$0x1A00] =	vst v17;
	v1 =	vbroadcast v1, $0x0;
	vm1 =	veq.s32 v37, v57;
	v2 =	vnsel vm2, $0x0, v40  }
0x3b6: {  	[tilespmem:$0x1A80] =	vst v20;
	v54 =	vmul.f32 v22, v23;
	v2 =	vsel vm1, v36, v2;
	vm1 =	veq.s32 v41, v57;
	v49, _, _ =	vpop (xrf2)  }
0x3b7: {  	[tilespmem:$0x1B00] =	vst v16;
	vm2 =	veq.s32 v43, v57;
	v4 =	vnsel vm1, $0x0, v42;
	v10 =	vmul.f32 $1.250000000e-01, v49  }
0x3b8: {  	[tilespmem:$0x1B80] =	vst v9;
	v6 =	vadd.f32 v13, v6;
	v4 =	vsel vm2, v32, v4;
	vm2 =	veq.s32 v45, v57  }
0x3b9: {  	[tilespmem:$0x1C00] =	vst v8;
	vm1 =	veq.s32 v44, v57;
	v3 =	vnsel vm2, $0x0, v46;
	v53 =	vbroadcast v10, $0xF;
	v51 =	vpop (erf)  }
0x3ba: {  	[tilespmem:$0x1C80] =	vst v0;
	vm2 =	veq.s32 v48, v57;
	v3 =	vsel vm1, v30, v3;
	vm1 =	veq.s32 v47, v57;
	v56 =	vpop (erf)  }
0x3bb: {  	[tilespmem:$0x1D00] =	vst v2;
	v7 =	vnsel vm2, $0x0, v50;
	vm2 =	veq.s32 v55, v57;
	v58 =	vmul.f32 v53, v56  }
0x3bc: {  	[tilespmem:$0x1D80] =	vst v4;
	v7 =	vsel vm1, v26, v7;
	vm1 =	veq.s32 v52, v57;
	v60 =	vmul.f32 v51, v12  }
0x3bd: {  	[tilespmem:$0x1E00] =	vst v3;
	v0 =	vnsel vm2, $0x0, v54;
	vm2 =	veq.s32 v59, v57;
	v2 =	vadd.f32 v58, v6  }
0x3be: {  	v0 =	vsel vm1, v22, v0;
	[tilespmem:$0x1E80] =	vst v7;
	vm1 =	veq.s32 v1, v57;
	v61 =	vnsel vm2, $0x0, v60  }
0x3bf: {  	[tilespmem:$0x1F00] =	vst v0;
	v62 =	vsel vm1, v51, v61;
	v63 =	vmul.f32 $2.500000000e-01, v2  }
0x3c0: {  	[tilespmem:$0x1F80] =	vst v62  }
0x3c1: {  	[tilespmem:$0x2000] =	vst v63  }
0x3c2: {  	[hbm4b:s3+s6] =	stream.linear.scatter [tilespmem:s8], [sflag:$0x1], $0x1000, $0x38;
	[tilespmem:$0x2080] =	vst v63  }
0x3c3: {  	_ =	swait.ge [sflag:s7], $0x1000  }
0x3c4: {  	p0 =	sne.s32 s5, $0x1;
	[sflag:s7] =	ssyncset.done $0x0  }
.Ltmp1:
0x3c5: {  	[sflag:s7] =	ssyncadd.s32 $0xFFFFF000;
	(pc) =	sbr.rel @p0 .LBB2_2-.Ltmp1, $4  }
0x3c6: {  	[hbm4b:s4+s6] =	stream.linear.scatter [tilespmem:s9], [sflag:$0x1], $0x80, $0x38;
	[tilespmem:$0x2080] =	vst v63  }
0x3c7: {  	_ =	swait.ge [sflag:s7], $0x80  }
0x3c8: {  	[sflag:s7] =	ssyncset.done $0x0  }
0x3c9: {  	s5 =	sadd.s32 $0xFFFFFFFF, s5;
	[sflag:s7] =	ssyncadd.s32 $0xFFFFFF80  }
.LBB2_3:
0x3ca: {  	_ =	sfence.sel $0x180000  }
0x3cb: {  	[bflag:$0x0] =	sbarrier.arrive $0xFFFF  }
0x3cc: {  	p0 =	sne.s32 s0, $0x0;
	_ =	strace $0x90000047  }
0x3cd: {  	s0 =	sadd.s32 @!p0 $0x100000, s2;
	[bflag:$0x2] =	sbarrier.arrive $0xFFFF  }
0x3ce: {  	[sflag:s0] =	ssyncadd.tile.s32 @!p0 $0x1;
	_ =	shalt  }
.Lfunc_end2:
_tile_overlayer_lowered:
.L_overlay_start_2:
0x3cf: {  	(tag) =	ssettag $0x2  }
0x3d0: {  	s0 =	rddreg [dreg:$0x0];
	s2 =	stileid.u32  }
0x3d1: {  	s1 =	rddreg [dreg:$0x1];
	p0 =	sne.s32 s2, $0x0  }
0x3d2: {  	s3 =	rddreg [dreg:$0x2];
	[bflag:$0x3] =	sbarrier.arrive $0xFFFF;
	s2 =	simm.s32 @!p0 $0x1C01  }
0x3d3: {  	[timem:s3], [sflag:s2] =	dma.local @!p0 [hbm:s0], s1  }
0x3d4: {  	s0 =	simm.s32 @!p0 $0x1  }
0x3d5: {  	_ =	swait.ge @!p0 [sflag:s0], s1  }
0x3d6: {  	s1 =	ssub.s32 @!p0 $0x0, s1;
	[sflag:s0] =	ssyncset.done @!p0 $0x0  }
0x3d7: {  	[sflag:s0] =	ssyncadd.s32 @!p0 s1  }
0x3d8: {  	[bflag:$0x3] =	sbarrier.arrive $0xFFFF  }
0x3d9: {  	_ =	shalt  }

</sc_bundles>
